<compile_context>
chip_gen: v7x
topology: tpu7x:2x2x1
jax: 0.10.2.dev20260603
libtpu: 0.0.44.dev20260713+nightly
codegen_flags: <defaults>
</compile_context>

<pallas_src>
import functools

import jax
import jax.numpy as jnp
from jax import lax
from jax.experimental import pallas as pl
from jax.experimental.pallas import tpu as pltpu
from jax.experimental.pallas import tpu_sc as plsc

N = 100001
F_IN = 128
H = 64
A = 100000

NC, NS = 2, 16
NW = NC * NS
BN = 2048
BA = 2000
PAD = 100352
B_PER_W = PAD // NW
GW = 56
CHUNKS = B_PER_W // GW


def _isd_block(ei):
    mask = (ei >= 0).astype(jnp.float32)
    deg = jnp.sum(mask, axis=1, keepdims=True) + 1.0
    return lax.rsqrt(deg)



def _mm1_body(x_ref, ei_ref, w_ref, b_ref, y_ref):
    i = pl.program_id(0)
    rows = i * BN + lax.broadcasted_iota(jnp.int32, (BN, 1), 0)
    isd = _isd_block(ei_ref[...])
    xw = jnp.dot(x_ref[...], w_ref[...], preferred_element_type=jnp.float32)
    y = isd * (xw + b_ref[...])
    y = jnp.concatenate([y, jnp.zeros_like(y)], axis=1)
    y_ref[...] = jnp.where(rows < N, y, 0.0)


def _mm2_body(y_ref, a_ref, ei_ref, w_ref, b_ref, o_ref):
    i = pl.program_id(0)
    rows = i * BN + lax.broadcasted_iota(jnp.int32, (BN, 1), 0)
    isd = _isd_block(ei_ref[...])
    h = jnp.maximum(isd * (y_ref[:, :H] + a_ref[:, :H]), 0.0)
    xw = jnp.dot(h, w_ref[...], preferred_element_type=jnp.float32)
    y2 = isd * (xw + b_ref[...])
    y2 = jnp.concatenate([y2, jnp.zeros_like(y2)], axis=1)
    o_ref[...] = jnp.where(rows < N, y2, 0.0)


def _emb_body(y_ref, a_ref, ei_ref, o_ref, o128_ref):
    isd = _isd_block(ei_ref[...])
    e = isd * (y_ref[:, :H] + a_ref[:, :H])
    o_ref[...] = e
    o128_ref[...] = jnp.concatenate([e, jnp.zeros_like(e)], axis=1)


def _elu(x):
    return jnp.where(x > 0, x, jnp.exp(x) - 1.0)


def _mlp_body(ht_ref, tv_ref, ir_ref, hf_ref, w1_ref, b1_ref, w2_ref, b2_ref,
              w3_ref, b3_ref, ef_ref, lg_ref):
    ht = ht_ref[:, :H]
    hf = hf_ref[...]
    hfb = jnp.broadcast_to(hf, ht.shape)
    ad = jnp.abs(hfb - ht)
    pr = hfb * ht
    bn = ht.shape[0]
    t = tv_ref[...].reshape(bn, 1) / jnp.float32(1.0 + 1e-8)
    ir = ir_ref[...].reshape(bn, 1)
    ef_ref[:, 0:H] = hfb
    ef_ref[:, H:2 * H] = ht
    ef_ref[:, 2 * H:3 * H] = ad
    ef_ref[:, 3 * H:4 * H] = pr
    ef_ref[:, 4 * H:4 * H + 1] = t
    ef_ref[:, 4 * H + 1:4 * H + 2] = ir
    w1 = w1_ref[...]
    dot = functools.partial(jnp.dot, preferred_element_type=jnp.float32)
    z = (dot(hf, w1[0:H])
         + dot(ht, w1[H:2 * H])
         + dot(ad, w1[2 * H:3 * H])
         + dot(pr, w1[3 * H:4 * H])
         + t * w1[4 * H:4 * H + 1, :]
         + ir * w1[4 * H + 1:4 * H + 2, :]
         + b1_ref[...])
    z = _elu(z)
    z = _elu(dot(z, w2_ref[...]) + b2_ref[...])
    z3 = dot(z, w3_ref[...]) + b3_ref[...]
    lg_ref[...] = z3.reshape(1, 1, bn)


def _softmax_body(x_ref, o_ref):
    x = x_ref[...]
    m = jnp.max(x)
    e = jnp.exp(x - m)
    o_ref[...] = e / jnp.sum(e)


def _sc_mesh():
    return plsc.VectorSubcoreMesh(core_axis_name="c", subcore_axis_name="s",
                                  num_cores=NC, num_subcores=NS)


_SC_PARAMS = pltpu.CompilerParams(use_tc_tiling_on_sc=False)


def _sc_agg(y_tbl, idx):
    @functools.partial(
        pl.kernel,
        out_type=jax.ShapeDtypeStruct((PAD, 2 * H), jnp.float32),
        mesh=_sc_mesh(),
        compiler_params=_SC_PARAMS,
        scratch_types=[
            pltpu.VMEM((B_PER_W,), jnp.int32),
            pltpu.VMEM((B_PER_W,), jnp.int32),
            pltpu.VMEM((B_PER_W,), jnp.int32),
            pltpu.VMEM((GW, 2 * H), jnp.float32),
            pltpu.VMEM((GW, 2 * H), jnp.float32),
            pltpu.VMEM((GW, 2 * H), jnp.float32),
            pltpu.VMEM((GW, 2 * H), jnp.float32),
            pltpu.VMEM((GW, 2 * H), jnp.float32),
            pltpu.VMEM((GW, 2 * H), jnp.float32),
            pltpu.VMEM((GW, 2 * H), jnp.float32),
            pltpu.VMEM((GW, 2 * H), jnp.float32),
            pltpu.SemaphoreType.DMA,
            pltpu.SemaphoreType.DMA,
            pltpu.SemaphoreType.DMA,
            pltpu.SemaphoreType.DMA,
            pltpu.SemaphoreType.DMA,
        ],
    )
    def k(y_hbm, i_hbm, out_hbm,
          iv0, iv1, iv2, ga0, ga1, ga2, gb0, gb1, gb2, aca, acb,
          sga, sgb, soa, sob, sidx):
        wid = lax.axis_index("s") * NC + lax.axis_index("c")
        base = wid * B_PER_W
        ivs = (iv0, iv1, iv2)

        d0 = pltpu.async_copy(i_hbm.at[0, pl.ds(base, B_PER_W)], iv0, sidx)
        d1 = pltpu.async_copy(i_hbm.at[1, pl.ds(base, B_PER_W)], iv1, sidx)
        d2 = pltpu.async_copy(i_hbm.at[2, pl.ds(base, B_PER_W)], iv2, sidx)
        d0.wait()
        d1.wait()
        d2.wait()

        def g_desc(j, buf, sem, c):
            return pltpu.make_async_copy(
                y_hbm.at[ivs[j].at[pl.ds(c * GW, GW)]], buf, sem)

        def o_desc(acc, sem, c):
            return pltpu.make_async_copy(
                acc, out_hbm.at[pl.ds(base + c * GW, GW)], sem)

        def gather_start(bufs, sem, c):
            for j in range(3):
                g_desc(j, bufs[j], sem, c).start()

        def gather_wait(bufs, sem, c):
            for j in range(3):
                g_desc(j, bufs[j], sem, c).wait()

        def compute(s0, s1, s2, acc):
            @plsc.parallel_loop(0, GW, step=1, unroll=4)
            def _(r):
                for l in range(0, 2 * H, 16):
                    sl = pl.ds(l, 16)
                    acc.at[r, sl][...] = (s0.at[r, sl][...]
                                          + s1.at[r, sl][...]
                                          + s2.at[r, sl][...])

        gather_start((ga0, ga1, ga2), sga, 0)

        @pl.loop(0, CHUNKS, step=2)
        def _(c):
            gather_start((gb0, gb1, gb2), sgb, c + 1)
            gather_wait((ga0, ga1, ga2), sga, c)

            @pl.when(c > 0)
            def _():
                o_desc(aca, soa, c - 2).wait()

            compute(ga0, ga1, ga2, aca)
            o_desc(aca, soa, c).start()

            @pl.when(c < CHUNKS - 2)
            def _():
                gather_start((ga0, ga1, ga2), sga, c + 2)

            gather_wait((gb0, gb1, gb2), sgb, c + 1)

            @pl.when(c > 0)
            def _():
                o_desc(acb, sob, c - 1).wait()

            compute(gb0, gb1, gb2, acb)
            o_desc(acb, sob, c + 1).start()

        o_desc(aca, soa, CHUNKS - 2).wait()
        o_desc(acb, sob, CHUNKS - 1).wait()

    return k(y_tbl, idx)


def _sc_gather(tbl, idx):
    @functools.partial(
        pl.kernel,
        out_type=jax.ShapeDtypeStruct((PAD, 2 * H), jnp.float32),
        mesh=_sc_mesh(),
        compiler_params=_SC_PARAMS,
        scratch_types=[
            pltpu.VMEM((GW,), jnp.int32),
            pltpu.VMEM((GW, 2 * H), jnp.float32),
            pltpu.SemaphoreType.DMA,
        ],
    )
    def k(t_hbm, i_hbm, out_hbm, iv, rows, sem):
        wid = lax.axis_index("s") * NC + lax.axis_index("c")
        base = wid * B_PER_W

        @pl.loop(0, CHUNKS)
        def _(c):
            off = base + c * GW
            pltpu.sync_copy(i_hbm.at[pl.ds(off, GW)], iv)
            pltpu.async_copy(t_hbm.at[iv], rows, sem).wait()
            pltpu.sync_copy(rows, out_hbm.at[pl.ds(off, GW)])

    return k(tbl, idx)



def kernel(node_features, edge_index, current_focal_leaf, branch_child,
           time_value, is_root, W1, b1, W2, b2, Wh1, bh1, Wh2, bh2, Wh3, bh3):
    f32 = jnp.float32

    ei_t = jnp.pad(edge_index.T, ((0, 0), (0, PAD - N)), constant_values=-1)
    rr = jnp.arange(PAD, dtype=jnp.int32)[None, :]
    cc = jnp.arange(3, dtype=jnp.int32)[:, None]
    dummy = N + ((3 * rr + cc) % (PAD - N))
    safe = jnp.where(ei_t < 0, dummy, ei_t)
    bc = jnp.pad(branch_child, (0, PAD - A))

    b1r = b1.reshape(1, H)
    b2r = b2.reshape(1, H)
    bh1r = bh1.reshape(1, H)
    bh2r = bh2.reshape(1, H)
    bh3r = bh3.reshape(1, 1)

    g_rows = PAD // BN
    g_n = -(-N // BN)
    g_a = A // BA

    wspec = lambda shape: pl.BlockSpec(shape, lambda i: (0, 0))

    y1 = pl.pallas_call(
        _mm1_body,
        grid=(g_rows,),
        in_specs=[
            pl.BlockSpec((BN, F_IN), lambda i: (i, 0)),
            pl.BlockSpec((BN, 3), lambda i: (i, 0)),
            wspec((F_IN, H)),
            wspec((1, H)),
        ],
        out_specs=pl.BlockSpec((BN, 2 * H), lambda i: (i, 0)),
        out_shape=jax.ShapeDtypeStruct((PAD, 2 * H), f32),
    )(node_features, edge_index, W1, b1r)

    agg1 = _sc_agg(y1, safe)

    y2 = pl.pallas_call(
        _mm2_body,
        grid=(g_rows,),
        in_specs=[
            pl.BlockSpec((BN, 2 * H), lambda i: (i, 0)),
            pl.BlockSpec((BN, 2 * H), lambda i: (i, 0)),
            pl.BlockSpec((BN, 3), lambda i: (i, 0)),
            wspec((H, H)),
            wspec((1, H)),
        ],
        out_specs=pl.BlockSpec((BN, 2 * H), lambda i: (i, 0)),
        out_shape=jax.ShapeDtypeStruct((PAD, 2 * H), f32),
    )(y1, agg1, edge_index, W2, b2r)

    agg2 = _sc_agg(y2, safe)

    node_emb, ne128 = pl.pallas_call(
        _emb_body,
        grid=(g_n,),
        in_specs=[
            pl.BlockSpec((BN, 2 * H), lambda i: (i, 0)),
            pl.BlockSpec((BN, 2 * H), lambda i: (i, 0)),
            pl.BlockSpec((BN, 3), lambda i: (i, 0)),
        ],
        out_specs=[
            pl.BlockSpec((BN, H), lambda i: (i, 0)),
            pl.BlockSpec((BN, 2 * H), lambda i: (i, 0)),
        ],
        out_shape=[
            jax.ShapeDtypeStruct((N, H), f32),
            jax.ShapeDtypeStruct((PAD, 2 * H), f32),
        ],
    )(y2, agg2, edge_index)

    h_target = _sc_gather(ne128, bc)

    h_focal = lax.dynamic_slice(node_emb, (N - 1, 0), (1, H))

    ef, lg = pl.pallas_call(
        _mlp_body,
        grid=(g_a,),
        in_specs=[
            pl.BlockSpec((BA, 2 * H), lambda i: (i, 0)),
            pl.BlockSpec((1, 1, BA), lambda i: (i, 0, 0)),
            pl.BlockSpec((1, 1, BA), lambda i: (i, 0, 0)),
            wspec((1, H)),
            wspec((4 * H + 2, H)),
            wspec((1, H)),
            wspec((H, H)),
            wspec((1, H)),
            wspec((H, 1)),
            wspec((1, 1)),
        ],
        out_specs=[
            pl.BlockSpec((BA, 4 * H + 2), lambda i: (i, 0)),
            pl.BlockSpec((1, 1, BA), lambda i: (i, 0, 0)),
        ],
        out_shape=[
            jax.ShapeDtypeStruct((A, 4 * H + 2), f32),
            jax.ShapeDtypeStruct((g_a, 1, BA), f32),
        ],
    )(h_target, time_value.reshape(g_a, 1, BA), is_root.reshape(g_a, 1, BA),
      h_focal, Wh1, bh1r, Wh2, bh2r, Wh3, bh3r)

    probs = pl.pallas_call(
        _softmax_body,
        grid=(1,),
        in_specs=[pl.BlockSpec((g_a, 1, BA), lambda i: (0, 0, 0))],
        out_specs=pl.BlockSpec((g_a, 1, BA), lambda i: (0, 0, 0)),
        out_shape=jax.ShapeDtypeStruct((g_a, 1, BA), f32),
    )(lg)

    action_logits = lg.reshape(A)
    action_probs = probs.reshape(A)
    leaf_feature = jax.nn.one_hot(current_focal_leaf, F_IN, dtype=f32)
    return (action_logits, action_probs, ef, node_emb, leaf_feature)

# --- scband reference (transcript-rebuilt; emitter-appended) ---
"""Pipeline reference for scband-policy-86294482911517 (READ-ONLY COPY).

The authoritative reference and input builder live on the scoring server;
editing this copy changes nothing except your own understanding.
"""

import jax, jax.numpy as jnp
import numpy as np

N = 100001      # nodes incl. appended isolated focal node (last row)
F_IN = 128      # n_leaves = in_dim
H = 64          # hidden_dim
A = 100000      # number of action choices
TIME_GRID = (0.0, 0.1, 0.2, 0.3, 0.4, 0.5, 0.6, 0.7, 0.8, 0.9, 1.0)


def setup_inputs(seed: int = 0) -> dict:
    key = jax.random.key(seed)
    ks = jax.random.split(key, 16)
    node_features = jax.random.normal(ks[0], (N, F_IN), dtype=jnp.float32)
    edge_index = jax.random.randint(ks[1], (N, 3), 0, N, dtype=jnp.int32)
    # mimic -1 padding for missing neighbors (leaves / root slots)
    pad = jax.random.uniform(ks[2], (N, 3)) < 0.25
    edge_index = jnp.where(pad, jnp.int32(-1), edge_index)
    # isolated focal node: all neighbors -1
    edge_index = edge_index.at[-1].set(jnp.full((3,), -1, dtype=jnp.int32))
    branch_child = jax.random.randint(ks[3], (A,), 0, N, dtype=jnp.int32)
    time_value = jax.random.uniform(ks[4], (A,), dtype=jnp.float32)
    is_root = (jax.random.uniform(ks[5], (A,)) < 0.01).astype(jnp.float32)
    # GNNStack (gcn, 2 layers) parameters
    W1 = jax.random.normal(ks[6], (F_IN, H), dtype=jnp.float32) * 0.05
    b1 = jnp.zeros((H,), dtype=jnp.float32)
    W2 = jax.random.normal(ks[7], (H, H), dtype=jnp.float32) * 0.05
    b2 = jnp.zeros((H,), dtype=jnp.float32)
    # action_edge_head: Linear(4H+2,H)-ELU-Linear(H,H)-ELU-Linear(H,1)
    Wh1 = jax.random.normal(ks[8], (4 * H + 2, H), dtype=jnp.float32) * 0.05
    bh1 = jnp.zeros((H,), dtype=jnp.float32)
    Wh2 = jax.random.normal(ks[9], (H, H), dtype=jnp.float32) * 0.05
    bh2 = jnp.zeros((H,), dtype=jnp.float32)
    Wh3 = jax.random.normal(ks[10], (H, 1), dtype=jnp.float32) * 0.05
    bh3 = jnp.zeros((1,), dtype=jnp.float32)
    return {
        "node_features": node_features, "edge_index": edge_index,
        "current_focal_leaf": 5, "branch_child": branch_child,
        "time_value": time_value, "is_root": is_root,
        "W1": W1, "b1": b1, "W2": W2, "b2": b2,
        "Wh1": Wh1, "bh1": bh1, "Wh2": Wh2, "bh2": bh2, "Wh3": Wh3, "bh3": bh3,
    }


def _gcn_layer(x, W, b, idx, mask, inv_sqrt_deg):
    # GCN with self-loops on a padded neighbor-list adjacency ([N,3], -1 = no edge)
    xw = x @ W + b                               # [N,H]
    safe = jnp.clip(idx, 0, None)
    neigh = jnp.take(xw, safe, axis=0)           # gather: [N,3,H]
    coef = mask * jnp.take(inv_sqrt_deg, safe, axis=0)  # [N,3]
    agg = jnp.sum(neigh * coef[..., None], axis=1)      # [N,H]
    return inv_sqrt_deg[:, None] * (xw * inv_sqrt_deg[:, None] + agg)


def reference(node_features, edge_index, current_focal_leaf, branch_child,
              time_value, is_root, W1, b1, W2, b2, Wh1, bh1, Wh2, bh2, Wh3, bh3):
    mask = (edge_index >= 0).astype(node_features.dtype)   # [N,3]
    deg = jnp.sum(mask, axis=-1) + 1.0                      # self-loop
    inv_sqrt_deg = jax.lax.rsqrt(deg)
    h = _gcn_layer(node_features, W1, b1, edge_index, mask, inv_sqrt_deg)
    h = jax.nn.relu(h)
    node_embeddings = _gcn_layer(h, W2, b2, edge_index, mask, inv_sqrt_deg)
    h_focal = node_embeddings[-1]                           # appended focal node row
    h_target = jnp.take(node_embeddings, branch_child, axis=0)  # [A,H]
    h_focal_b = jnp.broadcast_to(h_focal[None, :], h_target.shape)
    tg = jnp.asarray(TIME_GRID, dtype=time_value.dtype)
    t_norm = ((time_value - tg[0]) / (tg[-1] - tg[0] + 1e-08))[:, None]
    edge_features = jnp.concatenate(
        [h_focal_b, h_target, jnp.abs(h_focal_b - h_target),
         h_focal_b * h_target, t_norm, is_root[:, None]], axis=-1)  # [A,4H+2]
    z = jax.nn.elu(edge_features @ Wh1 + bh1)
    z = jax.nn.elu(z @ Wh2 + bh2)
    action_logits = (z @ Wh3 + bh3)[:, 0]
    action_probs = jax.nn.softmax(action_logits)
    leaf_feature = jax.nn.one_hot(current_focal_leaf, F_IN, dtype=node_embeddings.dtype)
    return (action_logits, action_probs, edge_features, node_embeddings, leaf_feature)

if __name__ == "__main__":
    import jax
    _d = setup_inputs()
    print(jax.jit(kernel)(*tuple(_d.values())))

</pallas_src>

<mosaic_0001>
#map = affine_map<(d0, d1) -> (0, 0)>
module attributes {stable_mosaic.version = 14 : i64} {
  func.func @k(%arg0: i32, %arg1: i32, %arg2: memref<100352x128xf32, #tpu.memory_space<hbm>>, %arg3: memref<3x100352xi32, #tpu.memory_space<hbm>>, %arg4: memref<100352x128xf32, #tpu.memory_space<hbm>>, %arg5: memref<3136xi32, #tpu.memory_space<vmem>>, %arg6: memref<3136xi32, #tpu.memory_space<vmem>>, %arg7: memref<3136xi32, #tpu.memory_space<vmem>>, %arg8: memref<56x128xf32, #tpu.memory_space<vmem>>, %arg9: memref<56x128xf32, #tpu.memory_space<vmem>>, %arg10: memref<56x128xf32, #tpu.memory_space<vmem>>, %arg11: memref<56x128xf32, #tpu.memory_space<vmem>>, %arg12: memref<56x128xf32, #tpu.memory_space<vmem>>, %arg13: memref<56x128xf32, #tpu.memory_space<vmem>>, %arg14: memref<56x128xf32, #tpu.memory_space<vmem>>, %arg15: memref<56x128xf32, #tpu.memory_space<vmem>>, %arg16: memref<!tpu.dma_semaphore, #tpu.memory_space<semaphore_mem>>, %arg17: memref<!tpu.dma_semaphore, #tpu.memory_space<semaphore_mem>>, %arg18: memref<!tpu.dma_semaphore, #tpu.memory_space<semaphore_mem>>, %arg19: memref<!tpu.dma_semaphore, #tpu.memory_space<semaphore_mem>>, %arg20: memref<!tpu.dma_semaphore, #tpu.memory_space<semaphore_mem>>) attributes {dimension_semantics = [#tpu.dimension_semantics<core_parallel>, #tpu.dimension_semantics<subcore_parallel>], iteration_bounds = array<i64: 2, 16>, scalar_prefetch = 0 : i64, scratch_operands = 16 : i64, tpu.core_type = #tpu.core_type<sc_vector_subcore>, window_params = [{transform_indices = #map}, {transform_indices = #map}, {transform_indices = #map}]} {
    %mul3A = arith.constant 2 : i32
    %mul3A_0 = arith.muli %arg1, %mul3A : i32
    %add3A = arith.addi %mul3A_0, %arg0 : i32
    %mul3A_1 = arith.constant 3136 : i32
    %mul3A_2 = arith.muli %add3A, %mul3A_1 : i32
    %dma_start3A = arith.constant 0 : i32
    %dma_start3A_3 = tpu.memref_slice %arg3[%dma_start3A, %mul3A_2] : memref<3x100352xi32, #tpu.memory_space<hbm>> -> memref<1x3136xi32, #tpu.memory_space<hbm>>
    %dma_start3A_4 = tpu.memref_squeeze %dma_start3A_3 : memref<1x3136xi32, #tpu.memory_space<hbm>> -> memref<3136xi32, #tpu.memory_space<hbm>>
    %dma_start3A_5 = tpu.memref_slice %arg3[%dma_start3A, %mul3A_2] : memref<3x100352xi32, #tpu.memory_space<hbm>> -> memref<1x3136xi32, #tpu.memory_space<hbm>>
    %dma_start3A_6 = tpu.memref_squeeze %dma_start3A_5 : memref<1x3136xi32, #tpu.memory_space<hbm>> -> memref<3136xi32, #tpu.memory_space<hbm>>
    tpu.enqueue_dma source(%dma_start3A_6 : memref<3136xi32, #tpu.memory_space<hbm>>) target(%arg5 : memref<3136xi32, #tpu.memory_space<vmem>>) target_semaphore(%arg20 : memref<!tpu.dma_semaphore, #tpu.memory_space<semaphore_mem>>)
    %dma_start3A_7 = arith.constant 1 : i32
    %dma_start3A_8 = tpu.memref_slice %arg3[%dma_start3A_7, %mul3A_2] : memref<3x100352xi32, #tpu.memory_space<hbm>> -> memref<1x3136xi32, #tpu.memory_space<hbm>>
    %dma_start3A_9 = tpu.memref_squeeze %dma_start3A_8 : memref<1x3136xi32, #tpu.memory_space<hbm>> -> memref<3136xi32, #tpu.memory_space<hbm>>
    %dma_start3A_10 = tpu.memref_slice %arg3[%dma_start3A_7, %mul3A_2] : memref<3x100352xi32, #tpu.memory_space<hbm>> -> memref<1x3136xi32, #tpu.memory_space<hbm>>
    %dma_start3A_11 = tpu.memref_squeeze %dma_start3A_10 : memref<1x3136xi32, #tpu.memory_space<hbm>> -> memref<3136xi32, #tpu.memory_space<hbm>>
    tpu.enqueue_dma source(%dma_start3A_11 : memref<3136xi32, #tpu.memory_space<hbm>>) target(%arg6 : memref<3136xi32, #tpu.memory_space<vmem>>) target_semaphore(%arg20 : memref<!tpu.dma_semaphore, #tpu.memory_space<semaphore_mem>>)
    %dma_start3A_12 = arith.constant 2 : i32
    %dma_start3A_13 = tpu.memref_slice %arg3[%dma_start3A_12, %mul3A_2] : memref<3x100352xi32, #tpu.memory_space<hbm>> -> memref<1x3136xi32, #tpu.memory_space<hbm>>
    %dma_start3A_14 = tpu.memref_squeeze %dma_start3A_13 : memref<1x3136xi32, #tpu.memory_space<hbm>> -> memref<3136xi32, #tpu.memory_space<hbm>>
    %dma_start3A_15 = tpu.memref_slice %arg3[%dma_start3A_12, %mul3A_2] : memref<3x100352xi32, #tpu.memory_space<hbm>> -> memref<1x3136xi32, #tpu.memory_space<hbm>>
    %dma_start3A_16 = tpu.memref_squeeze %dma_start3A_15 : memref<1x3136xi32, #tpu.memory_space<hbm>> -> memref<3136xi32, #tpu.memory_space<hbm>>
    tpu.enqueue_dma source(%dma_start3A_16 : memref<3136xi32, #tpu.memory_space<hbm>>) target(%arg7 : memref<3136xi32, #tpu.memory_space<vmem>>) target_semaphore(%arg20 : memref<!tpu.dma_semaphore, #tpu.memory_space<semaphore_mem>>)
    %dma_wait3A = arith.constant 0 : i32
    %dma_wait3A_17 = tpu.memref_slice %arg3[%dma_wait3A, %mul3A_2] : memref<3x100352xi32, #tpu.memory_space<hbm>> -> memref<1x3136xi32, #tpu.memory_space<hbm>>
    %dma_wait3A_18 = tpu.memref_squeeze %dma_wait3A_17 : memref<1x3136xi32, #tpu.memory_space<hbm>> -> memref<3136xi32, #tpu.memory_space<hbm>>
    %dma_wait3A_19 = tpu.memref_slice %arg3[%dma_wait3A, %mul3A_2] : memref<3x100352xi32, #tpu.memory_space<hbm>> -> memref<1x3136xi32, #tpu.memory_space<hbm>>
    %dma_wait3A_20 = tpu.memref_squeeze %dma_wait3A_19 : memref<1x3136xi32, #tpu.memory_space<hbm>> -> memref<3136xi32, #tpu.memory_space<hbm>>
    tpu.wait_dma2 semaphore(%arg20 : memref<!tpu.dma_semaphore, #tpu.memory_space<semaphore_mem>>) src(%dma_wait3A_20 : memref<3136xi32, #tpu.memory_space<hbm>>) dst(%arg5 : memref<3136xi32, #tpu.memory_space<vmem>>)
    %dma_wait3A_21 = arith.constant 1 : i32
    %dma_wait3A_22 = tpu.memref_slice %arg3[%dma_wait3A_21, %mul3A_2] : memref<3x100352xi32, #tpu.memory_space<hbm>> -> memref<1x3136xi32, #tpu.memory_space<hbm>>
    %dma_wait3A_23 = tpu.memref_squeeze %dma_wait3A_22 : memref<1x3136xi32, #tpu.memory_space<hbm>> -> memref<3136xi32, #tpu.memory_space<hbm>>
    %dma_wait3A_24 = tpu.memref_slice %arg3[%dma_wait3A_21, %mul3A_2] : memref<3x100352xi32, #tpu.memory_space<hbm>> -> memref<1x3136xi32, #tpu.memory_space<hbm>>
    %dma_wait3A_25 = tpu.memref_squeeze %dma_wait3A_24 : memref<1x3136xi32, #tpu.memory_space<hbm>> -> memref<3136xi32, #tpu.memory_space<hbm>>
    tpu.wait_dma2 semaphore(%arg20 : memref<!tpu.dma_semaphore, #tpu.memory_space<semaphore_mem>>) src(%dma_wait3A_25 : memref<3136xi32, #tpu.memory_space<hbm>>) dst(%arg6 : memref<3136xi32, #tpu.memory_space<vmem>>)
    %dma_wait3A_26 = arith.constant 2 : i32
    %dma_wait3A_27 = tpu.memref_slice %arg3[%dma_wait3A_26, %mul3A_2] : memref<3x100352xi32, #tpu.memory_space<hbm>> -> memref<1x3136xi32, #tpu.memory_space<hbm>>
    %dma_wait3A_28 = tpu.memref_squeeze %dma_wait3A_27 : memref<1x3136xi32, #tpu.memory_space<hbm>> -> memref<3136xi32, #tpu.memory_space<hbm>>
    %dma_wait3A_29 = tpu.memref_slice %arg3[%dma_wait3A_26, %mul3A_2] : memref<3x100352xi32, #tpu.memory_space<hbm>> -> memref<1x3136xi32, #tpu.memory_space<hbm>>
    %dma_wait3A_30 = tpu.memref_squeeze %dma_wait3A_29 : memref<1x3136xi32, #tpu.memory_space<hbm>> -> memref<3136xi32, #tpu.memory_space<hbm>>
    tpu.wait_dma2 semaphore(%arg20 : memref<!tpu.dma_semaphore, #tpu.memory_space<semaphore_mem>>) src(%dma_wait3A_30 : memref<3136xi32, #tpu.memory_space<hbm>>) dst(%arg7 : memref<3136xi32, #tpu.memory_space<vmem>>)
    %dma_start3A_31 = arith.constant 0 : i32
    %dma_start3A_32 = tpu.memref_slice %arg5[%dma_start3A_31] : memref<3136xi32, #tpu.memory_space<vmem>> -> memref<56xi32, #tpu.memory_space<vmem>>
    %dma_start3A_33 = arith.constant 0 : i32
    %dma_start3A_34 = arith.constant 0 : i32
    %dma_start3A_35 = tpu.memref_slice %arg2[%dma_start3A_33, %dma_start3A_34] : memref<100352x128xf32, #tpu.memory_space<hbm>> -> memref<100352x128xf32, #tpu.memory_space<hbm>>
    tpu.enqueue_indirect_dma source(%dma_start3A_35 : memref<100352x128xf32, #tpu.memory_space<hbm>>) target(%arg8 : memref<56x128xf32, #tpu.memory_space<vmem>>) offsets(%dma_start3A_32 : memref<56xi32, #tpu.memory_space<vmem>>) semaphore(%arg16 : memref<!tpu.dma_semaphore, #tpu.memory_space<semaphore_mem>>)
    %dma_start3A_36 = arith.constant 0 : i32
    %dma_start3A_37 = tpu.memref_slice %arg6[%dma_start3A_36] : memref<3136xi32, #tpu.memory_space<vmem>> -> memref<56xi32, #tpu.memory_space<vmem>>
    %dma_start3A_38 = arith.constant 0 : i32
    %dma_start3A_39 = arith.constant 0 : i32
    %dma_start3A_40 = tpu.memref_slice %arg2[%dma_start3A_38, %dma_start3A_39] : memref<100352x128xf32, #tpu.memory_space<hbm>> -> memref<100352x128xf32, #tpu.memory_space<hbm>>
    tpu.enqueue_indirect_dma source(%dma_start3A_40 : memref<100352x128xf32, #tpu.memory_space<hbm>>) target(%arg9 : memref<56x128xf32, #tpu.memory_space<vmem>>) offsets(%dma_start3A_37 : memref<56xi32, #tpu.memory_space<vmem>>) semaphore(%arg16 : memref<!tpu.dma_semaphore, #tpu.memory_space<semaphore_mem>>)
    %dma_start3A_41 = arith.constant 0 : i32
    %dma_start3A_42 = tpu.memref_slice %arg7[%dma_start3A_41] : memref<3136xi32, #tpu.memory_space<vmem>> -> memref<56xi32, #tpu.memory_space<vmem>>
    %dma_start3A_43 = arith.constant 0 : i32
    %dma_start3A_44 = arith.constant 0 : i32
    %dma_start3A_45 = tpu.memref_slice %arg2[%dma_start3A_43, %dma_start3A_44] : memref<100352x128xf32, #tpu.memory_space<hbm>> -> memref<100352x128xf32, #tpu.memory_space<hbm>>
    tpu.enqueue_indirect_dma source(%dma_start3A_45 : memref<100352x128xf32, #tpu.memory_space<hbm>>) target(%arg10 : memref<56x128xf32, #tpu.memory_space<vmem>>) offsets(%dma_start3A_42 : memref<56xi32, #tpu.memory_space<vmem>>) semaphore(%arg16 : memref<!tpu.dma_semaphore, #tpu.memory_space<semaphore_mem>>)
    %scan3A = arith.constant 0 : i32
    %scan3A_46 = arith.constant 28 : i32
    %scan3A_47 = arith.addi %scan3A, %scan3A_46 : i32
    %scan3A_48 = arith.constant 1 : i32
    scf.for %scan3A_62 = %scan3A to %scan3A_47 step %scan3A_48  : i32 {
      %mul3A_63 = arith.constant 2 : i32
      %mul3A_64 = arith.muli %scan3A_62, %mul3A_63 : i32
      %add3A_65 = arith.constant 0 : i32
      %add3A_66 = arith.addi %add3A_65, %mul3A_64 : i32
      %add3A_67 = arith.constant 1 : i32
      %add3A_68 = arith.addi %add3A_66, %add3A_67 : i32
      %mul3A_69 = arith.constant 56 : i32
      %mul3A_70 = arith.muli %add3A_68, %mul3A_69 : i32
      %dma_start3A_71 = tpu.memref_slice %arg5[%mul3A_70] : memref<3136xi32, #tpu.memory_space<vmem>> -> memref<56xi32, #tpu.memory_space<vmem>>
      %dma_start3A_72 = arith.constant 0 : i32
      %dma_start3A_73 = arith.constant 0 : i32
      %dma_start3A_74 = tpu.memref_slice %arg2[%dma_start3A_72, %dma_start3A_73] : memref<100352x128xf32, #tpu.memory_space<hbm>> -> memref<100352x128xf32, #tpu.memory_space<hbm>>
      tpu.enqueue_indirect_dma source(%dma_start3A_74 : memref<100352x128xf32, #tpu.memory_space<hbm>>) target(%arg11 : memref<56x128xf32, #tpu.memory_space<vmem>>) offsets(%dma_start3A_71 : memref<56xi32, #tpu.memory_space<vmem>>) semaphore(%arg17 : memref<!tpu.dma_semaphore, #tpu.memory_space<semaphore_mem>>)
      %mul3A_75 = arith.constant 56 : i32
      %mul3A_76 = arith.muli %add3A_68, %mul3A_75 : i32
      %dma_start3A_77 = tpu.memref_slice %arg6[%mul3A_76] : memref<3136xi32, #tpu.memory_space<vmem>> -> memref<56xi32, #tpu.memory_space<vmem>>
      %dma_start3A_78 = arith.constant 0 : i32
      %dma_start3A_79 = arith.constant 0 : i32
      %dma_start3A_80 = tpu.memref_slice %arg2[%dma_start3A_78, %dma_start3A_79] : memref<100352x128xf32, #tpu.memory_space<hbm>> -> memref<100352x128xf32, #tpu.memory_space<hbm>>
      tpu.enqueue_indirect_dma source(%dma_start3A_80 : memref<100352x128xf32, #tpu.memory_space<hbm>>) target(%arg12 : memref<56x128xf32, #tpu.memory_space<vmem>>) offsets(%dma_start3A_77 : memref<56xi32, #tpu.memory_space<vmem>>) semaphore(%arg17 : memref<!tpu.dma_semaphore, #tpu.memory_space<semaphore_mem>>)
      %mul3A_81 = arith.constant 56 : i32
      %mul3A_82 = arith.muli %add3A_68, %mul3A_81 : i32
      %dma_start3A_83 = tpu.memref_slice %arg7[%mul3A_82] : memref<3136xi32, #tpu.memory_space<vmem>> -> memref<56xi32, #tpu.memory_space<vmem>>
      %dma_start3A_84 = arith.constant 0 : i32
      %dma_start3A_85 = arith.constant 0 : i32
      %dma_start3A_86 = tpu.memref_slice %arg2[%dma_start3A_84, %dma_start3A_85] : memref<100352x128xf32, #tpu.memory_space<hbm>> -> memref<100352x128xf32, #tpu.memory_space<hbm>>
      tpu.enqueue_indirect_dma source(%dma_start3A_86 : memref<100352x128xf32, #tpu.memory_space<hbm>>) target(%arg13 : memref<56x128xf32, #tpu.memory_space<vmem>>) offsets(%dma_start3A_83 : memref<56xi32, #tpu.memory_space<vmem>>) semaphore(%arg17 : memref<!tpu.dma_semaphore, #tpu.memory_space<semaphore_mem>>)
      %mul3A_87 = arith.constant 56 : i32
      %mul3A_88 = arith.muli %add3A_66, %mul3A_87 : i32
      %dma_wait3A_89 = tpu.memref_slice %arg5[%mul3A_88] : memref<3136xi32, #tpu.memory_space<vmem>> -> memref<56xi32, #tpu.memory_space<vmem>>
      %dma_wait3A_90 = arith.constant 0 : i32
      %dma_wait3A_91 = arith.constant 0 : i32
      %dma_wait3A_92 = tpu.memref_slice %arg2[%dma_wait3A_90, %dma_wait3A_91] : memref<100352x128xf32, #tpu.memory_space<hbm>> -> memref<100352x128xf32, #tpu.memory_space<hbm>>
      tpu.wait_indirect_dma semaphore(%arg16 : memref<!tpu.dma_semaphore, #tpu.memory_space<semaphore_mem>>) src(%dma_wait3A_92 : memref<100352x128xf32, #tpu.memory_space<hbm>>) dst(%arg8 : memref<56x128xf32, #tpu.memory_space<vmem>>)
      %mul3A_93 = arith.constant 56 : i32
      %mul3A_94 = arith.muli %add3A_66, %mul3A_93 : i32
      %dma_wait3A_95 = tpu.memref_slice %arg6[%mul3A_94] : memref<3136xi32, #tpu.memory_space<vmem>> -> memref<56xi32, #tpu.memory_space<vmem>>
      %dma_wait3A_96 = arith.constant 0 : i32
      %dma_wait3A_97 = arith.constant 0 : i32
      %dma_wait3A_98 = tpu.memref_slice %arg2[%dma_wait3A_96, %dma_wait3A_97] : memref<100352x128xf32, #tpu.memory_space<hbm>> -> memref<100352x128xf32, #tpu.memory_space<hbm>>
      tpu.wait_indirect_dma semaphore(%arg16 : memref<!tpu.dma_semaphore, #tpu.memory_space<semaphore_mem>>) src(%dma_wait3A_98 : memref<100352x128xf32, #tpu.memory_space<hbm>>) dst(%arg9 : memref<56x128xf32, #tpu.memory_space<vmem>>)
      %mul3A_99 = arith.constant 56 : i32
      %mul3A_100 = arith.muli %add3A_66, %mul3A_99 : i32
      %dma_wait3A_101 = tpu.memref_slice %arg7[%mul3A_100] : memref<3136xi32, #tpu.memory_space<vmem>> -> memref<56xi32, #tpu.memory_space<vmem>>
      %dma_wait3A_102 = arith.constant 0 : i32
      %dma_wait3A_103 = arith.constant 0 : i32
      %dma_wait3A_104 = tpu.memref_slice %arg2[%dma_wait3A_102, %dma_wait3A_103] : memref<100352x128xf32, #tpu.memory_space<hbm>> -> memref<100352x128xf32, #tpu.memory_space<hbm>>
      tpu.wait_indirect_dma semaphore(%arg16 : memref<!tpu.dma_semaphore, #tpu.memory_space<semaphore_mem>>) src(%dma_wait3A_104 : memref<100352x128xf32, #tpu.memory_space<hbm>>) dst(%arg10 : memref<56x128xf32, #tpu.memory_space<vmem>>)
      %gt3A = arith.constant 0 : i32
      %gt3A_105 = arith.cmpi sgt, %add3A_66, %gt3A : i32
      %convert_element_type3A = arith.extui %gt3A_105 : i1 to i32
      %cond3A = arith.constant 0 : i32
      %cond3A_106 = arith.cmpi ne, %convert_element_type3A, %cond3A : i32
      scf.if %cond3A_106 {
        %sub3A = arith.constant 2 : i32
        %sub3A_157 = arith.subi %add3A_66, %sub3A : i32
        %mul3A_158 = arith.constant 56 : i32
        %mul3A_159 = arith.muli %sub3A_157, %mul3A_158 : i32
        %add3A_160 = arith.addi %mul3A_2, %mul3A_159 : i32
        %dma_wait3A_161 = arith.constant 0 : i32
        %dma_wait3A_162 = tpu.memref_slice %arg4[%add3A_160, %dma_wait3A_161] : memref<100352x128xf32, #tpu.memory_space<hbm>> -> memref<56x128xf32, #tpu.memory_space<hbm>>
        %dma_wait3A_163 = arith.constant 0 : i32
        %dma_wait3A_164 = tpu.memref_slice %arg4[%add3A_160, %dma_wait3A_163] : memref<100352x128xf32, #tpu.memory_space<hbm>> -> memref<56x128xf32, #tpu.memory_space<hbm>>
        tpu.wait_dma2 semaphore(%arg18 : memref<!tpu.dma_semaphore, #tpu.memory_space<semaphore_mem>>) src(%arg14 : memref<56x128xf32, #tpu.memory_space<vmem>>) dst(%dma_wait3A_164 : memref<56x128xf32, #tpu.memory_space<hbm>>)
      } else {
      }
      %parallel_loop3A = arith.constant 0 : i32
      %parallel_loop3A_107 = arith.constant 56 : i32
      %parallel_loop3A_108 = arith.constant 1 : i32
      scf.for %parallel_loop3A_157 = %parallel_loop3A to %parallel_loop3A_107 step %parallel_loop3A_108  : i32 {
        %parallel_loop3A_158 = arith.index_cast %parallel_loop3A_157 : i32 to index
        %parallel_loop3A_159 = arith.constant 0 : index
        %parallel_loop3A_160 = tpu.vector_load %arg8[%parallel_loop3A_158, %parallel_loop3A_159] {strides = array<i32>} : memref<56x128xf32, #tpu.memory_space<vmem>>, vector<1x16xf32>,
        %parallel_loop3A_161 = vector.shape_cast %parallel_loop3A_160 : vector<1x16xf32> to vector<16xf32>
        %parallel_loop3A_162 = arith.index_cast %parallel_loop3A_157 : i32 to index
        %parallel_loop3A_163 = arith.constant 0 : index
        %parallel_loop3A_164 = tpu.vector_load %arg9[%parallel_loop3A_162, %parallel_loop3A_163] {strides = array<i32>} : memref<56x128xf32, #tpu.memory_space<vmem>>, vector<1x16xf32>,
        %parallel_loop3A_165 = vector.shape_cast %parallel_loop3A_164 : vector<1x16xf32> to vector<16xf32>
        %parallel_loop3A_166 = arith.addf %parallel_loop3A_161, %parallel_loop3A_165 : vector<16xf32>
        %parallel_loop3A_167 = arith.index_cast %parallel_loop3A_157 : i32 to index
        %parallel_loop3A_168 = arith.constant 0 : index
        %parallel_loop3A_169 = tpu.vector_load %arg10[%parallel_loop3A_167, %parallel_loop3A_168] {strides = array<i32>} : memref<56x128xf32, #tpu.memory_space<vmem>>, vector<1x16xf32>,
        %parallel_loop3A_170 = vector.shape_cast %parallel_loop3A_169 : vector<1x16xf32> to vector<16xf32>
        %parallel_loop3A_171 = arith.addf %parallel_loop3A_166, %parallel_loop3A_170 : vector<16xf32>
        %parallel_loop3A_172 = arith.index_cast %parallel_loop3A_157 : i32 to index
        %parallel_loop3A_173 = arith.constant 0 : index
        %parallel_loop3A_174 = tpu.vector_load %arg14[%parallel_loop3A_172, %parallel_loop3A_173] {strides = array<i32>} : memref<56x128xf32, #tpu.memory_space<vmem>>, vector<1x16xf32>,
        %parallel_loop3A_175 = vector.shape_cast %parallel_loop3A_174 : vector<1x16xf32> to vector<16xf32>
        %parallel_loop3A_176 = vector.shape_cast %parallel_loop3A_171 : vector<16xf32> to vector<1x16xf32>
        tpu.vector_store %arg14[%parallel_loop3A_172, %parallel_loop3A_173], %parallel_loop3A_176 {strides = array<i32>} : memref<56x128xf32, #tpu.memory_space<vmem>>, vector<1x16xf32>,
        %parallel_loop3A_177 = arith.index_cast %parallel_loop3A_157 : i32 to index
        %parallel_loop3A_178 = arith.constant 16 : index
        %parallel_loop3A_179 = tpu.vector_load %arg8[%parallel_loop3A_177, %parallel_loop3A_178] {strides = array<i32>} : memref<56x128xf32, #tpu.memory_space<vmem>>, vector<1x16xf32>,
        %parallel_loop3A_180 = vector.shape_cast %parallel_loop3A_179 : vector<1x16xf32> to vector<16xf32>
        %parallel_loop3A_181 = arith.index_cast %parallel_loop3A_157 : i32 to index
        %parallel_loop3A_182 = arith.constant 16 : index
        %parallel_loop3A_183 = tpu.vector_load %arg9[%parallel_loop3A_181, %parallel_loop3A_182] {strides = array<i32>} : memref<56x128xf32, #tpu.memory_space<vmem>>, vector<1x16xf32>,
        %parallel_loop3A_184 = vector.shape_cast %parallel_loop3A_183 : vector<1x16xf32> to vector<16xf32>
        %parallel_loop3A_185 = arith.addf %parallel_loop3A_180, %parallel_loop3A_184 : vector<16xf32>
        %parallel_loop3A_186 = arith.index_cast %parallel_loop3A_157 : i32 to index
        %parallel_loop3A_187 = arith.constant 16 : index
        %parallel_loop3A_188 = tpu.vector_load %arg10[%parallel_loop3A_186, %parallel_loop3A_187] {strides = array<i32>} : memref<56x128xf32, #tpu.memory_space<vmem>>, vector<1x16xf32>,
        %parallel_loop3A_189 = vector.shape_cast %parallel_loop3A_188 : vector<1x16xf32> to vector<16xf32>
        %parallel_loop3A_190 = arith.addf %parallel_loop3A_185, %parallel_loop3A_189 : vector<16xf32>
        %parallel_loop3A_191 = arith.index_cast %parallel_loop3A_157 : i32 to index
        %parallel_loop3A_192 = arith.constant 16 : index
        %parallel_loop3A_193 = tpu.vector_load %arg14[%parallel_loop3A_191, %parallel_loop3A_192] {strides = array<i32>} : memref<56x128xf32, #tpu.memory_space<vmem>>, vector<1x16xf32>,
        %parallel_loop3A_194 = vector.shape_cast %parallel_loop3A_193 : vector<1x16xf32> to vector<16xf32>
        %parallel_loop3A_195 = vector.shape_cast %parallel_loop3A_190 : vector<16xf32> to vector<1x16xf32>
        tpu.vector_store %arg14[%parallel_loop3A_191, %parallel_loop3A_192], %parallel_loop3A_195 {strides = array<i32>} : memref<56x128xf32, #tpu.memory_space<vmem>>, vector<1x16xf32>,
        %parallel_loop3A_196 = arith.index_cast %parallel_loop3A_157 : i32 to index
        %parallel_loop3A_197 = arith.constant 32 : index
        %parallel_loop3A_198 = tpu.vector_load %arg8[%parallel_loop3A_196, %parallel_loop3A_197] {strides = array<i32>} : memref<56x128xf32, #tpu.memory_space<vmem>>, vector<1x16xf32>,
        %parallel_loop3A_199 = vector.shape_cast %parallel_loop3A_198 : vector<1x16xf32> to vector<16xf32>
        %parallel_loop3A_200 = arith.index_cast %parallel_loop3A_157 : i32 to index
        %parallel_loop3A_201 = arith.constant 32 : index
        %parallel_loop3A_202 = tpu.vector_load %arg9[%parallel_loop3A_200, %parallel_loop3A_201] {strides = array<i32>} : memref<56x128xf32, #tpu.memory_space<vmem>>, vector<1x16xf32>,
        %parallel_loop3A_203 = vector.shape_cast %parallel_loop3A_202 : vector<1x16xf32> to vector<16xf32>
        %parallel_loop3A_204 = arith.addf %parallel_loop3A_199, %parallel_loop3A_203 : vector<16xf32>
        %parallel_loop3A_205 = arith.index_cast %parallel_loop3A_157 : i32 to index
        %parallel_loop3A_206 = arith.constant 32 : index
        %parallel_loop3A_207 = tpu.vector_load %arg10[%parallel_loop3A_205, %parallel_loop3A_206] {strides = array<i32>} : memref<56x128xf32, #tpu.memory_space<vmem>>, vector<1x16xf32>,
        %parallel_loop3A_208 = vector.shape_cast %parallel_loop3A_207 : vector<1x16xf32> to vector<16xf32>
        %parallel_loop3A_209 = arith.addf %parallel_loop3A_204, %parallel_loop3A_208 : vector<16xf32>
        %parallel_loop3A_210 = arith.index_cast %parallel_loop3A_157 : i32 to index
        %parallel_loop3A_211 = arith.constant 32 : index
        %parallel_loop3A_212 = tpu.vector_load %arg14[%parallel_loop3A_210, %parallel_loop3A_211] {strides = array<i32>} : memref<56x128xf32, #tpu.memory_space<vmem>>, vector<1x16xf32>,
        %parallel_loop3A_213 = vector.shape_cast %parallel_loop3A_212 : vector<1x16xf32> to vector<16xf32>
        %parallel_loop3A_214 = vector.shape_cast %parallel_loop3A_209 : vector<16xf32> to vector<1x16xf32>
        tpu.vector_store %arg14[%parallel_loop3A_210, %parallel_loop3A_211], %parallel_loop3A_214 {strides = array<i32>} : memref<56x128xf32, #tpu.memory_space<vmem>>, vector<1x16xf32>,
        %parallel_loop3A_215 = arith.index_cast %parallel_loop3A_157 : i32 to index
        %parallel_loop3A_216 = arith.constant 48 : index
        %parallel_loop3A_217 = tpu.vector_load %arg8[%parallel_loop3A_215, %parallel_loop3A_216] {strides = array<i32>} : memref<56x128xf32, #tpu.memory_space<vmem>>, vector<1x16xf32>,
        %parallel_loop3A_218 = vector.shape_cast %parallel_loop3A_217 : vector<1x16xf32> to vector<16xf32>
        %parallel_loop3A_219 = arith.index_cast %parallel_loop3A_157 : i32 to index
        %parallel_loop3A_220 = arith.constant 48 : index
        %parallel_loop3A_221 = tpu.vector_load %arg9[%parallel_loop3A_219, %parallel_loop3A_220] {strides = array<i32>} : memref<56x128xf32, #tpu.memory_space<vmem>>, vector<1x16xf32>,
        %parallel_loop3A_222 = vector.shape_cast %parallel_loop3A_221 : vector<1x16xf32> to vector<16xf32>
        %parallel_loop3A_223 = arith.addf %parallel_loop3A_218, %parallel_loop3A_222 : vector<16xf32>
        %parallel_loop3A_224 = arith.index_cast %parallel_loop3A_157 : i32 to index
        %parallel_loop3A_225 = arith.constant 48 : index
        %parallel_loop3A_226 = tpu.vector_load %arg10[%parallel_loop3A_224, %parallel_loop3A_225] {strides = array<i32>} : memref<56x128xf32, #tpu.memory_space<vmem>>, vector<1x16xf32>,
        %parallel_loop3A_227 = vector.shape_cast %parallel_loop3A_226 : vector<1x16xf32> to vector<16xf32>
        %parallel_loop3A_228 = arith.addf %parallel_loop3A_223, %parallel_loop3A_227 : vector<16xf32>
        %parallel_loop3A_229 = arith.index_cast %parallel_loop3A_157 : i32 to index
        %parallel_loop3A_230 = arith.constant 48 : index
        %parallel_loop3A_231 = tpu.vector_load %arg14[%parallel_loop3A_229, %parallel_loop3A_230] {strides = array<i32>} : memref<56x128xf32, #tpu.memory_space<vmem>>, vector<1x16xf32>,
        %parallel_loop3A_232 = vector.shape_cast %parallel_loop3A_231 : vector<1x16xf32> to vector<16xf32>
        %parallel_loop3A_233 = vector.shape_cast %parallel_loop3A_228 : vector<16xf32> to vector<1x16xf32>
        tpu.vector_store %arg14[%parallel_loop3A_229, %parallel_loop3A_230], %parallel_loop3A_233 {strides = array<i32>} : memref<56x128xf32, #tpu.memory_space<vmem>>, vector<1x16xf32>,
        %parallel_loop3A_234 = arith.index_cast %parallel_loop3A_157 : i32 to index
        %parallel_loop3A_235 = arith.constant 64 : index
        %parallel_loop3A_236 = tpu.vector_load %arg8[%parallel_loop3A_234, %parallel_loop3A_235] {strides = array<i32>} : memref<56x128xf32, #tpu.memory_space<vmem>>, vector<1x16xf32>,
        %parallel_loop3A_237 = vector.shape_cast %parallel_loop3A_236 : vector<1x16xf32> to vector<16xf32>
        %parallel_loop3A_238 = arith.index_cast %parallel_loop3A_157 : i32 to index
        %parallel_loop3A_239 = arith.constant 64 : index
        %parallel_loop3A_240 = tpu.vector_load %arg9[%parallel_loop3A_238, %parallel_loop3A_239] {strides = array<i32>} : memref<56x128xf32, #tpu.memory_space<vmem>>, vector<1x16xf32>,
        %parallel_loop3A_241 = vector.shape_cast %parallel_loop3A_240 : vector<1x16xf32> to vector<16xf32>
        %parallel_loop3A_242 = arith.addf %parallel_loop3A_237, %parallel_loop3A_241 : vector<16xf32>
        %parallel_loop3A_243 = arith.index_cast %parallel_loop3A_157 : i32 to index
        %parallel_loop3A_244 = arith.constant 64 : index
        %parallel_loop3A_245 = tpu.vector_load %arg10[%parallel_loop3A_243, %parallel_loop3A_244] {strides = array<i32>} : memref<56x128xf32, #tpu.memory_space<vmem>>, vector<1x16xf32>,
        %parallel_loop3A_246 = vector.shape_cast %parallel_loop3A_245 : vector<1x16xf32> to vector<16xf32>
        %parallel_loop3A_247 = arith.addf %parallel_loop3A_242, %parallel_loop3A_246 : vector<16xf32>
        %parallel_loop3A_248 = arith.index_cast %parallel_loop3A_157 : i32 to index
        %parallel_loop3A_249 = arith.constant 64 : index
        %parallel_loop3A_250 = tpu.vector_load %arg14[%parallel_loop3A_248, %parallel_loop3A_249] {strides = array<i32>} : memref<56x128xf32, #tpu.memory_space<vmem>>, vector<1x16xf32>,
        %parallel_loop3A_251 = vector.shape_cast %parallel_loop3A_250 : vector<1x16xf32> to vector<16xf32>
        %parallel_loop3A_252 = vector.shape_cast %parallel_loop3A_247 : vector<16xf32> to vector<1x16xf32>
        tpu.vector_store %arg14[%parallel_loop3A_248, %parallel_loop3A_249], %parallel_loop3A_252 {strides = array<i32>} : memref<56x128xf32, #tpu.memory_space<vmem>>, vector<1x16xf32>,
        %parallel_loop3A_253 = arith.index_cast %parallel_loop3A_157 : i32 to index
        %parallel_loop3A_254 = arith.constant 80 : index
        %parallel_loop3A_255 = tpu.vector_load %arg8[%parallel_loop3A_253, %parallel_loop3A_254] {strides = array<i32>} : memref<56x128xf32, #tpu.memory_space<vmem>>, vector<1x16xf32>,
        %parallel_loop3A_256 = vector.shape_cast %parallel_loop3A_255 : vector<1x16xf32> to vector<16xf32>
        %parallel_loop3A_257 = arith.index_cast %parallel_loop3A_157 : i32 to index
        %parallel_loop3A_258 = arith.constant 80 : index
        %parallel_loop3A_259 = tpu.vector_load %arg9[%parallel_loop3A_257, %parallel_loop3A_258] {strides = array<i32>} : memref<56x128xf32, #tpu.memory_space<vmem>>, vector<1x16xf32>,
        %parallel_loop3A_260 = vector.shape_cast %parallel_loop3A_259 : vector<1x16xf32> to vector<16xf32>
        %parallel_loop3A_261 = arith.addf %parallel_loop3A_256, %parallel_loop3A_260 : vector<16xf32>
        %parallel_loop3A_262 = arith.index_cast %parallel_loop3A_157 : i32 to index
        %parallel_loop3A_263 = arith.constant 80 : index
        %parallel_loop3A_264 = tpu.vector_load %arg10[%parallel_loop3A_262, %parallel_loop3A_263] {strides = array<i32>} : memref<56x128xf32, #tpu.memory_space<vmem>>, vector<1x16xf32>,
        %parallel_loop3A_265 = vector.shape_cast %parallel_loop3A_264 : vector<1x16xf32> to vector<16xf32>
        %parallel_loop3A_266 = arith.addf %parallel_loop3A_261, %parallel_loop3A_265 : vector<16xf32>
        %parallel_loop3A_267 = arith.index_cast %parallel_loop3A_157 : i32 to index
        %parallel_loop3A_268 = arith.constant 80 : index
        %parallel_loop3A_269 = tpu.vector_load %arg14[%parallel_loop3A_267, %parallel_loop3A_268] {strides = array<i32>} : memref<56x128xf32, #tpu.memory_space<vmem>>, vector<1x16xf32>,
        %parallel_loop3A_270 = vector.shape_cast %parallel_loop3A_269 : vector<1x16xf32> to vector<16xf32>
        %parallel_loop3A_271 = vector.shape_cast %parallel_loop3A_266 : vector<16xf32> to vector<1x16xf32>
        tpu.vector_store %arg14[%parallel_loop3A_267, %parallel_loop3A_268], %parallel_loop3A_271 {strides = array<i32>} : memref<56x128xf32, #tpu.memory_space<vmem>>, vector<1x16xf32>,
        %parallel_loop3A_272 = arith.index_cast %parallel_loop3A_157 : i32 to index
        %parallel_loop3A_273 = arith.constant 96 : index
        %parallel_loop3A_274 = tpu.vector_load %arg8[%parallel_loop3A_272, %parallel_loop3A_273] {strides = array<i32>} : memref<56x128xf32, #tpu.memory_space<vmem>>, vector<1x16xf32>,
        %parallel_loop3A_275 = vector.shape_cast %parallel_loop3A_274 : vector<1x16xf32> to vector<16xf32>
        %parallel_loop3A_276 = arith.index_cast %parallel_loop3A_157 : i32 to index
        %parallel_loop3A_277 = arith.constant 96 : index
        %parallel_loop3A_278 = tpu.vector_load %arg9[%parallel_loop3A_276, %parallel_loop3A_277] {strides = array<i32>} : memref<56x128xf32, #tpu.memory_space<vmem>>, vector<1x16xf32>,
        %parallel_loop3A_279 = vector.shape_cast %parallel_loop3A_278 : vector<1x16xf32> to vector<16xf32>
        %parallel_loop3A_280 = arith.addf %parallel_loop3A_275, %parallel_loop3A_279 : vector<16xf32>
        %parallel_loop3A_281 = arith.index_cast %parallel_loop3A_157 : i32 to index
        %parallel_loop3A_282 = arith.constant 96 : index
        %parallel_loop3A_283 = tpu.vector_load %arg10[%parallel_loop3A_281, %parallel_loop3A_282] {strides = array<i32>} : memref<56x128xf32, #tpu.memory_space<vmem>>, vector<1x16xf32>,
        %parallel_loop3A_284 = vector.shape_cast %parallel_loop3A_283 : vector<1x16xf32> to vector<16xf32>
        %parallel_loop3A_285 = arith.addf %parallel_loop3A_280, %parallel_loop3A_284 : vector<16xf32>
        %parallel_loop3A_286 = arith.index_cast %parallel_loop3A_157 : i32 to index
        %parallel_loop3A_287 = arith.constant 96 : index
        %parallel_loop3A_288 = tpu.vector_load %arg14[%parallel_loop3A_286, %parallel_loop3A_287] {strides = array<i32>} : memref<56x128xf32, #tpu.memory_space<vmem>>, vector<1x16xf32>,
        %parallel_loop3A_289 = vector.shape_cast %parallel_loop3A_288 : vector<1x16xf32> to vector<16xf32>
        %parallel_loop3A_290 = vector.shape_cast %parallel_loop3A_285 : vector<16xf32> to vector<1x16xf32>
        tpu.vector_store %arg14[%parallel_loop3A_286, %parallel_loop3A_287], %parallel_loop3A_290 {strides = array<i32>} : memref<56x128xf32, #tpu.memory_space<vmem>>, vector<1x16xf32>,
        %parallel_loop3A_291 = arith.index_cast %parallel_loop3A_157 : i32 to index
        %parallel_loop3A_292 = arith.constant 112 : index
        %parallel_loop3A_293 = tpu.vector_load %arg8[%parallel_loop3A_291, %parallel_loop3A_292] {strides = array<i32>} : memref<56x128xf32, #tpu.memory_space<vmem>>, vector<1x16xf32>,
        %parallel_loop3A_294 = vector.shape_cast %parallel_loop3A_293 : vector<1x16xf32> to vector<16xf32>
        %parallel_loop3A_295 = arith.index_cast %parallel_loop3A_157 : i32 to index
        %parallel_loop3A_296 = arith.constant 112 : index
        %parallel_loop3A_297 = tpu.vector_load %arg9[%parallel_loop3A_295, %parallel_loop3A_296] {strides = array<i32>} : memref<56x128xf32, #tpu.memory_space<vmem>>, vector<1x16xf32>,
        %parallel_loop3A_298 = vector.shape_cast %parallel_loop3A_297 : vector<1x16xf32> to vector<16xf32>
        %parallel_loop3A_299 = arith.addf %parallel_loop3A_294, %parallel_loop3A_298 : vector<16xf32>
        %parallel_loop3A_300 = arith.index_cast %parallel_loop3A_157 : i32 to index
        %parallel_loop3A_301 = arith.constant 112 : index
        %parallel_loop3A_302 = tpu.vector_load %arg10[%parallel_loop3A_300, %parallel_loop3A_301] {strides = array<i32>} : memref<56x128xf32, #tpu.memory_space<vmem>>, vector<1x16xf32>,
        %parallel_loop3A_303 = vector.shape_cast %parallel_loop3A_302 : vector<1x16xf32> to vector<16xf32>
        %parallel_loop3A_304 = arith.addf %parallel_loop3A_299, %parallel_loop3A_303 : vector<16xf32>
        %parallel_loop3A_305 = arith.index_cast %parallel_loop3A_157 : i32 to index
        %parallel_loop3A_306 = arith.constant 112 : index
        %parallel_loop3A_307 = tpu.vector_load %arg14[%parallel_loop3A_305, %parallel_loop3A_306] {strides = array<i32>} : memref<56x128xf32, #tpu.memory_space<vmem>>, vector<1x16xf32>,
        %parallel_loop3A_308 = vector.shape_cast %parallel_loop3A_307 : vector<1x16xf32> to vector<16xf32>
        %parallel_loop3A_309 = vector.shape_cast %parallel_loop3A_304 : vector<16xf32> to vector<1x16xf32>
        tpu.vector_store %arg14[%parallel_loop3A_305, %parallel_loop3A_306], %parallel_loop3A_309 {strides = array<i32>} : memref<56x128xf32, #tpu.memory_space<vmem>>, vector<1x16xf32>,
      } {sc.loop_unroll_factor = 4 : i64, sc.parallel_access}
      %mul3A_109 = arith.constant 56 : i32
      %mul3A_110 = arith.muli %add3A_66, %mul3A_109 : i32
      %add3A_111 = arith.addi %mul3A_2, %mul3A_110 : i32
      %dma_start3A_112 = arith.constant 0 : i32
      %dma_start3A_113 = tpu.memref_slice %arg4[%add3A_111, %dma_start3A_112] : memref<100352x128xf32, #tpu.memory_space<hbm>> -> memref<56x128xf32, #tpu.memory_space<hbm>>
      %dma_start3A_114 = arith.constant 0 : i32
      %dma_start3A_115 = tpu.memref_slice %arg4[%add3A_111, %dma_start3A_114] : memref<100352x128xf32, #tpu.memory_space<hbm>> -> memref<56x128xf32, #tpu.memory_space<hbm>>
      tpu.enqueue_dma source(%arg14 : memref<56x128xf32, #tpu.memory_space<vmem>>) target(%dma_start3A_115 : memref<56x128xf32, #tpu.memory_space<hbm>>) target_semaphore(%arg18 : memref<!tpu.dma_semaphore, #tpu.memory_space<semaphore_mem>>)
      %lt3A = arith.constant 54 : i32
      %lt3A_116 = arith.cmpi slt, %add3A_66, %lt3A : i32
      %convert_element_type3A_117 = arith.extui %lt3A_116 : i1 to i32
      %cond3A_118 = arith.constant 0 : i32
      %cond3A_119 = arith.cmpi ne, %convert_element_type3A_117, %cond3A_118 : i32
      scf.if %cond3A_119 {
        %add3A_157 = arith.constant 2 : i32
        %add3A_158 = arith.addi %add3A_66, %add3A_157 : i32
        %mul3A_159 = arith.constant 56 : i32
        %mul3A_160 = arith.muli %add3A_158, %mul3A_159 : i32
        %dma_start3A_161 = tpu.memref_slice %arg5[%mul3A_160] : memref<3136xi32, #tpu.memory_space<vmem>> -> memref<56xi32, #tpu.memory_space<vmem>>
        %dma_start3A_162 = arith.constant 0 : i32
        %dma_start3A_163 = arith.constant 0 : i32
        %dma_start3A_164 = tpu.memref_slice %arg2[%dma_start3A_162, %dma_start3A_163] : memref<100352x128xf32, #tpu.memory_space<hbm>> -> memref<100352x128xf32, #tpu.memory_space<hbm>>
        tpu.enqueue_indirect_dma source(%dma_start3A_164 : memref<100352x128xf32, #tpu.memory_space<hbm>>) target(%arg8 : memref<56x128xf32, #tpu.memory_space<vmem>>) offsets(%dma_start3A_161 : memref<56xi32, #tpu.memory_space<vmem>>) semaphore(%arg16 : memref<!tpu.dma_semaphore, #tpu.memory_space<semaphore_mem>>)
        %mul3A_165 = arith.constant 56 : i32
        %mul3A_166 = arith.muli %add3A_158, %mul3A_165 : i32
        %dma_start3A_167 = tpu.memref_slice %arg6[%mul3A_166] : memref<3136xi32, #tpu.memory_space<vmem>> -> memref<56xi32, #tpu.memory_space<vmem>>
        %dma_start3A_168 = arith.constant 0 : i32
        %dma_start3A_169 = arith.constant 0 : i32
        %dma_start3A_170 = tpu.memref_slice %arg2[%dma_start3A_168, %dma_start3A_169] : memref<100352x128xf32, #tpu.memory_space<hbm>> -> memref<100352x128xf32, #tpu.memory_space<hbm>>
        tpu.enqueue_indirect_dma source(%dma_start3A_170 : memref<100352x128xf32, #tpu.memory_space<hbm>>) target(%arg9 : memref<56x128xf32, #tpu.memory_space<vmem>>) offsets(%dma_start3A_167 : memref<56xi32, #tpu.memory_space<vmem>>) semaphore(%arg16 : memref<!tpu.dma_semaphore, #tpu.memory_space<semaphore_mem>>)
        %mul3A_171 = arith.constant 56 : i32
        %mul3A_172 = arith.muli %add3A_158, %mul3A_171 : i32
        %dma_start3A_173 = tpu.memref_slice %arg7[%mul3A_172] : memref<3136xi32, #tpu.memory_space<vmem>> -> memref<56xi32, #tpu.memory_space<vmem>>
        %dma_start3A_174 = arith.constant 0 : i32
        %dma_start3A_175 = arith.constant 0 : i32
        %dma_start3A_176 = tpu.memref_slice %arg2[%dma_start3A_174, %dma_start3A_175] : memref<100352x128xf32, #tpu.memory_space<hbm>> -> memref<100352x128xf32, #tpu.memory_space<hbm>>
        tpu.enqueue_indirect_dma source(%dma_start3A_176 : memref<100352x128xf32, #tpu.memory_space<hbm>>) target(%arg10 : memref<56x128xf32, #tpu.memory_space<vmem>>) offsets(%dma_start3A_173 : memref<56xi32, #tpu.memory_space<vmem>>) semaphore(%arg16 : memref<!tpu.dma_semaphore, #tpu.memory_space<semaphore_mem>>)
      } else {
      }
      %add3A_120 = arith.constant 1 : i32
      %add3A_121 = arith.addi %add3A_66, %add3A_120 : i32
      %mul3A_122 = arith.constant 56 : i32
      %mul3A_123 = arith.muli %add3A_121, %mul3A_122 : i32
      %dma_wait3A_124 = tpu.memref_slice %arg5[%mul3A_123] : memref<3136xi32, #tpu.memory_space<vmem>> -> memref<56xi32, #tpu.memory_space<vmem>>
      %dma_wait3A_125 = arith.constant 0 : i32
      %dma_wait3A_126 = arith.constant 0 : i32
      %dma_wait3A_127 = tpu.memref_slice %arg2[%dma_wait3A_125, %dma_wait3A_126] : memref<100352x128xf32, #tpu.memory_space<hbm>> -> memref<100352x128xf32, #tpu.memory_space<hbm>>
      tpu.wait_indirect_dma semaphore(%arg17 : memref<!tpu.dma_semaphore, #tpu.memory_space<semaphore_mem>>) src(%dma_wait3A_127 : memref<100352x128xf32, #tpu.memory_space<hbm>>) dst(%arg11 : memref<56x128xf32, #tpu.memory_space<vmem>>)
      %mul3A_128 = arith.constant 56 : i32
      %mul3A_129 = arith.muli %add3A_121, %mul3A_128 : i32
      %dma_wait3A_130 = tpu.memref_slice %arg6[%mul3A_129] : memref<3136xi32, #tpu.memory_space<vmem>> -> memref<56xi32, #tpu.memory_space<vmem>>
      %dma_wait3A_131 = arith.constant 0 : i32
      %dma_wait3A_132 = arith.constant 0 : i32
      %dma_wait3A_133 = tpu.memref_slice %arg2[%dma_wait3A_131, %dma_wait3A_132] : memref<100352x128xf32, #tpu.memory_space<hbm>> -> memref<100352x128xf32, #tpu.memory_space<hbm>>
      tpu.wait_indirect_dma semaphore(%arg17 : memref<!tpu.dma_semaphore, #tpu.memory_space<semaphore_mem>>) src(%dma_wait3A_133 : memref<100352x128xf32, #tpu.memory_space<hbm>>) dst(%arg12 : memref<56x128xf32, #tpu.memory_space<vmem>>)
      %mul3A_134 = arith.constant 56 : i32
      %mul3A_135 = arith.muli %add3A_121, %mul3A_134 : i32
      %dma_wait3A_136 = tpu.memref_slice %arg7[%mul3A_135] : memref<3136xi32, #tpu.memory_space<vmem>> -> memref<56xi32, #tpu.memory_space<vmem>>
      %dma_wait3A_137 = arith.constant 0 : i32
      %dma_wait3A_138 = arith.constant 0 : i32
      %dma_wait3A_139 = tpu.memref_slice %arg2[%dma_wait3A_137, %dma_wait3A_138] : memref<100352x128xf32, #tpu.memory_space<hbm>> -> memref<100352x128xf32, #tpu.memory_space<hbm>>
      tpu.wait_indirect_dma semaphore(%arg17 : memref<!tpu.dma_semaphore, #tpu.memory_space<semaphore_mem>>) src(%dma_wait3A_139 : memref<100352x128xf32, #tpu.memory_space<hbm>>) dst(%arg13 : memref<56x128xf32, #tpu.memory_space<vmem>>)
      %gt3A_140 = arith.constant 0 : i32
      %gt3A_141 = arith.cmpi sgt, %add3A_66, %gt3A_140 : i32
      %convert_element_type3A_142 = arith.extui %gt3A_141 : i1 to i32
      %cond3A_143 = arith.constant 0 : i32
      %cond3A_144 = arith.cmpi ne, %convert_element_type3A_142, %cond3A_143 : i32
      scf.if %cond3A_144 {
        %sub3A = arith.constant 1 : i32
        %sub3A_157 = arith.subi %add3A_66, %sub3A : i32
        %mul3A_158 = arith.constant 56 : i32
        %mul3A_159 = arith.muli %sub3A_157, %mul3A_158 : i32
        %add3A_160 = arith.addi %mul3A_2, %mul3A_159 : i32
        %dma_wait3A_161 = arith.constant 0 : i32
        %dma_wait3A_162 = tpu.memref_slice %arg4[%add3A_160, %dma_wait3A_161] : memref<100352x128xf32, #tpu.memory_space<hbm>> -> memref<56x128xf32, #tpu.memory_space<hbm>>
        %dma_wait3A_163 = arith.constant 0 : i32
        %dma_wait3A_164 = tpu.memref_slice %arg4[%add3A_160, %dma_wait3A_163] : memref<100352x128xf32, #tpu.memory_space<hbm>> -> memref<56x128xf32, #tpu.memory_space<hbm>>
        tpu.wait_dma2 semaphore(%arg19 : memref<!tpu.dma_semaphore, #tpu.memory_space<semaphore_mem>>) src(%arg15 : memref<56x128xf32, #tpu.memory_space<vmem>>) dst(%dma_wait3A_164 : memref<56x128xf32, #tpu.memory_space<hbm>>)
      } else {
      }
      %parallel_loop3A_145 = arith.constant 0 : i32
      %parallel_loop3A_146 = arith.constant 56 : i32
      %parallel_loop3A_147 = arith.constant 1 : i32
      scf.for %parallel_loop3A_157 = %parallel_loop3A_145 to %parallel_loop3A_146 step %parallel_loop3A_147  : i32 {
        %parallel_loop3A_158 = arith.index_cast %parallel_loop3A_157 : i32 to index
        %parallel_loop3A_159 = arith.constant 0 : index
        %parallel_loop3A_160 = tpu.vector_load %arg11[%parallel_loop3A_158, %parallel_loop3A_159] {strides = array<i32>} : memref<56x128xf32, #tpu.memory_space<vmem>>, vector<1x16xf32>,
        %parallel_loop3A_161 = vector.shape_cast %parallel_loop3A_160 : vector<1x16xf32> to vector<16xf32>
        %parallel_loop3A_162 = arith.index_cast %parallel_loop3A_157 : i32 to index
        %parallel_loop3A_163 = arith.constant 0 : index
        %parallel_loop3A_164 = tpu.vector_load %arg12[%parallel_loop3A_162, %parallel_loop3A_163] {strides = array<i32>} : memref<56x128xf32, #tpu.memory_space<vmem>>, vector<1x16xf32>,
        %parallel_loop3A_165 = vector.shape_cast %parallel_loop3A_164 : vector<1x16xf32> to vector<16xf32>
        %parallel_loop3A_166 = arith.addf %parallel_loop3A_161, %parallel_loop3A_165 : vector<16xf32>
        %parallel_loop3A_167 = arith.index_cast %parallel_loop3A_157 : i32 to index
        %parallel_loop3A_168 = arith.constant 0 : index
        %parallel_loop3A_169 = tpu.vector_load %arg13[%parallel_loop3A_167, %parallel_loop3A_168] {strides = array<i32>} : memref<56x128xf32, #tpu.memory_space<vmem>>, vector<1x16xf32>,
        %parallel_loop3A_170 = vector.shape_cast %parallel_loop3A_169 : vector<1x16xf32> to vector<16xf32>
        %parallel_loop3A_171 = arith.addf %parallel_loop3A_166, %parallel_loop3A_170 : vector<16xf32>
        %parallel_loop3A_172 = arith.index_cast %parallel_loop3A_157 : i32 to index
        %parallel_loop3A_173 = arith.constant 0 : index
        %parallel_loop3A_174 = tpu.vector_load %arg15[%parallel_loop3A_172, %parallel_loop3A_173] {strides = array<i32>} : memref<56x128xf32, #tpu.memory_space<vmem>>, vector<1x16xf32>,
        %parallel_loop3A_175 = vector.shape_cast %parallel_loop3A_174 : vector<1x16xf32> to vector<16xf32>
        %parallel_loop3A_176 = vector.shape_cast %parallel_loop3A_171 : vector<16xf32> to vector<1x16xf32>
        tpu.vector_store %arg15[%parallel_loop3A_172, %parallel_loop3A_173], %parallel_loop3A_176 {strides = array<i32>} : memref<56x128xf32, #tpu.memory_space<vmem>>, vector<1x16xf32>,
        %parallel_loop3A_177 = arith.index_cast %parallel_loop3A_157 : i32 to index
        %parallel_loop3A_178 = arith.constant 16 : index
        %parallel_loop3A_179 = tpu.vector_load %arg11[%parallel_loop3A_177, %parallel_loop3A_178] {strides = array<i32>} : memref<56x128xf32, #tpu.memory_space<vmem>>, vector<1x16xf32>,
        %parallel_loop3A_180 = vector.shape_cast %parallel_loop3A_179 : vector<1x16xf32> to vector<16xf32>
        %parallel_loop3A_181 = arith.index_cast %parallel_loop3A_157 : i32 to index
        %parallel_loop3A_182 = arith.constant 16 : index
        %parallel_loop3A_183 = tpu.vector_load %arg12[%parallel_loop3A_181, %parallel_loop3A_182] {strides = array<i32>} : memref<56x128xf32, #tpu.memory_space<vmem>>, vector<1x16xf32>,
        %parallel_loop3A_184 = vector.shape_cast %parallel_loop3A_183 : vector<1x16xf32> to vector<16xf32>
        %parallel_loop3A_185 = arith.addf %parallel_loop3A_180, %parallel_loop3A_184 : vector<16xf32>
        %parallel_loop3A_186 = arith.index_cast %parallel_loop3A_157 : i32 to index
        %parallel_loop3A_187 = arith.constant 16 : index
        %parallel_loop3A_188 = tpu.vector_load %arg13[%parallel_loop3A_186, %parallel_loop3A_187] {strides = array<i32>} : memref<56x128xf32, #tpu.memory_space<vmem>>, vector<1x16xf32>,
        %parallel_loop3A_189 = vector.shape_cast %parallel_loop3A_188 : vector<1x16xf32> to vector<16xf32>
        %parallel_loop3A_190 = arith.addf %parallel_loop3A_185, %parallel_loop3A_189 : vector<16xf32>
        %parallel_loop3A_191 = arith.index_cast %parallel_loop3A_157 : i32 to index
        %parallel_loop3A_192 = arith.constant 16 : index
        %parallel_loop3A_193 = tpu.vector_load %arg15[%parallel_loop3A_191, %parallel_loop3A_192] {strides = array<i32>} : memref<56x128xf32, #tpu.memory_space<vmem>>, vector<1x16xf32>,
        %parallel_loop3A_194 = vector.shape_cast %parallel_loop3A_193 : vector<1x16xf32> to vector<16xf32>
        %parallel_loop3A_195 = vector.shape_cast %parallel_loop3A_190 : vector<16xf32> to vector<1x16xf32>
        tpu.vector_store %arg15[%parallel_loop3A_191, %parallel_loop3A_192], %parallel_loop3A_195 {strides = array<i32>} : memref<56x128xf32, #tpu.memory_space<vmem>>, vector<1x16xf32>,
        %parallel_loop3A_196 = arith.index_cast %parallel_loop3A_157 : i32 to index
        %parallel_loop3A_197 = arith.constant 32 : index
        %parallel_loop3A_198 = tpu.vector_load %arg11[%parallel_loop3A_196, %parallel_loop3A_197] {strides = array<i32>} : memref<56x128xf32, #tpu.memory_space<vmem>>, vector<1x16xf32>,
        %parallel_loop3A_199 = vector.shape_cast %parallel_loop3A_198 : vector<1x16xf32> to vector<16xf32>
        %parallel_loop3A_200 = arith.index_cast %parallel_loop3A_157 : i32 to index
        %parallel_loop3A_201 = arith.constant 32 : index
        %parallel_loop3A_202 = tpu.vector_load %arg12[%parallel_loop3A_200, %parallel_loop3A_201] {strides = array<i32>} : memref<56x128xf32, #tpu.memory_space<vmem>>, vector<1x16xf32>,
        %parallel_loop3A_203 = vector.shape_cast %parallel_loop3A_202 : vector<1x16xf32> to vector<16xf32>
        %parallel_loop3A_204 = arith.addf %parallel_loop3A_199, %parallel_loop3A_203 : vector<16xf32>
        %parallel_loop3A_205 = arith.index_cast %parallel_loop3A_157 : i32 to index
        %parallel_loop3A_206 = arith.constant 32 : index
        %parallel_loop3A_207 = tpu.vector_load %arg13[%parallel_loop3A_205, %parallel_loop3A_206] {strides = array<i32>} : memref<56x128xf32, #tpu.memory_space<vmem>>, vector<1x16xf32>,
        %parallel_loop3A_208 = vector.shape_cast %parallel_loop3A_207 : vector<1x16xf32> to vector<16xf32>
        %parallel_loop3A_209 = arith.addf %parallel_loop3A_204, %parallel_loop3A_208 : vector<16xf32>
        %parallel_loop3A_210 = arith.index_cast %parallel_loop3A_157 : i32 to index
        %parallel_loop3A_211 = arith.constant 32 : index
        %parallel_loop3A_212 = tpu.vector_load %arg15[%parallel_loop3A_210, %parallel_loop3A_211] {strides = array<i32>} : memref<56x128xf32, #tpu.memory_space<vmem>>, vector<1x16xf32>,
        %parallel_loop3A_213 = vector.shape_cast %parallel_loop3A_212 : vector<1x16xf32> to vector<16xf32>
        %parallel_loop3A_214 = vector.shape_cast %parallel_loop3A_209 : vector<16xf32> to vector<1x16xf32>
        tpu.vector_store %arg15[%parallel_loop3A_210, %parallel_loop3A_211], %parallel_loop3A_214 {strides = array<i32>} : memref<56x128xf32, #tpu.memory_space<vmem>>, vector<1x16xf32>,
        %parallel_loop3A_215 = arith.index_cast %parallel_loop3A_157 : i32 to index
        %parallel_loop3A_216 = arith.constant 48 : index
        %parallel_loop3A_217 = tpu.vector_load %arg11[%parallel_loop3A_215, %parallel_loop3A_216] {strides = array<i32>} : memref<56x128xf32, #tpu.memory_space<vmem>>, vector<1x16xf32>,
        %parallel_loop3A_218 = vector.shape_cast %parallel_loop3A_217 : vector<1x16xf32> to vector<16xf32>
        %parallel_loop3A_219 = arith.index_cast %parallel_loop3A_157 : i32 to index
        %parallel_loop3A_220 = arith.constant 48 : index
        %parallel_loop3A_221 = tpu.vector_load %arg12[%parallel_loop3A_219, %parallel_loop3A_220] {strides = array<i32>} : memref<56x128xf32, #tpu.memory_space<vmem>>, vector<1x16xf32>,
        %parallel_loop3A_222 = vector.shape_cast %parallel_loop3A_221 : vector<1x16xf32> to vector<16xf32>
        %parallel_loop3A_223 = arith.addf %parallel_loop3A_218, %parallel_loop3A_222 : vector<16xf32>
        %parallel_loop3A_224 = arith.index_cast %parallel_loop3A_157 : i32 to index
        %parallel_loop3A_225 = arith.constant 48 : index
        %parallel_loop3A_226 = tpu.vector_load %arg13[%parallel_loop3A_224, %parallel_loop3A_225] {strides = array<i32>} : memref<56x128xf32, #tpu.memory_space<vmem>>, vector<1x16xf32>,
        %parallel_loop3A_227 = vector.shape_cast %parallel_loop3A_226 : vector<1x16xf32> to vector<16xf32>
        %parallel_loop3A_228 = arith.addf %parallel_loop3A_223, %parallel_loop3A_227 : vector<16xf32>
        %parallel_loop3A_229 = arith.index_cast %parallel_loop3A_157 : i32 to index
        %parallel_loop3A_230 = arith.constant 48 : index
        %parallel_loop3A_231 = tpu.vector_load %arg15[%parallel_loop3A_229, %parallel_loop3A_230] {strides = array<i32>} : memref<56x128xf32, #tpu.memory_space<vmem>>, vector<1x16xf32>,
        %parallel_loop3A_232 = vector.shape_cast %parallel_loop3A_231 : vector<1x16xf32> to vector<16xf32>
        %parallel_loop3A_233 = vector.shape_cast %parallel_loop3A_228 : vector<16xf32> to vector<1x16xf32>
        tpu.vector_store %arg15[%parallel_loop3A_229, %parallel_loop3A_230], %parallel_loop3A_233 {strides = array<i32>} : memref<56x128xf32, #tpu.memory_space<vmem>>, vector<1x16xf32>,
        %parallel_loop3A_234 = arith.index_cast %parallel_loop3A_157 : i32 to index
        %parallel_loop3A_235 = arith.constant 64 : index
        %parallel_loop3A_236 = tpu.vector_load %arg11[%parallel_loop3A_234, %parallel_loop3A_235] {strides = array<i32>} : memref<56x128xf32, #tpu.memory_space<vmem>>, vector<1x16xf32>,
        %parallel_loop3A_237 = vector.shape_cast %parallel_loop3A_236 : vector<1x16xf32> to vector<16xf32>
        %parallel_loop3A_238 = arith.index_cast %parallel_loop3A_157 : i32 to index
        %parallel_loop3A_239 = arith.constant 64 : index
        %parallel_loop3A_240 = tpu.vector_load %arg12[%parallel_loop3A_238, %parallel_loop3A_239] {strides = array<i32>} : memref<56x128xf32, #tpu.memory_space<vmem>>, vector<1x16xf32>,
        %parallel_loop3A_241 = vector.shape_cast %parallel_loop3A_240 : vector<1x16xf32> to vector<16xf32>
        %parallel_loop3A_242 = arith.addf %parallel_loop3A_237, %parallel_loop3A_241 : vector<16xf32>
        %parallel_loop3A_243 = arith.index_cast %parallel_loop3A_157 : i32 to index
        %parallel_loop3A_244 = arith.constant 64 : index
        %parallel_loop3A_245 = tpu.vector_load %arg13[%parallel_loop3A_243, %parallel_loop3A_244] {strides = array<i32>} : memref<56x128xf32, #tpu.memory_space<vmem>>, vector<1x16xf32>,
        %parallel_loop3A_246 = vector.shape_cast %parallel_loop3A_245 : vector<1x16xf32> to vector<16xf32>
        %parallel_loop3A_247 = arith.addf %parallel_loop3A_242, %parallel_loop3A_246 : vector<16xf32>
        %parallel_loop3A_248 = arith.index_cast %parallel_loop3A_157 : i32 to index
        %parallel_loop3A_249 = arith.constant 64 : index
        %parallel_loop3A_250 = tpu.vector_load %arg15[%parallel_loop3A_248, %parallel_loop3A_249] {strides = array<i32>} : memref<56x128xf32, #tpu.memory_space<vmem>>, vector<1x16xf32>,
        %parallel_loop3A_251 = vector.shape_cast %parallel_loop3A_250 : vector<1x16xf32> to vector<16xf32>
        %parallel_loop3A_252 = vector.shape_cast %parallel_loop3A_247 : vector<16xf32> to vector<1x16xf32>
        tpu.vector_store %arg15[%parallel_loop3A_248, %parallel_loop3A_249], %parallel_loop3A_252 {strides = array<i32>} : memref<56x128xf32, #tpu.memory_space<vmem>>, vector<1x16xf32>,
        %parallel_loop3A_253 = arith.index_cast %parallel_loop3A_157 : i32 to index
        %parallel_loop3A_254 = arith.constant 80 : index
        %parallel_loop3A_255 = tpu.vector_load %arg11[%parallel_loop3A_253, %parallel_loop3A_254] {strides = array<i32>} : memref<56x128xf32, #tpu.memory_space<vmem>>, vector<1x16xf32>,
        %parallel_loop3A_256 = vector.shape_cast %parallel_loop3A_255 : vector<1x16xf32> to vector<16xf32>
        %parallel_loop3A_257 = arith.index_cast %parallel_loop3A_157 : i32 to index
        %parallel_loop3A_258 = arith.constant 80 : index
        %parallel_loop3A_259 = tpu.vector_load %arg12[%parallel_loop3A_257, %parallel_loop3A_258] {strides = array<i32>} : memref<56x128xf32, #tpu.memory_space<vmem>>, vector<1x16xf32>,
        %parallel_loop3A_260 = vector.shape_cast %parallel_loop3A_259 : vector<1x16xf32> to vector<16xf32>
        %parallel_loop3A_261 = arith.addf %parallel_loop3A_256, %parallel_loop3A_260 : vector<16xf32>
        %parallel_loop3A_262 = arith.index_cast %parallel_loop3A_157 : i32 to index
        %parallel_loop3A_263 = arith.constant 80 : index
        %parallel_loop3A_264 = tpu.vector_load %arg13[%parallel_loop3A_262, %parallel_loop3A_263] {strides = array<i32>} : memref<56x128xf32, #tpu.memory_space<vmem>>, vector<1x16xf32>,
        %parallel_loop3A_265 = vector.shape_cast %parallel_loop3A_264 : vector<1x16xf32> to vector<16xf32>
        %parallel_loop3A_266 = arith.addf %parallel_loop3A_261, %parallel_loop3A_265 : vector<16xf32>
        %parallel_loop3A_267 = arith.index_cast %parallel_loop3A_157 : i32 to index
        %parallel_loop3A_268 = arith.constant 80 : index
        %parallel_loop3A_269 = tpu.vector_load %arg15[%parallel_loop3A_267, %parallel_loop3A_268] {strides = array<i32>} : memref<56x128xf32, #tpu.memory_space<vmem>>, vector<1x16xf32>,
        %parallel_loop3A_270 = vector.shape_cast %parallel_loop3A_269 : vector<1x16xf32> to vector<16xf32>
        %parallel_loop3A_271 = vector.shape_cast %parallel_loop3A_266 : vector<16xf32> to vector<1x16xf32>
        tpu.vector_store %arg15[%parallel_loop3A_267, %parallel_loop3A_268], %parallel_loop3A_271 {strides = array<i32>} : memref<56x128xf32, #tpu.memory_space<vmem>>, vector<1x16xf32>,
        %parallel_loop3A_272 = arith.index_cast %parallel_loop3A_157 : i32 to index
        %parallel_loop3A_273 = arith.constant 96 : index
        %parallel_loop3A_274 = tpu.vector_load %arg11[%parallel_loop3A_272, %parallel_loop3A_273] {strides = array<i32>} : memref<56x128xf32, #tpu.memory_space<vmem>>, vector<1x16xf32>,
        %parallel_loop3A_275 = vector.shape_cast %parallel_loop3A_274 : vector<1x16xf32> to vector<16xf32>
        %parallel_loop3A_276 = arith.index_cast %parallel_loop3A_157 : i32 to index
        %parallel_loop3A_277 = arith.constant 96 : index
        %parallel_loop3A_278 = tpu.vector_load %arg12[%parallel_loop3A_276, %parallel_loop3A_277] {strides = array<i32>} : memref<56x128xf32, #tpu.memory_space<vmem>>, vector<1x16xf32>,
        %parallel_loop3A_279 = vector.shape_cast %parallel_loop3A_278 : vector<1x16xf32> to vector<16xf32>
        %parallel_loop3A_280 = arith.addf %parallel_loop3A_275, %parallel_loop3A_279 : vector<16xf32>
        %parallel_loop3A_281 = arith.index_cast %parallel_loop3A_157 : i32 to index
        %parallel_loop3A_282 = arith.constant 96 : index
        %parallel_loop3A_283 = tpu.vector_load %arg13[%parallel_loop3A_281, %parallel_loop3A_282] {strides = array<i32>} : memref<56x128xf32, #tpu.memory_space<vmem>>, vector<1x16xf32>,
        %parallel_loop3A_284 = vector.shape_cast %parallel_loop3A_283 : vector<1x16xf32> to vector<16xf32>
        %parallel_loop3A_285 = arith.addf %parallel_loop3A_280, %parallel_loop3A_284 : vector<16xf32>
        %parallel_loop3A_286 = arith.index_cast %parallel_loop3A_157 : i32 to index
        %parallel_loop3A_287 = arith.constant 96 : index
        %parallel_loop3A_288 = tpu.vector_load %arg15[%parallel_loop3A_286, %parallel_loop3A_287] {strides = array<i32>} : memref<56x128xf32, #tpu.memory_space<vmem>>, vector<1x16xf32>,
        %parallel_loop3A_289 = vector.shape_cast %parallel_loop3A_288 : vector<1x16xf32> to vector<16xf32>
        %parallel_loop3A_290 = vector.shape_cast %parallel_loop3A_285 : vector<16xf32> to vector<1x16xf32>
        tpu.vector_store %arg15[%parallel_loop3A_286, %parallel_loop3A_287], %parallel_loop3A_290 {strides = array<i32>} : memref<56x128xf32, #tpu.memory_space<vmem>>, vector<1x16xf32>,
        %parallel_loop3A_291 = arith.index_cast %parallel_loop3A_157 : i32 to index
        %parallel_loop3A_292 = arith.constant 112 : index
        %parallel_loop3A_293 = tpu.vector_load %arg11[%parallel_loop3A_291, %parallel_loop3A_292] {strides = array<i32>} : memref<56x128xf32, #tpu.memory_space<vmem>>, vector<1x16xf32>,
        %parallel_loop3A_294 = vector.shape_cast %parallel_loop3A_293 : vector<1x16xf32> to vector<16xf32>
        %parallel_loop3A_295 = arith.index_cast %parallel_loop3A_157 : i32 to index
        %parallel_loop3A_296 = arith.constant 112 : index
        %parallel_loop3A_297 = tpu.vector_load %arg12[%parallel_loop3A_295, %parallel_loop3A_296] {strides = array<i32>} : memref<56x128xf32, #tpu.memory_space<vmem>>, vector<1x16xf32>,
        %parallel_loop3A_298 = vector.shape_cast %parallel_loop3A_297 : vector<1x16xf32> to vector<16xf32>
        %parallel_loop3A_299 = arith.addf %parallel_loop3A_294, %parallel_loop3A_298 : vector<16xf32>
        %parallel_loop3A_300 = arith.index_cast %parallel_loop3A_157 : i32 to index
        %parallel_loop3A_301 = arith.constant 112 : index
        %parallel_loop3A_302 = tpu.vector_load %arg13[%parallel_loop3A_300, %parallel_loop3A_301] {strides = array<i32>} : memref<56x128xf32, #tpu.memory_space<vmem>>, vector<1x16xf32>,
        %parallel_loop3A_303 = vector.shape_cast %parallel_loop3A_302 : vector<1x16xf32> to vector<16xf32>
        %parallel_loop3A_304 = arith.addf %parallel_loop3A_299, %parallel_loop3A_303 : vector<16xf32>
        %parallel_loop3A_305 = arith.index_cast %parallel_loop3A_157 : i32 to index
        %parallel_loop3A_306 = arith.constant 112 : index
        %parallel_loop3A_307 = tpu.vector_load %arg15[%parallel_loop3A_305, %parallel_loop3A_306] {strides = array<i32>} : memref<56x128xf32, #tpu.memory_space<vmem>>, vector<1x16xf32>,
        %parallel_loop3A_308 = vector.shape_cast %parallel_loop3A_307 : vector<1x16xf32> to vector<16xf32>
        %parallel_loop3A_309 = vector.shape_cast %parallel_loop3A_304 : vector<16xf32> to vector<1x16xf32>
        tpu.vector_store %arg15[%parallel_loop3A_305, %parallel_loop3A_306], %parallel_loop3A_309 {strides = array<i32>} : memref<56x128xf32, #tpu.memory_space<vmem>>, vector<1x16xf32>,
      } {sc.loop_unroll_factor = 4 : i64, sc.parallel_access}
      %add3A_148 = arith.constant 1 : i32
      %add3A_149 = arith.addi %add3A_66, %add3A_148 : i32
      %mul3A_150 = arith.constant 56 : i32
      %mul3A_151 = arith.muli %add3A_149, %mul3A_150 : i32
      %add3A_152 = arith.addi %mul3A_2, %mul3A_151 : i32
      %dma_start3A_153 = arith.constant 0 : i32
      %dma_start3A_154 = tpu.memref_slice %arg4[%add3A_152, %dma_start3A_153] : memref<100352x128xf32, #tpu.memory_space<hbm>> -> memref<56x128xf32, #tpu.memory_space<hbm>>
      %dma_start3A_155 = arith.constant 0 : i32
      %dma_start3A_156 = tpu.memref_slice %arg4[%add3A_152, %dma_start3A_155] : memref<100352x128xf32, #tpu.memory_space<hbm>> -> memref<56x128xf32, #tpu.memory_space<hbm>>
      tpu.enqueue_dma source(%arg15 : memref<56x128xf32, #tpu.memory_space<vmem>>) target(%dma_start3A_156 : memref<56x128xf32, #tpu.memory_space<hbm>>) target_semaphore(%arg19 : memref<!tpu.dma_semaphore, #tpu.memory_space<semaphore_mem>>)
    }
    %scan3A_49 = arith.constant 28 : i32
    %add3A_50 = arith.constant 3024 : i32
    %add3A_51 = arith.addi %mul3A_2, %add3A_50 : i32
    %dma_wait3A_52 = arith.constant 0 : i32
    %dma_wait3A_53 = tpu.memref_slice %arg4[%add3A_51, %dma_wait3A_52] : memref<100352x128xf32, #tpu.memory_space<hbm>> -> memref<56x128xf32, #tpu.memory_space<hbm>>
    %dma_wait3A_54 = arith.constant 0 : i32
    %dma_wait3A_55 = tpu.memref_slice %arg4[%add3A_51, %dma_wait3A_54] : memref<100352x128xf32, #tpu.memory_space<hbm>> -> memref<56x128xf32, #tpu.memory_space<hbm>>
    tpu.wait_dma2 semaphore(%arg18 : memref<!tpu.dma_semaphore, #tpu.memory_space<semaphore_mem>>) src(%arg14 : memref<56x128xf32, #tpu.memory_space<vmem>>) dst(%dma_wait3A_55 : memref<56x128xf32, #tpu.memory_space<hbm>>)
    %add3A_56 = arith.constant 3080 : i32
    %add3A_57 = arith.addi %mul3A_2, %add3A_56 : i32
    %dma_wait3A_58 = arith.constant 0 : i32
    %dma_wait3A_59 = tpu.memref_slice %arg4[%add3A_57, %dma_wait3A_58] : memref<100352x128xf32, #tpu.memory_space<hbm>> -> memref<56x128xf32, #tpu.memory_space<hbm>>
    %dma_wait3A_60 = arith.constant 0 : i32
    %dma_wait3A_61 = tpu.memref_slice %arg4[%add3A_57, %dma_wait3A_60] : memref<100352x128xf32, #tpu.memory_space<hbm>> -> memref<56x128xf32, #tpu.memory_space<hbm>>
    tpu.wait_dma2 semaphore(%arg19 : memref<!tpu.dma_semaphore, #tpu.memory_space<semaphore_mem>>) src(%arg15 : memref<56x128xf32, #tpu.memory_space<vmem>>) dst(%dma_wait3A_61 : memref<56x128xf32, #tpu.memory_space<hbm>>)
    return
  }
}

#map = affine_map<(d0, d1) -> (0, 0)>
module attributes {stable_mosaic.version = 14 : i64} {
  func.func @k(%arg0: i32, %arg1: i32, %arg2: memref<100352x128xf32, #tpu.memory_space<hbm>>, %arg3: memref<3x100352xi32, #tpu.memory_space<hbm>>, %arg4: memref<100352x128xf32, #tpu.memory_space<hbm>>, %arg5: memref<3136xi32, #tpu.memory_space<vmem>>, %arg6: memref<3136xi32, #tpu.memory_space<vmem>>, %arg7: memref<3136xi32, #tpu.memory_space<vmem>>, %arg8: memref<56x128xf32, #tpu.memory_space<vmem>>, %arg9: memref<56x128xf32, #tpu.memory_space<vmem>>, %arg10: memref<56x128xf32, #tpu.memory_space<vmem>>, %arg11: memref<56x128xf32, #tpu.memory_space<vmem>>, %arg12: memref<56x128xf32, #tpu.memory_space<vmem>>, %arg13: memref<56x128xf32, #tpu.memory_space<vmem>>, %arg14: memref<56x128xf32, #tpu.memory_space<vmem>>, %arg15: memref<56x128xf32, #tpu.memory_space<vmem>>, %arg16: memref<!tpu.dma_semaphore, #tpu.memory_space<semaphore_mem>>, %arg17: memref<!tpu.dma_semaphore, #tpu.memory_space<semaphore_mem>>, %arg18: memref<!tpu.dma_semaphore, #tpu.memory_space<semaphore_mem>>, %arg19: memref<!tpu.dma_semaphore, #tpu.memory_space<semaphore_mem>>, %arg20: memref<!tpu.dma_semaphore, #tpu.memory_space<semaphore_mem>>) attributes {dimension_semantics = [#tpu.dimension_semantics<core_parallel>, #tpu.dimension_semantics<subcore_parallel>], iteration_bounds = array<i64: 2, 16>, scalar_prefetch = 0 : i64, scratch_operands = 16 : i64, tpu.core_type = #tpu.core_type<sc_vector_subcore>, window_params = [{transform_indices = #map}, {transform_indices = #map}, {transform_indices = #map}]} {
    %mul3A = arith.constant 2 : i32
    %mul3A_0 = arith.muli %arg1, %mul3A : i32
    %add3A = arith.addi %mul3A_0, %arg0 : i32
    %mul3A_1 = arith.constant 3136 : i32
    %mul3A_2 = arith.muli %add3A, %mul3A_1 : i32
    %dma_start3A = arith.constant 0 : i32
    %dma_start3A_3 = tpu.memref_slice %arg3[%dma_start3A, %mul3A_2] : memref<3x100352xi32, #tpu.memory_space<hbm>> -> memref<1x3136xi32, #tpu.memory_space<hbm>>
    %dma_start3A_4 = tpu.memref_squeeze %dma_start3A_3 : memref<1x3136xi32, #tpu.memory_space<hbm>> -> memref<3136xi32, #tpu.memory_space<hbm>>
    %dma_start3A_5 = tpu.memref_slice %arg3[%dma_start3A, %mul3A_2] : memref<3x100352xi32, #tpu.memory_space<hbm>> -> memref<1x3136xi32, #tpu.memory_space<hbm>>
    %dma_start3A_6 = tpu.memref_squeeze %dma_start3A_5 : memref<1x3136xi32, #tpu.memory_space<hbm>> -> memref<3136xi32, #tpu.memory_space<hbm>>
    tpu.enqueue_dma source(%dma_start3A_6 : memref<3136xi32, #tpu.memory_space<hbm>>) target(%arg5 : memref<3136xi32, #tpu.memory_space<vmem>>) target_semaphore(%arg20 : memref<!tpu.dma_semaphore, #tpu.memory_space<semaphore_mem>>)
    %dma_start3A_7 = arith.constant 1 : i32
    %dma_start3A_8 = tpu.memref_slice %arg3[%dma_start3A_7, %mul3A_2] : memref<3x100352xi32, #tpu.memory_space<hbm>> -> memref<1x3136xi32, #tpu.memory_space<hbm>>
    %dma_start3A_9 = tpu.memref_squeeze %dma_start3A_8 : memref<1x3136xi32, #tpu.memory_space<hbm>> -> memref<3136xi32, #tpu.memory_space<hbm>>
    %dma_start3A_10 = tpu.memref_slice %arg3[%dma_start3A_7, %mul3A_2] : memref<3x100352xi32, #tpu.memory_space<hbm>> -> memref<1x3136xi32, #tpu.memory_space<hbm>>
    %dma_start3A_11 = tpu.memref_squeeze %dma_start3A_10 : memref<1x3136xi32, #tpu.memory_space<hbm>> -> memref<3136xi32, #tpu.memory_space<hbm>>
    tpu.enqueue_dma source(%dma_start3A_11 : memref<3136xi32, #tpu.memory_space<hbm>>) target(%arg6 : memref<3136xi32, #tpu.memory_space<vmem>>) target_semaphore(%arg20 : memref<!tpu.dma_semaphore, #tpu.memory_space<semaphore_mem>>)
    %dma_start3A_12 = arith.constant 2 : i32
    %dma_start3A_13 = tpu.memref_slice %arg3[%dma_start3A_12, %mul3A_2] : memref<3x100352xi32, #tpu.memory_space<hbm>> -> memref<1x3136xi32, #tpu.memory_space<hbm>>
    %dma_start3A_14 = tpu.memref_squeeze %dma_start3A_13 : memref<1x3136xi32, #tpu.memory_space<hbm>> -> memref<3136xi32, #tpu.memory_space<hbm>>
    %dma_start3A_15 = tpu.memref_slice %arg3[%dma_start3A_12, %mul3A_2] : memref<3x100352xi32, #tpu.memory_space<hbm>> -> memref<1x3136xi32, #tpu.memory_space<hbm>>
    %dma_start3A_16 = tpu.memref_squeeze %dma_start3A_15 : memref<1x3136xi32, #tpu.memory_space<hbm>> -> memref<3136xi32, #tpu.memory_space<hbm>>
    tpu.enqueue_dma source(%dma_start3A_16 : memref<3136xi32, #tpu.memory_space<hbm>>) target(%arg7 : memref<3136xi32, #tpu.memory_space<vmem>>) target_semaphore(%arg20 : memref<!tpu.dma_semaphore, #tpu.memory_space<semaphore_mem>>)
    %dma_wait3A = arith.constant 0 : i32
    %dma_wait3A_17 = tpu.memref_slice %arg3[%dma_wait3A, %mul3A_2] : memref<3x100352xi32, #tpu.memory_space<hbm>> -> memref<1x3136xi32, #tpu.memory_space<hbm>>
    %dma_wait3A_18 = tpu.memref_squeeze %dma_wait3A_17 : memref<1x3136xi32, #tpu.memory_space<hbm>> -> memref<3136xi32, #tpu.memory_space<hbm>>
    %dma_wait3A_19 = tpu.memref_slice %arg3[%dma_wait3A, %mul3A_2] : memref<3x100352xi32, #tpu.memory_space<hbm>> -> memref<1x3136xi32, #tpu.memory_space<hbm>>
    %dma_wait3A_20 = tpu.memref_squeeze %dma_wait3A_19 : memref<1x3136xi32, #tpu.memory_space<hbm>> -> memref<3136xi32, #tpu.memory_space<hbm>>
    tpu.wait_dma2 semaphore(%arg20 : memref<!tpu.dma_semaphore, #tpu.memory_space<semaphore_mem>>) src(%dma_wait3A_20 : memref<3136xi32, #tpu.memory_space<hbm>>) dst(%arg5 : memref<3136xi32, #tpu.memory_space<vmem>>)
    %dma_wait3A_21 = arith.constant 1 : i32
    %dma_wait3A_22 = tpu.memref_slice %arg3[%dma_wait3A_21, %mul3A_2] : memref<3x100352xi32, #tpu.memory_space<hbm>> -> memref<1x3136xi32, #tpu.memory_space<hbm>>
    %dma_wait3A_23 = tpu.memref_squeeze %dma_wait3A_22 : memref<1x3136xi32, #tpu.memory_space<hbm>> -> memref<3136xi32, #tpu.memory_space<hbm>>
    %dma_wait3A_24 = tpu.memref_slice %arg3[%dma_wait3A_21, %mul3A_2] : memref<3x100352xi32, #tpu.memory_space<hbm>> -> memref<1x3136xi32, #tpu.memory_space<hbm>>
    %dma_wait3A_25 = tpu.memref_squeeze %dma_wait3A_24 : memref<1x3136xi32, #tpu.memory_space<hbm>> -> memref<3136xi32, #tpu.memory_space<hbm>>
    tpu.wait_dma2 semaphore(%arg20 : memref<!tpu.dma_semaphore, #tpu.memory_space<semaphore_mem>>) src(%dma_wait3A_25 : memref<3136xi32, #tpu.memory_space<hbm>>) dst(%arg6 : memref<3136xi32, #tpu.memory_space<vmem>>)
    %dma_wait3A_26 = arith.constant 2 : i32
    %dma_wait3A_27 = tpu.memref_slice %arg3[%dma_wait3A_26, %mul3A_2] : memref<3x100352xi32, #tpu.memory_space<hbm>> -> memref<1x3136xi32, #tpu.memory_space<hbm>>
    %dma_wait3A_28 = tpu.memref_squeeze %dma_wait3A_27 : memref<1x3136xi32, #tpu.memory_space<hbm>> -> memref<3136xi32, #tpu.memory_space<hbm>>
    %dma_wait3A_29 = tpu.memref_slice %arg3[%dma_wait3A_26, %mul3A_2] : memref<3x100352xi32, #tpu.memory_space<hbm>> -> memref<1x3136xi32, #tpu.memory_space<hbm>>
    %dma_wait3A_30 = tpu.memref_squeeze %dma_wait3A_29 : memref<1x3136xi32, #tpu.memory_space<hbm>> -> memref<3136xi32, #tpu.memory_space<hbm>>
    tpu.wait_dma2 semaphore(%arg20 : memref<!tpu.dma_semaphore, #tpu.memory_space<semaphore_mem>>) src(%dma_wait3A_30 : memref<3136xi32, #tpu.memory_space<hbm>>) dst(%arg7 : memref<3136xi32, #tpu.memory_space<vmem>>)
    %dma_start3A_31 = arith.constant 0 : i32
    %dma_start3A_32 = tpu.memref_slice %arg5[%dma_start3A_31] : memref<3136xi32, #tpu.memory_space<vmem>> -> memref<56xi32, #tpu.memory_space<vmem>>
    %dma_start3A_33 = arith.constant 0 : i32
    %dma_start3A_34 = arith.constant 0 : i32
    %dma_start3A_35 = tpu.memref_slice %arg2[%dma_start3A_33, %dma_start3A_34] : memref<100352x128xf32, #tpu.memory_space<hbm>> -> memref<100352x128xf32, #tpu.memory_space<hbm>>
    tpu.enqueue_indirect_dma source(%dma_start3A_35 : memref<100352x128xf32, #tpu.memory_space<hbm>>) target(%arg8 : memref<56x128xf32, #tpu.memory_space<vmem>>) offsets(%dma_start3A_32 : memref<56xi32, #tpu.memory_space<vmem>>) semaphore(%arg16 : memref<!tpu.dma_semaphore, #tpu.memory_space<semaphore_mem>>)
    %dma_start3A_36 = arith.constant 0 : i32
    %dma_start3A_37 = tpu.memref_slice %arg6[%dma_start3A_36] : memref<3136xi32, #tpu.memory_space<vmem>> -> memref<56xi32, #tpu.memory_space<vmem>>
    %dma_start3A_38 = arith.constant 0 : i32
    %dma_start3A_39 = arith.constant 0 : i32
    %dma_start3A_40 = tpu.memref_slice %arg2[%dma_start3A_38, %dma_start3A_39] : memref<100352x128xf32, #tpu.memory_space<hbm>> -> memref<100352x128xf32, #tpu.memory_space<hbm>>
    tpu.enqueue_indirect_dma source(%dma_start3A_40 : memref<100352x128xf32, #tpu.memory_space<hbm>>) target(%arg9 : memref<56x128xf32, #tpu.memory_space<vmem>>) offsets(%dma_start3A_37 : memref<56xi32, #tpu.memory_space<vmem>>) semaphore(%arg16 : memref<!tpu.dma_semaphore, #tpu.memory_space<semaphore_mem>>)
    %dma_start3A_41 = arith.constant 0 : i32
    %dma_start3A_42 = tpu.memref_slice %arg7[%dma_start3A_41] : memref<3136xi32, #tpu.memory_space<vmem>> -> memref<56xi32, #tpu.memory_space<vmem>>
    %dma_start3A_43 = arith.constant 0 : i32
    %dma_start3A_44 = arith.constant 0 : i32
    %dma_start3A_45 = tpu.memref_slice %arg2[%dma_start3A_43, %dma_start3A_44] : memref<100352x128xf32, #tpu.memory_space<hbm>> -> memref<100352x128xf32, #tpu.memory_space<hbm>>
    tpu.enqueue_indirect_dma source(%dma_start3A_45 : memref<100352x128xf32, #tpu.memory_space<hbm>>) target(%arg10 : memref<56x128xf32, #tpu.memory_space<vmem>>) offsets(%dma_start3A_42 : memref<56xi32, #tpu.memory_space<vmem>>) semaphore(%arg16 : memref<!tpu.dma_semaphore, #tpu.memory_space<semaphore_mem>>)
    %scan3A = arith.constant 0 : i32
    %scan3A_46 = arith.constant 28 : i32
    %scan3A_47 = arith.addi %scan3A, %scan3A_46 : i32
    %scan3A_48 = arith.constant 1 : i32
    scf.for %scan3A_62 = %scan3A to %scan3A_47 step %scan3A_48  : i32 {
      %mul3A_63 = arith.constant 2 : i32
      %mul3A_64 = arith.muli %scan3A_62, %mul3A_63 : i32
      %add3A_65 = arith.constant 0 : i32
      %add3A_66 = arith.addi %add3A_65, %mul3A_64 : i32
      %add3A_67 = arith.constant 1 : i32
      %add3A_68 = arith.addi %add3A_66, %add3A_67 : i32
      %mul3A_69 = arith.constant 56 : i32
      %mul3A_70 = arith.muli %add3A_68, %mul3A_69 : i32
      %dma_start3A_71 = tpu.memref_slice %arg5[%mul3A_70] : memref<3136xi32, #tpu.memory_space<vmem>> -> memref<56xi32, #tpu.memory_space<vmem>>
      %dma_start3A_72 = arith.constant 0 : i32
      %dma_start3A_73 = arith.constant 0 : i32
      %dma_start3A_74 = tpu.memref_slice %arg2[%dma_start3A_72, %dma_start3A_73] : memref<100352x128xf32, #tpu.memory_space<hbm>> -> memref<100352x128xf32, #tpu.memory_space<hbm>>
      tpu.enqueue_indirect_dma source(%dma_start3A_74 : memref<100352x128xf32, #tpu.memory_space<hbm>>) target(%arg11 : memref<56x128xf32, #tpu.memory_space<vmem>>) offsets(%dma_start3A_71 : memref<56xi32, #tpu.memory_space<vmem>>) semaphore(%arg17 : memref<!tpu.dma_semaphore, #tpu.memory_space<semaphore_mem>>)
      %mul3A_75 = arith.constant 56 : i32
      %mul3A_76 = arith.muli %add3A_68, %mul3A_75 : i32
      %dma_start3A_77 = tpu.memref_slice %arg6[%mul3A_76] : memref<3136xi32, #tpu.memory_space<vmem>> -> memref<56xi32, #tpu.memory_space<vmem>>
      %dma_start3A_78 = arith.constant 0 : i32
      %dma_start3A_79 = arith.constant 0 : i32
      %dma_start3A_80 = tpu.memref_slice %arg2[%dma_start3A_78, %dma_start3A_79] : memref<100352x128xf32, #tpu.memory_space<hbm>> -> memref<100352x128xf32, #tpu.memory_space<hbm>>
      tpu.enqueue_indirect_dma source(%dma_start3A_80 : memref<100352x128xf32, #tpu.memory_space<hbm>>) target(%arg12 : memref<56x128xf32, #tpu.memory_space<vmem>>) offsets(%dma_start3A_77 : memref<56xi32, #tpu.memory_space<vmem>>) semaphore(%arg17 : memref<!tpu.dma_semaphore, #tpu.memory_space<semaphore_mem>>)
      %mul3A_81 = arith.constant 56 : i32
      %mul3A_82 = arith.muli %add3A_68, %mul3A_81 : i32
      %dma_start3A_83 = tpu.memref_slice %arg7[%mul3A_82] : memref<3136xi32, #tpu.memory_space<vmem>> -> memref<56xi32, #tpu.memory_space<vmem>>
      %dma_start3A_84 = arith.constant 0 : i32
      %dma_start3A_85 = arith.constant 0 : i32
      %dma_start3A_86 = tpu.memref_slice %arg2[%dma_start3A_84, %dma_start3A_85] : memref<100352x128xf32, #tpu.memory_space<hbm>> -> memref<100352x128xf32, #tpu.memory_space<hbm>>
      tpu.enqueue_indirect_dma source(%dma_start3A_86 : memref<100352x128xf32, #tpu.memory_space<hbm>>) target(%arg13 : memref<56x128xf32, #tpu.memory_space<vmem>>) offsets(%dma_start3A_83 : memref<56xi32, #tpu.memory_space<vmem>>) semaphore(%arg17 : memref<!tpu.dma_semaphore, #tpu.memory_space<semaphore_mem>>)
      %mul3A_87 = arith.constant 56 : i32
      %mul3A_88 = arith.muli %add3A_66, %mul3A_87 : i32
      %dma_wait3A_89 = tpu.memref_slice %arg5[%mul3A_88] : memref<3136xi32, #tpu.memory_space<vmem>> -> memref<56xi32, #tpu.memory_space<vmem>>
      %dma_wait3A_90 = arith.constant 0 : i32
      %dma_wait3A_91 = arith.constant 0 : i32
      %dma_wait3A_92 = tpu.memref_slice %arg2[%dma_wait3A_90, %dma_wait3A_91] : memref<100352x128xf32, #tpu.memory_space<hbm>> -> memref<100352x128xf32, #tpu.memory_space<hbm>>
      tpu.wait_indirect_dma semaphore(%arg16 : memref<!tpu.dma_semaphore, #tpu.memory_space<semaphore_mem>>) src(%dma_wait3A_92 : memref<100352x128xf32, #tpu.memory_space<hbm>>) dst(%arg8 : memref<56x128xf32, #tpu.memory_space<vmem>>)
      %mul3A_93 = arith.constant 56 : i32
      %mul3A_94 = arith.muli %add3A_66, %mul3A_93 : i32
      %dma_wait3A_95 = tpu.memref_slice %arg6[%mul3A_94] : memref<3136xi32, #tpu.memory_space<vmem>> -> memref<56xi32, #tpu.memory_space<vmem>>
      %dma_wait3A_96 = arith.constant 0 : i32
      %dma_wait3A_97 = arith.constant 0 : i32
      %dma_wait3A_98 = tpu.memref_slice %arg2[%dma_wait3A_96, %dma_wait3A_97] : memref<100352x128xf32, #tpu.memory_space<hbm>> -> memref<100352x128xf32, #tpu.memory_space<hbm>>
      tpu.wait_indirect_dma semaphore(%arg16 : memref<!tpu.dma_semaphore, #tpu.memory_space<semaphore_mem>>) src(%dma_wait3A_98 : memref<100352x128xf32, #tpu.memory_space<hbm>>) dst(%arg9 : memref<56x128xf32, #tpu.memory_space<vmem>>)
      %mul3A_99 = arith.constant 56 : i32
      %mul3A_100 = arith.muli %add3A_66, %mul3A_99 : i32
      %dma_wait3A_101 = tpu.memref_slice %arg7[%mul3A_100] : memref<3136xi32, #tpu.memory_space<vmem>> -> memref<56xi32, #tpu.memory_space<vmem>>
      %dma_wait3A_102 = arith.constant 0 : i32
      %dma_wait3A_103 = arith.constant 0 : i32
      %dma_wait3A_104 = tpu.memref_slice %arg2[%dma_wait3A_102, %dma_wait3A_103] : memref<100352x128xf32, #tpu.memory_space<hbm>> -> memref<100352x128xf32, #tpu.memory_space<hbm>>
      tpu.wait_indirect_dma semaphore(%arg16 : memref<!tpu.dma_semaphore, #tpu.memory_space<semaphore_mem>>) src(%dma_wait3A_104 : memref<100352x128xf32, #tpu.memory_space<hbm>>) dst(%arg10 : memref<56x128xf32, #tpu.memory_space<vmem>>)
      %gt3A = arith.constant 0 : i32
      %gt3A_105 = arith.cmpi sgt, %add3A_66, %gt3A : i32
      %convert_element_type3A = arith.extui %gt3A_105 : i1 to i32
      %cond3A = arith.constant 0 : i32
      %cond3A_106 = arith.cmpi ne, %convert_element_type3A, %cond3A : i32
      scf.if %cond3A_106 {
        %sub3A = arith.constant 2 : i32
        %sub3A_157 = arith.subi %add3A_66, %sub3A : i32
        %mul3A_158 = arith.constant 56 : i32
        %mul3A_159 = arith.muli %sub3A_157, %mul3A_158 : i32
        %add3A_160 = arith.addi %mul3A_2, %mul3A_159 : i32
        %dma_wait3A_161 = arith.constant 0 : i32
        %dma_wait3A_162 = tpu.memref_slice %arg4[%add3A_160, %dma_wait3A_161] : memref<100352x128xf32, #tpu.memory_space<hbm>> -> memref<56x128xf32, #tpu.memory_space<hbm>>
        %dma_wait3A_163 = arith.constant 0 : i32
        %dma_wait3A_164 = tpu.memref_slice %arg4[%add3A_160, %dma_wait3A_163] : memref<100352x128xf32, #tpu.memory_space<hbm>> -> memref<56x128xf32, #tpu.memory_space<hbm>>
        tpu.wait_dma2 semaphore(%arg18 : memref<!tpu.dma_semaphore, #tpu.memory_space<semaphore_mem>>) src(%arg14 : memref<56x128xf32, #tpu.memory_space<vmem>>) dst(%dma_wait3A_164 : memref<56x128xf32, #tpu.memory_space<hbm>>)
      } else {
      }
      %parallel_loop3A = arith.constant 0 : i32
      %parallel_loop3A_107 = arith.constant 56 : i32
      %parallel_loop3A_108 = arith.constant 1 : i32
      scf.for %parallel_loop3A_157 = %parallel_loop3A to %parallel_loop3A_107 step %parallel_loop3A_108  : i32 {
        %parallel_loop3A_158 = arith.index_cast %parallel_loop3A_157 : i32 to index
        %parallel_loop3A_159 = arith.constant 0 : index
        %parallel_loop3A_160 = tpu.vector_load %arg8[%parallel_loop3A_158, %parallel_loop3A_159] {strides = array<i32>} : memref<56x128xf32, #tpu.memory_space<vmem>>, vector<1x16xf32>,
        %parallel_loop3A_161 = vector.shape_cast %parallel_loop3A_160 : vector<1x16xf32> to vector<16xf32>
        %parallel_loop3A_162 = arith.index_cast %parallel_loop3A_157 : i32 to index
        %parallel_loop3A_163 = arith.constant 0 : index
        %parallel_loop3A_164 = tpu.vector_load %arg9[%parallel_loop3A_162, %parallel_loop3A_163] {strides = array<i32>} : memref<56x128xf32, #tpu.memory_space<vmem>>, vector<1x16xf32>,
        %parallel_loop3A_165 = vector.shape_cast %parallel_loop3A_164 : vector<1x16xf32> to vector<16xf32>
        %parallel_loop3A_166 = arith.addf %parallel_loop3A_161, %parallel_loop3A_165 : vector<16xf32>
        %parallel_loop3A_167 = arith.index_cast %parallel_loop3A_157 : i32 to index
        %parallel_loop3A_168 = arith.constant 0 : index
        %parallel_loop3A_169 = tpu.vector_load %arg10[%parallel_loop3A_167, %parallel_loop3A_168] {strides = array<i32>} : memref<56x128xf32, #tpu.memory_space<vmem>>, vector<1x16xf32>,
        %parallel_loop3A_170 = vector.shape_cast %parallel_loop3A_169 : vector<1x16xf32> to vector<16xf32>
        %parallel_loop3A_171 = arith.addf %parallel_loop3A_166, %parallel_loop3A_170 : vector<16xf32>
        %parallel_loop3A_172 = arith.index_cast %parallel_loop3A_157 : i32 to index
        %parallel_loop3A_173 = arith.constant 0 : index
        %parallel_loop3A_174 = tpu.vector_load %arg14[%parallel_loop3A_172, %parallel_loop3A_173] {strides = array<i32>} : memref<56x128xf32, #tpu.memory_space<vmem>>, vector<1x16xf32>,
        %parallel_loop3A_175 = vector.shape_cast %parallel_loop3A_174 : vector<1x16xf32> to vector<16xf32>
        %parallel_loop3A_176 = vector.shape_cast %parallel_loop3A_171 : vector<16xf32> to vector<1x16xf32>
        tpu.vector_store %arg14[%parallel_loop3A_172, %parallel_loop3A_173], %parallel_loop3A_176 {strides = array<i32>} : memref<56x128xf32, #tpu.memory_space<vmem>>, vector<1x16xf32>,
        %parallel_loop3A_177 = arith.index_cast %parallel_loop3A_157 : i32 to index
        %parallel_loop3A_178 = arith.constant 16 : index
        %parallel_loop3A_179 = tpu.vector_load %arg8[%parallel_loop3A_177, %parallel_loop3A_178] {strides = array<i32>} : memref<56x128xf32, #tpu.memory_space<vmem>>, vector<1x16xf32>,
        %parallel_loop3A_180 = vector.shape_cast %parallel_loop3A_179 : vector<1x16xf32> to vector<16xf32>
        %parallel_loop3A_181 = arith.index_cast %parallel_loop3A_157 : i32 to index
        %parallel_loop3A_182 = arith.constant 16 : index
        %parallel_loop3A_183 = tpu.vector_load %arg9[%parallel_loop3A_181, %parallel_loop3A_182] {strides = array<i32>} : memref<56x128xf32, #tpu.memory_space<vmem>>, vector<1x16xf32>,
        %parallel_loop3A_184 = vector.shape_cast %parallel_loop3A_183 : vector<1x16xf32> to vector<16xf32>
        %parallel_loop3A_185 = arith.addf %parallel_loop3A_180, %parallel_loop3A_184 : vector<16xf32>
        %parallel_loop3A_186 = arith.index_cast %parallel_loop3A_157 : i32 to index
        %parallel_loop3A_187 = arith.constant 16 : index
        %parallel_loop3A_188 = tpu.vector_load %arg10[%parallel_loop3A_186, %parallel_loop3A_187] {strides = array<i32>} : memref<56x128xf32, #tpu.memory_space<vmem>>, vector<1x16xf32>,
        %parallel_loop3A_189 = vector.shape_cast %parallel_loop3A_188 : vector<1x16xf32> to vector<16xf32>
        %parallel_loop3A_190 = arith.addf %parallel_loop3A_185, %parallel_loop3A_189 : vector<16xf32>
        %parallel_loop3A_191 = arith.index_cast %parallel_loop3A_157 : i32 to index
        %parallel_loop3A_192 = arith.constant 16 : index
        %parallel_loop3A_193 = tpu.vector_load %arg14[%parallel_loop3A_191, %parallel_loop3A_192] {strides = array<i32>} : memref<56x128xf32, #tpu.memory_space<vmem>>, vector<1x16xf32>,
        %parallel_loop3A_194 = vector.shape_cast %parallel_loop3A_193 : vector<1x16xf32> to vector<16xf32>
        %parallel_loop3A_195 = vector.shape_cast %parallel_loop3A_190 : vector<16xf32> to vector<1x16xf32>
        tpu.vector_store %arg14[%parallel_loop3A_191, %parallel_loop3A_192], %parallel_loop3A_195 {strides = array<i32>} : memref<56x128xf32, #tpu.memory_space<vmem>>, vector<1x16xf32>,
        %parallel_loop3A_196 = arith.index_cast %parallel_loop3A_157 : i32 to index
        %parallel_loop3A_197 = arith.constant 32 : index
        %parallel_loop3A_198 = tpu.vector_load %arg8[%parallel_loop3A_196, %parallel_loop3A_197] {strides = array<i32>} : memref<56x128xf32, #tpu.memory_space<vmem>>, vector<1x16xf32>,
        %parallel_loop3A_199 = vector.shape_cast %parallel_loop3A_198 : vector<1x16xf32> to vector<16xf32>
        %parallel_loop3A_200 = arith.index_cast %parallel_loop3A_157 : i32 to index
        %parallel_loop3A_201 = arith.constant 32 : index
        %parallel_loop3A_202 = tpu.vector_load %arg9[%parallel_loop3A_200, %parallel_loop3A_201] {strides = array<i32>} : memref<56x128xf32, #tpu.memory_space<vmem>>, vector<1x16xf32>,
        %parallel_loop3A_203 = vector.shape_cast %parallel_loop3A_202 : vector<1x16xf32> to vector<16xf32>
        %parallel_loop3A_204 = arith.addf %parallel_loop3A_199, %parallel_loop3A_203 : vector<16xf32>
        %parallel_loop3A_205 = arith.index_cast %parallel_loop3A_157 : i32 to index
        %parallel_loop3A_206 = arith.constant 32 : index
        %parallel_loop3A_207 = tpu.vector_load %arg10[%parallel_loop3A_205, %parallel_loop3A_206] {strides = array<i32>} : memref<56x128xf32, #tpu.memory_space<vmem>>, vector<1x16xf32>,
        %parallel_loop3A_208 = vector.shape_cast %parallel_loop3A_207 : vector<1x16xf32> to vector<16xf32>
        %parallel_loop3A_209 = arith.addf %parallel_loop3A_204, %parallel_loop3A_208 : vector<16xf32>
        %parallel_loop3A_210 = arith.index_cast %parallel_loop3A_157 : i32 to index
        %parallel_loop3A_211 = arith.constant 32 : index
        %parallel_loop3A_212 = tpu.vector_load %arg14[%parallel_loop3A_210, %parallel_loop3A_211] {strides = array<i32>} : memref<56x128xf32, #tpu.memory_space<vmem>>, vector<1x16xf32>,
        %parallel_loop3A_213 = vector.shape_cast %parallel_loop3A_212 : vector<1x16xf32> to vector<16xf32>
        %parallel_loop3A_214 = vector.shape_cast %parallel_loop3A_209 : vector<16xf32> to vector<1x16xf32>
        tpu.vector_store %arg14[%parallel_loop3A_210, %parallel_loop3A_211], %parallel_loop3A_214 {strides = array<i32>} : memref<56x128xf32, #tpu.memory_space<vmem>>, vector<1x16xf32>,
        %parallel_loop3A_215 = arith.index_cast %parallel_loop3A_157 : i32 to index
        %parallel_loop3A_216 = arith.constant 48 : index
        %parallel_loop3A_217 = tpu.vector_load %arg8[%parallel_loop3A_215, %parallel_loop3A_216] {strides = array<i32>} : memref<56x128xf32, #tpu.memory_space<vmem>>, vector<1x16xf32>,
        %parallel_loop3A_218 = vector.shape_cast %parallel_loop3A_217 : vector<1x16xf32> to vector<16xf32>
        %parallel_loop3A_219 = arith.index_cast %parallel_loop3A_157 : i32 to index
        %parallel_loop3A_220 = arith.constant 48 : index
        %parallel_loop3A_221 = tpu.vector_load %arg9[%parallel_loop3A_219, %parallel_loop3A_220] {strides = array<i32>} : memref<56x128xf32, #tpu.memory_space<vmem>>, vector<1x16xf32>,
        %parallel_loop3A_222 = vector.shape_cast %parallel_loop3A_221 : vector<1x16xf32> to vector<16xf32>
        %parallel_loop3A_223 = arith.addf %parallel_loop3A_218, %parallel_loop3A_222 : vector<16xf32>
        %parallel_loop3A_224 = arith.index_cast %parallel_loop3A_157 : i32 to index
        %parallel_loop3A_225 = arith.constant 48 : index
        %parallel_loop3A_226 = tpu.vector_load %arg10[%parallel_loop3A_224, %parallel_loop3A_225] {strides = array<i32>} : memref<56x128xf32, #tpu.memory_space<vmem>>, vector<1x16xf32>,
        %parallel_loop3A_227 = vector.shape_cast %parallel_loop3A_226 : vector<1x16xf32> to vector<16xf32>
        %parallel_loop3A_228 = arith.addf %parallel_loop3A_223, %parallel_loop3A_227 : vector<16xf32>
        %parallel_loop3A_229 = arith.index_cast %parallel_loop3A_157 : i32 to index
        %parallel_loop3A_230 = arith.constant 48 : index
        %parallel_loop3A_231 = tpu.vector_load %arg14[%parallel_loop3A_229, %parallel_loop3A_230] {strides = array<i32>} : memref<56x128xf32, #tpu.memory_space<vmem>>, vector<1x16xf32>,
        %parallel_loop3A_232 = vector.shape_cast %parallel_loop3A_231 : vector<1x16xf32> to vector<16xf32>
        %parallel_loop3A_233 = vector.shape_cast %parallel_loop3A_228 : vector<16xf32> to vector<1x16xf32>
        tpu.vector_store %arg14[%parallel_loop3A_229, %parallel_loop3A_230], %parallel_loop3A_233 {strides = array<i32>} : memref<56x128xf32, #tpu.memory_space<vmem>>, vector<1x16xf32>,
        %parallel_loop3A_234 = arith.index_cast %parallel_loop3A_157 : i32 to index
        %parallel_loop3A_235 = arith.constant 64 : index
        %parallel_loop3A_236 = tpu.vector_load %arg8[%parallel_loop3A_234, %parallel_loop3A_235] {strides = array<i32>} : memref<56x128xf32, #tpu.memory_space<vmem>>, vector<1x16xf32>,
        %parallel_loop3A_237 = vector.shape_cast %parallel_loop3A_236 : vector<1x16xf32> to vector<16xf32>
        %parallel_loop3A_238 = arith.index_cast %parallel_loop3A_157 : i32 to index
        %parallel_loop3A_239 = arith.constant 64 : index
        %parallel_loop3A_240 = tpu.vector_load %arg9[%parallel_loop3A_238, %parallel_loop3A_239] {strides = array<i32>} : memref<56x128xf32, #tpu.memory_space<vmem>>, vector<1x16xf32>,
        %parallel_loop3A_241 = vector.shape_cast %parallel_loop3A_240 : vector<1x16xf32> to vector<16xf32>
        %parallel_loop3A_242 = arith.addf %parallel_loop3A_237, %parallel_loop3A_241 : vector<16xf32>
        %parallel_loop3A_243 = arith.index_cast %parallel_loop3A_157 : i32 to index
        %parallel_loop3A_244 = arith.constant 64 : index
        %parallel_loop3A_245 = tpu.vector_load %arg10[%parallel_loop3A_243, %parallel_loop3A_244] {strides = array<i32>} : memref<56x128xf32, #tpu.memory_space<vmem>>, vector<1x16xf32>,
        %parallel_loop3A_246 = vector.shape_cast %parallel_loop3A_245 : vector<1x16xf32> to vector<16xf32>
        %parallel_loop3A_247 = arith.addf %parallel_loop3A_242, %parallel_loop3A_246 : vector<16xf32>
        %parallel_loop3A_248 = arith.index_cast %parallel_loop3A_157 : i32 to index
        %parallel_loop3A_249 = arith.constant 64 : index
        %parallel_loop3A_250 = tpu.vector_load %arg14[%parallel_loop3A_248, %parallel_loop3A_249] {strides = array<i32>} : memref<56x128xf32, #tpu.memory_space<vmem>>, vector<1x16xf32>,
        %parallel_loop3A_251 = vector.shape_cast %parallel_loop3A_250 : vector<1x16xf32> to vector<16xf32>
        %parallel_loop3A_252 = vector.shape_cast %parallel_loop3A_247 : vector<16xf32> to vector<1x16xf32>
        tpu.vector_store %arg14[%parallel_loop3A_248, %parallel_loop3A_249], %parallel_loop3A_252 {strides = array<i32>} : memref<56x128xf32, #tpu.memory_space<vmem>>, vector<1x16xf32>,
        %parallel_loop3A_253 = arith.index_cast %parallel_loop3A_157 : i32 to index
        %parallel_loop3A_254 = arith.constant 80 : index
        %parallel_loop3A_255 = tpu.vector_load %arg8[%parallel_loop3A_253, %parallel_loop3A_254] {strides = array<i32>} : memref<56x128xf32, #tpu.memory_space<vmem>>, vector<1x16xf32>,
        %parallel_loop3A_256 = vector.shape_cast %parallel_loop3A_255 : vector<1x16xf32> to vector<16xf32>
        %parallel_loop3A_257 = arith.index_cast %parallel_loop3A_157 : i32 to index
        %parallel_loop3A_258 = arith.constant 80 : index
        %parallel_loop3A_259 = tpu.vector_load %arg9[%parallel_loop3A_257, %parallel_loop3A_258] {strides = array<i32>} : memref<56x128xf32, #tpu.memory_space<vmem>>, vector<1x16xf32>,
        %parallel_loop3A_260 = vector.shape_cast %parallel_loop3A_259 : vector<1x16xf32> to vector<16xf32>
        %parallel_loop3A_261 = arith.addf %parallel_loop3A_256, %parallel_loop3A_260 : vector<16xf32>
        %parallel_loop3A_262 = arith.index_cast %parallel_loop3A_157 : i32 to index
        %parallel_loop3A_263 = arith.constant 80 : index
        %parallel_loop3A_264 = tpu.vector_load %arg10[%parallel_loop3A_262, %parallel_loop3A_263] {strides = array<i32>} : memref<56x128xf32, #tpu.memory_space<vmem>>, vector<1x16xf32>,
        %parallel_loop3A_265 = vector.shape_cast %parallel_loop3A_264 : vector<1x16xf32> to vector<16xf32>
        %parallel_loop3A_266 = arith.addf %parallel_loop3A_261, %parallel_loop3A_265 : vector<16xf32>
        %parallel_loop3A_267 = arith.index_cast %parallel_loop3A_157 : i32 to index
        %parallel_loop3A_268 = arith.constant 80 : index
        %parallel_loop3A_269 = tpu.vector_load %arg14[%parallel_loop3A_267, %parallel_loop3A_268] {strides = array<i32>} : memref<56x128xf32, #tpu.memory_space<vmem>>, vector<1x16xf32>,
        %parallel_loop3A_270 = vector.shape_cast %parallel_loop3A_269 : vector<1x16xf32> to vector<16xf32>
        %parallel_loop3A_271 = vector.shape_cast %parallel_loop3A_266 : vector<16xf32> to vector<1x16xf32>
        tpu.vector_store %arg14[%parallel_loop3A_267, %parallel_loop3A_268], %parallel_loop3A_271 {strides = array<i32>} : memref<56x128xf32, #tpu.memory_space<vmem>>, vector<1x16xf32>,
        %parallel_loop3A_272 = arith.index_cast %parallel_loop3A_157 : i32 to index
        %parallel_loop3A_273 = arith.constant 96 : index
        %parallel_loop3A_274 = tpu.vector_load %arg8[%parallel_loop3A_272, %parallel_loop3A_273] {strides = array<i32>} : memref<56x128xf32, #tpu.memory_space<vmem>>, vector<1x16xf32>,
        %parallel_loop3A_275 = vector.shape_cast %parallel_loop3A_274 : vector<1x16xf32> to vector<16xf32>
        %parallel_loop3A_276 = arith.index_cast %parallel_loop3A_157 : i32 to index
        %parallel_loop3A_277 = arith.constant 96 : index
        %parallel_loop3A_278 = tpu.vector_load %arg9[%parallel_loop3A_276, %parallel_loop3A_277] {strides = array<i32>} : memref<56x128xf32, #tpu.memory_space<vmem>>, vector<1x16xf32>,
        %parallel_loop3A_279 = vector.shape_cast %parallel_loop3A_278 : vector<1x16xf32> to vector<16xf32>
        %parallel_loop3A_280 = arith.addf %parallel_loop3A_275, %parallel_loop3A_279 : vector<16xf32>
        %parallel_loop3A_281 = arith.index_cast %parallel_loop3A_157 : i32 to index
        %parallel_loop3A_282 = arith.constant 96 : index
        %parallel_loop3A_283 = tpu.vector_load %arg10[%parallel_loop3A_281, %parallel_loop3A_282] {strides = array<i32>} : memref<56x128xf32, #tpu.memory_space<vmem>>, vector<1x16xf32>,
        %parallel_loop3A_284 = vector.shape_cast %parallel_loop3A_283 : vector<1x16xf32> to vector<16xf32>
        %parallel_loop3A_285 = arith.addf %parallel_loop3A_280, %parallel_loop3A_284 : vector<16xf32>
        %parallel_loop3A_286 = arith.index_cast %parallel_loop3A_157 : i32 to index
        %parallel_loop3A_287 = arith.constant 96 : index
        %parallel_loop3A_288 = tpu.vector_load %arg14[%parallel_loop3A_286, %parallel_loop3A_287] {strides = array<i32>} : memref<56x128xf32, #tpu.memory_space<vmem>>, vector<1x16xf32>,
        %parallel_loop3A_289 = vector.shape_cast %parallel_loop3A_288 : vector<1x16xf32> to vector<16xf32>
        %parallel_loop3A_290 = vector.shape_cast %parallel_loop3A_285 : vector<16xf32> to vector<1x16xf32>
        tpu.vector_store %arg14[%parallel_loop3A_286, %parallel_loop3A_287], %parallel_loop3A_290 {strides = array<i32>} : memref<56x128xf32, #tpu.memory_space<vmem>>, vector<1x16xf32>,
        %parallel_loop3A_291 = arith.index_cast %parallel_loop3A_157 : i32 to index
        %parallel_loop3A_292 = arith.constant 112 : index
        %parallel_loop3A_293 = tpu.vector_load %arg8[%parallel_loop3A_291, %parallel_loop3A_292] {strides = array<i32>} : memref<56x128xf32, #tpu.memory_space<vmem>>, vector<1x16xf32>,
        %parallel_loop3A_294 = vector.shape_cast %parallel_loop3A_293 : vector<1x16xf32> to vector<16xf32>
        %parallel_loop3A_295 = arith.index_cast %parallel_loop3A_157 : i32 to index
        %parallel_loop3A_296 = arith.constant 112 : index
        %parallel_loop3A_297 = tpu.vector_load %arg9[%parallel_loop3A_295, %parallel_loop3A_296] {strides = array<i32>} : memref<56x128xf32, #tpu.memory_space<vmem>>, vector<1x16xf32>,
        %parallel_loop3A_298 = vector.shape_cast %parallel_loop3A_297 : vector<1x16xf32> to vector<16xf32>
        %parallel_loop3A_299 = arith.addf %parallel_loop3A_294, %parallel_loop3A_298 : vector<16xf32>
        %parallel_loop3A_300 = arith.index_cast %parallel_loop3A_157 : i32 to index
        %parallel_loop3A_301 = arith.constant 112 : index
        %parallel_loop3A_302 = tpu.vector_load %arg10[%parallel_loop3A_300, %parallel_loop3A_301] {strides = array<i32>} : memref<56x128xf32, #tpu.memory_space<vmem>>, vector<1x16xf32>,
        %parallel_loop3A_303 = vector.shape_cast %parallel_loop3A_302 : vector<1x16xf32> to vector<16xf32>
        %parallel_loop3A_304 = arith.addf %parallel_loop3A_299, %parallel_loop3A_303 : vector<16xf32>
        %parallel_loop3A_305 = arith.index_cast %parallel_loop3A_157 : i32 to index
        %parallel_loop3A_306 = arith.constant 112 : index
        %parallel_loop3A_307 = tpu.vector_load %arg14[%parallel_loop3A_305, %parallel_loop3A_306] {strides = array<i32>} : memref<56x128xf32, #tpu.memory_space<vmem>>, vector<1x16xf32>,
        %parallel_loop3A_308 = vector.shape_cast %parallel_loop3A_307 : vector<1x16xf32> to vector<16xf32>
        %parallel_loop3A_309 = vector.shape_cast %parallel_loop3A_304 : vector<16xf32> to vector<1x16xf32>
        tpu.vector_store %arg14[%parallel_loop3A_305, %parallel_loop3A_306], %parallel_loop3A_309 {strides = array<i32>} : memref<56x128xf32, #tpu.memory_space<vmem>>, vector<1x16xf32>,
      } {sc.loop_unroll_factor = 4 : i64, sc.parallel_access}
      %mul3A_109 = arith.constant 56 : i32
      %mul3A_110 = arith.muli %add3A_66, %mul3A_109 : i32
      %add3A_111 = arith.addi %mul3A_2, %mul3A_110 : i32
      %dma_start3A_112 = arith.constant 0 : i32
      %dma_start3A_113 = tpu.memref_slice %arg4[%add3A_111, %dma_start3A_112] : memref<100352x128xf32, #tpu.memory_space<hbm>> -> memref<56x128xf32, #tpu.memory_space<hbm>>
      %dma_start3A_114 = arith.constant 0 : i32
      %dma_start3A_115 = tpu.memref_slice %arg4[%add3A_111, %dma_start3A_114] : memref<100352x128xf32, #tpu.memory_space<hbm>> -> memref<56x128xf32, #tpu.memory_space<hbm>>
      tpu.enqueue_dma source(%arg14 : memref<56x128xf32, #tpu.memory_space<vmem>>) target(%dma_start3A_115 : memref<56x128xf32, #tpu.memory_space<hbm>>) target_semaphore(%arg18 : memref<!tpu.dma_semaphore, #tpu.memory_space<semaphore_mem>>)
      %lt3A = arith.constant 54 : i32
      %lt3A_116 = arith.cmpi slt, %add3A_66, %lt3A : i32
      %convert_element_type3A_117 = arith.extui %lt3A_116 : i1 to i32
      %cond3A_118 = arith.constant 0 : i32
      %cond3A_119 = arith.cmpi ne, %convert_element_type3A_117, %cond3A_118 : i32
      scf.if %cond3A_119 {
        %add3A_157 = arith.constant 2 : i32
        %add3A_158 = arith.addi %add3A_66, %add3A_157 : i32
        %mul3A_159 = arith.constant 56 : i32
        %mul3A_160 = arith.muli %add3A_158, %mul3A_159 : i32
        %dma_start3A_161 = tpu.memref_slice %arg5[%mul3A_160] : memref<3136xi32, #tpu.memory_space<vmem>> -> memref<56xi32, #tpu.memory_space<vmem>>
        %dma_start3A_162 = arith.constant 0 : i32
        %dma_start3A_163 = arith.constant 0 : i32
        %dma_start3A_164 = tpu.memref_slice %arg2[%dma_start3A_162, %dma_start3A_163] : memref<100352x128xf32, #tpu.memory_space<hbm>> -> memref<100352x128xf32, #tpu.memory_space<hbm>>
        tpu.enqueue_indirect_dma source(%dma_start3A_164 : memref<100352x128xf32, #tpu.memory_space<hbm>>) target(%arg8 : memref<56x128xf32, #tpu.memory_space<vmem>>) offsets(%dma_start3A_161 : memref<56xi32, #tpu.memory_space<vmem>>) semaphore(%arg16 : memref<!tpu.dma_semaphore, #tpu.memory_space<semaphore_mem>>)
        %mul3A_165 = arith.constant 56 : i32
        %mul3A_166 = arith.muli %add3A_158, %mul3A_165 : i32
        %dma_start3A_167 = tpu.memref_slice %arg6[%mul3A_166] : memref<3136xi32, #tpu.memory_space<vmem>> -> memref<56xi32, #tpu.memory_space<vmem>>
        %dma_start3A_168 = arith.constant 0 : i32
        %dma_start3A_169 = arith.constant 0 : i32
        %dma_start3A_170 = tpu.memref_slice %arg2[%dma_start3A_168, %dma_start3A_169] : memref<100352x128xf32, #tpu.memory_space<hbm>> -> memref<100352x128xf32, #tpu.memory_space<hbm>>
        tpu.enqueue_indirect_dma source(%dma_start3A_170 : memref<100352x128xf32, #tpu.memory_space<hbm>>) target(%arg9 : memref<56x128xf32, #tpu.memory_space<vmem>>) offsets(%dma_start3A_167 : memref<56xi32, #tpu.memory_space<vmem>>) semaphore(%arg16 : memref<!tpu.dma_semaphore, #tpu.memory_space<semaphore_mem>>)
        %mul3A_171 = arith.constant 56 : i32
        %mul3A_172 = arith.muli %add3A_158, %mul3A_171 : i32
        %dma_start3A_173 = tpu.memref_slice %arg7[%mul3A_172] : memref<3136xi32, #tpu.memory_space<vmem>> -> memref<56xi32, #tpu.memory_space<vmem>>
        %dma_start3A_174 = arith.constant 0 : i32
        %dma_start3A_175 = arith.constant 0 : i32
        %dma_start3A_176 = tpu.memref_slice %arg2[%dma_start3A_174, %dma_start3A_175] : memref<100352x128xf32, #tpu.memory_space<hbm>> -> memref<100352x128xf32, #tpu.memory_space<hbm>>
        tpu.enqueue_indirect_dma source(%dma_start3A_176 : memref<100352x128xf32, #tpu.memory_space<hbm>>) target(%arg10 : memref<56x128xf32, #tpu.memory_space<vmem>>) offsets(%dma_start3A_173 : memref<56xi32, #tpu.memory_space<vmem>>) semaphore(%arg16 : memref<!tpu.dma_semaphore, #tpu.memory_space<semaphore_mem>>)
      } else {
      }
      %add3A_120 = arith.constant 1 : i32
      %add3A_121 = arith.addi %add3A_66, %add3A_120 : i32
      %mul3A_122 = arith.constant 56 : i32
      %mul3A_123 = arith.muli %add3A_121, %mul3A_122 : i32
      %dma_wait3A_124 = tpu.memref_slice %arg5[%mul3A_123] : memref<3136xi32, #tpu.memory_space<vmem>> -> memref<56xi32, #tpu.memory_space<vmem>>
      %dma_wait3A_125 = arith.constant 0 : i32
      %dma_wait3A_126 = arith.constant 0 : i32
      %dma_wait3A_127 = tpu.memref_slice %arg2[%dma_wait3A_125, %dma_wait3A_126] : memref<100352x128xf32, #tpu.memory_space<hbm>> -> memref<100352x128xf32, #tpu.memory_space<hbm>>
      tpu.wait_indirect_dma semaphore(%arg17 : memref<!tpu.dma_semaphore, #tpu.memory_space<semaphore_mem>>) src(%dma_wait3A_127 : memref<100352x128xf32, #tpu.memory_space<hbm>>) dst(%arg11 : memref<56x128xf32, #tpu.memory_space<vmem>>)
      %mul3A_128 = arith.constant 56 : i32
      %mul3A_129 = arith.muli %add3A_121, %mul3A_128 : i32
      %dma_wait3A_130 = tpu.memref_slice %arg6[%mul3A_129] : memref<3136xi32, #tpu.memory_space<vmem>> -> memref<56xi32, #tpu.memory_space<vmem>>
      %dma_wait3A_131 = arith.constant 0 : i32
      %dma_wait3A_132 = arith.constant 0 : i32
      %dma_wait3A_133 = tpu.memref_slice %arg2[%dma_wait3A_131, %dma_wait3A_132] : memref<100352x128xf32, #tpu.memory_space<hbm>> -> memref<100352x128xf32, #tpu.memory_space<hbm>>
      tpu.wait_indirect_dma semaphore(%arg17 : memref<!tpu.dma_semaphore, #tpu.memory_space<semaphore_mem>>) src(%dma_wait3A_133 : memref<100352x128xf32, #tpu.memory_space<hbm>>) dst(%arg12 : memref<56x128xf32, #tpu.memory_space<vmem>>)
      %mul3A_134 = arith.constant 56 : i32
      %mul3A_135 = arith.muli %add3A_121, %mul3A_134 : i32
      %dma_wait3A_136 = tpu.memref_slice %arg7[%mul3A_135] : memref<3136xi32, #tpu.memory_space<vmem>> -> memref<56xi32, #tpu.memory_space<vmem>>
      %dma_wait3A_137 = arith.constant 0 : i32
      %dma_wait3A_138 = arith.constant 0 : i32
      %dma_wait3A_139 = tpu.memref_slice %arg2[%dma_wait3A_137, %dma_wait3A_138] : memref<100352x128xf32, #tpu.memory_space<hbm>> -> memref<100352x128xf32, #tpu.memory_space<hbm>>
      tpu.wait_indirect_dma semaphore(%arg17 : memref<!tpu.dma_semaphore, #tpu.memory_space<semaphore_mem>>) src(%dma_wait3A_139 : memref<100352x128xf32, #tpu.memory_space<hbm>>) dst(%arg13 : memref<56x128xf32, #tpu.memory_space<vmem>>)
      %gt3A_140 = arith.constant 0 : i32
      %gt3A_141 = arith.cmpi sgt, %add3A_66, %gt3A_140 : i32
      %convert_element_type3A_142 = arith.extui %gt3A_141 : i1 to i32
      %cond3A_143 = arith.constant 0 : i32
      %cond3A_144 = arith.cmpi ne, %convert_element_type3A_142, %cond3A_143 : i32
      scf.if %cond3A_144 {
        %sub3A = arith.constant 1 : i32
        %sub3A_157 = arith.subi %add3A_66, %sub3A : i32
        %mul3A_158 = arith.constant 56 : i32
        %mul3A_159 = arith.muli %sub3A_157, %mul3A_158 : i32
        %add3A_160 = arith.addi %mul3A_2, %mul3A_159 : i32
        %dma_wait3A_161 = arith.constant 0 : i32
        %dma_wait3A_162 = tpu.memref_slice %arg4[%add3A_160, %dma_wait3A_161] : memref<100352x128xf32, #tpu.memory_space<hbm>> -> memref<56x128xf32, #tpu.memory_space<hbm>>
        %dma_wait3A_163 = arith.constant 0 : i32
        %dma_wait3A_164 = tpu.memref_slice %arg4[%add3A_160, %dma_wait3A_163] : memref<100352x128xf32, #tpu.memory_space<hbm>> -> memref<56x128xf32, #tpu.memory_space<hbm>>
        tpu.wait_dma2 semaphore(%arg19 : memref<!tpu.dma_semaphore, #tpu.memory_space<semaphore_mem>>) src(%arg15 : memref<56x128xf32, #tpu.memory_space<vmem>>) dst(%dma_wait3A_164 : memref<56x128xf32, #tpu.memory_space<hbm>>)
      } else {
      }
      %parallel_loop3A_145 = arith.constant 0 : i32
      %parallel_loop3A_146 = arith.constant 56 : i32
      %parallel_loop3A_147 = arith.constant 1 : i32
      scf.for %parallel_loop3A_157 = %parallel_loop3A_145 to %parallel_loop3A_146 step %parallel_loop3A_147  : i32 {
        %parallel_loop3A_158 = arith.index_cast %parallel_loop3A_157 : i32 to index
        %parallel_loop3A_159 = arith.constant 0 : index
        %parallel_loop3A_160 = tpu.vector_load %arg11[%parallel_loop3A_158, %parallel_loop3A_159] {strides = array<i32>} : memref<56x128xf32, #tpu.memory_space<vmem>>, vector<1x16xf32>,
        %parallel_loop3A_161 = vector.shape_cast %parallel_loop3A_160 : vector<1x16xf32> to vector<16xf32>
        %parallel_loop3A_162 = arith.index_cast %parallel_loop3A_157 : i32 to index
        %parallel_loop3A_163 = arith.constant 0 : index
        %parallel_loop3A_164 = tpu.vector_load %arg12[%parallel_loop3A_162, %parallel_loop3A_163] {strides = array<i32>} : memref<56x128xf32, #tpu.memory_space<vmem>>, vector<1x16xf32>,
        %parallel_loop3A_165 = vector.shape_cast %parallel_loop3A_164 : vector<1x16xf32> to vector<16xf32>
        %parallel_loop3A_166 = arith.addf %parallel_loop3A_161, %parallel_loop3A_165 : vector<16xf32>
        %parallel_loop3A_167 = arith.index_cast %parallel_loop3A_157 : i32 to index
        %parallel_loop3A_168 = arith.constant 0 : index
        %parallel_loop3A_169 = tpu.vector_load %arg13[%parallel_loop3A_167, %parallel_loop3A_168] {strides = array<i32>} : memref<56x128xf32, #tpu.memory_space<vmem>>, vector<1x16xf32>,
        %parallel_loop3A_170 = vector.shape_cast %parallel_loop3A_169 : vector<1x16xf32> to vector<16xf32>
        %parallel_loop3A_171 = arith.addf %parallel_loop3A_166, %parallel_loop3A_170 : vector<16xf32>
        %parallel_loop3A_172 = arith.index_cast %parallel_loop3A_157 : i32 to index
        %parallel_loop3A_173 = arith.constant 0 : index
        %parallel_loop3A_174 = tpu.vector_load %arg15[%parallel_loop3A_172, %parallel_loop3A_173] {strides = array<i32>} : memref<56x128xf32, #tpu.memory_space<vmem>>, vector<1x16xf32>,
        %parallel_loop3A_175 = vector.shape_cast %parallel_loop3A_174 : vector<1x16xf32> to vector<16xf32>
        %parallel_loop3A_176 = vector.shape_cast %parallel_loop3A_171 : vector<16xf32> to vector<1x16xf32>
        tpu.vector_store %arg15[%parallel_loop3A_172, %parallel_loop3A_173], %parallel_loop3A_176 {strides = array<i32>} : memref<56x128xf32, #tpu.memory_space<vmem>>, vector<1x16xf32>,
        %parallel_loop3A_177 = arith.index_cast %parallel_loop3A_157 : i32 to index
        %parallel_loop3A_178 = arith.constant 16 : index
        %parallel_loop3A_179 = tpu.vector_load %arg11[%parallel_loop3A_177, %parallel_loop3A_178] {strides = array<i32>} : memref<56x128xf32, #tpu.memory_space<vmem>>, vector<1x16xf32>,
        %parallel_loop3A_180 = vector.shape_cast %parallel_loop3A_179 : vector<1x16xf32> to vector<16xf32>
        %parallel_loop3A_181 = arith.index_cast %parallel_loop3A_157 : i32 to index
        %parallel_loop3A_182 = arith.constant 16 : index
        %parallel_loop3A_183 = tpu.vector_load %arg12[%parallel_loop3A_181, %parallel_loop3A_182] {strides = array<i32>} : memref<56x128xf32, #tpu.memory_space<vmem>>, vector<1x16xf32>,
        %parallel_loop3A_184 = vector.shape_cast %parallel_loop3A_183 : vector<1x16xf32> to vector<16xf32>
        %parallel_loop3A_185 = arith.addf %parallel_loop3A_180, %parallel_loop3A_184 : vector<16xf32>
        %parallel_loop3A_186 = arith.index_cast %parallel_loop3A_157 : i32 to index
        %parallel_loop3A_187 = arith.constant 16 : index
        %parallel_loop3A_188 = tpu.vector_load %arg13[%parallel_loop3A_186, %parallel_loop3A_187] {strides = array<i32>} : memref<56x128xf32, #tpu.memory_space<vmem>>, vector<1x16xf32>,
        %parallel_loop3A_189 = vector.shape_cast %parallel_loop3A_188 : vector<1x16xf32> to vector<16xf32>
        %parallel_loop3A_190 = arith.addf %parallel_loop3A_185, %parallel_loop3A_189 : vector<16xf32>
        %parallel_loop3A_191 = arith.index_cast %parallel_loop3A_157 : i32 to index
        %parallel_loop3A_192 = arith.constant 16 : index
        %parallel_loop3A_193 = tpu.vector_load %arg15[%parallel_loop3A_191, %parallel_loop3A_192] {strides = array<i32>} : memref<56x128xf32, #tpu.memory_space<vmem>>, vector<1x16xf32>,
        %parallel_loop3A_194 = vector.shape_cast %parallel_loop3A_193 : vector<1x16xf32> to vector<16xf32>
        %parallel_loop3A_195 = vector.shape_cast %parallel_loop3A_190 : vector<16xf32> to vector<1x16xf32>
        tpu.vector_store %arg15[%parallel_loop3A_191, %parallel_loop3A_192], %parallel_loop3A_195 {strides = array<i32>} : memref<56x128xf32, #tpu.memory_space<vmem>>, vector<1x16xf32>,
        %parallel_loop3A_196 = arith.index_cast %parallel_loop3A_157 : i32 to index
        %parallel_loop3A_197 = arith.constant 32 : index
        %parallel_loop3A_198 = tpu.vector_load %arg11[%parallel_loop3A_196, %parallel_loop3A_197] {strides = array<i32>} : memref<56x128xf32, #tpu.memory_space<vmem>>, vector<1x16xf32>,
        %parallel_loop3A_199 = vector.shape_cast %parallel_loop3A_198 : vector<1x16xf32> to vector<16xf32>
        %parallel_loop3A_200 = arith.index_cast %parallel_loop3A_157 : i32 to index
        %parallel_loop3A_201 = arith.constant 32 : index
        %parallel_loop3A_202 = tpu.vector_load %arg12[%parallel_loop3A_200, %parallel_loop3A_201] {strides = array<i32>} : memref<56x128xf32, #tpu.memory_space<vmem>>, vector<1x16xf32>,
        %parallel_loop3A_203 = vector.shape_cast %parallel_loop3A_202 : vector<1x16xf32> to vector<16xf32>
        %parallel_loop3A_204 = arith.addf %parallel_loop3A_199, %parallel_loop3A_203 : vector<16xf32>
        %parallel_loop3A_205 = arith.index_cast %parallel_loop3A_157 : i32 to index
        %parallel_loop3A_206 = arith.constant 32 : index
        %parallel_loop3A_207 = tpu.vector_load %arg13[%parallel_loop3A_205, %parallel_loop3A_206] {strides = array<i32>} : memref<56x128xf32, #tpu.memory_space<vmem>>, vector<1x16xf32>,
        %parallel_loop3A_208 = vector.shape_cast %parallel_loop3A_207 : vector<1x16xf32> to vector<16xf32>
        %parallel_loop3A_209 = arith.addf %parallel_loop3A_204, %parallel_loop3A_208 : vector<16xf32>
        %parallel_loop3A_210 = arith.index_cast %parallel_loop3A_157 : i32 to index
        %parallel_loop3A_211 = arith.constant 32 : index
        %parallel_loop3A_212 = tpu.vector_load %arg15[%parallel_loop3A_210, %parallel_loop3A_211] {strides = array<i32>} : memref<56x128xf32, #tpu.memory_space<vmem>>, vector<1x16xf32>,
        %parallel_loop3A_213 = vector.shape_cast %parallel_loop3A_212 : vector<1x16xf32> to vector<16xf32>
        %parallel_loop3A_214 = vector.shape_cast %parallel_loop3A_209 : vector<16xf32> to vector<1x16xf32>
        tpu.vector_store %arg15[%parallel_loop3A_210, %parallel_loop3A_211], %parallel_loop3A_214 {strides = array<i32>} : memref<56x128xf32, #tpu.memory_space<vmem>>, vector<1x16xf32>,
        %parallel_loop3A_215 = arith.index_cast %parallel_loop3A_157 : i32 to index
        %parallel_loop3A_216 = arith.constant 48 : index
        %parallel_loop3A_217 = tpu.vector_load %arg11[%parallel_loop3A_215, %parallel_loop3A_216] {strides = array<i32>} : memref<56x128xf32, #tpu.memory_space<vmem>>, vector<1x16xf32>,
        %parallel_loop3A_218 = vector.shape_cast %parallel_loop3A_217 : vector<1x16xf32> to vector<16xf32>
        %parallel_loop3A_219 = arith.index_cast %parallel_loop3A_157 : i32 to index
        %parallel_loop3A_220 = arith.constant 48 : index
        %parallel_loop3A_221 = tpu.vector_load %arg12[%parallel_loop3A_219, %parallel_loop3A_220] {strides = array<i32>} : memref<56x128xf32, #tpu.memory_space<vmem>>, vector<1x16xf32>,
        %parallel_loop3A_222 = vector.shape_cast %parallel_loop3A_221 : vector<1x16xf32> to vector<16xf32>
        %parallel_loop3A_223 = arith.addf %parallel_loop3A_218, %parallel_loop3A_222 : vector<16xf32>
        %parallel_loop3A_224 = arith.index_cast %parallel_loop3A_157 : i32 to index
        %parallel_loop3A_225 = arith.constant 48 : index
        %parallel_loop3A_226 = tpu.vector_load %arg13[%parallel_loop3A_224, %parallel_loop3A_225] {strides = array<i32>} : memref<56x128xf32, #tpu.memory_space<vmem>>, vector<1x16xf32>,
        %parallel_loop3A_227 = vector.shape_cast %parallel_loop3A_226 : vector<1x16xf32> to vector<16xf32>
        %parallel_loop3A_228 = arith.addf %parallel_loop3A_223, %parallel_loop3A_227 : vector<16xf32>
        %parallel_loop3A_229 = arith.index_cast %parallel_loop3A_157 : i32 to index
        %parallel_loop3A_230 = arith.constant 48 : index
        %parallel_loop3A_231 = tpu.vector_load %arg15[%parallel_loop3A_229, %parallel_loop3A_230] {strides = array<i32>} : memref<56x128xf32, #tpu.memory_space<vmem>>, vector<1x16xf32>,
        %parallel_loop3A_232 = vector.shape_cast %parallel_loop3A_231 : vector<1x16xf32> to vector<16xf32>
        %parallel_loop3A_233 = vector.shape_cast %parallel_loop3A_228 : vector<16xf32> to vector<1x16xf32>
        tpu.vector_store %arg15[%parallel_loop3A_229, %parallel_loop3A_230], %parallel_loop3A_233 {strides = array<i32>} : memref<56x128xf32, #tpu.memory_space<vmem>>, vector<1x16xf32>,
        %parallel_loop3A_234 = arith.index_cast %parallel_loop3A_157 : i32 to index
        %parallel_loop3A_235 = arith.constant 64 : index
        %parallel_loop3A_236 = tpu.vector_load %arg11[%parallel_loop3A_234, %parallel_loop3A_235] {strides = array<i32>} : memref<56x128xf32, #tpu.memory_space<vmem>>, vector<1x16xf32>,
        %parallel_loop3A_237 = vector.shape_cast %parallel_loop3A_236 : vector<1x16xf32> to vector<16xf32>
        %parallel_loop3A_238 = arith.index_cast %parallel_loop3A_157 : i32 to index
        %parallel_loop3A_239 = arith.constant 64 : index
        %parallel_loop3A_240 = tpu.vector_load %arg12[%parallel_loop3A_238, %parallel_loop3A_239] {strides = array<i32>} : memref<56x128xf32, #tpu.memory_space<vmem>>, vector<1x16xf32>,
        %parallel_loop3A_241 = vector.shape_cast %parallel_loop3A_240 : vector<1x16xf32> to vector<16xf32>
        %parallel_loop3A_242 = arith.addf %parallel_loop3A_237, %parallel_loop3A_241 : vector<16xf32>
        %parallel_loop3A_243 = arith.index_cast %parallel_loop3A_157 : i32 to index
        %parallel_loop3A_244 = arith.constant 64 : index
        %parallel_loop3A_245 = tpu.vector_load %arg13[%parallel_loop3A_243, %parallel_loop3A_244] {strides = array<i32>} : memref<56x128xf32, #tpu.memory_space<vmem>>, vector<1x16xf32>,
        %parallel_loop3A_246 = vector.shape_cast %parallel_loop3A_245 : vector<1x16xf32> to vector<16xf32>
        %parallel_loop3A_247 = arith.addf %parallel_loop3A_242, %parallel_loop3A_246 : vector<16xf32>
        %parallel_loop3A_248 = arith.index_cast %parallel_loop3A_157 : i32 to index
        %parallel_loop3A_249 = arith.constant 64 : index
        %parallel_loop3A_250 = tpu.vector_load %arg15[%parallel_loop3A_248, %parallel_loop3A_249] {strides = array<i32>} : memref<56x128xf32, #tpu.memory_space<vmem>>, vector<1x16xf32>,
        %parallel_loop3A_251 = vector.shape_cast %parallel_loop3A_250 : vector<1x16xf32> to vector<16xf32>
        %parallel_loop3A_252 = vector.shape_cast %parallel_loop3A_247 : vector<16xf32> to vector<1x16xf32>
        tpu.vector_store %arg15[%parallel_loop3A_248, %parallel_loop3A_249], %parallel_loop3A_252 {strides = array<i32>} : memref<56x128xf32, #tpu.memory_space<vmem>>, vector<1x16xf32>,
        %parallel_loop3A_253 = arith.index_cast %parallel_loop3A_157 : i32 to index
        %parallel_loop3A_254 = arith.constant 80 : index
        %parallel_loop3A_255 = tpu.vector_load %arg11[%parallel_loop3A_253, %parallel_loop3A_254] {strides = array<i32>} : memref<56x128xf32, #tpu.memory_space<vmem>>, vector<1x16xf32>,
        %parallel_loop3A_256 = vector.shape_cast %parallel_loop3A_255 : vector<1x16xf32> to vector<16xf32>
        %parallel_loop3A_257 = arith.index_cast %parallel_loop3A_157 : i32 to index
        %parallel_loop3A_258 = arith.constant 80 : index
        %parallel_loop3A_259 = tpu.vector_load %arg12[%parallel_loop3A_257, %parallel_loop3A_258] {strides = array<i32>} : memref<56x128xf32, #tpu.memory_space<vmem>>, vector<1x16xf32>,
        %parallel_loop3A_260 = vector.shape_cast %parallel_loop3A_259 : vector<1x16xf32> to vector<16xf32>
        %parallel_loop3A_261 = arith.addf %parallel_loop3A_256, %parallel_loop3A_260 : vector<16xf32>
        %parallel_loop3A_262 = arith.index_cast %parallel_loop3A_157 : i32 to index
        %parallel_loop3A_263 = arith.constant 80 : index
        %parallel_loop3A_264 = tpu.vector_load %arg13[%parallel_loop3A_262, %parallel_loop3A_263] {strides = array<i32>} : memref<56x128xf32, #tpu.memory_space<vmem>>, vector<1x16xf32>,
        %parallel_loop3A_265 = vector.shape_cast %parallel_loop3A_264 : vector<1x16xf32> to vector<16xf32>
        %parallel_loop3A_266 = arith.addf %parallel_loop3A_261, %parallel_loop3A_265 : vector<16xf32>
        %parallel_loop3A_267 = arith.index_cast %parallel_loop3A_157 : i32 to index
        %parallel_loop3A_268 = arith.constant 80 : index
        %parallel_loop3A_269 = tpu.vector_load %arg15[%parallel_loop3A_267, %parallel_loop3A_268] {strides = array<i32>} : memref<56x128xf32, #tpu.memory_space<vmem>>, vector<1x16xf32>,
        %parallel_loop3A_270 = vector.shape_cast %parallel_loop3A_269 : vector<1x16xf32> to vector<16xf32>
        %parallel_loop3A_271 = vector.shape_cast %parallel_loop3A_266 : vector<16xf32> to vector<1x16xf32>
        tpu.vector_store %arg15[%parallel_loop3A_267, %parallel_loop3A_268], %parallel_loop3A_271 {strides = array<i32>} : memref<56x128xf32, #tpu.memory_space<vmem>>, vector<1x16xf32>,
        %parallel_loop3A_272 = arith.index_cast %parallel_loop3A_157 : i32 to index
        %parallel_loop3A_273 = arith.constant 96 : index
        %parallel_loop3A_274 = tpu.vector_load %arg11[%parallel_loop3A_272, %parallel_loop3A_273] {strides = array<i32>} : memref<56x128xf32, #tpu.memory_space<vmem>>, vector<1x16xf32>,
        %parallel_loop3A_275 = vector.shape_cast %parallel_loop3A_274 : vector<1x16xf32> to vector<16xf32>
        %parallel_loop3A_276 = arith.index_cast %parallel_loop3A_157 : i32 to index
        %parallel_loop3A_277 = arith.constant 96 : index
        %parallel_loop3A_278 = tpu.vector_load %arg12[%parallel_loop3A_276, %parallel_loop3A_277] {strides = array<i32>} : memref<56x128xf32, #tpu.memory_space<vmem>>, vector<1x16xf32>,
        %parallel_loop3A_279 = vector.shape_cast %parallel_loop3A_278 : vector<1x16xf32> to vector<16xf32>
        %parallel_loop3A_280 = arith.addf %parallel_loop3A_275, %parallel_loop3A_279 : vector<16xf32>
        %parallel_loop3A_281 = arith.index_cast %parallel_loop3A_157 : i32 to index
        %parallel_loop3A_282 = arith.constant 96 : index
        %parallel_loop3A_283 = tpu.vector_load %arg13[%parallel_loop3A_281, %parallel_loop3A_282] {strides = array<i32>} : memref<56x128xf32, #tpu.memory_space<vmem>>, vector<1x16xf32>,
        %parallel_loop3A_284 = vector.shape_cast %parallel_loop3A_283 : vector<1x16xf32> to vector<16xf32>
        %parallel_loop3A_285 = arith.addf %parallel_loop3A_280, %parallel_loop3A_284 : vector<16xf32>
        %parallel_loop3A_286 = arith.index_cast %parallel_loop3A_157 : i32 to index
        %parallel_loop3A_287 = arith.constant 96 : index
        %parallel_loop3A_288 = tpu.vector_load %arg15[%parallel_loop3A_286, %parallel_loop3A_287] {strides = array<i32>} : memref<56x128xf32, #tpu.memory_space<vmem>>, vector<1x16xf32>,
        %parallel_loop3A_289 = vector.shape_cast %parallel_loop3A_288 : vector<1x16xf32> to vector<16xf32>
        %parallel_loop3A_290 = vector.shape_cast %parallel_loop3A_285 : vector<16xf32> to vector<1x16xf32>
        tpu.vector_store %arg15[%parallel_loop3A_286, %parallel_loop3A_287], %parallel_loop3A_290 {strides = array<i32>} : memref<56x128xf32, #tpu.memory_space<vmem>>, vector<1x16xf32>,
        %parallel_loop3A_291 = arith.index_cast %parallel_loop3A_157 : i32 to index
        %parallel_loop3A_292 = arith.constant 112 : index
        %parallel_loop3A_293 = tpu.vector_load %arg11[%parallel_loop3A_291, %parallel_loop3A_292] {strides = array<i32>} : memref<56x128xf32, #tpu.memory_space<vmem>>, vector<1x16xf32>,
        %parallel_loop3A_294 = vector.shape_cast %parallel_loop3A_293 : vector<1x16xf32> to vector<16xf32>
        %parallel_loop3A_295 = arith.index_cast %parallel_loop3A_157 : i32 to index
        %parallel_loop3A_296 = arith.constant 112 : index
        %parallel_loop3A_297 = tpu.vector_load %arg12[%parallel_loop3A_295, %parallel_loop3A_296] {strides = array<i32>} : memref<56x128xf32, #tpu.memory_space<vmem>>, vector<1x16xf32>,
        %parallel_loop3A_298 = vector.shape_cast %parallel_loop3A_297 : vector<1x16xf32> to vector<16xf32>
        %parallel_loop3A_299 = arith.addf %parallel_loop3A_294, %parallel_loop3A_298 : vector<16xf32>
        %parallel_loop3A_300 = arith.index_cast %parallel_loop3A_157 : i32 to index
        %parallel_loop3A_301 = arith.constant 112 : index
        %parallel_loop3A_302 = tpu.vector_load %arg13[%parallel_loop3A_300, %parallel_loop3A_301] {strides = array<i32>} : memref<56x128xf32, #tpu.memory_space<vmem>>, vector<1x16xf32>,
        %parallel_loop3A_303 = vector.shape_cast %parallel_loop3A_302 : vector<1x16xf32> to vector<16xf32>
        %parallel_loop3A_304 = arith.addf %parallel_loop3A_299, %parallel_loop3A_303 : vector<16xf32>
        %parallel_loop3A_305 = arith.index_cast %parallel_loop3A_157 : i32 to index
        %parallel_loop3A_306 = arith.constant 112 : index
        %parallel_loop3A_307 = tpu.vector_load %arg15[%parallel_loop3A_305, %parallel_loop3A_306] {strides = array<i32>} : memref<56x128xf32, #tpu.memory_space<vmem>>, vector<1x16xf32>,
        %parallel_loop3A_308 = vector.shape_cast %parallel_loop3A_307 : vector<1x16xf32> to vector<16xf32>
        %parallel_loop3A_309 = vector.shape_cast %parallel_loop3A_304 : vector<16xf32> to vector<1x16xf32>
        tpu.vector_store %arg15[%parallel_loop3A_305, %parallel_loop3A_306], %parallel_loop3A_309 {strides = array<i32>} : memref<56x128xf32, #tpu.memory_space<vmem>>, vector<1x16xf32>,
      } {sc.loop_unroll_factor = 4 : i64, sc.parallel_access}
      %add3A_148 = arith.constant 1 : i32
      %add3A_149 = arith.addi %add3A_66, %add3A_148 : i32
      %mul3A_150 = arith.constant 56 : i32
      %mul3A_151 = arith.muli %add3A_149, %mul3A_150 : i32
      %add3A_152 = arith.addi %mul3A_2, %mul3A_151 : i32
      %dma_start3A_153 = arith.constant 0 : i32
      %dma_start3A_154 = tpu.memref_slice %arg4[%add3A_152, %dma_start3A_153] : memref<100352x128xf32, #tpu.memory_space<hbm>> -> memref<56x128xf32, #tpu.memory_space<hbm>>
      %dma_start3A_155 = arith.constant 0 : i32
      %dma_start3A_156 = tpu.memref_slice %arg4[%add3A_152, %dma_start3A_155] : memref<100352x128xf32, #tpu.memory_space<hbm>> -> memref<56x128xf32, #tpu.memory_space<hbm>>
      tpu.enqueue_dma source(%arg15 : memref<56x128xf32, #tpu.memory_space<vmem>>) target(%dma_start3A_156 : memref<56x128xf32, #tpu.memory_space<hbm>>) target_semaphore(%arg19 : memref<!tpu.dma_semaphore, #tpu.memory_space<semaphore_mem>>)
    }
    %scan3A_49 = arith.constant 28 : i32
    %add3A_50 = arith.constant 3024 : i32
    %add3A_51 = arith.addi %mul3A_2, %add3A_50 : i32
    %dma_wait3A_52 = arith.constant 0 : i32
    %dma_wait3A_53 = tpu.memref_slice %arg4[%add3A_51, %dma_wait3A_52] : memref<100352x128xf32, #tpu.memory_space<hbm>> -> memref<56x128xf32, #tpu.memory_space<hbm>>
    %dma_wait3A_54 = arith.constant 0 : i32
    %dma_wait3A_55 = tpu.memref_slice %arg4[%add3A_51, %dma_wait3A_54] : memref<100352x128xf32, #tpu.memory_space<hbm>> -> memref<56x128xf32, #tpu.memory_space<hbm>>
    tpu.wait_dma2 semaphore(%arg18 : memref<!tpu.dma_semaphore, #tpu.memory_space<semaphore_mem>>) src(%arg14 : memref<56x128xf32, #tpu.memory_space<vmem>>) dst(%dma_wait3A_55 : memref<56x128xf32, #tpu.memory_space<hbm>>)
    %add3A_56 = arith.constant 3080 : i32
    %add3A_57 = arith.addi %mul3A_2, %add3A_56 : i32
    %dma_wait3A_58 = arith.constant 0 : i32
    %dma_wait3A_59 = tpu.memref_slice %arg4[%add3A_57, %dma_wait3A_58] : memref<100352x128xf32, #tpu.memory_space<hbm>> -> memref<56x128xf32, #tpu.memory_space<hbm>>
    %dma_wait3A_60 = arith.constant 0 : i32
    %dma_wait3A_61 = tpu.memref_slice %arg4[%add3A_57, %dma_wait3A_60] : memref<100352x128xf32, #tpu.memory_space<hbm>> -> memref<56x128xf32, #tpu.memory_space<hbm>>
    tpu.wait_dma2 semaphore(%arg19 : memref<!tpu.dma_semaphore, #tpu.memory_space<semaphore_mem>>) src(%arg15 : memref<56x128xf32, #tpu.memory_space<vmem>>) dst(%dma_wait3A_61 : memref<56x128xf32, #tpu.memory_space<hbm>>)
    return
  }
}

#map = affine_map<(d0, d1) -> (0, 0)>
#map1 = affine_map<(d0, d1) -> (0)>
module attributes {stable_mosaic.version = 14 : i64} {
  func.func @k(%arg0: i32, %arg1: i32, %arg2: memref<100352x128xf32, #tpu.memory_space<hbm>>, %arg3: memref<100352xi32, #tpu.memory_space<hbm>>, %arg4: memref<100352x128xf32, #tpu.memory_space<hbm>>, %arg5: memref<56xi32, #tpu.memory_space<vmem>>, %arg6: memref<56x128xf32, #tpu.memory_space<vmem>>, %arg7: memref<!tpu.dma_semaphore, #tpu.memory_space<semaphore_mem>>) attributes {dimension_semantics = [#tpu.dimension_semantics<core_parallel>, #tpu.dimension_semantics<subcore_parallel>], iteration_bounds = array<i64: 2, 16>, scalar_prefetch = 0 : i64, scratch_operands = 3 : i64, tpu.core_type = #tpu.core_type<sc_vector_subcore>, window_params = [{transform_indices = #map}, {transform_indices = #map1}, {transform_indices = #map}]} {
    %mul3A = arith.constant 2 : i32
    %mul3A_0 = arith.muli %arg1, %mul3A : i32
    %add3A = arith.addi %mul3A_0, %arg0 : i32
    %mul3A_1 = arith.constant 3136 : i32
    %mul3A_2 = arith.muli %add3A, %mul3A_1 : i32
    %scan3A = arith.constant 0 : i32
    %scan3A_3 = arith.constant 56 : i32
    %scan3A_4 = arith.addi %scan3A, %scan3A_3 : i32
    %scan3A_5 = arith.constant 1 : i32
    scf.for %scan3A_7 = %scan3A to %scan3A_4 step %scan3A_5  : i32 {
      %mul3A_8 = arith.constant 1 : i32
      %mul3A_9 = arith.muli %scan3A_7, %mul3A_8 : i32
      %add3A_10 = arith.constant 0 : i32
      %add3A_11 = arith.addi %add3A_10, %mul3A_9 : i32
      %mul3A_12 = arith.constant 56 : i32
      %mul3A_13 = arith.muli %add3A_11, %mul3A_12 : i32
      %add3A_14 = arith.addi %mul3A_2, %mul3A_13 : i32
      "tpu.region"() ({
        %run_scoped3A = tpu.sem_alloc : memref<!tpu.dma_semaphore, #tpu.memory_space<semaphore_mem>>
        %dma_start3A_19 = tpu.memref_slice %arg3[%add3A_14] : memref<100352xi32, #tpu.memory_space<hbm>> -> memref<56xi32, #tpu.memory_space<hbm>>
        %dma_start3A_20 = tpu.memref_slice %arg3[%add3A_14] : memref<100352xi32, #tpu.memory_space<hbm>> -> memref<56xi32, #tpu.memory_space<hbm>>
        tpu.enqueue_dma source(%dma_start3A_20 : memref<56xi32, #tpu.memory_space<hbm>>) target(%arg5 : memref<56xi32, #tpu.memory_space<vmem>>) target_semaphore(%run_scoped3A : memref<!tpu.dma_semaphore, #tpu.memory_space<semaphore_mem>>)
        %dma_wait3A_21 = tpu.memref_slice %arg3[%add3A_14] : memref<100352xi32, #tpu.memory_space<hbm>> -> memref<56xi32, #tpu.memory_space<hbm>>
        %dma_wait3A_22 = tpu.memref_slice %arg3[%add3A_14] : memref<100352xi32, #tpu.memory_space<hbm>> -> memref<56xi32, #tpu.memory_space<hbm>>
        tpu.wait_dma2 semaphore(%run_scoped3A : memref<!tpu.dma_semaphore, #tpu.memory_space<semaphore_mem>>) src(%dma_wait3A_22 : memref<56xi32, #tpu.memory_space<hbm>>) dst(%arg5 : memref<56xi32, #tpu.memory_space<vmem>>)
        tpu.yield
      }) : () -> ()
      %dma_start3A = arith.constant 0 : i32
      %dma_start3A_15 = arith.constant 0 : i32
      %dma_start3A_16 = tpu.memref_slice %arg2[%dma_start3A, %dma_start3A_15] : memref<100352x128xf32, #tpu.memory_space<hbm>> -> memref<100352x128xf32, #tpu.memory_space<hbm>>
      tpu.enqueue_indirect_dma source(%dma_start3A_16 : memref<100352x128xf32, #tpu.memory_space<hbm>>) target(%arg6 : memref<56x128xf32, #tpu.memory_space<vmem>>) offsets(%arg5 : memref<56xi32, #tpu.memory_space<vmem>>) semaphore(%arg7 : memref<!tpu.dma_semaphore, #tpu.memory_space<semaphore_mem>>)
      %dma_wait3A = arith.constant 0 : i32
      %dma_wait3A_17 = arith.constant 0 : i32
      %dma_wait3A_18 = tpu.memref_slice %arg2[%dma_wait3A, %dma_wait3A_17] : memref<100352x128xf32, #tpu.memory_space<hbm>> -> memref<100352x128xf32, #tpu.memory_space<hbm>>
      tpu.wait_indirect_dma semaphore(%arg7 : memref<!tpu.dma_semaphore, #tpu.memory_space<semaphore_mem>>) src(%dma_wait3A_18 : memref<100352x128xf32, #tpu.memory_space<hbm>>) dst(%arg6 : memref<56x128xf32, #tpu.memory_space<vmem>>)
      "tpu.region"() ({
        %run_scoped3A = tpu.sem_alloc : memref<!tpu.dma_semaphore, #tpu.memory_space<semaphore_mem>>
        %dma_start3A_19 = arith.constant 0 : i32
        %dma_start3A_20 = tpu.memref_slice %arg4[%add3A_14, %dma_start3A_19] : memref<100352x128xf32, #tpu.memory_space<hbm>> -> memref<56x128xf32, #tpu.memory_space<hbm>>
        %dma_start3A_21 = arith.constant 0 : i32
        %dma_start3A_22 = tpu.memref_slice %arg4[%add3A_14, %dma_start3A_21] : memref<100352x128xf32, #tpu.memory_space<hbm>> -> memref<56x128xf32, #tpu.memory_space<hbm>>
        tpu.enqueue_dma source(%arg6 : memref<56x128xf32, #tpu.memory_space<vmem>>) target(%dma_start3A_22 : memref<56x128xf32, #tpu.memory_space<hbm>>) target_semaphore(%run_scoped3A : memref<!tpu.dma_semaphore, #tpu.memory_space<semaphore_mem>>)
        %dma_wait3A_23 = arith.constant 0 : i32
        %dma_wait3A_24 = tpu.memref_slice %arg4[%add3A_14, %dma_wait3A_23] : memref<100352x128xf32, #tpu.memory_space<hbm>> -> memref<56x128xf32, #tpu.memory_space<hbm>>
        %dma_wait3A_25 = arith.constant 0 : i32
        %dma_wait3A_26 = tpu.memref_slice %arg4[%add3A_14, %dma_wait3A_25] : memref<100352x128xf32, #tpu.memory_space<hbm>> -> memref<56x128xf32, #tpu.memory_space<hbm>>
        tpu.wait_dma2 semaphore(%run_scoped3A : memref<!tpu.dma_semaphore, #tpu.memory_space<semaphore_mem>>) src(%arg6 : memref<56x128xf32, #tpu.memory_space<vmem>>) dst(%dma_wait3A_26 : memref<56x128xf32, #tpu.memory_space<hbm>>)
        tpu.yield
      }) : () -> ()
    }
    %scan3A_6 = arith.constant 56 : i32
    return
  }
}

module attributes {stable_mosaic.version = 14 : i64} {
  func.func @_mm1_body(%arg0: i32, %arg1: memref<2048x128xf32, #tpu.memory_space<vmem>>, %arg2: memref<2048x3xi32, #tpu.memory_space<vmem>>, %arg3: memref<128x64xf32, #tpu.memory_space<vmem>>, %arg4: memref<1x64xf32, #tpu.memory_space<vmem>>, %arg5: memref<2048x128xf32, #tpu.memory_space<vmem>>) attributes {dimension_semantics = [#tpu.dimension_semantics<arbitrary>], iteration_bounds = array<i64: 49>, scalar_prefetch = 0 : i64, scratch_operands = 0 : i64, tpu.core_type = #tpu.core_type<tc>, window_params = [{transform_indices = @transform_0, window_bounds = array<i64: 2048, 128>}, {transform_indices = @transform_1, window_bounds = array<i64: 2048, 3>}, {pipeline_mode = #tpu.pipeline_mode<synchronous>, transform_indices = @transform_2, window_bounds = array<i64: 128, 64>}, {pipeline_mode = #tpu.pipeline_mode<synchronous>, transform_indices = @transform_3, window_bounds = array<i64: 1, 64>}, {transform_indices = @transform_4, window_bounds = array<i64: 2048, 128>}]} {
    %mul3A = arith.constant 2048 : i32
    %mul3A_0 = arith.muli %arg0, %mul3A : i32
    %iota3A = tpu.iota {dimensions = array<i32: 0>} : vector<2048x1xi32>
    %add3A = vector.broadcast %mul3A_0 : i32 to vector<2048x1xi32>
    %add3A_1 = arith.addi %add3A, %iota3A : vector<2048x1xi32>
    %get3A = arith.constant 0 : index
    %get3A_2 = arith.constant 0 : index
    %get3A_3 = vector.load %arg2[%get3A, %get3A_2] : memref<2048x3xi32, #tpu.memory_space<vmem>>, vector<2048x3xi32>
    %ge3A = arith.constant 0 : i32
    %ge3A_4 = vector.broadcast %ge3A : i32 to vector<2048x3xi32>
    %ge3A_5 = arith.cmpi sge, %get3A_3, %ge3A_4 : vector<2048x3xi32>
    %convert_element_type3A = arith.extui %ge3A_5 : vector<2048x3xi1> to vector<2048x3xi32>
    %convert_element_type3A_6 = arith.sitofp %convert_element_type3A : vector<2048x3xi32> to vector<2048x3xf32>
    %reduce_sum3A = arith.constant dense<0.000000e+00> : vector<2048xf32>
    %reduce_sum3A_7 = vector.multi_reduction <add>, %convert_element_type3A_6, %reduce_sum3A [1] : vector<2048x3xf32> to vector<2048xf32>
    %broadcast_in_dim3A = vector.shape_cast %reduce_sum3A_7 : vector<2048xf32> to vector<2048x1xf32>
    %add3A_8 = arith.constant 1.000000e+00 : f32
    %add3A_9 = vector.broadcast %add3A_8 : f32 to vector<2048x1xf32>
    %add3A_10 = arith.addf %broadcast_in_dim3A, %add3A_9 : vector<2048x1xf32>
    %rsqrt3A = math.rsqrt %add3A_10 : vector<2048x1xf32>
    %get3A_11 = arith.constant 0 : index
    %get3A_12 = arith.constant 0 : index
    %get3A_13 = vector.load %arg1[%get3A_11, %get3A_12] : memref<2048x128xf32, #tpu.memory_space<vmem>>, vector<2048x128xf32>
    %get3A_14 = arith.constant 0 : index
    %get3A_15 = arith.constant 0 : index
    %get3A_16 = vector.load %arg3[%get3A_14, %get3A_15] : memref<128x64xf32, #tpu.memory_space<vmem>>, vector<128x64xf32>
    %dot_general3A = arith.constant dense<0.000000e+00> : vector<2048x64xf32>
    %dot_general3A_17 = tpu.matmul %get3A_13, %get3A_16, %dot_general3A {dimension_numbers = #tpu.dot_dimension_numbers<[1], [0], [0], [1], [0, 0, 1, 1], [], []>, transpose_lhs_hint = false} : vector<2048x128xf32>, vector<128x64xf32>, vector<2048x64xf32> -> vector<2048x64xf32>
    %get3A_18 = arith.constant 0 : index
    %get3A_19 = arith.constant 0 : index
    %get3A_20 = vector.load %arg4[%get3A_18, %get3A_19] : memref<1x64xf32, #tpu.memory_space<vmem>>, vector<1x64xf32>
    %add3A_21 = vector.broadcast %get3A_20 : vector<1x64xf32> to vector<2048x64xf32>
    %add3A_22 = arith.addf %dot_general3A_17, %add3A_21 : vector<2048x64xf32>
    %mul3A_23 = vector.broadcast %rsqrt3A : vector<2048x1xf32> to vector<2048x64xf32>
    %mul3A_24 = arith.mulf %mul3A_23, %add3A_22 : vector<2048x64xf32>
    %broadcast_in_dim3A_25 = arith.constant 0.000000e+00 : f32
    %broadcast_in_dim3A_26 = vector.broadcast %broadcast_in_dim3A_25 : f32 to vector<2048x64xf32>
    %concatenate3A = tpu.concatenate %mul3A_24, %broadcast_in_dim3A_26 in 1 : vector<2048x64xf32>, vector<2048x64xf32> -> vector<2048x128xf32>
    %lt3A = arith.constant 100001 : i32
    %lt3A_27 = vector.broadcast %lt3A : i32 to vector<2048x1xi32>
    %lt3A_28 = arith.cmpi slt, %add3A_1, %lt3A_27 : vector<2048x1xi32>
    %jit3A = arith.constant 0.000000e+00 : f32
    %broadcast_in_dim3A_29 = vector.shape_cast %lt3A_28 : vector<2048x1xi1> to vector<2048x1xi1>
    %broadcast_in_dim3A_30 = vector.broadcast %broadcast_in_dim3A_29 : vector<2048x1xi1> to vector<2048x128xi1>
    %broadcast_in_dim3A_31 = vector.broadcast %jit3A : f32 to vector<2048x128xf32>
    %select_n3A = arith.select %broadcast_in_dim3A_30, %concatenate3A, %broadcast_in_dim3A_31 : vector<2048x128xi1>, vector<2048x128xf32>
    %swap3A = arith.constant 0 : index
    %swap3A_32 = arith.constant 0 : index
    %swap3A_33 = vector.load %arg5[%swap3A, %swap3A_32] : memref<2048x128xf32, #tpu.memory_space<vmem>>, vector<2048x128xf32>
    tpu.vector_store %arg5[%swap3A, %swap3A_32], %select_n3A {strides = array<i32>} : memref<2048x128xf32, #tpu.memory_space<vmem>>, vector<2048x128xf32>,
    return
  }
  func.func @transform_0(%arg0: i32) -> (i32, i32) {
    %c0_i32 = arith.constant 0 : i32
    %c0_i32_0 = arith.constant 0 : i32
    return %arg0, %c0_i32 : i32, i32
  }
  func.func @transform_1(%arg0: i32) -> (i32, i32) {
    %c0_i32 = arith.constant 0 : i32
    %c0_i32_0 = arith.constant 0 : i32
    return %arg0, %c0_i32 : i32, i32
  }
  func.func @transform_2(%arg0: i32) -> (i32, i32) {
    %c0_i32 = arith.constant 0 : i32
    %c0_i32_0 = arith.constant 0 : i32
    %c0_i32_1 = arith.constant 0 : i32
    return %c0_i32, %c0_i32_0 : i32, i32
  }
  func.func @transform_3(%arg0: i32) -> (i32, i32) {
    %c0_i32 = arith.constant 0 : i32
    %c0_i32_0 = arith.constant 0 : i32
    %c0_i32_1 = arith.constant 0 : i32
    return %c0_i32, %c0_i32_0 : i32, i32
  }
  func.func @transform_4(%arg0: i32) -> (i32, i32) {
    %c0_i32 = arith.constant 0 : i32
    %c0_i32_0 = arith.constant 0 : i32
    return %arg0, %c0_i32 : i32, i32
  }
}

module attributes {stable_mosaic.version = 14 : i64} {
  func.func @_mm2_body(%arg0: i32, %arg1: memref<2048x128xf32, #tpu.memory_space<vmem>>, %arg2: memref<2048x128xf32, #tpu.memory_space<vmem>>, %arg3: memref<2048x3xi32, #tpu.memory_space<vmem>>, %arg4: memref<64x64xf32, #tpu.memory_space<vmem>>, %arg5: memref<1x64xf32, #tpu.memory_space<vmem>>, %arg6: memref<2048x128xf32, #tpu.memory_space<vmem>>) attributes {dimension_semantics = [#tpu.dimension_semantics<arbitrary>], iteration_bounds = array<i64: 49>, scalar_prefetch = 0 : i64, scratch_operands = 0 : i64, tpu.core_type = #tpu.core_type<tc>, window_params = [{transform_indices = @transform_0, window_bounds = array<i64: 2048, 128>}, {transform_indices = @transform_1, window_bounds = array<i64: 2048, 128>}, {transform_indices = @transform_2, window_bounds = array<i64: 2048, 3>}, {pipeline_mode = #tpu.pipeline_mode<synchronous>, transform_indices = @transform_3, window_bounds = array<i64: 64, 64>}, {pipeline_mode = #tpu.pipeline_mode<synchronous>, transform_indices = @transform_4, window_bounds = array<i64: 1, 64>}, {transform_indices = @transform_5, window_bounds = array<i64: 2048, 128>}]} {
    %mul3A = arith.constant 2048 : i32
    %mul3A_0 = arith.muli %arg0, %mul3A : i32
    %iota3A = tpu.iota {dimensions = array<i32: 0>} : vector<2048x1xi32>
    %add3A = vector.broadcast %mul3A_0 : i32 to vector<2048x1xi32>
    %add3A_1 = arith.addi %add3A, %iota3A : vector<2048x1xi32>
    %get3A = arith.constant 0 : index
    %get3A_2 = arith.constant 0 : index
    %get3A_3 = vector.load %arg3[%get3A, %get3A_2] : memref<2048x3xi32, #tpu.memory_space<vmem>>, vector<2048x3xi32>
    %ge3A = arith.constant 0 : i32
    %ge3A_4 = vector.broadcast %ge3A : i32 to vector<2048x3xi32>
    %ge3A_5 = arith.cmpi sge, %get3A_3, %ge3A_4 : vector<2048x3xi32>
    %convert_element_type3A = arith.extui %ge3A_5 : vector<2048x3xi1> to vector<2048x3xi32>
    %convert_element_type3A_6 = arith.sitofp %convert_element_type3A : vector<2048x3xi32> to vector<2048x3xf32>
    %reduce_sum3A = arith.constant dense<0.000000e+00> : vector<2048xf32>
    %reduce_sum3A_7 = vector.multi_reduction <add>, %convert_element_type3A_6, %reduce_sum3A [1] : vector<2048x3xf32> to vector<2048xf32>
    %broadcast_in_dim3A = vector.shape_cast %reduce_sum3A_7 : vector<2048xf32> to vector<2048x1xf32>
    %add3A_8 = arith.constant 1.000000e+00 : f32
    %add3A_9 = vector.broadcast %add3A_8 : f32 to vector<2048x1xf32>
    %add3A_10 = arith.addf %broadcast_in_dim3A, %add3A_9 : vector<2048x1xf32>
    %rsqrt3A = math.rsqrt %add3A_10 : vector<2048x1xf32>
    %get3A_11 = arith.constant 0 : index
    %get3A_12 = arith.constant 0 : index
    %get3A_13 = vector.load %arg1[%get3A_11, %get3A_12] : memref<2048x128xf32, #tpu.memory_space<vmem>>, vector<2048x64xf32>
    %get3A_14 = arith.constant 0 : index
    %get3A_15 = arith.constant 0 : index
    %get3A_16 = vector.load %arg2[%get3A_14, %get3A_15] : memref<2048x128xf32, #tpu.memory_space<vmem>>, vector<2048x64xf32>
    %add3A_17 = arith.addf %get3A_13, %get3A_16 : vector<2048x64xf32>
    %mul3A_18 = vector.broadcast %rsqrt3A : vector<2048x1xf32> to vector<2048x64xf32>
    %mul3A_19 = arith.mulf %mul3A_18, %add3A_17 : vector<2048x64xf32>
    %max3A = arith.constant 0.000000e+00 : f32
    %max3A_20 = vector.broadcast %max3A : f32 to vector<2048x64xf32>
    %max3A_21 = arith.maximumf %mul3A_19, %max3A_20 : vector<2048x64xf32>
    %get3A_22 = arith.constant 0 : index
    %get3A_23 = arith.constant 0 : index
    %get3A_24 = vector.load %arg4[%get3A_22, %get3A_23] : memref<64x64xf32, #tpu.memory_space<vmem>>, vector<64x64xf32>
    %dot_general3A = arith.constant dense<0.000000e+00> : vector<2048x64xf32>
    %dot_general3A_25 = tpu.matmul %max3A_21, %get3A_24, %dot_general3A {dimension_numbers = #tpu.dot_dimension_numbers<[1], [0], [0], [1], [0, 0, 1, 1], [], []>, transpose_lhs_hint = false} : vector<2048x64xf32>, vector<64x64xf32>, vector<2048x64xf32> -> vector<2048x64xf32>
    %get3A_26 = arith.constant 0 : index
    %get3A_27 = arith.constant 0 : index
    %get3A_28 = vector.load %arg5[%get3A_26, %get3A_27] : memref<1x64xf32, #tpu.memory_space<vmem>>, vector<1x64xf32>
    %add3A_29 = vector.broadcast %get3A_28 : vector<1x64xf32> to vector<2048x64xf32>
    %add3A_30 = arith.addf %dot_general3A_25, %add3A_29 : vector<2048x64xf32>
    %mul3A_31 = vector.broadcast %rsqrt3A : vector<2048x1xf32> to vector<2048x64xf32>
    %mul3A_32 = arith.mulf %mul3A_31, %add3A_30 : vector<2048x64xf32>
    %broadcast_in_dim3A_33 = arith.constant 0.000000e+00 : f32
    %broadcast_in_dim3A_34 = vector.broadcast %broadcast_in_dim3A_33 : f32 to vector<2048x64xf32>
    %concatenate3A = tpu.concatenate %mul3A_32, %broadcast_in_dim3A_34 in 1 : vector<2048x64xf32>, vector<2048x64xf32> -> vector<2048x128xf32>
    %lt3A = arith.constant 100001 : i32
    %lt3A_35 = vector.broadcast %lt3A : i32 to vector<2048x1xi32>
    %lt3A_36 = arith.cmpi slt, %add3A_1, %lt3A_35 : vector<2048x1xi32>
    %jit3A = arith.constant 0.000000e+00 : f32
    %broadcast_in_dim3A_37 = vector.shape_cast %lt3A_36 : vector<2048x1xi1> to vector<2048x1xi1>
    %broadcast_in_dim3A_38 = vector.broadcast %broadcast_in_dim3A_37 : vector<2048x1xi1> to vector<2048x128xi1>
    %broadcast_in_dim3A_39 = vector.broadcast %jit3A : f32 to vector<2048x128xf32>
    %select_n3A = arith.select %broadcast_in_dim3A_38, %concatenate3A, %broadcast_in_dim3A_39 : vector<2048x128xi1>, vector<2048x128xf32>
    %swap3A = arith.constant 0 : index
    %swap3A_40 = arith.constant 0 : index
    %swap3A_41 = vector.load %arg6[%swap3A, %swap3A_40] : memref<2048x128xf32, #tpu.memory_space<vmem>>, vector<2048x128xf32>
    tpu.vector_store %arg6[%swap3A, %swap3A_40], %select_n3A {strides = array<i32>} : memref<2048x128xf32, #tpu.memory_space<vmem>>, vector<2048x128xf32>,
    return
  }
  func.func @transform_0(%arg0: i32) -> (i32, i32) {
    %c0_i32 = arith.constant 0 : i32
    %c0_i32_0 = arith.constant 0 : i32
    return %arg0, %c0_i32 : i32, i32
  }
  func.func @transform_1(%arg0: i32) -> (i32, i32) {
    %c0_i32 = arith.constant 0 : i32
    %c0_i32_0 = arith.constant 0 : i32
    return %arg0, %c0_i32 : i32, i32
  }
  func.func @transform_2(%arg0: i32) -> (i32, i32) {
    %c0_i32 = arith.constant 0 : i32
    %c0_i32_0 = arith.constant 0 : i32
    return %arg0, %c0_i32 : i32, i32
  }
  func.func @transform_3(%arg0: i32) -> (i32, i32) {
    %c0_i32 = arith.constant 0 : i32
    %c0_i32_0 = arith.constant 0 : i32
    %c0_i32_1 = arith.constant 0 : i32
    return %c0_i32, %c0_i32_0 : i32, i32
  }
  func.func @transform_4(%arg0: i32) -> (i32, i32) {
    %c0_i32 = arith.constant 0 : i32
    %c0_i32_0 = arith.constant 0 : i32
    %c0_i32_1 = arith.constant 0 : i32
    return %c0_i32, %c0_i32_0 : i32, i32
  }
  func.func @transform_5(%arg0: i32) -> (i32, i32) {
    %c0_i32 = arith.constant 0 : i32
    %c0_i32_0 = arith.constant 0 : i32
    return %arg0, %c0_i32 : i32, i32
  }
}

module attributes {stable_mosaic.version = 14 : i64} {
  func.func @_emb_body(%arg0: i32, %arg1: memref<2048x128xf32, #tpu.memory_space<vmem>>, %arg2: memref<2048x128xf32, #tpu.memory_space<vmem>>, %arg3: memref<2048x3xi32, #tpu.memory_space<vmem>>, %arg4: memref<2048x64xf32, #tpu.memory_space<vmem>>, %arg5: memref<2048x128xf32, #tpu.memory_space<vmem>>) attributes {dimension_semantics = [#tpu.dimension_semantics<arbitrary>], iteration_bounds = array<i64: 49>, scalar_prefetch = 0 : i64, scratch_operands = 0 : i64, tpu.core_type = #tpu.core_type<tc>, window_params = [{transform_indices = @transform_0, window_bounds = array<i64: 2048, 128>}, {transform_indices = @transform_1, window_bounds = array<i64: 2048, 128>}, {transform_indices = @transform_2, window_bounds = array<i64: 2048, 3>}, {transform_indices = @transform_3, window_bounds = array<i64: 2048, 64>}, {transform_indices = @transform_4, window_bounds = array<i64: 2048, 128>}]} {
    %get3A = arith.constant 0 : index
    %get3A_0 = arith.constant 0 : index
    %get3A_1 = vector.load %arg3[%get3A, %get3A_0] : memref<2048x3xi32, #tpu.memory_space<vmem>>, vector<2048x3xi32>
    %ge3A = arith.constant 0 : i32
    %ge3A_2 = vector.broadcast %ge3A : i32 to vector<2048x3xi32>
    %ge3A_3 = arith.cmpi sge, %get3A_1, %ge3A_2 : vector<2048x3xi32>
    %convert_element_type3A = arith.extui %ge3A_3 : vector<2048x3xi1> to vector<2048x3xi32>
    %convert_element_type3A_4 = arith.sitofp %convert_element_type3A : vector<2048x3xi32> to vector<2048x3xf32>
    %reduce_sum3A = arith.constant dense<0.000000e+00> : vector<2048xf32>
    %reduce_sum3A_5 = vector.multi_reduction <add>, %convert_element_type3A_4, %reduce_sum3A [1] : vector<2048x3xf32> to vector<2048xf32>
    %broadcast_in_dim3A = vector.shape_cast %reduce_sum3A_5 : vector<2048xf32> to vector<2048x1xf32>
    %add3A = arith.constant 1.000000e+00 : f32
    %add3A_6 = vector.broadcast %add3A : f32 to vector<2048x1xf32>
    %add3A_7 = arith.addf %broadcast_in_dim3A, %add3A_6 : vector<2048x1xf32>
    %rsqrt3A = math.rsqrt %add3A_7 : vector<2048x1xf32>
    %get3A_8 = arith.constant 0 : index
    %get3A_9 = arith.constant 0 : index
    %get3A_10 = vector.load %arg1[%get3A_8, %get3A_9] : memref<2048x128xf32, #tpu.memory_space<vmem>>, vector<2048x64xf32>
    %get3A_11 = arith.constant 0 : index
    %get3A_12 = arith.constant 0 : index
    %get3A_13 = vector.load %arg2[%get3A_11, %get3A_12] : memref<2048x128xf32, #tpu.memory_space<vmem>>, vector<2048x64xf32>
    %add3A_14 = arith.addf %get3A_10, %get3A_13 : vector<2048x64xf32>
    %mul3A = vector.broadcast %rsqrt3A : vector<2048x1xf32> to vector<2048x64xf32>
    %mul3A_15 = arith.mulf %mul3A, %add3A_14 : vector<2048x64xf32>
    %swap3A = arith.constant 0 : index
    %swap3A_16 = arith.constant 0 : index
    %swap3A_17 = vector.load %arg4[%swap3A, %swap3A_16] : memref<2048x64xf32, #tpu.memory_space<vmem>>, vector<2048x64xf32>
    tpu.vector_store %arg4[%swap3A, %swap3A_16], %mul3A_15 {strides = array<i32>} : memref<2048x64xf32, #tpu.memory_space<vmem>>, vector<2048x64xf32>,
    %broadcast_in_dim3A_18 = arith.constant 0.000000e+00 : f32
    %broadcast_in_dim3A_19 = vector.broadcast %broadcast_in_dim3A_18 : f32 to vector<2048x64xf32>
    %concatenate3A = tpu.concatenate %mul3A_15, %broadcast_in_dim3A_19 in 1 : vector<2048x64xf32>, vector<2048x64xf32> -> vector<2048x128xf32>
    %swap3A_20 = arith.constant 0 : index
    %swap3A_21 = arith.constant 0 : index
    %swap3A_22 = vector.load %arg5[%swap3A_20, %swap3A_21] : memref<2048x128xf32, #tpu.memory_space<vmem>>, vector<2048x128xf32>
    tpu.vector_store %arg5[%swap3A_20, %swap3A_21], %concatenate3A {strides = array<i32>} : memref<2048x128xf32, #tpu.memory_space<vmem>>, vector<2048x128xf32>,
    return
  }
  func.func @transform_0(%arg0: i32) -> (i32, i32) {
    %c0_i32 = arith.constant 0 : i32
    %c0_i32_0 = arith.constant 0 : i32
    return %arg0, %c0_i32 : i32, i32
  }
  func.func @transform_1(%arg0: i32) -> (i32, i32) {
    %c0_i32 = arith.constant 0 : i32
    %c0_i32_0 = arith.constant 0 : i32
    return %arg0, %c0_i32 : i32, i32
  }
  func.func @transform_2(%arg0: i32) -> (i32, i32) {
    %c0_i32 = arith.constant 0 : i32
    %c0_i32_0 = arith.constant 0 : i32
    return %arg0, %c0_i32 : i32, i32
  }
  func.func @transform_3(%arg0: i32) -> (i32, i32) {
    %c0_i32 = arith.constant 0 : i32
    %c0_i32_0 = arith.constant 0 : i32
    return %arg0, %c0_i32 : i32, i32
  }
  func.func @transform_4(%arg0: i32) -> (i32, i32) {
    %c0_i32 = arith.constant 0 : i32
    %c0_i32_0 = arith.constant 0 : i32
    return %arg0, %c0_i32 : i32, i32
  }
}

module attributes {stable_mosaic.version = 14 : i64} {
  func.func @_mlp_body(%arg0: i32, %arg1: memref<2000x128xf32, #tpu.memory_space<vmem>>, %arg2: memref<1x1x2000xf32, #tpu.memory_space<vmem>>, %arg3: memref<1x1x2000xf32, #tpu.memory_space<vmem>>, %arg4: memref<1x64xf32, #tpu.memory_space<vmem>>, %arg5: memref<258x64xf32, #tpu.memory_space<vmem>>, %arg6: memref<1x64xf32, #tpu.memory_space<vmem>>, %arg7: memref<64x64xf32, #tpu.memory_space<vmem>>, %arg8: memref<1x64xf32, #tpu.memory_space<vmem>>, %arg9: memref<64x1xf32, #tpu.memory_space<vmem>>, %arg10: memref<1x1xf32, #tpu.memory_space<vmem>>, %arg11: memref<2000x258xf32, #tpu.memory_space<vmem>>, %arg12: memref<1x1x2000xf32, #tpu.memory_space<vmem>>) attributes {dimension_semantics = [#tpu.dimension_semantics<arbitrary>], iteration_bounds = array<i64: 50>, scalar_prefetch = 0 : i64, scratch_operands = 0 : i64, tpu.core_type = #tpu.core_type<tc>, window_params = [{transform_indices = @transform_0, window_bounds = array<i64: 2000, 128>}, {transform_indices = @transform_1, window_bounds = array<i64: 1, 1, 2000>}, {transform_indices = @transform_2, window_bounds = array<i64: 1, 1, 2000>}, {pipeline_mode = #tpu.pipeline_mode<synchronous>, transform_indices = @transform_3, window_bounds = array<i64: 1, 64>}, {pipeline_mode = #tpu.pipeline_mode<synchronous>, transform_indices = @transform_4, window_bounds = array<i64: 258, 64>}, {pipeline_mode = #tpu.pipeline_mode<synchronous>, transform_indices = @transform_5, window_bounds = array<i64: 1, 64>}, {pipeline_mode = #tpu.pipeline_mode<synchronous>, transform_indices = @transform_6, window_bounds = array<i64: 64, 64>}, {pipeline_mode = #tpu.pipeline_mode<synchronous>, transform_indices = @transform_7, window_bounds = array<i64: 1, 64>}, {pipeline_mode = #tpu.pipeline_mode<synchronous>, transform_indices = @transform_8, window_bounds = array<i64: 64, 1>}, {pipeline_mode = #tpu.pipeline_mode<synchronous>, transform_indices = @transform_9, window_bounds = array<i64: 1, 1>}, {transform_indices = @transform_10, window_bounds = array<i64: 2000, 258>}, {transform_indices = @transform_11, window_bounds = array<i64: 1, 1, 2000>}]} {
    %get3A = arith.constant 0 : index
    %get3A_0 = arith.constant 0 : index
    %get3A_1 = vector.load %arg1[%get3A, %get3A_0] : memref<2000x128xf32, #tpu.memory_space<vmem>>, vector<2000x64xf32>
    %get3A_2 = arith.constant 0 : index
    %get3A_3 = arith.constant 0 : index
    %get3A_4 = vector.load %arg4[%get3A_2, %get3A_3] : memref<1x64xf32, #tpu.memory_space<vmem>>, vector<1x64xf32>
    %broadcast_in_dim3A = vector.shape_cast %get3A_4 : vector<1x64xf32> to vector<1x64xf32>
    %broadcast_in_dim3A_5 = vector.broadcast %broadcast_in_dim3A : vector<1x64xf32> to vector<2000x64xf32>
    %sub3A = arith.subf %broadcast_in_dim3A_5, %get3A_1 : vector<2000x64xf32>
    %abs3A = math.absf %sub3A : vector<2000x64xf32>
    %mul3A = arith.mulf %broadcast_in_dim3A_5, %get3A_1 : vector<2000x64xf32>
    %get3A_6 = arith.constant 0 : index
    %get3A_7 = arith.constant 0 : index
    %get3A_8 = arith.constant 0 : index
    %get3A_9 = vector.load %arg2[%get3A_6, %get3A_7, %get3A_8] : memref<1x1x2000xf32, #tpu.memory_space<vmem>>, vector<1x1x2000xf32>
    %reshape3A = vector.shape_cast %get3A_9 : vector<1x1x2000xf32> to vector<2000x1xf32>
    %div3A = arith.constant 1.000000e+00 : f32
    %div3A_10 = vector.broadcast %div3A : f32 to vector<2000x1xf32>
    %div3A_11 = arith.divf %reshape3A, %div3A_10 : vector<2000x1xf32>
    %get3A_12 = arith.constant 0 : index
    %get3A_13 = arith.constant 0 : index
    %get3A_14 = arith.constant 0 : index
    %get3A_15 = vector.load %arg3[%get3A_12, %get3A_13, %get3A_14] : memref<1x1x2000xf32, #tpu.memory_space<vmem>>, vector<1x1x2000xf32>
    %reshape3A_16 = vector.shape_cast %get3A_15 : vector<1x1x2000xf32> to vector<2000x1xf32>
    %swap3A = arith.constant 0 : index
    %swap3A_17 = arith.constant 0 : index
    %swap3A_18 = vector.load %arg11[%swap3A, %swap3A_17] : memref<2000x258xf32, #tpu.memory_space<vmem>>, vector<2000x64xf32>
    tpu.vector_store %arg11[%swap3A, %swap3A_17], %broadcast_in_dim3A_5 {strides = array<i32>} : memref<2000x258xf32, #tpu.memory_space<vmem>>, vector<2000x64xf32>,
    %swap3A_19 = arith.constant 0 : index
    %swap3A_20 = arith.constant 64 : index
    %swap3A_21 = vector.load %arg11[%swap3A_19, %swap3A_20] : memref<2000x258xf32, #tpu.memory_space<vmem>>, vector<2000x64xf32>
    tpu.vector_store %arg11[%swap3A_19, %swap3A_20], %get3A_1 {strides = array<i32>} : memref<2000x258xf32, #tpu.memory_space<vmem>>, vector<2000x64xf32>,
    %swap3A_22 = arith.constant 0 : index
    %swap3A_23 = arith.constant 128 : index
    %swap3A_24 = vector.load %arg11[%swap3A_22, %swap3A_23] : memref<2000x258xf32, #tpu.memory_space<vmem>>, vector<2000x64xf32>
    tpu.vector_store %arg11[%swap3A_22, %swap3A_23], %abs3A {strides = array<i32>} : memref<2000x258xf32, #tpu.memory_space<vmem>>, vector<2000x64xf32>,
    %swap3A_25 = arith.constant 0 : index
    %swap3A_26 = arith.constant 192 : index
    %swap3A_27 = vector.load %arg11[%swap3A_25, %swap3A_26] : memref<2000x258xf32, #tpu.memory_space<vmem>>, vector<2000x64xf32>
    tpu.vector_store %arg11[%swap3A_25, %swap3A_26], %mul3A {strides = array<i32>} : memref<2000x258xf32, #tpu.memory_space<vmem>>, vector<2000x64xf32>,
    %swap3A_28 = arith.constant 0 : index
    %swap3A_29 = arith.constant 256 : index
    %swap3A_30 = vector.load %arg11[%swap3A_28, %swap3A_29] : memref<2000x258xf32, #tpu.memory_space<vmem>>, vector<2000x1xf32>
    tpu.vector_store %arg11[%swap3A_28, %swap3A_29], %div3A_11 {strides = array<i32>} : memref<2000x258xf32, #tpu.memory_space<vmem>>, vector<2000x1xf32>,
    %swap3A_31 = arith.constant 0 : index
    %swap3A_32 = arith.constant 257 : index
    %swap3A_33 = vector.load %arg11[%swap3A_31, %swap3A_32] : memref<2000x258xf32, #tpu.memory_space<vmem>>, vector<2000x1xf32>
    tpu.vector_store %arg11[%swap3A_31, %swap3A_32], %reshape3A_16 {strides = array<i32>} : memref<2000x258xf32, #tpu.memory_space<vmem>>, vector<2000x1xf32>,
    %get3A_34 = arith.constant 0 : index
    %get3A_35 = arith.constant 0 : index
    %get3A_36 = vector.load %arg5[%get3A_34, %get3A_35] : memref<258x64xf32, #tpu.memory_space<vmem>>, vector<258x64xf32>
    %slice3A = vector.extract_strided_slice %get3A_36 {offsets = [0, 0], sizes = [64, 64], strides = [1, 1]} : vector<258x64xf32> to vector<64x64xf32>
    %dot_general3A = arith.constant dense<0.000000e+00> : vector<1x64xf32>
    %dot_general3A_37 = tpu.matmul %get3A_4, %slice3A, %dot_general3A {dimension_numbers = #tpu.dot_dimension_numbers<[1], [0], [0], [1], [0, 0, 1, 1], [], []>, transpose_lhs_hint = false} : vector<1x64xf32>, vector<64x64xf32>, vector<1x64xf32> -> vector<1x64xf32>
    %slice3A_38 = vector.extract_strided_slice %get3A_36 {offsets = [64, 0], sizes = [64, 64], strides = [1, 1]} : vector<258x64xf32> to vector<64x64xf32>
    %dot_general3A_39 = arith.constant dense<0.000000e+00> : vector<2000x64xf32>
    %dot_general3A_40 = tpu.matmul %get3A_1, %slice3A_38, %dot_general3A_39 {dimension_numbers = #tpu.dot_dimension_numbers<[1], [0], [0], [1], [0, 0, 1, 1], [], []>, transpose_lhs_hint = false} : vector<2000x64xf32>, vector<64x64xf32>, vector<2000x64xf32> -> vector<2000x64xf32>
    %add3A = vector.broadcast %dot_general3A_37 : vector<1x64xf32> to vector<2000x64xf32>
    %add3A_41 = arith.addf %add3A, %dot_general3A_40 : vector<2000x64xf32>
    %slice3A_42 = vector.extract_strided_slice %get3A_36 {offsets = [128, 0], sizes = [64, 64], strides = [1, 1]} : vector<258x64xf32> to vector<64x64xf32>
    %dot_general3A_43 = arith.constant dense<0.000000e+00> : vector<2000x64xf32>
    %dot_general3A_44 = tpu.matmul %abs3A, %slice3A_42, %dot_general3A_43 {dimension_numbers = #tpu.dot_dimension_numbers<[1], [0], [0], [1], [0, 0, 1, 1], [], []>, transpose_lhs_hint = false} : vector<2000x64xf32>, vector<64x64xf32>, vector<2000x64xf32> -> vector<2000x64xf32>
    %add3A_45 = arith.addf %add3A_41, %dot_general3A_44 : vector<2000x64xf32>
    %slice3A_46 = vector.extract_strided_slice %get3A_36 {offsets = [192, 0], sizes = [64, 64], strides = [1, 1]} : vector<258x64xf32> to vector<64x64xf32>
    %dot_general3A_47 = arith.constant dense<0.000000e+00> : vector<2000x64xf32>
    %dot_general3A_48 = tpu.matmul %mul3A, %slice3A_46, %dot_general3A_47 {dimension_numbers = #tpu.dot_dimension_numbers<[1], [0], [0], [1], [0, 0, 1, 1], [], []>, transpose_lhs_hint = false} : vector<2000x64xf32>, vector<64x64xf32>, vector<2000x64xf32> -> vector<2000x64xf32>
    %add3A_49 = arith.addf %add3A_45, %dot_general3A_48 : vector<2000x64xf32>
    %slice3A_50 = vector.extract_strided_slice %get3A_36 {offsets = [256, 0], sizes = [1, 64], strides = [1, 1]} : vector<258x64xf32> to vector<1x64xf32>
    %mul3A_51 = vector.broadcast %div3A_11 : vector<2000x1xf32> to vector<2000x64xf32>
    %mul3A_52 = vector.broadcast %slice3A_50 : vector<1x64xf32> to vector<2000x64xf32>
    %mul3A_53 = arith.mulf %mul3A_51, %mul3A_52 : vector<2000x64xf32>
    %add3A_54 = arith.addf %add3A_49, %mul3A_53 : vector<2000x64xf32>
    %slice3A_55 = vector.extract_strided_slice %get3A_36 {offsets = [257, 0], sizes = [1, 64], strides = [1, 1]} : vector<258x64xf32> to vector<1x64xf32>
    %mul3A_56 = vector.broadcast %reshape3A_16 : vector<2000x1xf32> to vector<2000x64xf32>
    %mul3A_57 = vector.broadcast %slice3A_55 : vector<1x64xf32> to vector<2000x64xf32>
    %mul3A_58 = arith.mulf %mul3A_56, %mul3A_57 : vector<2000x64xf32>
    %add3A_59 = arith.addf %add3A_54, %mul3A_58 : vector<2000x64xf32>
    %get3A_60 = arith.constant 0 : index
    %get3A_61 = arith.constant 0 : index
    %get3A_62 = vector.load %arg6[%get3A_60, %get3A_61] : memref<1x64xf32, #tpu.memory_space<vmem>>, vector<1x64xf32>
    %add3A_63 = vector.broadcast %get3A_62 : vector<1x64xf32> to vector<2000x64xf32>
    %add3A_64 = arith.addf %add3A_59, %add3A_63 : vector<2000x64xf32>
    %gt3A = arith.constant 0.000000e+00 : f32
    %gt3A_65 = vector.broadcast %gt3A : f32 to vector<2000x64xf32>
    %gt3A_66 = arith.cmpf ogt, %add3A_64, %gt3A_65 : vector<2000x64xf32>
    %exp3A = math.exp %add3A_64 : vector<2000x64xf32>
    %sub3A_67 = arith.constant 1.000000e+00 : f32
    %sub3A_68 = vector.broadcast %sub3A_67 : f32 to vector<2000x64xf32>
    %sub3A_69 = arith.subf %exp3A, %sub3A_68 : vector<2000x64xf32>
    %select_n3A = arith.select %gt3A_66, %add3A_64, %sub3A_69 : vector<2000x64xi1>, vector<2000x64xf32>
    %get3A_70 = arith.constant 0 : index
    %get3A_71 = arith.constant 0 : index
    %get3A_72 = vector.load %arg7[%get3A_70, %get3A_71] : memref<64x64xf32, #tpu.memory_space<vmem>>, vector<64x64xf32>
    %dot_general3A_73 = arith.constant dense<0.000000e+00> : vector<2000x64xf32>
    %dot_general3A_74 = tpu.matmul %select_n3A, %get3A_72, %dot_general3A_73 {dimension_numbers = #tpu.dot_dimension_numbers<[1], [0], [0], [1], [0, 0, 1, 1], [], []>, transpose_lhs_hint = false} : vector<2000x64xf32>, vector<64x64xf32>, vector<2000x64xf32> -> vector<2000x64xf32>
    %get3A_75 = arith.constant 0 : index
    %get3A_76 = arith.constant 0 : index
    %get3A_77 = vector.load %arg8[%get3A_75, %get3A_76] : memref<1x64xf32, #tpu.memory_space<vmem>>, vector<1x64xf32>
    %add3A_78 = vector.broadcast %get3A_77 : vector<1x64xf32> to vector<2000x64xf32>
    %add3A_79 = arith.addf %dot_general3A_74, %add3A_78 : vector<2000x64xf32>
    %gt3A_80 = arith.constant 0.000000e+00 : f32
    %gt3A_81 = vector.broadcast %gt3A_80 : f32 to vector<2000x64xf32>
    %gt3A_82 = arith.cmpf ogt, %add3A_79, %gt3A_81 : vector<2000x64xf32>
    %exp3A_83 = math.exp %add3A_79 : vector<2000x64xf32>
    %sub3A_84 = arith.constant 1.000000e+00 : f32
    %sub3A_85 = vector.broadcast %sub3A_84 : f32 to vector<2000x64xf32>
    %sub3A_86 = arith.subf %exp3A_83, %sub3A_85 : vector<2000x64xf32>
    %select_n3A_87 = arith.select %gt3A_82, %add3A_79, %sub3A_86 : vector<2000x64xi1>, vector<2000x64xf32>
    %get3A_88 = arith.constant 0 : index
    %get3A_89 = arith.constant 0 : index
    %get3A_90 = vector.load %arg9[%get3A_88, %get3A_89] : memref<64x1xf32, #tpu.memory_space<vmem>>, vector<64x1xf32>
    %dot_general3A_91 = arith.constant dense<0.000000e+00> : vector<2000x1xf32>
    %dot_general3A_92 = tpu.matmul %select_n3A_87, %get3A_90, %dot_general3A_91 {dimension_numbers = #tpu.dot_dimension_numbers<[1], [0], [0], [1], [0, 0, 1, 1], [], []>, transpose_lhs_hint = false} : vector<2000x64xf32>, vector<64x1xf32>, vector<2000x1xf32> -> vector<2000x1xf32>
    %get3A_93 = arith.constant 0 : index
    %get3A_94 = arith.constant 0 : index
    %get3A_95 = vector.load %arg10[%get3A_93, %get3A_94] : memref<1x1xf32, #tpu.memory_space<vmem>>, vector<1x1xf32>
    %add3A_96 = vector.broadcast %get3A_95 : vector<1x1xf32> to vector<2000x1xf32>
    %add3A_97 = arith.addf %dot_general3A_92, %add3A_96 : vector<2000x1xf32>
    %reshape3A_98 = vector.shape_cast %add3A_97 : vector<2000x1xf32> to vector<1x1x2000xf32>
    %swap3A_99 = arith.constant 0 : index
    %swap3A_100 = arith.constant 0 : index
    %swap3A_101 = arith.constant 0 : index
    %swap3A_102 = vector.load %arg12[%swap3A_99, %swap3A_100, %swap3A_101] : memref<1x1x2000xf32, #tpu.memory_space<vmem>>, vector<1x1x2000xf32>
    tpu.vector_store %arg12[%swap3A_99, %swap3A_100, %swap3A_101], %reshape3A_98 {strides = array<i32>} : memref<1x1x2000xf32, #tpu.memory_space<vmem>>, vector<1x1x2000xf32>,
    return
  }
  func.func @transform_0(%arg0: i32) -> (i32, i32) {
    %c0_i32 = arith.constant 0 : i32
    %c0_i32_0 = arith.constant 0 : i32
    return %arg0, %c0_i32 : i32, i32
  }
  func.func @transform_1(%arg0: i32) -> (i32, i32, i32) {
    %c0_i32 = arith.constant 0 : i32
    %c0_i32_0 = arith.constant 0 : i32
    %c0_i32_1 = arith.constant 0 : i32
    return %arg0, %c0_i32, %c0_i32_0 : i32, i32, i32
  }
  func.func @transform_2(%arg0: i32) -> (i32, i32, i32) {
    %c0_i32 = arith.constant 0 : i32
    %c0_i32_0 = arith.constant 0 : i32
    %c0_i32_1 = arith.constant 0 : i32
    return %arg0, %c0_i32, %c0_i32_0 : i32, i32, i32
  }
  func.func @transform_3(%arg0: i32) -> (i32, i32) {
    %c0_i32 = arith.constant 0 : i32
    %c0_i32_0 = arith.constant 0 : i32
    %c0_i32_1 = arith.constant 0 : i32
    return %c0_i32, %c0_i32_0 : i32, i32
  }
  func.func @transform_4(%arg0: i32) -> (i32, i32) {
    %c0_i32 = arith.constant 0 : i32
    %c0_i32_0 = arith.constant 0 : i32
    %c0_i32_1 = arith.constant 0 : i32
    return %c0_i32, %c0_i32_0 : i32, i32
  }
  func.func @transform_5(%arg0: i32) -> (i32, i32) {
    %c0_i32 = arith.constant 0 : i32
    %c0_i32_0 = arith.constant 0 : i32
    %c0_i32_1 = arith.constant 0 : i32
    return %c0_i32, %c0_i32_0 : i32, i32
  }
  func.func @transform_6(%arg0: i32) -> (i32, i32) {
    %c0_i32 = arith.constant 0 : i32
    %c0_i32_0 = arith.constant 0 : i32
    %c0_i32_1 = arith.constant 0 : i32
    return %c0_i32, %c0_i32_0 : i32, i32
  }
  func.func @transform_7(%arg0: i32) -> (i32, i32) {
    %c0_i32 = arith.constant 0 : i32
    %c0_i32_0 = arith.constant 0 : i32
    %c0_i32_1 = arith.constant 0 : i32
    return %c0_i32, %c0_i32_0 : i32, i32
  }
  func.func @transform_8(%arg0: i32) -> (i32, i32) {
    %c0_i32 = arith.constant 0 : i32
    %c0_i32_0 = arith.constant 0 : i32
    %c0_i32_1 = arith.constant 0 : i32
    return %c0_i32, %c0_i32_0 : i32, i32
  }
  func.func @transform_9(%arg0: i32) -> (i32, i32) {
    %c0_i32 = arith.constant 0 : i32
    %c0_i32_0 = arith.constant 0 : i32
    %c0_i32_1 = arith.constant 0 : i32
    return %c0_i32, %c0_i32_0 : i32, i32
  }
  func.func @transform_10(%arg0: i32) -> (i32, i32) {
    %c0_i32 = arith.constant 0 : i32
    %c0_i32_0 = arith.constant 0 : i32
    return %arg0, %c0_i32 : i32, i32
  }
  func.func @transform_11(%arg0: i32) -> (i32, i32, i32) {
    %c0_i32 = arith.constant 0 : i32
    %c0_i32_0 = arith.constant 0 : i32
    %c0_i32_1 = arith.constant 0 : i32
    return %arg0, %c0_i32, %c0_i32_0 : i32, i32, i32
  }
}

module attributes {stable_mosaic.version = 14 : i64} {
  func.func @_softmax_body(%arg0: i32, %arg1: memref<50x1x2000xf32, #tpu.memory_space<vmem>>, %arg2: memref<50x1x2000xf32, #tpu.memory_space<vmem>>) attributes {dimension_semantics = [#tpu.dimension_semantics<arbitrary>], iteration_bounds = array<i64: 1>, scalar_prefetch = 0 : i64, scratch_operands = 0 : i64, tpu.core_type = #tpu.core_type<tc>, window_params = [{pipeline_mode = #tpu.pipeline_mode<synchronous>, transform_indices = @transform_0, window_bounds = array<i64: 50, 1, 2000>}, {pipeline_mode = #tpu.pipeline_mode<synchronous>, transform_indices = @transform_1, window_bounds = array<i64: 50, 1, 2000>}]} {
    %get3A = arith.constant 0 : index
    %get3A_0 = arith.constant 0 : index
    %get3A_1 = arith.constant 0 : index
    %get3A_2 = vector.load %arg1[%get3A, %get3A_0, %get3A_1] : memref<50x1x2000xf32, #tpu.memory_space<vmem>>, vector<50x1x2000xf32>
    %reduce_max3A = vector.shape_cast %get3A_2 : vector<50x1x2000xf32> to vector<1x50x1x2000xf32>
    %reduce_max3A_3 = arith.constant dense<0xFF800000> : vector<1xf32>
    %reduce_max3A_4 = vector.multi_reduction <maximumf>, %reduce_max3A, %reduce_max3A_3 [1, 2, 3] : vector<1x50x1x2000xf32> to vector<1xf32>
    %reduce_max3A_5 = vector.shape_cast %reduce_max3A_4 : vector<1xf32> to vector<1x1x1x1xf32>
    %reduce_max3A_6 = vector.extract %reduce_max3A_5[0, 0, 0, 0] : f32 from vector<1x1x1x1xf32>
    %sub3A = vector.broadcast %reduce_max3A_6 : f32 to vector<50x1x2000xf32>
    %sub3A_7 = arith.subf %get3A_2, %sub3A : vector<50x1x2000xf32>
    %exp3A = math.exp %sub3A_7 : vector<50x1x2000xf32>
    %reduce_sum3A = vector.shape_cast %exp3A : vector<50x1x2000xf32> to vector<1x50x1x2000xf32>
    %reduce_sum3A_8 = arith.constant dense<0.000000e+00> : vector<1xf32>
    %reduce_sum3A_9 = vector.multi_reduction <add>, %reduce_sum3A, %reduce_sum3A_8 [1, 2, 3] : vector<1x50x1x2000xf32> to vector<1xf32>
    %reduce_sum3A_10 = vector.shape_cast %reduce_sum3A_9 : vector<1xf32> to vector<1x1x1x1xf32>
    %reduce_sum3A_11 = vector.extract %reduce_sum3A_10[0, 0, 0, 0] : f32 from vector<1x1x1x1xf32>
    %div3A = vector.broadcast %reduce_sum3A_11 : f32 to vector<50x1x2000xf32>
    %div3A_12 = arith.divf %exp3A, %div3A : vector<50x1x2000xf32>
    %swap3A = arith.constant 0 : index
    %swap3A_13 = arith.constant 0 : index
    %swap3A_14 = arith.constant 0 : index
    %swap3A_15 = vector.load %arg2[%swap3A, %swap3A_13, %swap3A_14] : memref<50x1x2000xf32, #tpu.memory_space<vmem>>, vector<50x1x2000xf32>
    tpu.vector_store %arg2[%swap3A, %swap3A_13, %swap3A_14], %div3A_12 {strides = array<i32>} : memref<50x1x2000xf32, #tpu.memory_space<vmem>>, vector<50x1x2000xf32>,
    return
  }
  func.func @transform_0(%arg0: i32) -> (i32, i32, i32) {
    %c0_i32 = arith.constant 0 : i32
    %c0_i32_0 = arith.constant 0 : i32
    %c0_i32_1 = arith.constant 0 : i32
    %c0_i32_2 = arith.constant 0 : i32
    return %c0_i32, %c0_i32_0, %c0_i32_1 : i32, i32, i32
  }
  func.func @transform_1(%arg0: i32) -> (i32, i32, i32) {
    %c0_i32 = arith.constant 0 : i32
    %c0_i32_0 = arith.constant 0 : i32
    %c0_i32_1 = arith.constant 0 : i32
    %c0_i32_2 = arith.constant 0 : i32
    return %c0_i32, %c0_i32_0, %c0_i32_1 : i32, i32, i32
  }
}

</mosaic_0001>

<sc_bundles>
// kernel: kernel.10.cloned.1.call-start
scs
__scs_entry_jumppad:
0x0: {  	(pc) =	sbr.rel $0x88, $3  }
0x1: {  	(tag) =	ssettag $0x0;
	lr =	simm.s32 $0x1  }
0x2: {  	[smem:$0x3F91] =	sst lr;
	_ =	strace $0xD0000000  }
0x3: {  	_ = 	snop  }
0x4: {  	_ = 	snop  }
0x5: {  	_ = 	snop  }
0x6: {  	_ = 	snop  }
0x7: {  	_ = 	snop  }
__scs_overlays_trampoline_lowered:
0x8: {  	[smem:$0x3FA0] =	sst s0  }
0x9: {  	[smem:$0x3FA1] =	sst s1  }
0xa: {  	[smem:$0x3FA2] =	sst s2  }
0xb: {  	[smem:$0x3FA3] =	sst s3  }
0xc: {  	[smem:$0x3FA4] =	sst s4  }
0xd: {  	[smem:$0x3FA5] =	sst s5  }
0xe: {  	[smem:$0x3FA6] =	sst s6  }
0xf: {  	[smem:$0x3FA7] =	sst s7  }
0x10: {  	[smem:$0x3FA8] =	sst s8  }
0x11: {  	[smem:$0x3FA9] =	sst s9;
	s0 =	simm.s32 @!p0 $0x0  }
0x12: {  	s1 =	sld [smem:$0x3F8F];
	s0 =	simm.s32 @p0 $0x1  }
0x13: {  	[smem:$0x3FAA] =	sst s0;
	s0 =	simm.s32 @!p1 $0x0  }
0x14: {  	s2 =	sld [smem:$0x3F8E];
	s0 =	simm.s32 @p1 $0x1  }
0x15: {  	[smem:$0x3FAB] =	sst s0;
	s0 =	simm.s32 @!p2 $0x0  }
0x16: {  	s3 =	sld [smem:$0x3FDB];
	s0 =	simm.s32 @p2 $0x1  }
0x17: {  	s4 =	simm.s32 $0x1BF5;
	[smem:$0x3FAD] =	sst s0  }
0x18: {  	s0 =	sld [smem:$0x3F90];
	_ =	swait.ge [sflag:s4], $0x0  }
0x19: {  	s7 =	sld [smem:$0x3F91]  }
0x1a: {  	s8 =	sadd.s32 $0xFFFFE003, lr  }
0x1b: {  	s9 =	sadd.s32 $0xFFFFFEF7, lr;
	s5 =	simm.s32 $0xFFFFFFFF;
	p2 =	slt.u32 s8, $0xFFFFF086  }
0x1c: {  	p1 =	slt.u32 s9, $0xF7A;
	s5 =	simm.s32 @!p2 $0x0  }
0x1d: {  	s5 =	simm.s32 @p1 $0x1;
	p0 =	seq.s32 s7, s2  }
0x1e: {  	s7 =	smul.u32 @!p0 $0xF7A, s2;
	p2 =	seq.s32 @!p0 s5, $0x0  }
0x1f: {  	s9 =	smul.u32 $0xF7A, s1;
	s8 =	simm.s32 @!p0 $0x1BF5;
	p2 =	por !p2, p0  }
0x20: {  	[sflag:s8] =	ssyncset.s32 @!p0 $0xFFFFF086;
	s6 =	sadd.s32 @!p0 s3, s7;
	s7 =	simm.s32 @!p0 $0x108  }
0x21: {  	s3 =	sadd.s32 s3, s9;
	s6 =	sadd.s32 @!p0 $0x88, s6;
	s7 =	simm.s32 @p2 $0x1082  }
0x22: {  	[simem:s7], [sflag:s8] =	dma.local @!p0 [hbm:s6], $0xF7A  }
0x23: {  	s9 =	sor.u32 $0xD0000000, s2;
	s6 =	simm.s32 $0x108;
	_ =	swait.ge @!p0 [sflag:s8], $0x0  }
0x24: {  	s3 =	sadd.s32 $0x88, s3;
	s6 =	simm.s32 @!p1 $0x1082;
	[sflag:s4] =	ssyncset.s32 $0xFFFFF086  }
0x25: {  	[simem:s6], [sflag:s4] =	dma.local [hbm:s3], $0xF7A  }
0x26: {  	[smem:$0x3F91] =	sst s1;
	(tag) =	ssettag s2;
	_ =	strace s9  }
0x27: {  	s1 =	sld [smem:$0x3FA1]  }
0x28: {  	s2 =	sld [smem:$0x3FA2]  }
0x29: {  	s4 =	sld [smem:$0x3FA4]  }
0x2a: {  	p0 =	seq.s32 s5, $0x0;
	s5 =	sld [smem:$0x3FA5]  }
0x2b: {  	s6 =	sld [smem:$0x3FA6]  }
0x2c: {  	s7 =	sld [smem:$0x3FA7]  }
0x2d: {  	s3 =	simm.s32 $0x108;
	s8 =	sld [smem:$0x3FA8]  }
0x2e: {  	s3 =	simm.s32 @!p0 $0x1082;
	s9 =	sld [smem:$0x3FA9]  }
0x2f: {  	lr =	sadd.s32 s0, s3;
	s0 =	sld [smem:$0x3FA0]  }
0x30: {  	s3 =	sld [smem:$0x3FA3]  }
0x31: {  	[smem:$0x3FAC] =	sst s10  }
0x32: {  	s10 =	sld [smem:$0x3FAA];
	_ =	sdelay $0x3  }
0x33: {  	p0 =	seq.s32 s10, $0x1;
	s10 =	sld [smem:$0x3FAC];
	_ =	sdelay $0x3  }
0x34: {  	[smem:$0x3FAC] =	sst s10  }
0x35: {  	s10 =	sld [smem:$0x3FAB];
	_ =	sdelay $0x3  }
0x36: {  	p1 =	seq.s32 s10, $0x1;
	s10 =	sld [smem:$0x3FAC];
	_ =	sdelay $0x3  }
0x37: {  	[smem:$0x3FAC] =	sst s10  }
0x38: {  	s10 =	sld [smem:$0x3FAD]  }
0x39: {  	_ = 	snop;
	(pc) =	sbr.ind lr, $3  }
0x3a: {  	_ = 	snop  }
0x3b: {  	_ = 	snop  }
0x3c: {  	p2 =	seq.s32 s10, $0x1;
	s10 =	sld [smem:$0x3FAC]  }
0x3d: {  	_ =	shalt  }
0x3e: {  	_ =	shalt  }
0x3f: {  	_ =	shalt  }
0x40: {  	_ =	shalt  }
0x41: {  	_ =	shalt  }
0x42: {  	_ =	shalt  }
0x43: {  	_ =	shalt  }
0x44: {  	_ =	shalt  }
0x45: {  	_ =	shalt  }
0x46: {  	_ =	shalt  }
0x47: {  	_ =	shalt  }
0x48: {  	_ =	shalt  }
0x49: {  	_ =	shalt  }
0x4a: {  	_ =	shalt  }
0x4b: {  	_ =	shalt  }
0x4c: {  	_ =	shalt  }
0x4d: {  	_ =	shalt  }
0x4e: {  	_ =	shalt  }
0x4f: {  	_ =	shalt  }
0x50: {  	_ =	shalt  }
0x51: {  	_ =	shalt  }
0x52: {  	_ =	shalt  }
0x53: {  	_ =	shalt  }
0x54: {  	_ =	shalt  }
0x55: {  	_ =	shalt  }
0x56: {  	_ =	shalt  }
0x57: {  	_ =	shalt  }
0x58: {  	_ =	shalt  }
0x59: {  	_ =	shalt  }
0x5a: {  	_ =	shalt  }
0x5b: {  	_ =	shalt  }
0x5c: {  	_ =	shalt  }
0x5d: {  	_ =	shalt  }
0x5e: {  	_ =	shalt  }
0x5f: {  	_ =	shalt  }
0x60: {  	_ =	shalt  }
0x61: {  	_ =	shalt  }
0x62: {  	_ =	shalt  }
0x63: {  	_ =	shalt  }
0x64: {  	_ =	shalt  }
0x65: {  	_ =	shalt  }
0x66: {  	_ =	shalt  }
0x67: {  	_ =	shalt  }
0x68: {  	_ =	shalt  }
0x69: {  	_ =	shalt  }
0x6a: {  	_ =	shalt  }
0x6b: {  	_ =	shalt  }
0x6c: {  	_ =	shalt  }
0x6d: {  	_ =	shalt  }
0x6e: {  	_ =	shalt  }
0x6f: {  	_ =	shalt  }
0x70: {  	_ =	shalt  }
0x71: {  	_ =	shalt  }
0x72: {  	_ =	shalt  }
0x73: {  	_ =	shalt  }
0x74: {  	_ =	shalt  }
0x75: {  	_ =	shalt  }
0x76: {  	_ =	shalt  }
0x77: {  	_ =	shalt  }
0x78: {  	_ =	shalt  }
0x79: {  	_ =	shalt  }
0x7a: {  	_ =	shalt  }
0x7b: {  	_ =	shalt  }
0x7c: {  	_ =	shalt  }
0x7d: {  	_ =	shalt  }
0x7e: {  	_ =	shalt  }
0x7f: {  	_ =	shalt  }
0x80: {  	_ =	shalt  }
0x81: {  	_ =	shalt  }
0x82: {  	_ =	shalt  }
0x83: {  	_ =	shalt  }
0x84: {  	_ =	shalt  }
0x85: {  	_ =	shalt  }
0x86: {  	_ =	shalt  }
0x87: {  	_ =	shalt  }
.Lfunc_end0:
.L_simem_size_0:
called_computation_lowered:
.L_overlay_start_0:
0x88: {  	s2 =	sld [smem:$0x3FD9]  }
0x89: {  	s3 =	sld [smem:$0x3FFE];
	_ =	sdelay $0x1  }
0x8a: {  	s1 =	srdreg.scid  }
0x8b: {  	s0 =	sand.u32 $0x1, s1  }
0x8c: {  	s14 =	sshll.u32 s0, $0xA;
	s2 =	sadd.s32 s3, s2  }
0x8d: {  	s2 =	sadd.s32 s2, s14  }
0x8e: {  	[smem:$0x3FB8] =	sst s2  }
0x8f: {  	_ = 	snop  }
0x90: {  	s2 =	sld [smem:$0x3FD0];
	_ =	sdelay $0x2  }
0x91: {  	s15 =	simm.s32 $0xA;
	s4 =	simm.s32 $0x10  }
0x92: {  	[smem:s4], [sflag:s15] =	dma.local [hbm:s2], $0x1  }
0x93: {  	_ =	swait.eq [sflag:s15], $0x1  }
0x94: {  	[sflag:s15] =	ssyncset.done $0x0  }
0x95: {  	s16 =	sld [smem:$0x12];
	[sflag:s15] =	ssyncadd.s32 $0xFFFFFFFF  }
0x96: {  	s17 =	sld [smem:$0x13];
	(tm) =	ssettm $0x1  }
0x97: {  	s18 =	sld [smem:$0x3FFB];
	_ =	sdelay $0x3  }
0x98: {  	_ =	strace s18  }
0x99: {  	s4 =	sld [smem:$0x3FFC];
	_ =	sdelay $0x3  }
0x9a: {  	_ =	strace s4  }
0x9b: {  	s4 =	sld [smem:$0x3FFD];
	_ =	sdelay $0x3  }
0x9c: {  	_ =	strace s4  }
0x9d: {  	_ =	strace $0x8FFFFFFF  }
0x9e: {  	s19 =	sld [smem:$0x3FDB];
	_ =	sdelay $0x1  }
0x9f: {  	s5 =	simm.s32 $_scs_section_size  }
0xa0: {  	s6 =	simm.s32 $_size__tile_overlayer_lowered;
	s7 =	simm.s32 $_tile_overlayer_lowered  }
0xa1: {  	s22 =	simm.s32 $0x1BFF;
	s21 =	sshll.u32 s7, $0x1;
	s4 =	sadd.s32 s5, s19  }
0xa2: {  	s8 =	simm.s32 $0x0;
	s20 =	sshll.u32 s6, $0x1;
	s6 =	sadd.s32 s21, s4  }
0xa3: {  	[timem:s8], [sflag:s22] =	dma.local [hbm:s6], s20  }
0xa4: {  	_ =	swait.ge [sflag:s22], s20  }
0xa5: {  	s5 =	ssub.s32 $0x0, s20;
	[sflag:s22] =	ssyncset.done $0x0  }
0xa6: {  	[sflag:s22] =	ssyncadd.s32 s5;
	_ =	sdelay $0x1  }
0xa7: {  	s23 =	simm.s32 $0x1B8B  }
0xa8: {  	_ =	swait.ge [sflag:s23], $0x1  }
0xa9: {  	[sflag:s23] =	ssyncset.done $0x0  }
0xaa: {  	s25 =	simm.s32 $0x1B8E;
	s24 =	sld [smem:$0x3FFE];
	[sflag:s23] =	ssyncadd.s32 $0xFFFFFFFF  }
0xab: {  	s26 =	simm.s32 $execute0_lowered;
	[smem:$0x3FD2] =	sst s25  }
0xac: {  	s6 =	sshll.u32 s26, $0x1;
	_ =	strace $0x80000046;
	[dreg:$0x1] =	wrdreg $0xFFFFFFFF  }
0xad: {  	s28 =	simm.s32 $_size_execute0_lowered;
	s4 =	sadd.s32 s4, s6;
	[dreg:$0x0] =	wrdreg $0x0  }
0xae: {  	s6 =	sshll.u32 s28, $0x1;
	[dreg:$0x2] =	wrdreg s4  }
0xaf: {  	[dreg:$0x3] =	wrdreg s6  }
0xb0: {  	[dreg:$0x4] =	wrdreg $0xC0  }
0xb1: {  	_ =	task [dreg:s8], $0x5FFFF  }
0xb2: {  	[dreg:$0x1] =	wrdreg $0xFFFFFFFF  }
0xb3: {  	[dreg:$0x0] =	wrdreg $0x60  }
0xb4: {  	[dreg:$0x2] =	wrdreg s16  }
0xb5: {  	[dreg:$0x3] =	wrdreg s17  }
0xb6: {  	[dreg:$0x4] =	wrdreg s24  }
0xb7: {  	[dreg:$0x5] =	wrdreg $0x9  }
0xb8: {  	_ =	task.clear_ibuf [dreg:s8], $0x6FFFF;
	_ =	strace $0x90000046  }
0xb9: {  	s29 =	simm.s32 $0x9;
	_ =	strace $0x80000048  }
0xba: {  	_ =	swait.ge [sflag:s29], $0x1  }
0xbb: {  	[sflag:s29] =	ssyncadd.s32 $0xFFFFFFFF  }
0xbc: {  	_ =	strace $0x90000048  }
0xbd: {  	_ =	sfence  }
0xbe: {  	s30 =	sld [smem:$0x0];
	_ =	sdelay $0x2  }
0xbf: {  	s31 =	sshll.u32 s1, $0xD;
	s1 =	sshrl.u32 s1, $0x2  }
0xc0: {  	s3 =	sand.u32 $0x4000, s31;
	s1 =	sadd.s32 s1, s30  }
0xc1: {  	s0 =	sor.u32 s3, s0;
	s1 =	sshll.u32 s1, $0x11  }
0xc2: {  	s0 =	sor.u32 s1, s0  }
0xc3: {  	s0 =	sadd.s32 $0x8F2B, s0  }
0xc4: {  	[sflag:s0] =	ssyncadd.remote.s32 $0x1  }
0xc5: {  	_ =	sfence.sel $0xFFFF  }
0xc6: {  	[dreg:$0x0] =	wrdreg $0xFFFFFFFF;
	(pc) =	sbr.abs _section_cstart, $3  }
0xc7: {  	[dreg:$0x1] =	wrdreg $0xFFFFFFFF  }
0xc8: {  	_ =	task.clear_ibuf [dreg:s8], $0x2FFFF;
	_ =	strace $0x9FFFFFFF  }
0xc9: {  	(tm) =	ssettm $0x7FFFFFFF  }
tec
execute0_lowered:
.L_overlay_start_1:
0x0: {  	(tag) =	ssettag $0x1  }
0x1: {  	s1 =	rddreg [dreg:$0x0];
	s0 =	srdreg.scid  }
0x2: {  	s3 =	stileid.u32;
	s2 =	rddreg [dreg:$0x1]  }
0x3: {  	s5 =	rddreg [dreg:$0x2];
	s12 =	simm.s32 $0x5;
	s13 =	simm.s32 $0x38  }
0x4: {  	s17 =	simm.s32 $0x78C0;
	s18 =	simm.s32 $0x94C0;
	s19 =	simm.s32 $0xB0C0  }
0x5: {  	s20 =	simm.s32 $0x1;
	s0 =	sand.u32 $0x1, s0;
	s3 =	sshll.u32 s3, $0x1  }
0x6: {  	s21 =	simm.s32 $0xCCC0;
	s22 =	simm.s32 $0x2;
	s4 =	sor.u32 s0, s3  }
0x7: {  	s23 =	simm.s32 $0xE8C0;
	s24 =	simm.s32 $0x3;
	s4 =	smul.u32 $0xC40, s4  }
0x8: {  	s25 =	simm.s32 $0x4;
	s26 =	simm.s32 $0x0;
	s5 =	sadd.s32 $0x188A00, s5  }
0x9: {  	s3 =	simm.s32 $0x0;
	s0 =	ssub.s32 $0x2, s0;
	s6 =	sshrl.u32 s4, $0x3  }
0xa: {  	[smem:$0x7FF] =	sst s3;
	s7 =	sshrl.u32 s0, $0x1;
	s6 =	sadd.s32 s2, s6  }
0xb: {  	_ =	strace $0x80000047;
	s0 =	ssub.s32 s0, s7;
	s2 =	sadd.s32 $0x3100, s6  }
0xc: {  	s9 =	smax.u32 s0, $0x1;
	s8 =	sadd.s32 $0x6200, s6;
	[dreg:$0x4] =	wrdreg s2  }
.LBB2_1:
0xd: {  	[tilespmem:s3], [sflag:$0x5] =	stream.linear.gather [hbm4b:s6+s3], $0xC40, $0x38;
	[tilespmem:$0x104C0] =	vst v63  }
0xe: {  	s0 =	rddreg [dreg:$0x4];
	s2 =	simm.s32 $0xC40  }
0xf: {  	[tilespmem:s2], [sflag:$0x5] =	stream.linear.gather [hbm4b:s0+s3], $0xC40, $0x38;
	[tilespmem:$0x104C0] =	vst v63  }
0x10: {  	s29 =	simm.s32 $0x1880  }
0x11: {  	[tilespmem:s29], [sflag:$0x5] =	stream.linear.gather [hbm4b:s8+s3], $0xC40, $0x38;
	[tilespmem:$0x104C0] =	vst v63  }
0x12: {  	_ =	swait.ge [sflag:s12], $0xC40  }
0x13: {  	[sflag:s12] =	ssyncset.done $0x0  }
0x14: {  	[sflag:s12] =	ssyncadd.s32 $0xFFFFF3C0  }
0x15: {  	_ =	swait.ge [sflag:s12], $0xC40  }
0x16: {  	[sflag:s12] =	ssyncset.done $0x0  }
0x17: {  	[sflag:s12] =	ssyncadd.s32 $0xFFFFF3C0  }
0x18: {  	_ =	swait.ge [sflag:s12], $0xC40  }
0x19: {  	[sflag:s12] =	ssyncset.done $0x0  }
0x1a: {  	s7 =	simm.s32 $0x24C0;
	[sflag:s12] =	ssyncadd.s32 $0xFFFFF3C0  }
0x1b: {  	[tilespmem:s7], [sflag:$0x1] =	stream.indirect.gather [hbm4b:s1+s13], $0x80, s3, s13, $0xb8;
	[tilespmem:$0x104C0] =	vst v63  }
0x1c: {  	s30 =	simm.s32 $0x40C0  }
0x1d: {  	[tilespmem:s30], [sflag:$0x1] =	stream.indirect.gather [hbm4b:s1+s13], $0x80, s2, s13, $0xb8;
	[tilespmem:$0x104C0] =	vst v63  }
0x1e: {  	s31 =	simm.s32 $0x5CC0;
	s28 =	simm.s32 $0x0  }
0x1f: {  	[tilespmem:s31], [sflag:$0x1] =	stream.indirect.gather [hbm4b:s1+s13], $0x80, s29, s13, $0xb8;
	[tilespmem:$0x104C0] =	vst v63  }
.LBB2_2:
0x20: {  	s30 =	smul.u32 $0x70, s28;
	_ =	sdelay $0x1  }
0x21: {  	s29 =	sadd.s32 $0x38, s30  }
0x22: {  	[tilespmem:s17], [sflag:$0x2] =	stream.indirect.gather [hbm4b:s1+s13], $0x80, s29, s13, $0xb8;
	[tilespmem:$0x104C0] =	vst v63  }
0x23: {  	s0 =	sadd.s32 $0xC78, s30  }
0x24: {  	[tilespmem:s18], [sflag:$0x2] =	stream.indirect.gather [hbm4b:s1+s13], $0x80, s0, s13, $0xb8;
	[tilespmem:$0x104C0] =	vst v63  }
0x25: {  	s16 =	sadd.s32 $0x18B8, s30  }
0x26: {  	[tilespmem:s19], [sflag:$0x2] =	stream.indirect.gather [hbm4b:s1+s13], $0x80, s16, s13, $0xb8;
	[tilespmem:$0x104C0] =	vst v63  }
0x27: {  	_ =	swait.ge [sflag:s20], $0x1C00  }
0x28: {  	[sflag:s20] =	ssyncset.done $0x0  }
0x29: {  	[sflag:s20] =	ssyncadd.s32 $0xFFFFE400  }
0x2a: {  	_ =	swait.ge [sflag:s20], $0x1C00  }
0x2b: {  	[sflag:s20] =	ssyncset.done $0x0  }
0x2c: {  	[sflag:s20] =	ssyncadd.s32 $0xFFFFE400  }
0x2d: {  	_ =	swait.ge [sflag:s20], $0x1C00  }
0x2e: {  	p0 =	seq.s32 s28, $0x0;
	[sflag:s20] =	ssyncset.done $0x0  }
0x2f: {  	s0 =	simm.s32 @!p0 $0x3;
	[sflag:s20] =	ssyncadd.s32 $0xFFFFE400  }
0x30: {  	_ =	swait.ge @!p0 [sflag:s0], $0x1C00  }
0x31: {  	[sflag:s0] =	ssyncset.done @!p0 $0x0  }
0x32: {  	s11 =	simm.s32 $0x25C0;
	[sflag:s0] =	ssyncadd.s32 @!p0 $0xFFFFE400  }
0x33: {  	s10 =	simm.s32 $0x41C0;
	v0 =	vld [tilespmem:s11+$0x80]  }
0x34: {  	s16 =	simm.s32 $0x5DC0;
	v1 =	vld [tilespmem:s10+$0x80]  }
0x35: {  	v2 =	vld [tilespmem:s16+$0x80]  }
0x36: {  	v3 =	vld [tilespmem:s10+$0xFFFFFF00]  }
0x37: {  	v4 =	vld [tilespmem:s11+$0xFFFFFF80]  }
0x38: {  	v5 =	vld [tilespmem:s11+$0xFFFFFF00]  }
0x39: {  	v6 =	vld [tilespmem:s16+$0xFFFFFF00];
	v0 =	vadd.f32 v1, v0  }
0x3a: {  	v7 =	vld [tilespmem:s16+$0xFFFFFF80]  }
0x3b: {  	s0 =	simm.s32 $0x27C0;
	v8 =	vld [tilespmem:s10+$0x0];
	v0 =	vadd.f32 v2, v0  }
0x3c: {  	s31 =	simm.s32 $0xCDC0;
	s14 =	simm.s32 $0x43C0;
	v12 =	vld [tilespmem:s0+$0x80]  }
0x3d: {  	v13 =	vld [tilespmem:s14+$0x80];
	[tilespmem:s31+$0x80] =	vst v0  }
0x3e: {  	v0 =	vld [tilespmem:s11+$0x90]  }
0x3f: {  	v1 =	vld [tilespmem:s10+$0x90]  }
0x40: {  	v14 =	vld [tilespmem:s14+$0xFFFFFF00]  }
0x41: {  	s15 =	simm.s32 $0x5FC0;
	v2 =	vld [tilespmem:s16+$0x90]  }
0x42: {  	v15 =	vld [tilespmem:s15+$0x80]  }
0x43: {  	v16 =	vld [tilespmem:s0+$0xFFFFFF80]  }
0x44: {  	v17 =	vld [tilespmem:s14+$0xFFFFFF80];
	v0 =	vadd.f32 v1, v0  }
0x45: {  	v18 =	vld [tilespmem:s0+$0x0]  }
0x46: {  	v1 =	vld [tilespmem:s10+$0xFFFFFF80];
	v0 =	vadd.f32 v2, v0  }
0x47: {  	v22 =	vld [tilespmem:s14+$0x0]  }
0x48: {  	v19 =	vld [tilespmem:s0+$0xFFFFFF00];
	[tilespmem:s31+$0x90] =	vst v0  }
0x49: {  	v0 =	vadd.f32 v3, v5;
	v3 =	vld [tilespmem:s11+$0xA0]  }
0x4a: {  	v5 =	vld [tilespmem:s10+$0xA0]  }
0x4b: {  	v2 =	vld [tilespmem:s11+$0x0];
	v1 =	vadd.f32 v1, v4;
	v0 =	vadd.f32 v6, v0  }
0x4c: {  	v4 =	vld [tilespmem:s16+$0xA0]  }
0x4d: {  	v6 =	vld [tilespmem:s16+$0x0];
	v1 =	vadd.f32 v7, v1;
	[tilespmem:s31+$0xFFFFFF00] =	vst v0  }
0x4e: {  	v0 =	vld [tilespmem:s11+$0xFFFFFF10]  }
0x4f: {  	[tilespmem:s31+$0xFFFFFF80] =	vst v1;
	v1 =	vld [tilespmem:s10+$0xFFFFFF10];
	v3 =	vadd.f32 v5, v3  }
0x50: {  	v5 =	vld [tilespmem:s11+$0xFFFFFF90]  }
0x51: {  	v7 =	vld [tilespmem:s10+$0xFFFFFF90];
	v3 =	vadd.f32 v4, v3  }
0x52: {  	v2 =	vadd.f32 v8, v2;
	v8 =	vld [tilespmem:s16+$0xFFFFFF90]  }
0x53: {  	v4 =	vld [tilespmem:s16+$0xFFFFFF10];
	[tilespmem:s31+$0xA0] =	vst v3  }
0x54: {  	v3 =	vld [tilespmem:s11+$0xB0]  }
0x55: {  	v2 =	vadd.f32 v6, v2;
	v6 =	vld [tilespmem:s10+$0xB0]  }
0x56: {  	v23 =	vld [tilespmem:s15+$0xFFFFFF00];
	v0 =	vadd.f32 v1, v0  }
0x57: {  	[tilespmem:s31+$0x0] =	vst v2;
	v1 =	vld [tilespmem:s16+$0xB0]  }
0x58: {  	v2 =	vld [tilespmem:s11+$0x10];
	v5 =	vadd.f32 v7, v5;
	v0 =	vadd.f32 v4, v0  }
0x59: {  	v7 =	vld [tilespmem:s16+$0x10]  }
0x5a: {  	v4 =	vld [tilespmem:s10+$0x10];
	v5 =	vadd.f32 v8, v5;
	[tilespmem:s31+$0xFFFFFF10] =	vst v0;
	v0 =	vadd.f32 v6, v3  }
0x5b: {  	v3 =	vld [tilespmem:s11+$0xFFFFFF20]  }
0x5c: {  	[tilespmem:s31+$0xFFFFFF90] =	vst v5;
	v5 =	vld [tilespmem:s10+$0xFFFFFF20];
	v0 =	vadd.f32 v1, v0  }
0x5d: {  	v6 =	vld [tilespmem:s16+$0xFFFFFF20]  }
0x5e: {  	v8 =	vld [tilespmem:s10+$0xFFFFFFA0];
	[tilespmem:s31+$0xB0] =	vst v0  }
0x5f: {  	v0 =	vld [tilespmem:s11+$0xC0]  }
0x60: {  	v2 =	vadd.f32 v4, v2;
	v4 =	vld [tilespmem:s10+$0xC0]  }
0x61: {  	v1 =	vld [tilespmem:s11+$0xFFFFFFA0]  }
0x62: {  	v2 =	vadd.f32 v7, v2;
	v7 =	vld [tilespmem:s16+$0xC0]  }
0x63: {  	v24 =	vld [tilespmem:s15+$0x0];
	v3 =	vadd.f32 v5, v3  }
0x64: {  	[tilespmem:s31+$0x10] =	vst v2;
	v2 =	vld [tilespmem:s16+$0xFFFFFFA0]  }
0x65: {  	v5 =	vld [tilespmem:s11+$0x20];
	v3 =	vadd.f32 v6, v3;
	v0 =	vadd.f32 v4, v0  }
0x66: {  	v4 =	vld [tilespmem:s10+$0x20]  }
0x67: {  	v1 =	vadd.f32 v8, v1;
	v6 =	vld [tilespmem:s16+$0x20];
	[tilespmem:s31+$0xFFFFFF20] =	vst v3;
	v0 =	vadd.f32 v7, v0  }
0x68: {  	v3 =	vld [tilespmem:s11+$0xFFFFFF30]  }
0x69: {  	v1 =	vadd.f32 v2, v1;
	v2 =	vld [tilespmem:s10+$0xFFFFFF30];
	[tilespmem:s31+$0xC0] =	vst v0  }
0x6a: {  	v0 =	vld [tilespmem:s11+$0xD0]  }
0x6b: {  	[tilespmem:s31+$0xFFFFFFA0] =	vst v1;
	v4 =	vadd.f32 v4, v5;
	v1 =	vld [tilespmem:s10+$0xD0]  }
0x6c: {  	v7 =	vld [tilespmem:s10+$0xFFFFFFB0]  }
0x6d: {  	v4 =	vadd.f32 v6, v4;
	v6 =	vld [tilespmem:s16+$0xD0]  }
0x6e: {  	v12 =	vadd.f32 v13, v12;
	v5 =	vld [tilespmem:s11+$0xFFFFFFB0]  }
0x6f: {  	v2 =	vadd.f32 v2, v3;
	v3 =	vld [tilespmem:s16+$0xFFFFFFB0]  }
0x70: {  	v12 =	vadd.f32 v15, v12;
	[tilespmem:s31+$0x20] =	vst v4;
	v4 =	vld [tilespmem:s16+$0xFFFFFF30];
	v0 =	vadd.f32 v1, v0  }
0x71: {  	s2 =	simm.s32 $0xCFC0;
	v8 =	vld [tilespmem:s11+$0x30]  }
0x72: {  	[tilespmem:s2+$0x80] =	vst v12;
	v1 =	vld [tilespmem:s10+$0x30];
	v0 =	vadd.f32 v6, v0  }
0x73: {  	v12 =	vld [tilespmem:s0+$0x90]  }
0x74: {  	v6 =	vld [tilespmem:s16+$0x30];
	[tilespmem:s31+$0xD0] =	vst v0  }
0x75: {  	v2 =	vadd.f32 v4, v2;
	v0 =	vadd.f32 v7, v5;
	v4 =	vld [tilespmem:s11+$0xE0]  }
0x76: {  	v5 =	vld [tilespmem:s16+$0xE0]  }
0x77: {  	v1 =	vadd.f32 v1, v8;
	[tilespmem:s31+$0xFFFFFF30] =	vst v2;
	v2 =	vld [tilespmem:s10+$0xE0];
	v0 =	vadd.f32 v3, v0  }
0x78: {  	v3 =	vld [tilespmem:s11+$0xFFFFFF40]  }
0x79: {  	v1 =	vadd.f32 v6, v1;
	[tilespmem:s31+$0xFFFFFFB0] =	vst v0;
	v0 =	vld [tilespmem:s10+$0xFFFFFF40]  }
0x7a: {  	v6 =	vld [tilespmem:s11+$0xFFFFFFC0]  }
0x7b: {  	[tilespmem:s31+$0x30] =	vst v1;
	v1 =	vld [tilespmem:s10+$0xFFFFFFC0]  }
0x7c: {  	v2 =	vadd.f32 v2, v4;
	v4 =	vld [tilespmem:s16+$0xFFFFFF40]  }
0x7d: {  	v7 =	vld [tilespmem:s11+$0x40]  }
0x7e: {  	v8 =	vld [tilespmem:s10+$0x40];
	v2 =	vadd.f32 v5, v2  }
0x7f: {  	v5 =	vld [tilespmem:s16+$0xFFFFFFC0];
	v3 =	vadd.f32 v0, v3  }
0x80: {  	v9 =	vld [tilespmem:s16+$0x40];
	[tilespmem:s31+$0xE0] =	vst v2  }
0x81: {  	v0 =	vld [tilespmem:s11+$0xF0];
	v3 =	vadd.f32 v4, v3  }
0x82: {  	v6 =	vadd.f32 v1, v6;
	v2 =	vld [tilespmem:s10+$0xF0]  }
0x83: {  	v4 =	vadd.f32 v8, v7;
	v1 =	vld [tilespmem:s16+$0xF0];
	[tilespmem:s31+$0xFFFFFF40] =	vst v3  }
0x84: {  	v5 =	vadd.f32 v5, v6;
	v3 =	vld [tilespmem:s11+$0xFFFFFF50]  }
0x85: {  	v4 =	vadd.f32 v9, v4;
	v9 =	vld [tilespmem:s16+$0xFFFFFF50]  }
0x86: {  	[tilespmem:s31+$0xFFFFFFC0] =	vst v5;
	v5 =	vld [tilespmem:s10+$0xFFFFFF50]  }
0x87: {  	v6 =	vld [tilespmem:s11+$0xFFFFFFD0]  }
0x88: {  	[tilespmem:s31+$0x40] =	vst v4;
	v7 =	vld [tilespmem:s10+$0xFFFFFFD0]  }
0x89: {  	v4 =	vld [tilespmem:s11+$0x50]  }
0x8a: {  	v10 =	vld [tilespmem:s16+$0xFFFFFFD0]  }
0x8b: {  	v8 =	vld [tilespmem:s10+$0x50];
	v3 =	vadd.f32 v5, v3  }
0x8c: {  	v11 =	vld [tilespmem:s16+$0x50]  }
0x8d: {  	v5 =	vld [tilespmem:s15+$0xFFFFFF80];
	v6 =	vadd.f32 v7, v6;
	v3 =	vadd.f32 v9, v3  }
0x8e: {  	v7 =	vld [tilespmem:s14+$0x90]  }
0x8f: {  	v9 =	vadd.f32 v14, v19;
	v6 =	vadd.f32 v10, v6;
	[tilespmem:s31+$0xFFFFFF50] =	vst v3;
	v3 =	vld [tilespmem:s15+$0x90]  }
0x90: {  	v25 =	vld [tilespmem:s11+$0xFFFFFF60]  }
0x91: {  	v10 =	vadd.f32 v17, v16;
	v9 =	vadd.f32 v23, v9;
	[tilespmem:s31+$0xFFFFFFD0] =	vst v6;
	v6 =	vld [tilespmem:s10+$0xFFFFFF60]  }
0x92: {  	v42 =	vld [tilespmem:s16+$0xFFFFFF60]  }
0x93: {  	v5 =	vadd.f32 v5, v10;
	[tilespmem:s2+$0xFFFFFF00] =	vst v9;
	v9 =	vld [tilespmem:s11+$0xFFFFFFE0]  }
0x94: {  	v7 =	vadd.f32 v7, v12;
	v10 =	vld [tilespmem:s0+$0xFFFFFF10]  }
0x95: {  	[tilespmem:s2+$0xFFFFFF80] =	vst v5;
	v5 =	vld [tilespmem:s14+$0xFFFFFF10]  }
0x96: {  	v4 =	vadd.f32 v8, v4;
	v31 =	vld [tilespmem:s15+$0xFFFFFF10];
	v3 =	vadd.f32 v3, v7  }
0x97: {  	v27 =	vld [tilespmem:s14+$0xFFFFFF90]  }
0x98: {  	v26 =	vadd.f32 v22, v18;
	v4 =	vadd.f32 v11, v4;
	v11 =	vld [tilespmem:s15+$0xFFFFFF90];
	[tilespmem:s2+$0x90] =	vst v3  }
0x99: {  	v3 =	vld [tilespmem:s0+$0xA0]  }
0x9a: {  	v12 =	vadd.f32 v24, v26;
	v28 =	vld [tilespmem:s14+$0xA0]  }
0x9b: {  	v7 =	vld [tilespmem:s0+$0xFFFFFF90]  }
0x9c: {  	[tilespmem:s2+$0x0] =	vst v12;
	v30 =	vld [tilespmem:s15+$0xA0]  }
0x9d: {  	v29 =	vld [tilespmem:s0+$0x10];
	v6 =	vadd.f32 v6, v25  }
0x9e: {  	[tilespmem:s31+$0x50] =	vst v4;
	v8 =	vld [tilespmem:s14+$0x10];
	v4 =	vadd.f32 v5, v10  }
0x9f: {  	v32 =	vld [tilespmem:s15+$0x10];
	v6 =	vadd.f32 v42, v6;
	v3 =	vadd.f32 v28, v3  }
0xa0: {  	v5 =	vld [tilespmem:s10+$0xFFFFFFE0];
	v4 =	vadd.f32 v31, v4  }
0xa1: {  	v10 =	vld [tilespmem:s11+$0x60];
	v7 =	vadd.f32 v27, v7;
	[tilespmem:s31+$0xFFFFFF60] =	vst v6;
	v3 =	vadd.f32 v30, v3  }
0xa2: {  	v6 =	vld [tilespmem:s16+$0x60];
	[tilespmem:s2+$0xFFFFFF10] =	vst v4  }
0xa3: {  	v7 =	vadd.f32 v11, v7;
	v11 =	vld [tilespmem:s0+$0xFFFFFF20];
	[tilespmem:s2+$0xA0] =	vst v3  }
0xa4: {  	v33 =	vld [tilespmem:s0+$0xB0]  }
0xa5: {  	v4 =	vld [tilespmem:s14+$0xB0]  }
0xa6: {  	v8 =	vadd.f32 v8, v29;
	v38 =	vld [tilespmem:s15+$0xFFFFFF20]  }
0xa7: {  	v34 =	vld [tilespmem:s15+$0xB0]  }
0xa8: {  	v8 =	vadd.f32 v32, v8;
	[tilespmem:s2+$0xFFFFFF90] =	vst v7;
	v7 =	vld [tilespmem:s14+$0xFFFFFF20]  }
0xa9: {  	v35 =	vld [tilespmem:s0+$0xFFFFFFA0]  }
0xaa: {  	[tilespmem:s2+$0x10] =	vst v8;
	v8 =	vld [tilespmem:s14+$0xFFFFFFA0];
	v4 =	vadd.f32 v4, v33  }
0xab: {  	v36 =	vld [tilespmem:s0+$0x20]  }
0xac: {  	v37 =	vld [tilespmem:s14+$0x20];
	v4 =	vadd.f32 v34, v4  }
0xad: {  	v39 =	vld [tilespmem:s15+$0xFFFFFFA0]  }
0xae: {  	v40 =	vld [tilespmem:s15+$0x20];
	v7 =	vadd.f32 v7, v11;
	[tilespmem:s2+$0xB0] =	vst v4  }
0xaf: {  	v4 =	vld [tilespmem:s0+$0xC0]  }
0xb0: {  	v7 =	vadd.f32 v38, v7;
	v11 =	vld [tilespmem:s14+$0xC0]  }
0xb1: {  	v3 =	vld [tilespmem:s10+$0x60];
	v8 =	vadd.f32 v8, v35  }
0xb2: {  	[tilespmem:s2+$0xFFFFFF20] =	vst v7;
	v7 =	vld [tilespmem:s16+$0xFFFFFFE0]  }
0xb3: {  	v13 =	vadd.f32 v37, v36;
	v8 =	vadd.f32 v39, v8;
	v41 =	vld [tilespmem:s15+$0xC0]  }
0xb4: {  	v43 =	vld [tilespmem:s0+$0xFFFFFF30]  }
0xb5: {  	[tilespmem:s2+$0xFFFFFFA0] =	vst v8;
	v8 =	vld [tilespmem:s14+$0xFFFFFF30];
	v4 =	vadd.f32 v11, v4;
	v11 =	vadd.f32 v40, v13  }
0xb6: {  	v49 =	vld [tilespmem:s15+$0xFFFFFF30]  }
0xb7: {  	v44 =	vld [tilespmem:s0+$0xFFFFFFB0];
	[tilespmem:s2+$0x20] =	vst v11  }
0xb8: {  	v4 =	vadd.f32 v41, v4;
	v11 =	vld [tilespmem:s0+$0x30]  }
0xb9: {  	v47 =	vld [tilespmem:s14+$0x30]  }
0xba: {  	v50 =	vld [tilespmem:s15+$0x30];
	[tilespmem:s2+$0xC0] =	vst v4  }
0xbb: {  	v3 =	vadd.f32 v3, v10;
	v4 =	vld [tilespmem:s0+$0xD0]  }
0xbc: {  	v46 =	vld [tilespmem:s14+$0xD0]  }
0xbd: {  	v3 =	vadd.f32 v6, v3;
	v45 =	vld [tilespmem:s14+$0xFFFFFFB0]  }
0xbe: {  	v5 =	vadd.f32 v5, v9;
	v48 =	vld [tilespmem:s15+$0xD0]  }
0xbf: {  	v9 =	vld [tilespmem:s15+$0xFFFFFFB0];
	[tilespmem:s31+$0x60] =	vst v3;
	v11 =	vadd.f32 v47, v11  }
0xc0: {  	v3 =	vld [tilespmem:s11+$0x70];
	v5 =	vadd.f32 v7, v5;
	v7 =	vadd.f32 v8, v43  }
0xc1: {  	v8 =	vld [tilespmem:s11+$0xFFFFFF70];
	v4 =	vadd.f32 v46, v4;
	v11 =	vadd.f32 v50, v11  }
0xc2: {  	[tilespmem:s31+$0xFFFFFFE0] =	vst v5;
	v5 =	vld [tilespmem:s10+$0xFFFFFF70]  }
0xc3: {  	v51 =	vld [tilespmem:s11+$0xFFFFFFF0];
	v4 =	vadd.f32 v48, v4;
	[tilespmem:s2+$0x30] =	vst v11  }
0xc4: {  	v55 =	vld [tilespmem:s0+$0x40]  }
0xc5: {  	v7 =	vadd.f32 v49, v7;
	v56 =	vld [tilespmem:s14+$0x40];
	[tilespmem:s2+$0xD0] =	vst v4  }
0xc6: {  	v52 =	vld [tilespmem:s0+$0xE0]  }
0xc7: {  	[tilespmem:s2+$0xFFFFFF30] =	vst v7;
	v7 =	vld [tilespmem:s14+$0xE0]  }
0xc8: {  	v6 =	vld [tilespmem:s15+$0x40];
	v4 =	vadd.f32 v45, v44  }
0xc9: {  	v53 =	vld [tilespmem:s15+$0xE0]  }
0xca: {  	v57 =	vld [tilespmem:s15+$0xFFFFFF40];
	v4 =	vadd.f32 v9, v4  }
0xcb: {  	v9 =	vld [tilespmem:s0+$0xFFFFFF40];
	v12 =	vadd.f32 v56, v55  }
0xcc: {  	[tilespmem:s2+$0xFFFFFFB0] =	vst v4;
	v4 =	vld [tilespmem:s14+$0xFFFFFF40];
	v7 =	vadd.f32 v7, v52  }
0xcd: {  	v54 =	vld [tilespmem:s0+$0xFFFFFFC0];
	v6 =	vadd.f32 v6, v12  }
0xce: {  	v11 =	vld [tilespmem:s14+$0xFFFFFFC0];
	v7 =	vadd.f32 v53, v7  }
0xcf: {  	v59 =	vld [tilespmem:s10+$0xFFFFFFF0];
	[tilespmem:s2+$0x40] =	vst v6  }
0xd0: {  	[tilespmem:s2+$0xE0] =	vst v7;
	v7 =	vld [tilespmem:s15+$0xFFFFFFC0]  }
0xd1: {  	v4 =	vadd.f32 v4, v9;
	v6 =	vld [tilespmem:s0+$0x50]  }
0xd2: {  	v62 =	vld [tilespmem:s14+$0x50]  }
0xd3: {  	v11 =	vadd.f32 v11, v54;
	v10 =	vld [tilespmem:s0+$0xF0];
	v4 =	vadd.f32 v57, v4  }
0xd4: {  	v9 =	vld [tilespmem:s14+$0xF0]  }
0xd5: {  	v58 =	vld [tilespmem:s15+$0xF0];
	[tilespmem:s2+$0xFFFFFF40] =	vst v4;
	v7 =	vadd.f32 v7, v11  }
0xd6: {  	v4 =	vld [tilespmem:s0+$0xFFFFFF50]  }
0xd7: {  	v11 =	vld [tilespmem:s14+$0xFFFFFF50];
	[tilespmem:s2+$0xFFFFFFC0] =	vst v7  }
0xd8: {  	v60 =	vld [tilespmem:s0+$0xFFFFFFD0]  }
0xd9: {  	v61 =	vld [tilespmem:s14+$0xFFFFFFD0]  }
0xda: {  	v0 =	vadd.f32 v2, v0;
	v63 =	vld [tilespmem:s15+$0xFFFFFF50]  }
0xdb: {  	v2 =	vadd.f32 v9, v10;
	v9 =	vld [tilespmem:s15+$0xFFFFFFD0]  }
0xdc: {  	v1 =	vadd.f32 v1, v0;
	v7 =	vld [tilespmem:s15+$0x50]  }
0xdd: {  	v10 =	vadd.f32 v58, v2;
	v2 =	vld [tilespmem:s10+$0x70];
	v11 =	vadd.f32 v11, v4  }
0xde: {  	v0 =	vadd.f32 v5, v8;
	v4 =	vld [tilespmem:s16+$0xFFFFFF70];
	v12 =	vadd.f32 v61, v60  }
0xdf: {  	s7 =	simm.s32 $0x29C0;
	v5 =	vld [tilespmem:s16+$0xFFFFFFF0];
	v8 =	vadd.f32 v62, v6;
	[tilespmem:s2+$0xF0] =	vst v10;
	v10 =	vadd.f32 v63, v11  }
0xe0: {  	[tilespmem:s31+$0xF0] =	vst v1;
	s11 =	simm.s32 $0x4;
	v1 =	vadd.f32 v59, v51;
	v6 =	vld [tilespmem:s16+$0x70];
	s10 =	simm.s32 $0x43C0;
	s16 =	simm.s32 $0x5FC0;
	v9 =	vadd.f32 v9, v12  }
.LBB2_3:
0xe1: {  	v11 =	vld [tilespmem:s7+$0x80];
	[tilespmem:s2+$0xFFFFFF50] =	vst v10;
	v7 =	vadd.f32 v7, v8;
	s14 =	sadd.s32 $0x200, s14  }
0xe2: {  	v8 =	vld [tilespmem:s14+$0x80];
	[tilespmem:s2+$0xFFFFFFD0] =	vst v9;
	v2 =	vadd.f32 v2, v3  }
0xe3: {  	s15 =	sadd.s32 $0x200, s15;
	v3 =	vld [tilespmem:s14+$0xFFFFFF00];
	[tilespmem:s2+$0x50] =	vst v7;
	v0 =	vadd.f32 v4, v0  }
0xe4: {  	v4 =	vld [tilespmem:s15+$0x80];
	v1 =	vadd.f32 v5, v1  }
0xe5: {  	v5 =	vld [tilespmem:s7+$0xFFFFFF80];
	[tilespmem:s31+$0xFFFFFF70] =	vst v0;
	v0 =	vadd.f32 v6, v2  }
0xe6: {  	v2 =	vld [tilespmem:s14+$0xFFFFFF80];
	[tilespmem:s31+$0xFFFFFFF0] =	vst v1  }
0xe7: {  	v1 =	vld [tilespmem:s7+$0x0];
	v6 =	vadd.f32 v8, v11;
	[tilespmem:s31+$0x70] =	vst v0;
	s31 =	smov.u32 s2  }
0xe8: {  	v0 =	vld [tilespmem:s14+$0x0]  }
0xe9: {  	s11 =	sadd.s32 $0x4, s11;
	v7 =	vld [tilespmem:s7+$0xFFFFFF00];
	v4 =	vadd.f32 v4, v6  }
0xea: {  	p1 =	slt.u32 s11, $0x34;
	s2 =	sadd.s32 $0x200, s2;
	v6 =	vld [tilespmem:s15+$0xFFFFFF00]  }
0xeb: {  	v2 =	vadd.f32 v2, v5;
	v5 =	vld [tilespmem:s15+$0xFFFFFF80];
	[tilespmem:s2+$0x80] =	vst v4  }
0xec: {  	v4 =	vld [tilespmem:s7+$0x90]  }
0xed: {  	v0 =	vadd.f32 v0, v1;
	v1 =	vld [tilespmem:s14+$0x90]  }
0xee: {  	v3 =	vadd.f32 v3, v7;
	v7 =	vld [tilespmem:s15+$0x0]  }
0xef: {  	v8 =	vld [tilespmem:s15+$0x90]  }
0xf0: {  	v3 =	vadd.f32 v6, v3;
	v2 =	vadd.f32 v5, v2;
	v5 =	vld [tilespmem:s0+$0xFFFFFF60]  }
0xf1: {  	v6 =	vld [tilespmem:s10+$0xFFFFFF60]  }
0xf2: {  	[tilespmem:s2+$0xFFFFFF00] =	vst v3;
	v1 =	vadd.f32 v1, v4;
	v3 =	vld [tilespmem:s0+$0xFFFFFFE0]  }
0xf3: {  	v4 =	vld [tilespmem:s7+$0xFFFFFF10];
	[tilespmem:s2+$0xFFFFFF80] =	vst v2;
	v0 =	vadd.f32 v7, v0  }
0xf4: {  	v2 =	vld [tilespmem:s14+$0xFFFFFF10];
	v1 =	vadd.f32 v8, v1  }
0xf5: {  	v7 =	vld [tilespmem:s7+$0xFFFFFF90];
	[tilespmem:s2+$0x0] =	vst v0  }
0xf6: {  	v0 =	vld [tilespmem:s14+$0xFFFFFF90];
	[tilespmem:s2+$0x90] =	vst v1;
	v1 =	vadd.f32 v6, v5  }
0xf7: {  	v5 =	vld [tilespmem:s7+$0xA0]  }
0xf8: {  	v6 =	vld [tilespmem:s14+$0xA0]  }
0xf9: {  	v2 =	vadd.f32 v2, v4;
	v4 =	vld [tilespmem:s7+$0x10]  }
0xfa: {  	v8 =	vld [tilespmem:s15+$0xA0]  }
0xfb: {  	v0 =	vadd.f32 v0, v7;
	v7 =	vld [tilespmem:s14+$0x10]  }
0xfc: {  	v9 =	vld [tilespmem:s15+$0xFFFFFF10]  }
0xfd: {  	v10 =	vld [tilespmem:s15+$0xFFFFFF90];
	v5 =	vadd.f32 v6, v5  }
0xfe: {  	v6 =	vld [tilespmem:s15+$0x10]  }
0xff: {  	v5 =	vadd.f32 v8, v5;
	v8 =	vld [tilespmem:s10+$0xFFFFFFE0]  }
0x100: {  	v4 =	vadd.f32 v7, v4;
	v7 =	vld [tilespmem:s0+$0x60]  }
0x101: {  	v2 =	vadd.f32 v9, v2;
	[tilespmem:s2+$0xA0] =	vst v5;
	v5 =	vld [tilespmem:s10+$0x60]  }
0x102: {  	v0 =	vadd.f32 v10, v0;
	v9 =	vld [tilespmem:s7+$0xB0]  }
0x103: {  	[tilespmem:s2+$0xFFFFFF10] =	vst v2;
	v2 =	vadd.f32 v6, v4;
	v4 =	vld [tilespmem:s14+$0xB0]  }
0x104: {  	v6 =	vld [tilespmem:s7+$0xFFFFFF20];
	[tilespmem:s2+$0xFFFFFF90] =	vst v0;
	v0 =	vadd.f32 v8, v3  }
0x105: {  	[tilespmem:s2+$0x10] =	vst v2;
	v2 =	vld [tilespmem:s15+$0xB0]  }
0x106: {  	v3 =	vld [tilespmem:s14+$0xFFFFFF20];
	v5 =	vadd.f32 v5, v7  }
0x107: {  	v7 =	vld [tilespmem:s7+$0xFFFFFFA0]  }
0x108: {  	v8 =	vld [tilespmem:s14+$0xFFFFFFA0];
	v4 =	vadd.f32 v4, v9  }
0x109: {  	v9 =	vld [tilespmem:s7+$0x20]  }
0x10a: {  	v10 =	vld [tilespmem:s14+$0x20];
	v2 =	vadd.f32 v2, v4  }
0x10b: {  	v3 =	vadd.f32 v3, v6;
	v4 =	vld [tilespmem:s15+$0xFFFFFF20]  }
0x10c: {  	v6 =	vld [tilespmem:s15+$0xFFFFFFA0];
	[tilespmem:s2+$0xB0] =	vst v2  }
0x10d: {  	v2 =	vadd.f32 v8, v7;
	v7 =	vld [tilespmem:s7+$0xC0]  }
0x10e: {  	v8 =	vld [tilespmem:s14+$0xC0]  }
0x10f: {  	v9 =	vadd.f32 v10, v9;
	v10 =	vld [tilespmem:s15+$0x20]  }
0x110: {  	v3 =	vadd.f32 v4, v3;
	v4 =	vld [tilespmem:s15+$0xC0]  }
0x111: {  	v2 =	vadd.f32 v6, v2;
	v6 =	vld [tilespmem:s16+$0xFFFFFF60]  }
0x112: {  	[tilespmem:s2+$0xFFFFFF20] =	vst v3;
	v3 =	vld [tilespmem:s16+$0xFFFFFFE0]  }
0x113: {  	v11 =	vld [tilespmem:s7+$0xFFFFFF30];
	[tilespmem:s2+$0xFFFFFFA0] =	vst v2;
	v2 =	vadd.f32 v8, v7  }
0x114: {  	v7 =	vld [tilespmem:s14+$0xFFFFFF30];
	v8 =	vadd.f32 v10, v9  }
0x115: {  	v9 =	vld [tilespmem:s7+$0xFFFFFFB0];
	v2 =	vadd.f32 v4, v2  }
0x116: {  	v4 =	vld [tilespmem:s14+$0xFFFFFFB0];
	[tilespmem:s2+$0x20] =	vst v8;
	v1 =	vadd.f32 v6, v1  }
0x117: {  	v6 =	vld [tilespmem:s7+$0x30];
	[tilespmem:s2+$0xC0] =	vst v2;
	v0 =	vadd.f32 v3, v0  }
0x118: {  	v2 =	vld [tilespmem:s7+$0xD0];
	[tilespmem:s31+$0xFFFFFF60] =	vst v1  }
0x119: {  	v1 =	vadd.f32 v7, v11;
	v3 =	vld [tilespmem:s14+$0xD0];
	[tilespmem:s31+$0xFFFFFFE0] =	vst v0  }
0x11a: {  	v0 =	vld [tilespmem:s14+$0x30]  }
0x11b: {  	v4 =	vadd.f32 v4, v9;
	v7 =	vld [tilespmem:s15+$0xD0]  }
0x11c: {  	v8 =	vld [tilespmem:s15+$0xFFFFFF30]  }
0x11d: {  	v9 =	vld [tilespmem:s15+$0xFFFFFFB0]  }
0x11e: {  	v10 =	vld [tilespmem:s15+$0x30];
	v2 =	vadd.f32 v3, v2  }
0x11f: {  	v0 =	vadd.f32 v0, v6;
	v3 =	vld [tilespmem:s16+$0x60]  }
0x120: {  	v2 =	vadd.f32 v7, v2;
	v6 =	vld [tilespmem:s0+$0xFFFFFF70]  }
0x121: {  	v1 =	vadd.f32 v8, v1;
	v7 =	vld [tilespmem:s10+$0xFFFFFF70]  }
0x122: {  	v4 =	vadd.f32 v9, v4;
	[tilespmem:s2+$0xD0] =	vst v2;
	v2 =	vld [tilespmem:s0+$0xFFFFFFF0]  }
0x123: {  	[tilespmem:s2+$0xFFFFFF30] =	vst v1;
	v0 =	vadd.f32 v10, v0;
	v1 =	vld [tilespmem:s7+$0xE0]  }
0x124: {  	[tilespmem:s2+$0xFFFFFFB0] =	vst v4;
	v4 =	vld [tilespmem:s14+$0xE0];
	v3 =	vadd.f32 v3, v5  }
0x125: {  	v5 =	vld [tilespmem:s7+$0xFFFFFF40];
	[tilespmem:s2+$0x30] =	vst v0  }
0x126: {  	v8 =	vld [tilespmem:s15+$0xE0];
	v0 =	vadd.f32 v7, v6;
	[tilespmem:s31+$0x60] =	vst v3  }
0x127: {  	v3 =	vld [tilespmem:s14+$0xFFFFFF40]  }
0x128: {  	v6 =	vld [tilespmem:s7+$0xFFFFFFC0]  }
0x129: {  	v7 =	vld [tilespmem:s14+$0xFFFFFFC0];
	v1 =	vadd.f32 v4, v1  }
0x12a: {  	v4 =	vld [tilespmem:s7+$0x40]  }
0x12b: {  	v9 =	vld [tilespmem:s14+$0x40];
	v1 =	vadd.f32 v8, v1  }
0x12c: {  	v3 =	vadd.f32 v3, v5;
	v5 =	vld [tilespmem:s15+$0xFFFFFF40]  }
0x12d: {  	v8 =	vld [tilespmem:s15+$0xFFFFFFC0];
	[tilespmem:s2+$0xE0] =	vst v1  }
0x12e: {  	v1 =	vadd.f32 v7, v6;
	v6 =	vld [tilespmem:s7+$0xF0]  }
0x12f: {  	v7 =	vld [tilespmem:s14+$0xF0]  }
0x130: {  	v4 =	vadd.f32 v9, v4;
	v9 =	vld [tilespmem:s15+$0x40]  }
0x131: {  	v3 =	vadd.f32 v5, v3;
	v5 =	vld [tilespmem:s15+$0xF0]  }
0x132: {  	v1 =	vadd.f32 v8, v1;
	v8 =	vld [tilespmem:s10+$0xFFFFFFF0]  }
0x133: {  	[tilespmem:s2+$0xFFFFFF40] =	vst v3;
	v3 =	vld [tilespmem:s0+$0x70];
	s0 =	smov.u32 s7  }
0x134: {  	v10 =	vld [tilespmem:s7+$0xFFFFFF50];
	[tilespmem:s2+$0xFFFFFFC0] =	vst v1;
	v1 =	vadd.f32 v7, v6  }
0x135: {  	v6 =	vld [tilespmem:s14+$0xFFFFFF50];
	v4 =	vadd.f32 v9, v4  }
0x136: {  	v7 =	vld [tilespmem:s7+$0xFFFFFFD0];
	v5 =	vadd.f32 v5, v1  }
0x137: {  	v9 =	vld [tilespmem:s14+$0xFFFFFFD0];
	[tilespmem:s2+$0x40] =	vst v4;
	v1 =	vadd.f32 v8, v2  }
0x138: {  	v4 =	vld [tilespmem:s7+$0x50];
	[tilespmem:s2+$0xF0] =	vst v5  }
0x139: {  	v5 =	vld [tilespmem:s14+$0x50]  }
0x13a: {  	v6 =	vadd.f32 v6, v10;
	v10 =	vld [tilespmem:s15+$0xFFFFFF50]  }
0x13b: {  	v11 =	vld [tilespmem:s15+$0xFFFFFFD0]  }
.Ltmp0:
0x13c: {  	v9 =	vadd.f32 v9, v7;
	v7 =	vld [tilespmem:s15+$0x50];
	(pc) =	sbr.rel @p1 .LBB2_3-.Ltmp0, $4  }
0x13d: {  	v2 =	vld [tilespmem:s10+$0x70];
	s10 =	smov.u32 s14  }
0x13e: {  	v8 =	vadd.f32 v5, v4;
	v4 =	vld [tilespmem:s16+$0xFFFFFF70]  }
0x13f: {  	v10 =	vadd.f32 v10, v6;
	v5 =	vld [tilespmem:s16+$0xFFFFFFF0]  }
0x140: {  	s7 =	sadd.s32 $0x200, s7;
	v9 =	vadd.f32 v11, v9;
	v6 =	vld [tilespmem:s16+$0x70];
	s16 =	smov.u32 s15  }
0x141: {  	[tilespmem:s2+$0xFFFFFF50] =	vst v10  }
0x142: {  	v10 =	vld [tilespmem:s0+$0xFFFFFF60]  }
0x143: {  	v7 =	vadd.f32 v7, v8;
	v8 =	vld [tilespmem:s10+$0xFFFFFF60]  }
0x144: {  	[tilespmem:s2+$0xFFFFFFD0] =	vst v9;
	v12 =	vld [tilespmem:s16+$0xFFFFFF60]  }
0x145: {  	v9 =	vld [tilespmem:s0+$0xFFFFFFE0]  }
0x146: {  	[tilespmem:s2+$0x50] =	vst v7;
	v7 =	vld [tilespmem:s10+$0xFFFFFFE0]  }
0x147: {  	v14 =	vld [tilespmem:s16+$0xFFFFFFE0]  }
0x148: {  	v11 =	vld [tilespmem:s0+$0x60]  }
0x149: {  	v13 =	vld [tilespmem:s10+$0x60];
	v8 =	vadd.f32 v8, v10;
	_ =	sdelay $0x1  }
0x14a: {  	v10 =	vld [tilespmem:s16+$0x60];
	v7 =	vadd.f32 v7, v9;
	v8 =	vadd.f32 v12, v8;
	_ =	sdelay $0x1  }
0x14b: {  	v7 =	vadd.f32 v14, v7;
	[tilespmem:s2+$0xFFFFFF60] =	vst v8  }
0x14c: {  	v9 =	vadd.f32 v13, v11;
	v8 =	vld [tilespmem:s0+$0xFFFFFF70]  }
0x14d: {  	[tilespmem:s2+$0xFFFFFFE0] =	vst v7;
	v7 =	vld [tilespmem:s10+$0xFFFFFF70]  }
0x14e: {  	v9 =	vadd.f32 v10, v9;
	v60 =	vld [tilespmem:s16+$0xFFFFFF70]  }
0x14f: {  	v10 =	vld [tilespmem:s0+$0xFFFFFFF0]  }
0x150: {  	[tilespmem:s2+$0x60] =	vst v9;
	v9 =	vld [tilespmem:s10+$0xFFFFFFF0]  }
0x151: {  	v11 =	vld [tilespmem:s0+$0x70]  }
0x152: {  	v59 =	vld [tilespmem:s10+$0x70]  }
0x153: {  	v61 =	vld [tilespmem:s16+$0xFFFFFFF0]  }
0x154: {  	v2 =	vadd.f32 v2, v3;
	v0 =	vadd.f32 v4, v0;
	v3 =	vld [tilespmem:s16+$0x70]  }
0x155: {  	v1 =	vadd.f32 v5, v1;
	v4 =	vadd.f32 v7, v8  }
0x156: {  	[tilespmem:s31+$0xFFFFFF70] =	vst v0;
	v0 =	vadd.f32 v6, v2;
	v2 =	vadd.f32 v9, v10  }
0x157: {  	[tilespmem:s31+$0xFFFFFFF0] =	vst v1;
	v4 =	vadd.f32 v60, v4;
	v1 =	vadd.f32 v59, v11  }
0x158: {  	[tilespmem:s31+$0x70] =	vst v0;
	v0 =	vadd.f32 v61, v2  }
0x159: {  	s15 =	sadd.s32 s4, s30;
	[tilespmem:s2+$0xFFFFFF70] =	vst v4;
	v1 =	vadd.f32 v3, v1  }
0x15a: {  	s0 =	sshll.u32 s15, $0x4;
	[tilespmem:s2+$0xFFFFFFF0] =	vst v0  }
0x15b: {  	p1 =	seq.s32 s28, $0x1B;
	s0 =	sadd.s32 s5, s0;
	[tilespmem:s2+$0x70] =	vst v1  }
0x15c: {  	[hbm4b:s0+s3] =	stream.linear.scatter [tilespmem:s21], [sflag:$0x3], $0x1C00, $0x38;
	[tilespmem:$0x104C0] =	vst v63  }
0x15d: {  	s7 =	simm.s32 @!p1 $0x24C0;
	s2 =	simm.s32 @!p1 $0x38;
	s0 =	sadd.s32 @!p1 $0x70, s30  }
0x15e: {  	[tilespmem:s7], [sflag:$0x1] =	stream.indirect.gather @!p1 [hbm4b:s1+s2], $0x80, s0, s2, $0xb8;
	[tilespmem:$0x104C0] =	vst v63  }
0x15f: {  	s0 =	sadd.s32 @!p1 $0xCB0, s30;
	s7 =	simm.s32 @!p1 $0x40C0  }
0x160: {  	[tilespmem:s7], [sflag:$0x1] =	stream.indirect.gather @!p1 [hbm4b:s1+s2], $0x80, s0, s2, $0xb8;
	[tilespmem:$0x104C0] =	vst v63  }
0x161: {  	s0 =	sadd.s32 @!p1 $0x18F0, s30;
	s7 =	simm.s32 @!p1 $0x5CC0  }
0x162: {  	[tilespmem:s7], [sflag:$0x1] =	stream.indirect.gather @!p1 [hbm4b:s1+s2], $0x80, s0, s2, $0xb8;
	[tilespmem:$0x104C0] =	vst v63  }
0x163: {  	_ =	swait.ge [sflag:s22], $0x1C00  }
0x164: {  	[sflag:s22] =	ssyncset.done $0x0  }
0x165: {  	[sflag:s22] =	ssyncadd.s32 $0xFFFFE400  }
0x166: {  	_ =	swait.ge [sflag:s22], $0x1C00  }
0x167: {  	[sflag:s22] =	ssyncset.done $0x0  }
0x168: {  	[sflag:s22] =	ssyncadd.s32 $0xFFFFE400  }
0x169: {  	_ =	swait.ge [sflag:s22], $0x1C00  }
0x16a: {  	[sflag:s22] =	ssyncset.done $0x0  }
0x16b: {  	s0 =	simm.s32 @!p0 $0x4;
	[sflag:s22] =	ssyncadd.s32 $0xFFFFE400  }
0x16c: {  	_ =	swait.ge @!p0 [sflag:s0], $0x1C00  }
0x16d: {  	[sflag:s0] =	ssyncset.done @!p0 $0x0  }
0x16e: {  	s11 =	simm.s32 $0x79C0;
	[sflag:s0] =	ssyncadd.s32 @!p0 $0xFFFFE400  }
0x16f: {  	s16 =	simm.s32 $0x95C0;
	v0 =	vld [tilespmem:s11+$0x80]  }
0x170: {  	s15 =	simm.s32 $0xB1C0;
	v1 =	vld [tilespmem:s16+$0x80]  }
0x171: {  	v2 =	vld [tilespmem:s15+$0x80]  }
0x172: {  	v3 =	vld [tilespmem:s16+$0xFFFFFF00]  }
0x173: {  	v4 =	vld [tilespmem:s11+$0xFFFFFF80]  }
0x174: {  	v5 =	vld [tilespmem:s11+$0xFFFFFF00]  }
0x175: {  	v6 =	vld [tilespmem:s15+$0xFFFFFF00];
	v0 =	vadd.f32 v1, v0  }
0x176: {  	v7 =	vld [tilespmem:s15+$0xFFFFFF80]  }
0x177: {  	s0 =	simm.s32 $0x7BC0;
	v8 =	vld [tilespmem:s16+$0x0];
	v0 =	vadd.f32 v2, v0  }
0x178: {  	s30 =	simm.s32 $0xE9C0;
	s2 =	simm.s32 $0x97C0;
	v62 =	vld [tilespmem:s0+$0x80]  }
0x179: {  	v63 =	vld [tilespmem:s2+$0x80];
	[tilespmem:s30+$0x80] =	vst v0  }
0x17a: {  	v0 =	vld [tilespmem:s11+$0x90]  }
0x17b: {  	v1 =	vld [tilespmem:s16+$0x90]  }
0x17c: {  	v21 =	vld [tilespmem:s2+$0xFFFFFF00]  }
0x17d: {  	s14 =	simm.s32 $0xB3C0;
	v2 =	vld [tilespmem:s15+$0x90]  }
0x17e: {  	v15 =	vld [tilespmem:s14+$0x80]  }
0x17f: {  	v16 =	vld [tilespmem:s0+$0xFFFFFF80]  }
0x180: {  	v17 =	vld [tilespmem:s2+$0xFFFFFF80];
	v0 =	vadd.f32 v1, v0  }
0x181: {  	v18 =	vld [tilespmem:s0+$0x0]  }
0x182: {  	v1 =	vld [tilespmem:s16+$0xFFFFFF80];
	v0 =	vadd.f32 v2, v0  }
0x183: {  	v22 =	vld [tilespmem:s2+$0x0]  }
0x184: {  	v19 =	vld [tilespmem:s0+$0xFFFFFF00];
	[tilespmem:s30+$0x90] =	vst v0  }
0x185: {  	v0 =	vadd.f32 v3, v5;
	v3 =	vld [tilespmem:s11+$0xA0]  }
0x186: {  	v5 =	vld [tilespmem:s16+$0xA0]  }
0x187: {  	v2 =	vld [tilespmem:s11+$0x0];
	v1 =	vadd.f32 v1, v4;
	v0 =	vadd.f32 v6, v0  }
0x188: {  	v4 =	vld [tilespmem:s15+$0xA0]  }
0x189: {  	v6 =	vld [tilespmem:s15+$0x0];
	v1 =	vadd.f32 v7, v1;
	[tilespmem:s30+$0xFFFFFF00] =	vst v0  }
0x18a: {  	v0 =	vld [tilespmem:s11+$0xFFFFFF10]  }
0x18b: {  	[tilespmem:s30+$0xFFFFFF80] =	vst v1;
	v1 =	vld [tilespmem:s16+$0xFFFFFF10];
	v3 =	vadd.f32 v5, v3  }
0x18c: {  	v5 =	vld [tilespmem:s11+$0xFFFFFF90]  }
0x18d: {  	v7 =	vld [tilespmem:s16+$0xFFFFFF90];
	v3 =	vadd.f32 v4, v3  }
0x18e: {  	v2 =	vadd.f32 v8, v2;
	v8 =	vld [tilespmem:s15+$0xFFFFFF90]  }
0x18f: {  	v4 =	vld [tilespmem:s15+$0xFFFFFF10];
	[tilespmem:s30+$0xA0] =	vst v3  }
0x190: {  	v3 =	vld [tilespmem:s11+$0xB0]  }
0x191: {  	v2 =	vadd.f32 v6, v2;
	v6 =	vld [tilespmem:s16+$0xB0]  }
0x192: {  	v23 =	vld [tilespmem:s14+$0xFFFFFF00];
	v0 =	vadd.f32 v1, v0  }
0x193: {  	[tilespmem:s30+$0x0] =	vst v2;
	v1 =	vld [tilespmem:s15+$0xB0]  }
0x194: {  	v2 =	vld [tilespmem:s11+$0x10];
	v5 =	vadd.f32 v7, v5;
	v0 =	vadd.f32 v4, v0  }
0x195: {  	v7 =	vld [tilespmem:s15+$0x10]  }
0x196: {  	v4 =	vld [tilespmem:s16+$0x10];
	v5 =	vadd.f32 v8, v5;
	[tilespmem:s30+$0xFFFFFF10] =	vst v0;
	v0 =	vadd.f32 v6, v3  }
0x197: {  	v3 =	vld [tilespmem:s11+$0xFFFFFF20]  }
0x198: {  	[tilespmem:s30+$0xFFFFFF90] =	vst v5;
	v5 =	vld [tilespmem:s16+$0xFFFFFF20];
	v0 =	vadd.f32 v1, v0  }
0x199: {  	v6 =	vld [tilespmem:s15+$0xFFFFFF20]  }
0x19a: {  	v8 =	vld [tilespmem:s16+$0xFFFFFFA0];
	[tilespmem:s30+$0xB0] =	vst v0  }
0x19b: {  	v0 =	vld [tilespmem:s11+$0xC0]  }
0x19c: {  	v2 =	vadd.f32 v4, v2;
	v4 =	vld [tilespmem:s16+$0xC0]  }
0x19d: {  	v1 =	vld [tilespmem:s11+$0xFFFFFFA0]  }
0x19e: {  	v2 =	vadd.f32 v7, v2;
	v7 =	vld [tilespmem:s15+$0xC0]  }
0x19f: {  	v24 =	vld [tilespmem:s14+$0x0];
	v3 =	vadd.f32 v5, v3  }
0x1a0: {  	[tilespmem:s30+$0x10] =	vst v2;
	v2 =	vld [tilespmem:s15+$0xFFFFFFA0]  }
0x1a1: {  	v5 =	vld [tilespmem:s11+$0x20];
	v3 =	vadd.f32 v6, v3;
	v0 =	vadd.f32 v4, v0  }
0x1a2: {  	v4 =	vld [tilespmem:s16+$0x20]  }
0x1a3: {  	v1 =	vadd.f32 v8, v1;
	v6 =	vld [tilespmem:s15+$0x20];
	[tilespmem:s30+$0xFFFFFF20] =	vst v3;
	v0 =	vadd.f32 v7, v0  }
0x1a4: {  	v3 =	vld [tilespmem:s11+$0xFFFFFF30]  }
0x1a5: {  	v1 =	vadd.f32 v2, v1;
	v2 =	vld [tilespmem:s16+$0xFFFFFF30];
	[tilespmem:s30+$0xC0] =	vst v0  }
0x1a6: {  	v0 =	vld [tilespmem:s11+$0xD0]  }
0x1a7: {  	[tilespmem:s30+$0xFFFFFFA0] =	vst v1;
	v4 =	vadd.f32 v4, v5;
	v1 =	vld [tilespmem:s16+$0xD0]  }
0x1a8: {  	v7 =	vld [tilespmem:s16+$0xFFFFFFB0]  }
0x1a9: {  	v4 =	vadd.f32 v6, v4;
	v6 =	vld [tilespmem:s15+$0xD0]  }
0x1aa: {  	v12 =	vadd.f32 v63, v62;
	v5 =	vld [tilespmem:s11+$0xFFFFFFB0]  }
0x1ab: {  	v2 =	vadd.f32 v2, v3;
	v3 =	vld [tilespmem:s15+$0xFFFFFFB0]  }
0x1ac: {  	v12 =	vadd.f32 v15, v12;
	[tilespmem:s30+$0x20] =	vst v4;
	v4 =	vld [tilespmem:s15+$0xFFFFFF30];
	v0 =	vadd.f32 v1, v0  }
0x1ad: {  	s31 =	simm.s32 $0xEBC0;
	v8 =	vld [tilespmem:s11+$0x30]  }
0x1ae: {  	[tilespmem:s31+$0x80] =	vst v12;
	v1 =	vld [tilespmem:s16+$0x30];
	v0 =	vadd.f32 v6, v0  }
0x1af: {  	v12 =	vld [tilespmem:s0+$0x90]  }
0x1b0: {  	v6 =	vld [tilespmem:s15+$0x30];
	[tilespmem:s30+$0xD0] =	vst v0  }
0x1b1: {  	v2 =	vadd.f32 v4, v2;
	v0 =	vadd.f32 v7, v5;
	v4 =	vld [tilespmem:s11+$0xE0]  }
0x1b2: {  	v5 =	vld [tilespmem:s15+$0xE0]  }
0x1b3: {  	v1 =	vadd.f32 v1, v8;
	[tilespmem:s30+$0xFFFFFF30] =	vst v2;
	v2 =	vld [tilespmem:s16+$0xE0];
	v0 =	vadd.f32 v3, v0  }
0x1b4: {  	v3 =	vld [tilespmem:s11+$0xFFFFFF40]  }
0x1b5: {  	v1 =	vadd.f32 v6, v1;
	[tilespmem:s30+$0xFFFFFFB0] =	vst v0;
	v0 =	vld [tilespmem:s16+$0xFFFFFF40]  }
0x1b6: {  	v6 =	vld [tilespmem:s11+$0xFFFFFFC0]  }
0x1b7: {  	[tilespmem:s30+$0x30] =	vst v1;
	v1 =	vld [tilespmem:s16+$0xFFFFFFC0]  }
0x1b8: {  	v2 =	vadd.f32 v2, v4;
	v4 =	vld [tilespmem:s15+$0xFFFFFF40]  }
0x1b9: {  	v7 =	vld [tilespmem:s11+$0x40]  }
0x1ba: {  	v8 =	vld [tilespmem:s16+$0x40];
	v2 =	vadd.f32 v5, v2  }
0x1bb: {  	v5 =	vld [tilespmem:s15+$0xFFFFFFC0];
	v3 =	vadd.f32 v0, v3  }
0x1bc: {  	v9 =	vld [tilespmem:s15+$0x40];
	[tilespmem:s30+$0xE0] =	vst v2  }
0x1bd: {  	v0 =	vld [tilespmem:s11+$0xF0];
	v3 =	vadd.f32 v4, v3  }
0x1be: {  	v6 =	vadd.f32 v1, v6;
	v2 =	vld [tilespmem:s16+$0xF0]  }
0x1bf: {  	v4 =	vadd.f32 v8, v7;
	v1 =	vld [tilespmem:s15+$0xF0];
	[tilespmem:s30+$0xFFFFFF40] =	vst v3  }
0x1c0: {  	v5 =	vadd.f32 v5, v6;
	v3 =	vld [tilespmem:s11+$0xFFFFFF50]  }
0x1c1: {  	v4 =	vadd.f32 v9, v4;
	v9 =	vld [tilespmem:s15+$0xFFFFFF50]  }
0x1c2: {  	[tilespmem:s30+$0xFFFFFFC0] =	vst v5;
	v5 =	vld [tilespmem:s16+$0xFFFFFF50]  }
0x1c3: {  	v6 =	vld [tilespmem:s11+$0xFFFFFFD0]  }
0x1c4: {  	[tilespmem:s30+$0x40] =	vst v4;
	v7 =	vld [tilespmem:s16+$0xFFFFFFD0]  }
0x1c5: {  	v4 =	vld [tilespmem:s11+$0x50]  }
0x1c6: {  	v10 =	vld [tilespmem:s15+$0xFFFFFFD0]  }
0x1c7: {  	v8 =	vld [tilespmem:s16+$0x50];
	v3 =	vadd.f32 v5, v3  }
0x1c8: {  	v11 =	vld [tilespmem:s15+$0x50]  }
0x1c9: {  	v5 =	vld [tilespmem:s14+$0xFFFFFF80];
	v6 =	vadd.f32 v7, v6;
	v3 =	vadd.f32 v9, v3  }
0x1ca: {  	v7 =	vld [tilespmem:s2+$0x90]  }
0x1cb: {  	v9 =	vadd.f32 v21, v19;
	v6 =	vadd.f32 v10, v6;
	[tilespmem:s30+$0xFFFFFF50] =	vst v3;
	v3 =	vld [tilespmem:s14+$0x90]  }
0x1cc: {  	v25 =	vld [tilespmem:s11+$0xFFFFFF60]  }
0x1cd: {  	v10 =	vadd.f32 v17, v16;
	v9 =	vadd.f32 v23, v9;
	[tilespmem:s30+$0xFFFFFFD0] =	vst v6;
	v6 =	vld [tilespmem:s16+$0xFFFFFF60]  }
0x1ce: {  	v42 =	vld [tilespmem:s15+$0xFFFFFF60]  }
0x1cf: {  	v5 =	vadd.f32 v5, v10;
	[tilespmem:s31+$0xFFFFFF00] =	vst v9;
	v9 =	vld [tilespmem:s11+$0xFFFFFFE0]  }
0x1d0: {  	v7 =	vadd.f32 v7, v12;
	v10 =	vld [tilespmem:s0+$0xFFFFFF10]  }
0x1d1: {  	[tilespmem:s31+$0xFFFFFF80] =	vst v5;
	v5 =	vld [tilespmem:s2+$0xFFFFFF10]  }
0x1d2: {  	v4 =	vadd.f32 v8, v4;
	v31 =	vld [tilespmem:s14+$0xFFFFFF10];
	v3 =	vadd.f32 v3, v7  }
0x1d3: {  	v27 =	vld [tilespmem:s2+$0xFFFFFF90]  }
0x1d4: {  	v26 =	vadd.f32 v22, v18;
	v4 =	vadd.f32 v11, v4;
	v11 =	vld [tilespmem:s14+$0xFFFFFF90];
	[tilespmem:s31+$0x90] =	vst v3  }
0x1d5: {  	v3 =	vld [tilespmem:s0+$0xA0]  }
0x1d6: {  	v12 =	vadd.f32 v24, v26;
	v28 =	vld [tilespmem:s2+$0xA0]  }
0x1d7: {  	v7 =	vld [tilespmem:s0+$0xFFFFFF90]  }
0x1d8: {  	[tilespmem:s31+$0x0] =	vst v12;
	v30 =	vld [tilespmem:s14+$0xA0]  }
0x1d9: {  	v29 =	vld [tilespmem:s0+$0x10];
	v6 =	vadd.f32 v6, v25  }
0x1da: {  	[tilespmem:s30+$0x50] =	vst v4;
	v8 =	vld [tilespmem:s2+$0x10];
	v4 =	vadd.f32 v5, v10  }
0x1db: {  	v32 =	vld [tilespmem:s14+$0x10];
	v6 =	vadd.f32 v42, v6;
	v3 =	vadd.f32 v28, v3  }
0x1dc: {  	v5 =	vld [tilespmem:s16+$0xFFFFFFE0];
	v4 =	vadd.f32 v31, v4  }
0x1dd: {  	v10 =	vld [tilespmem:s11+$0x60];
	v7 =	vadd.f32 v27, v7;
	[tilespmem:s30+$0xFFFFFF60] =	vst v6;
	v3 =	vadd.f32 v30, v3  }
0x1de: {  	v6 =	vld [tilespmem:s15+$0x60];
	[tilespmem:s31+$0xFFFFFF10] =	vst v4  }
0x1df: {  	v7 =	vadd.f32 v11, v7;
	v11 =	vld [tilespmem:s0+$0xFFFFFF20];
	[tilespmem:s31+$0xA0] =	vst v3  }
0x1e0: {  	v33 =	vld [tilespmem:s0+$0xB0]  }
0x1e1: {  	v4 =	vld [tilespmem:s2+$0xB0]  }
0x1e2: {  	v8 =	vadd.f32 v8, v29;
	v38 =	vld [tilespmem:s14+$0xFFFFFF20]  }
0x1e3: {  	v34 =	vld [tilespmem:s14+$0xB0]  }
0x1e4: {  	v8 =	vadd.f32 v32, v8;
	[tilespmem:s31+$0xFFFFFF90] =	vst v7;
	v7 =	vld [tilespmem:s2+$0xFFFFFF20]  }
0x1e5: {  	v35 =	vld [tilespmem:s0+$0xFFFFFFA0]  }
0x1e6: {  	[tilespmem:s31+$0x10] =	vst v8;
	v8 =	vld [tilespmem:s2+$0xFFFFFFA0];
	v4 =	vadd.f32 v4, v33  }
0x1e7: {  	v36 =	vld [tilespmem:s0+$0x20]  }
0x1e8: {  	v37 =	vld [tilespmem:s2+$0x20];
	v4 =	vadd.f32 v34, v4  }
0x1e9: {  	v39 =	vld [tilespmem:s14+$0xFFFFFFA0]  }
0x1ea: {  	v40 =	vld [tilespmem:s14+$0x20];
	v7 =	vadd.f32 v7, v11;
	[tilespmem:s31+$0xB0] =	vst v4  }
0x1eb: {  	v4 =	vld [tilespmem:s0+$0xC0]  }
0x1ec: {  	v7 =	vadd.f32 v38, v7;
	v11 =	vld [tilespmem:s2+$0xC0]  }
0x1ed: {  	v3 =	vld [tilespmem:s16+$0x60];
	v8 =	vadd.f32 v8, v35  }
0x1ee: {  	[tilespmem:s31+$0xFFFFFF20] =	vst v7;
	v7 =	vld [tilespmem:s15+$0xFFFFFFE0]  }
0x1ef: {  	v13 =	vadd.f32 v37, v36;
	v8 =	vadd.f32 v39, v8;
	v41 =	vld [tilespmem:s14+$0xC0]  }
0x1f0: {  	v43 =	vld [tilespmem:s0+$0xFFFFFF30]  }
0x1f1: {  	[tilespmem:s31+$0xFFFFFFA0] =	vst v8;
	v8 =	vld [tilespmem:s2+$0xFFFFFF30];
	v4 =	vadd.f32 v11, v4;
	v11 =	vadd.f32 v40, v13  }
0x1f2: {  	v49 =	vld [tilespmem:s14+$0xFFFFFF30]  }
0x1f3: {  	v44 =	vld [tilespmem:s0+$0xFFFFFFB0];
	[tilespmem:s31+$0x20] =	vst v11  }
0x1f4: {  	v4 =	vadd.f32 v41, v4;
	v11 =	vld [tilespmem:s0+$0x30]  }
0x1f5: {  	v47 =	vld [tilespmem:s2+$0x30]  }
0x1f6: {  	v50 =	vld [tilespmem:s14+$0x30];
	[tilespmem:s31+$0xC0] =	vst v4  }
0x1f7: {  	v3 =	vadd.f32 v3, v10;
	v4 =	vld [tilespmem:s0+$0xD0]  }
0x1f8: {  	v46 =	vld [tilespmem:s2+$0xD0]  }
0x1f9: {  	v3 =	vadd.f32 v6, v3;
	v45 =	vld [tilespmem:s2+$0xFFFFFFB0]  }
0x1fa: {  	v5 =	vadd.f32 v5, v9;
	v48 =	vld [tilespmem:s14+$0xD0]  }
0x1fb: {  	v9 =	vld [tilespmem:s14+$0xFFFFFFB0];
	[tilespmem:s30+$0x60] =	vst v3;
	v11 =	vadd.f32 v47, v11  }
0x1fc: {  	v3 =	vld [tilespmem:s11+$0x70];
	v5 =	vadd.f32 v7, v5;
	v7 =	vadd.f32 v8, v43  }
0x1fd: {  	v8 =	vld [tilespmem:s11+$0xFFFFFF70];
	v4 =	vadd.f32 v46, v4;
	v11 =	vadd.f32 v50, v11  }
0x1fe: {  	[tilespmem:s30+$0xFFFFFFE0] =	vst v5;
	v5 =	vld [tilespmem:s16+$0xFFFFFF70]  }
0x1ff: {  	v51 =	vld [tilespmem:s11+$0xFFFFFFF0];
	v4 =	vadd.f32 v48, v4;
	[tilespmem:s31+$0x30] =	vst v11  }
0x200: {  	v55 =	vld [tilespmem:s0+$0x40]  }
0x201: {  	v7 =	vadd.f32 v49, v7;
	v56 =	vld [tilespmem:s2+$0x40];
	[tilespmem:s31+$0xD0] =	vst v4  }
0x202: {  	v52 =	vld [tilespmem:s0+$0xE0]  }
0x203: {  	[tilespmem:s31+$0xFFFFFF30] =	vst v7;
	v7 =	vld [tilespmem:s2+$0xE0]  }
0x204: {  	v6 =	vld [tilespmem:s14+$0x40];
	v4 =	vadd.f32 v45, v44  }
0x205: {  	v53 =	vld [tilespmem:s14+$0xE0]  }
0x206: {  	v57 =	vld [tilespmem:s14+$0xFFFFFF40];
	v4 =	vadd.f32 v9, v4  }
0x207: {  	v9 =	vld [tilespmem:s0+$0xFFFFFF40];
	v12 =	vadd.f32 v56, v55  }
0x208: {  	[tilespmem:s31+$0xFFFFFFB0] =	vst v4;
	v4 =	vld [tilespmem:s2+$0xFFFFFF40];
	v7 =	vadd.f32 v7, v52  }
0x209: {  	v54 =	vld [tilespmem:s0+$0xFFFFFFC0];
	v6 =	vadd.f32 v6, v12  }
0x20a: {  	v11 =	vld [tilespmem:s2+$0xFFFFFFC0];
	v7 =	vadd.f32 v53, v7  }
0x20b: {  	v59 =	vld [tilespmem:s16+$0xFFFFFFF0];
	[tilespmem:s31+$0x40] =	vst v6  }
0x20c: {  	[tilespmem:s31+$0xE0] =	vst v7;
	v7 =	vld [tilespmem:s14+$0xFFFFFFC0]  }
0x20d: {  	v4 =	vadd.f32 v4, v9;
	v6 =	vld [tilespmem:s0+$0x50]  }
0x20e: {  	v62 =	vld [tilespmem:s2+$0x50]  }
0x20f: {  	v11 =	vadd.f32 v11, v54;
	v10 =	vld [tilespmem:s0+$0xF0];
	v4 =	vadd.f32 v57, v4  }
0x210: {  	v9 =	vld [tilespmem:s2+$0xF0]  }
0x211: {  	v58 =	vld [tilespmem:s14+$0xF0];
	[tilespmem:s31+$0xFFFFFF40] =	vst v4;
	v7 =	vadd.f32 v7, v11  }
0x212: {  	v4 =	vld [tilespmem:s0+$0xFFFFFF50]  }
0x213: {  	v11 =	vld [tilespmem:s2+$0xFFFFFF50];
	[tilespmem:s31+$0xFFFFFFC0] =	vst v7  }
0x214: {  	v60 =	vld [tilespmem:s0+$0xFFFFFFD0]  }
0x215: {  	v61 =	vld [tilespmem:s2+$0xFFFFFFD0]  }
0x216: {  	v0 =	vadd.f32 v2, v0;
	v63 =	vld [tilespmem:s14+$0xFFFFFF50]  }
0x217: {  	v2 =	vadd.f32 v9, v10;
	v9 =	vld [tilespmem:s14+$0xFFFFFFD0]  }
0x218: {  	v1 =	vadd.f32 v1, v0;
	v7 =	vld [tilespmem:s14+$0x50]  }
0x219: {  	v10 =	vadd.f32 v58, v2;
	v2 =	vld [tilespmem:s16+$0x70];
	v11 =	vadd.f32 v11, v4  }
0x21a: {  	v0 =	vadd.f32 v5, v8;
	v4 =	vld [tilespmem:s15+$0xFFFFFF70];
	v12 =	vadd.f32 v61, v60  }
0x21b: {  	s10 =	simm.s32 $0x97C0;
	v5 =	vld [tilespmem:s15+$0xFFFFFFF0];
	v8 =	vadd.f32 v62, v6;
	[tilespmem:s31+$0xF0] =	vst v10;
	v10 =	vadd.f32 v63, v11  }
0x21c: {  	s7 =	simm.s32 $0x7DC0;
	[tilespmem:s30+$0xF0] =	vst v1;
	s11 =	simm.s32 $0x4;
	v1 =	vadd.f32 v59, v51;
	v6 =	vld [tilespmem:s15+$0x70];
	s15 =	simm.s32 $0xB3C0;
	v9 =	vadd.f32 v9, v12  }
.LBB2_5:
0x21d: {  	v11 =	vld [tilespmem:s7+$0x80];
	[tilespmem:s31+$0xFFFFFF50] =	vst v10;
	v7 =	vadd.f32 v7, v8;
	s2 =	sadd.s32 $0x200, s2  }
0x21e: {  	v8 =	vld [tilespmem:s2+$0x80];
	[tilespmem:s31+$0xFFFFFFD0] =	vst v9;
	v2 =	vadd.f32 v2, v3  }
0x21f: {  	s14 =	sadd.s32 $0x200, s14;
	v3 =	vld [tilespmem:s2+$0xFFFFFF00];
	[tilespmem:s31+$0x50] =	vst v7;
	v0 =	vadd.f32 v4, v0  }
0x220: {  	v4 =	vld [tilespmem:s14+$0x80];
	v1 =	vadd.f32 v5, v1  }
0x221: {  	v5 =	vld [tilespmem:s7+$0xFFFFFF80];
	[tilespmem:s30+$0xFFFFFF70] =	vst v0;
	v0 =	vadd.f32 v6, v2  }
0x222: {  	v2 =	vld [tilespmem:s2+$0xFFFFFF80];
	[tilespmem:s30+$0xFFFFFFF0] =	vst v1  }
0x223: {  	v1 =	vld [tilespmem:s7+$0x0];
	v6 =	vadd.f32 v8, v11;
	[tilespmem:s30+$0x70] =	vst v0;
	s30 =	smov.u32 s31  }
0x224: {  	v0 =	vld [tilespmem:s2+$0x0]  }
0x225: {  	s11 =	sadd.s32 $0x4, s11;
	v7 =	vld [tilespmem:s7+$0xFFFFFF00];
	v4 =	vadd.f32 v4, v6  }
0x226: {  	p0 =	slt.u32 s11, $0x34;
	s31 =	sadd.s32 $0x200, s31;
	v6 =	vld [tilespmem:s14+$0xFFFFFF00]  }
0x227: {  	v2 =	vadd.f32 v2, v5;
	v5 =	vld [tilespmem:s14+$0xFFFFFF80];
	[tilespmem:s31+$0x80] =	vst v4  }
0x228: {  	v4 =	vld [tilespmem:s7+$0x90]  }
0x229: {  	v0 =	vadd.f32 v0, v1;
	v1 =	vld [tilespmem:s2+$0x90]  }
0x22a: {  	v3 =	vadd.f32 v3, v7;
	v7 =	vld [tilespmem:s14+$0x0]  }
0x22b: {  	v8 =	vld [tilespmem:s14+$0x90]  }
0x22c: {  	v3 =	vadd.f32 v6, v3;
	v2 =	vadd.f32 v5, v2;
	v5 =	vld [tilespmem:s0+$0xFFFFFF60]  }
0x22d: {  	v6 =	vld [tilespmem:s10+$0xFFFFFF60]  }
0x22e: {  	[tilespmem:s31+$0xFFFFFF00] =	vst v3;
	v1 =	vadd.f32 v1, v4;
	v3 =	vld [tilespmem:s0+$0xFFFFFFE0]  }
0x22f: {  	v4 =	vld [tilespmem:s7+$0xFFFFFF10];
	[tilespmem:s31+$0xFFFFFF80] =	vst v2;
	v0 =	vadd.f32 v7, v0  }
0x230: {  	v2 =	vld [tilespmem:s2+$0xFFFFFF10];
	v1 =	vadd.f32 v8, v1  }
0x231: {  	v7 =	vld [tilespmem:s7+$0xFFFFFF90];
	[tilespmem:s31+$0x0] =	vst v0  }
0x232: {  	v0 =	vld [tilespmem:s2+$0xFFFFFF90];
	[tilespmem:s31+$0x90] =	vst v1;
	v1 =	vadd.f32 v6, v5  }
0x233: {  	v5 =	vld [tilespmem:s7+$0xA0]  }
0x234: {  	v6 =	vld [tilespmem:s2+$0xA0]  }
0x235: {  	v2 =	vadd.f32 v2, v4;
	v4 =	vld [tilespmem:s7+$0x10]  }
0x236: {  	v8 =	vld [tilespmem:s14+$0xA0]  }
0x237: {  	v0 =	vadd.f32 v0, v7;
	v7 =	vld [tilespmem:s2+$0x10]  }
0x238: {  	v9 =	vld [tilespmem:s14+$0xFFFFFF10]  }
0x239: {  	v10 =	vld [tilespmem:s14+$0xFFFFFF90];
	v5 =	vadd.f32 v6, v5  }
0x23a: {  	v6 =	vld [tilespmem:s14+$0x10]  }
0x23b: {  	v5 =	vadd.f32 v8, v5;
	v8 =	vld [tilespmem:s10+$0xFFFFFFE0]  }
0x23c: {  	v4 =	vadd.f32 v7, v4;
	v7 =	vld [tilespmem:s0+$0x60]  }
0x23d: {  	v2 =	vadd.f32 v9, v2;
	[tilespmem:s31+$0xA0] =	vst v5;
	v5 =	vld [tilespmem:s10+$0x60]  }
0x23e: {  	v0 =	vadd.f32 v10, v0;
	v9 =	vld [tilespmem:s7+$0xB0]  }
0x23f: {  	[tilespmem:s31+$0xFFFFFF10] =	vst v2;
	v2 =	vadd.f32 v6, v4;
	v4 =	vld [tilespmem:s2+$0xB0]  }
0x240: {  	v6 =	vld [tilespmem:s7+$0xFFFFFF20];
	[tilespmem:s31+$0xFFFFFF90] =	vst v0;
	v0 =	vadd.f32 v8, v3  }
0x241: {  	[tilespmem:s31+$0x10] =	vst v2;
	v2 =	vld [tilespmem:s14+$0xB0]  }
0x242: {  	v3 =	vld [tilespmem:s2+$0xFFFFFF20];
	v5 =	vadd.f32 v5, v7  }
0x243: {  	v7 =	vld [tilespmem:s7+$0xFFFFFFA0]  }
0x244: {  	v8 =	vld [tilespmem:s2+$0xFFFFFFA0];
	v4 =	vadd.f32 v4, v9  }
0x245: {  	v9 =	vld [tilespmem:s7+$0x20]  }
0x246: {  	v10 =	vld [tilespmem:s2+$0x20];
	v2 =	vadd.f32 v2, v4  }
0x247: {  	v3 =	vadd.f32 v3, v6;
	v4 =	vld [tilespmem:s14+$0xFFFFFF20]  }
0x248: {  	v6 =	vld [tilespmem:s14+$0xFFFFFFA0];
	[tilespmem:s31+$0xB0] =	vst v2  }
0x249: {  	v2 =	vadd.f32 v8, v7;
	v7 =	vld [tilespmem:s7+$0xC0]  }
0x24a: {  	v8 =	vld [tilespmem:s2+$0xC0]  }
0x24b: {  	v9 =	vadd.f32 v10, v9;
	v10 =	vld [tilespmem:s14+$0x20]  }
0x24c: {  	v3 =	vadd.f32 v4, v3;
	v4 =	vld [tilespmem:s14+$0xC0]  }
0x24d: {  	v2 =	vadd.f32 v6, v2;
	v6 =	vld [tilespmem:s15+$0xFFFFFF60]  }
0x24e: {  	[tilespmem:s31+$0xFFFFFF20] =	vst v3;
	v3 =	vld [tilespmem:s15+$0xFFFFFFE0]  }
0x24f: {  	v11 =	vld [tilespmem:s7+$0xFFFFFF30];
	[tilespmem:s31+$0xFFFFFFA0] =	vst v2;
	v2 =	vadd.f32 v8, v7  }
0x250: {  	v7 =	vld [tilespmem:s2+$0xFFFFFF30];
	v8 =	vadd.f32 v10, v9  }
0x251: {  	v9 =	vld [tilespmem:s7+$0xFFFFFFB0];
	v2 =	vadd.f32 v4, v2  }
0x252: {  	v4 =	vld [tilespmem:s2+$0xFFFFFFB0];
	[tilespmem:s31+$0x20] =	vst v8;
	v1 =	vadd.f32 v6, v1  }
0x253: {  	v6 =	vld [tilespmem:s7+$0x30];
	[tilespmem:s31+$0xC0] =	vst v2;
	v0 =	vadd.f32 v3, v0  }
0x254: {  	v2 =	vld [tilespmem:s7+$0xD0];
	[tilespmem:s30+$0xFFFFFF60] =	vst v1  }
0x255: {  	v1 =	vadd.f32 v7, v11;
	v3 =	vld [tilespmem:s2+$0xD0];
	[tilespmem:s30+$0xFFFFFFE0] =	vst v0  }
0x256: {  	v0 =	vld [tilespmem:s2+$0x30]  }
0x257: {  	v4 =	vadd.f32 v4, v9;
	v7 =	vld [tilespmem:s14+$0xD0]  }
0x258: {  	v8 =	vld [tilespmem:s14+$0xFFFFFF30]  }
0x259: {  	v9 =	vld [tilespmem:s14+$0xFFFFFFB0]  }
0x25a: {  	v10 =	vld [tilespmem:s14+$0x30];
	v2 =	vadd.f32 v3, v2  }
0x25b: {  	v0 =	vadd.f32 v0, v6;
	v3 =	vld [tilespmem:s15+$0x60]  }
0x25c: {  	v2 =	vadd.f32 v7, v2;
	v6 =	vld [tilespmem:s0+$0xFFFFFF70]  }
0x25d: {  	v1 =	vadd.f32 v8, v1;
	v7 =	vld [tilespmem:s10+$0xFFFFFF70]  }
0x25e: {  	v4 =	vadd.f32 v9, v4;
	[tilespmem:s31+$0xD0] =	vst v2;
	v2 =	vld [tilespmem:s0+$0xFFFFFFF0]  }
0x25f: {  	[tilespmem:s31+$0xFFFFFF30] =	vst v1;
	v0 =	vadd.f32 v10, v0;
	v1 =	vld [tilespmem:s7+$0xE0]  }
0x260: {  	[tilespmem:s31+$0xFFFFFFB0] =	vst v4;
	v4 =	vld [tilespmem:s2+$0xE0];
	v3 =	vadd.f32 v3, v5  }
0x261: {  	v5 =	vld [tilespmem:s7+$0xFFFFFF40];
	[tilespmem:s31+$0x30] =	vst v0  }
0x262: {  	v8 =	vld [tilespmem:s14+$0xE0];
	v0 =	vadd.f32 v7, v6;
	[tilespmem:s30+$0x60] =	vst v3  }
0x263: {  	v3 =	vld [tilespmem:s2+$0xFFFFFF40]  }
0x264: {  	v6 =	vld [tilespmem:s7+$0xFFFFFFC0]  }
0x265: {  	v7 =	vld [tilespmem:s2+$0xFFFFFFC0];
	v1 =	vadd.f32 v4, v1  }
0x266: {  	v4 =	vld [tilespmem:s7+$0x40]  }
0x267: {  	v9 =	vld [tilespmem:s2+$0x40];
	v1 =	vadd.f32 v8, v1  }
0x268: {  	v3 =	vadd.f32 v3, v5;
	v5 =	vld [tilespmem:s14+$0xFFFFFF40]  }
0x269: {  	v8 =	vld [tilespmem:s14+$0xFFFFFFC0];
	[tilespmem:s31+$0xE0] =	vst v1  }
0x26a: {  	v1 =	vadd.f32 v7, v6;
	v6 =	vld [tilespmem:s7+$0xF0]  }
0x26b: {  	v7 =	vld [tilespmem:s2+$0xF0]  }
0x26c: {  	v4 =	vadd.f32 v9, v4;
	v9 =	vld [tilespmem:s14+$0x40]  }
0x26d: {  	v3 =	vadd.f32 v5, v3;
	v5 =	vld [tilespmem:s14+$0xF0]  }
0x26e: {  	v1 =	vadd.f32 v8, v1;
	v8 =	vld [tilespmem:s10+$0xFFFFFFF0]  }
0x26f: {  	[tilespmem:s31+$0xFFFFFF40] =	vst v3;
	v3 =	vld [tilespmem:s0+$0x70];
	s0 =	smov.u32 s7  }
0x270: {  	v10 =	vld [tilespmem:s7+$0xFFFFFF50];
	[tilespmem:s31+$0xFFFFFFC0] =	vst v1;
	v1 =	vadd.f32 v7, v6  }
0x271: {  	v6 =	vld [tilespmem:s2+$0xFFFFFF50];
	v4 =	vadd.f32 v9, v4  }
0x272: {  	v7 =	vld [tilespmem:s7+$0xFFFFFFD0];
	v5 =	vadd.f32 v5, v1  }
0x273: {  	v9 =	vld [tilespmem:s2+$0xFFFFFFD0];
	[tilespmem:s31+$0x40] =	vst v4;
	v1 =	vadd.f32 v8, v2  }
0x274: {  	v4 =	vld [tilespmem:s7+$0x50];
	[tilespmem:s31+$0xF0] =	vst v5  }
0x275: {  	v5 =	vld [tilespmem:s2+$0x50]  }
0x276: {  	v6 =	vadd.f32 v6, v10;
	v10 =	vld [tilespmem:s14+$0xFFFFFF50]  }
0x277: {  	v11 =	vld [tilespmem:s14+$0xFFFFFFD0]  }
.Ltmp1:
0x278: {  	v9 =	vadd.f32 v9, v7;
	v7 =	vld [tilespmem:s14+$0x50];
	(pc) =	sbr.rel @p0 .LBB2_5-.Ltmp1, $4  }
0x279: {  	v2 =	vld [tilespmem:s10+$0x70];
	s10 =	smov.u32 s2  }
0x27a: {  	v8 =	vadd.f32 v5, v4;
	v4 =	vld [tilespmem:s15+$0xFFFFFF70]  }
0x27b: {  	v10 =	vadd.f32 v10, v6;
	v5 =	vld [tilespmem:s15+$0xFFFFFFF0]  }
0x27c: {  	s7 =	sadd.s32 $0x200, s7;
	v9 =	vadd.f32 v11, v9;
	v6 =	vld [tilespmem:s15+$0x70];
	s15 =	smov.u32 s14  }
0x27d: {  	[tilespmem:s31+$0xFFFFFF50] =	vst v10  }
0x27e: {  	v10 =	vld [tilespmem:s0+$0xFFFFFF60]  }
0x27f: {  	v47 =	vld [tilespmem:s10+$0xFFFFFF60]  }
0x280: {  	[tilespmem:s31+$0xFFFFFFD0] =	vst v9;
	v12 =	vld [tilespmem:s15+$0xFFFFFF60]  }
0x281: {  	v7 =	vadd.f32 v7, v8;
	v9 =	vld [tilespmem:s0+$0xFFFFFFE0]  }
0x282: {  	v48 =	vld [tilespmem:s10+$0xFFFFFFE0]  }
0x283: {  	[tilespmem:s31+$0x50] =	vst v7;
	v14 =	vld [tilespmem:s15+$0xFFFFFFE0]  }
0x284: {  	v11 =	vld [tilespmem:s0+$0x60]  }
0x285: {  	v13 =	vld [tilespmem:s10+$0x60];
	v8 =	vadd.f32 v47, v10;
	_ =	sdelay $0x1  }
0x286: {  	v49 =	vld [tilespmem:s15+$0x60];
	v8 =	vadd.f32 v12, v8  }
0x287: {  	v7 =	vadd.f32 v48, v9  }
0x288: {  	[tilespmem:s31+$0xFFFFFF60] =	vst v8  }
0x289: {  	v50 =	vadd.f32 v13, v11;
	v7 =	vadd.f32 v14, v7;
	v8 =	vld [tilespmem:s0+$0xFFFFFF70]  }
0x28a: {  	v51 =	vld [tilespmem:s10+$0xFFFFFF70]  }
0x28b: {  	v9 =	vadd.f32 v49, v50;
	[tilespmem:s31+$0xFFFFFFE0] =	vst v7;
	v56 =	vld [tilespmem:s15+$0xFFFFFF70]  }
0x28c: {  	v52 =	vld [tilespmem:s0+$0xFFFFFFF0]  }
0x28d: {  	[tilespmem:s31+$0x60] =	vst v9;
	v53 =	vld [tilespmem:s10+$0xFFFFFFF0]  }
0x28e: {  	v54 =	vld [tilespmem:s0+$0x70]  }
0x28f: {  	v55 =	vld [tilespmem:s10+$0x70]  }
0x290: {  	v57 =	vld [tilespmem:s15+$0xFFFFFFF0]  }
0x291: {  	v2 =	vadd.f32 v2, v3;
	v0 =	vadd.f32 v4, v0;
	v58 =	vld [tilespmem:s15+$0x70]  }
0x292: {  	v1 =	vadd.f32 v5, v1;
	v59 =	vadd.f32 v51, v8  }
0x293: {  	s28 =	sadd.s32 $0x1, s28;
	[tilespmem:s30+$0xFFFFFF70] =	vst v0;
	v60 =	vadd.f32 v6, v2;
	v61 =	vadd.f32 v53, v52  }
0x294: {  	p0 =	sne.s32 s28, $0x1C;
	[tilespmem:s30+$0xFFFFFFF0] =	vst v1;
	v62 =	vadd.f32 v55, v54;
	v4 =	vadd.f32 v56, v59  }
.Ltmp2:
0x295: {  	[tilespmem:s30+$0x70] =	vst v60;
	s30 =	sadd.s32 s4, s29;
	v63 =	vadd.f32 v57, v61;
	(pc) =	sbr.rel @p0 .LBB2_2-.Ltmp2, $4  }
0x296: {  	s0 =	sshll.u32 s30, $0x4;
	[tilespmem:s31+$0xFFFFFF70] =	vst v4;
	v1 =	vadd.f32 v58, v62  }
0x297: {  	s0 =	sand.u32 $0x1FFFFF80, s0;
	[tilespmem:s31+$0xFFFFFFF0] =	vst v63  }
0x298: {  	s0 =	sadd.s32 s5, s0;
	[tilespmem:s31+$0x70] =	vst v1  }
0x299: {  	[hbm4b:s0+s3] =	stream.linear.scatter [tilespmem:s23], [sflag:$0x4], $0x1C00, $0x38;
	[tilespmem:$0x104C0] =	vst v63  }
0x29a: {  	s26 =	sadd.s32 $0x1, s26  }
0x29b: {  	_ =	swait.ge [sflag:s24], $0x1C00;
	p0 =	sne.s32 s26, s9  }
.Ltmp3:
0x29c: {  	[sflag:s24] =	ssyncset.done $0x0;
	(pc) =	sbr.rel @p0 .LBB2_1-.Ltmp3, $4  }
0x29d: {  	[sflag:s24] =	ssyncadd.s32 $0xFFFFE400  }
0x29e: {  	_ =	swait.ge [sflag:s25], $0x1C00  }
0x29f: {  	[sflag:s25] =	ssyncset.done $0x0  }
0x2a0: {  	[sflag:s25] =	ssyncadd.s32 $0xFFFFE400  }
0x2a1: {  	_ =	sfence.sel $0x180000  }
0x2a2: {  	[bflag:$0x0] =	sbarrier.arrive $0xFFFF  }
0x2a3: {  	_ =	strace $0x90000047  }
0x2a4: {  	s0 =	stileid.u32;
	[bflag:$0x2] =	sbarrier.arrive $0xFFFF  }
0x2a5: {  	p0 =	sne.s32 s0, $0x0;
	s0 =	rddreg [dreg:$0x3]  }
0x2a6: {  	s0 =	sadd.s32 @!p0 $0x100000, s0  }
0x2a7: {  	[sflag:s0] =	ssyncadd.tile.s32 @!p0 $0x1;
	_ =	shalt  }
.Lfunc_end2:
_tile_overlayer_lowered:
.L_overlay_start_2:
0x2a8: {  	(tag) =	ssettag $0x2  }
0x2a9: {  	s0 =	rddreg [dreg:$0x0];
	s2 =	stileid.u32  }
0x2aa: {  	s1 =	rddreg [dreg:$0x1];
	p0 =	sne.s32 s2, $0x0  }
0x2ab: {  	s3 =	rddreg [dreg:$0x2];
	[bflag:$0x3] =	sbarrier.arrive $0xFFFF;
	s2 =	simm.s32 @!p0 $0x1C06  }
0x2ac: {  	[timem:s3], [sflag:s2] =	dma.local @!p0 [hbm:s0], s1  }
0x2ad: {  	s0 =	simm.s32 @!p0 $0x6  }
0x2ae: {  	_ =	swait.ge @!p0 [sflag:s0], s1  }
0x2af: {  	s1 =	ssub.s32 @!p0 $0x0, s1;
	[sflag:s0] =	ssyncset.done @!p0 $0x0  }
0x2b0: {  	[sflag:s0] =	ssyncadd.s32 @!p0 s1  }
0x2b1: {  	[bflag:$0x3] =	sbarrier.arrive $0xFFFF  }
0x2b2: {  	_ =	shalt  }

// kernel: kernel.13.cloned.1.call-start
scs
__scs_entry_jumppad:
0x0: {  	(pc) =	sbr.rel $0x88, $3  }
0x1: {  	(tag) =	ssettag $0x0;
	lr =	simm.s32 $0x1  }
0x2: {  	[smem:$0x3F91] =	sst lr;
	_ =	strace $0xD0000000  }
0x3: {  	_ = 	snop  }
0x4: {  	_ = 	snop  }
0x5: {  	_ = 	snop  }
0x6: {  	_ = 	snop  }
0x7: {  	_ = 	snop  }
__scs_overlays_trampoline_lowered:
0x8: {  	[smem:$0x3FA0] =	sst s0  }
0x9: {  	[smem:$0x3FA1] =	sst s1  }
0xa: {  	[smem:$0x3FA2] =	sst s2  }
0xb: {  	[smem:$0x3FA3] =	sst s3  }
0xc: {  	[smem:$0x3FA4] =	sst s4  }
0xd: {  	[smem:$0x3FA5] =	sst s5  }
0xe: {  	[smem:$0x3FA6] =	sst s6  }
0xf: {  	[smem:$0x3FA7] =	sst s7  }
0x10: {  	[smem:$0x3FA8] =	sst s8  }
0x11: {  	[smem:$0x3FA9] =	sst s9;
	s0 =	simm.s32 @!p0 $0x0  }
0x12: {  	s1 =	sld [smem:$0x3F8F];
	s0 =	simm.s32 @p0 $0x1  }
0x13: {  	[smem:$0x3FAA] =	sst s0;
	s0 =	simm.s32 @!p1 $0x0  }
0x14: {  	s2 =	sld [smem:$0x3F8E];
	s0 =	simm.s32 @p1 $0x1  }
0x15: {  	[smem:$0x3FAB] =	sst s0;
	s0 =	simm.s32 @!p2 $0x0  }
0x16: {  	s3 =	sld [smem:$0x3FDB];
	s0 =	simm.s32 @p2 $0x1  }
0x17: {  	s4 =	simm.s32 $0x1BF5;
	[smem:$0x3FAD] =	sst s0  }
0x18: {  	s0 =	sld [smem:$0x3F90];
	_ =	swait.ge [sflag:s4], $0x0  }
0x19: {  	s7 =	sld [smem:$0x3F91]  }
0x1a: {  	s8 =	sadd.s32 $0xFFFFE003, lr  }
0x1b: {  	s9 =	sadd.s32 $0xFFFFFEF7, lr;
	s5 =	simm.s32 $0xFFFFFFFF;
	p2 =	slt.u32 s8, $0xFFFFF086  }
0x1c: {  	p1 =	slt.u32 s9, $0xF7A;
	s5 =	simm.s32 @!p2 $0x0  }
0x1d: {  	s5 =	simm.s32 @p1 $0x1;
	p0 =	seq.s32 s7, s2  }
0x1e: {  	s7 =	smul.u32 @!p0 $0xF7A, s2;
	p2 =	seq.s32 @!p0 s5, $0x0  }
0x1f: {  	s9 =	smul.u32 $0xF7A, s1;
	s8 =	simm.s32 @!p0 $0x1BF5;
	p2 =	por !p2, p0  }
0x20: {  	[sflag:s8] =	ssyncset.s32 @!p0 $0xFFFFF086;
	s6 =	sadd.s32 @!p0 s3, s7;
	s7 =	simm.s32 @!p0 $0x108  }
0x21: {  	s3 =	sadd.s32 s3, s9;
	s6 =	sadd.s32 @!p0 $0x88, s6;
	s7 =	simm.s32 @p2 $0x1082  }
0x22: {  	[simem:s7], [sflag:s8] =	dma.local @!p0 [hbm:s6], $0xF7A  }
0x23: {  	s9 =	sor.u32 $0xD0000000, s2;
	s6 =	simm.s32 $0x108;
	_ =	swait.ge @!p0 [sflag:s8], $0x0  }
0x24: {  	s3 =	sadd.s32 $0x88, s3;
	s6 =	simm.s32 @!p1 $0x1082;
	[sflag:s4] =	ssyncset.s32 $0xFFFFF086  }
0x25: {  	[simem:s6], [sflag:s4] =	dma.local [hbm:s3], $0xF7A  }
0x26: {  	[smem:$0x3F91] =	sst s1;
	(tag) =	ssettag s2;
	_ =	strace s9  }
0x27: {  	s1 =	sld [smem:$0x3FA1]  }
0x28: {  	s2 =	sld [smem:$0x3FA2]  }
0x29: {  	s4 =	sld [smem:$0x3FA4]  }
0x2a: {  	p0 =	seq.s32 s5, $0x0;
	s5 =	sld [smem:$0x3FA5]  }
0x2b: {  	s6 =	sld [smem:$0x3FA6]  }
0x2c: {  	s7 =	sld [smem:$0x3FA7]  }
0x2d: {  	s3 =	simm.s32 $0x108;
	s8 =	sld [smem:$0x3FA8]  }
0x2e: {  	s3 =	simm.s32 @!p0 $0x1082;
	s9 =	sld [smem:$0x3FA9]  }
0x2f: {  	lr =	sadd.s32 s0, s3;
	s0 =	sld [smem:$0x3FA0]  }
0x30: {  	s3 =	sld [smem:$0x3FA3]  }
0x31: {  	[smem:$0x3FAC] =	sst s10  }
0x32: {  	s10 =	sld [smem:$0x3FAA];
	_ =	sdelay $0x3  }
0x33: {  	p0 =	seq.s32 s10, $0x1;
	s10 =	sld [smem:$0x3FAC];
	_ =	sdelay $0x3  }
0x34: {  	[smem:$0x3FAC] =	sst s10  }
0x35: {  	s10 =	sld [smem:$0x3FAB];
	_ =	sdelay $0x3  }
0x36: {  	p1 =	seq.s32 s10, $0x1;
	s10 =	sld [smem:$0x3FAC];
	_ =	sdelay $0x3  }
0x37: {  	[smem:$0x3FAC] =	sst s10  }
0x38: {  	s10 =	sld [smem:$0x3FAD]  }
0x39: {  	_ = 	snop;
	(pc) =	sbr.ind lr, $3  }
0x3a: {  	_ = 	snop  }
0x3b: {  	_ = 	snop  }
0x3c: {  	p2 =	seq.s32 s10, $0x1;
	s10 =	sld [smem:$0x3FAC]  }
0x3d: {  	_ =	shalt  }
0x3e: {  	_ =	shalt  }
0x3f: {  	_ =	shalt  }
0x40: {  	_ =	shalt  }
0x41: {  	_ =	shalt  }
0x42: {  	_ =	shalt  }
0x43: {  	_ =	shalt  }
0x44: {  	_ =	shalt  }
0x45: {  	_ =	shalt  }
0x46: {  	_ =	shalt  }
0x47: {  	_ =	shalt  }
0x48: {  	_ =	shalt  }
0x49: {  	_ =	shalt  }
0x4a: {  	_ =	shalt  }
0x4b: {  	_ =	shalt  }
0x4c: {  	_ =	shalt  }
0x4d: {  	_ =	shalt  }
0x4e: {  	_ =	shalt  }
0x4f: {  	_ =	shalt  }
0x50: {  	_ =	shalt  }
0x51: {  	_ =	shalt  }
0x52: {  	_ =	shalt  }
0x53: {  	_ =	shalt  }
0x54: {  	_ =	shalt  }
0x55: {  	_ =	shalt  }
0x56: {  	_ =	shalt  }
0x57: {  	_ =	shalt  }
0x58: {  	_ =	shalt  }
0x59: {  	_ =	shalt  }
0x5a: {  	_ =	shalt  }
0x5b: {  	_ =	shalt  }
0x5c: {  	_ =	shalt  }
0x5d: {  	_ =	shalt  }
0x5e: {  	_ =	shalt  }
0x5f: {  	_ =	shalt  }
0x60: {  	_ =	shalt  }
0x61: {  	_ =	shalt  }
0x62: {  	_ =	shalt  }
0x63: {  	_ =	shalt  }
0x64: {  	_ =	shalt  }
0x65: {  	_ =	shalt  }
0x66: {  	_ =	shalt  }
0x67: {  	_ =	shalt  }
0x68: {  	_ =	shalt  }
0x69: {  	_ =	shalt  }
0x6a: {  	_ =	shalt  }
0x6b: {  	_ =	shalt  }
0x6c: {  	_ =	shalt  }
0x6d: {  	_ =	shalt  }
0x6e: {  	_ =	shalt  }
0x6f: {  	_ =	shalt  }
0x70: {  	_ =	shalt  }
0x71: {  	_ =	shalt  }
0x72: {  	_ =	shalt  }
0x73: {  	_ =	shalt  }
0x74: {  	_ =	shalt  }
0x75: {  	_ =	shalt  }
0x76: {  	_ =	shalt  }
0x77: {  	_ =	shalt  }
0x78: {  	_ =	shalt  }
0x79: {  	_ =	shalt  }
0x7a: {  	_ =	shalt  }
0x7b: {  	_ =	shalt  }
0x7c: {  	_ =	shalt  }
0x7d: {  	_ =	shalt  }
0x7e: {  	_ =	shalt  }
0x7f: {  	_ =	shalt  }
0x80: {  	_ =	shalt  }
0x81: {  	_ =	shalt  }
0x82: {  	_ =	shalt  }
0x83: {  	_ =	shalt  }
0x84: {  	_ =	shalt  }
0x85: {  	_ =	shalt  }
0x86: {  	_ =	shalt  }
0x87: {  	_ =	shalt  }
.Lfunc_end0:
.L_simem_size_0:
called_computation.1_lowered:
.L_overlay_start_0:
0x88: {  	s2 =	sld [smem:$0x3FD9]  }
0x89: {  	s3 =	sld [smem:$0x3FFE];
	_ =	sdelay $0x1  }
0x8a: {  	s1 =	srdreg.scid  }
0x8b: {  	s0 =	sand.u32 $0x1, s1  }
0x8c: {  	s14 =	sshll.u32 s0, $0xA;
	s2 =	sadd.s32 s3, s2  }
0x8d: {  	s2 =	sadd.s32 s2, s14  }
0x8e: {  	[smem:$0x3FB8] =	sst s2  }
0x8f: {  	_ = 	snop  }
0x90: {  	s2 =	sld [smem:$0x3FD0];
	_ =	sdelay $0x2  }
0x91: {  	s15 =	simm.s32 $0xA;
	s4 =	simm.s32 $0x10  }
0x92: {  	[smem:s4], [sflag:s15] =	dma.local [hbm:s2], $0x1  }
0x93: {  	_ =	swait.eq [sflag:s15], $0x1  }
0x94: {  	[sflag:s15] =	ssyncset.done $0x0  }
0x95: {  	[sflag:s15] =	ssyncadd.s32 $0xFFFFFFFF  }
0x96: {  	s16 =	sld [smem:$0x13];
	(tm) =	ssettm $0x1  }
0x97: {  	s17 =	sld [smem:$0x3FFB];
	_ =	sdelay $0x3  }
0x98: {  	_ =	strace s17  }
0x99: {  	s3 =	sld [smem:$0x3FFC];
	_ =	sdelay $0x3  }
0x9a: {  	_ =	strace s3  }
0x9b: {  	s3 =	sld [smem:$0x3FFD];
	_ =	sdelay $0x3  }
0x9c: {  	_ =	strace s3  }
0x9d: {  	_ =	strace $0x8FFFFFFF  }
0x9e: {  	s18 =	sld [smem:$0x3FDB];
	_ =	sdelay $0x1  }
0x9f: {  	s19 =	simm.s32 $_scs_section_size  }
0xa0: {  	s5 =	simm.s32 $_size__tile_overlayer_lowered;
	s6 =	simm.s32 $_tile_overlayer_lowered  }
0xa1: {  	s22 =	simm.s32 $0x1BFF;
	s21 =	sshll.u32 s6, $0x1;
	s3 =	sadd.s32 s19, s18  }
0xa2: {  	s7 =	simm.s32 $0x0;
	s20 =	sshll.u32 s5, $0x1;
	s5 =	sadd.s32 s21, s3  }
0xa3: {  	[timem:s7], [sflag:s22] =	dma.local [hbm:s5], s20  }
0xa4: {  	_ =	swait.ge [sflag:s22], s20  }
0xa5: {  	s4 =	ssub.s32 $0x0, s20;
	[sflag:s22] =	ssyncset.done $0x0  }
0xa6: {  	[sflag:s22] =	ssyncadd.s32 s4;
	_ =	sdelay $0x1  }
0xa7: {  	s23 =	simm.s32 $0x1B8B  }
0xa8: {  	_ =	swait.ge [sflag:s23], $0x1  }
0xa9: {  	[sflag:s23] =	ssyncset.done $0x0  }
0xaa: {  	s25 =	simm.s32 $0x1B8E;
	s24 =	sld [smem:$0x3FFE];
	[sflag:s23] =	ssyncadd.s32 $0xFFFFFFFF  }
0xab: {  	s26 =	simm.s32 $execute0_lowered;
	[smem:$0x3FD2] =	sst s25  }
0xac: {  	s5 =	sshll.u32 s26, $0x1;
	_ =	strace $0x80000049;
	[dreg:$0x1] =	wrdreg $0xFFFFFFFF  }
0xad: {  	s28 =	simm.s32 $_size_execute0_lowered;
	s3 =	sadd.s32 s3, s5;
	[dreg:$0x0] =	wrdreg $0x0  }
0xae: {  	s5 =	sshll.u32 s28, $0x1;
	[dreg:$0x2] =	wrdreg s3  }
0xaf: {  	[dreg:$0x3] =	wrdreg s5  }
0xb0: {  	[dreg:$0x4] =	wrdreg $0xC0  }
0xb1: {  	_ =	task [dreg:s7], $0x5FFFF  }
0xb2: {  	[dreg:$0x1] =	wrdreg $0xFFFFFFFF  }
0xb3: {  	[dreg:$0x0] =	wrdreg $0x60  }
0xb4: {  	[dreg:$0x2] =	wrdreg s24  }
0xb5: {  	[dreg:$0x3] =	wrdreg s16  }
0xb6: {  	[dreg:$0x4] =	wrdreg $0x9  }
0xb7: {  	_ =	task.clear_ibuf [dreg:s7], $0x5FFFF;
	_ =	strace $0x90000049  }
0xb8: {  	s29 =	simm.s32 $0x9;
	_ =	strace $0x8000004B  }
0xb9: {  	_ =	swait.ge [sflag:s29], $0x1  }
0xba: {  	[sflag:s29] =	ssyncadd.s32 $0xFFFFFFFF  }
0xbb: {  	_ =	strace $0x9000004B  }
0xbc: {  	_ =	sfence  }
0xbd: {  	s30 =	sld [smem:$0x0];
	_ =	sdelay $0x2  }
0xbe: {  	s31 =	sshll.u32 s1, $0xD;
	s1 =	sshrl.u32 s1, $0x2  }
0xbf: {  	s3 =	sand.u32 $0x4000, s31;
	s1 =	sadd.s32 s1, s30  }
0xc0: {  	s0 =	sor.u32 s3, s0;
	s1 =	sshll.u32 s1, $0x11  }
0xc1: {  	s0 =	sor.u32 s1, s0  }
0xc2: {  	s0 =	sadd.s32 $0x8F2B, s0  }
0xc3: {  	[sflag:s0] =	ssyncadd.remote.s32 $0x1  }
0xc4: {  	_ =	sfence.sel $0xFFFF  }
0xc5: {  	[dreg:$0x0] =	wrdreg $0xFFFFFFFF;
	(pc) =	sbr.abs _section_cstart, $3  }
0xc6: {  	[dreg:$0x1] =	wrdreg $0xFFFFFFFF  }
0xc7: {  	_ =	task.clear_ibuf [dreg:s7], $0x2FFFF;
	_ =	strace $0x9FFFFFFF  }
0xc8: {  	(tm) =	ssettm $0x7FFFFFFF  }
0xc9: {  	_ =	shalt  }
tec
execute0_lowered:
.L_overlay_start_1:
0x0: {  	(tag) =	ssettag $0x1  }
0x1: {  	s0 =	rddreg [dreg:$0x0];
	s1 =	srdreg.scid  }
0x2: {  	s2 =	stileid.u32;
	s6 =	rddreg [dreg:$0x1]  }
0x3: {  	s12 =	simm.s32 $0x5;
	s13 =	simm.s32 $0x38;
	s17 =	simm.s32 $0x78C0  }
0x4: {  	s18 =	simm.s32 $0x94C0;
	s19 =	simm.s32 $0xB0C0;
	s20 =	simm.s32 $0x1  }
0x5: {  	s21 =	simm.s32 $0xCCC0;
	s1 =	sand.u32 $0x1, s1;
	s3 =	sshll.u32 s2, $0x1  }
0x6: {  	s22 =	simm.s32 $0x2;
	s23 =	simm.s32 $0xE8C0;
	s3 =	sor.u32 s1, s3  }
0x7: {  	s24 =	simm.s32 $0x3;
	s25 =	simm.s32 $0x4;
	s3 =	smul.u32 $0xC40, s3  }
0x8: {  	s26 =	simm.s32 $0x0;
	s2 =	simm.s32 $0x0;
	s4 =	sadd.s32 $0x310A00, s0  }
0x9: {  	s5 =	sadd.s32 $0x188A00, s0;
	s1 =	ssub.s32 $0x2, s1;
	s7 =	sshrl.u32 s3, $0x3  }
0xa: {  	[smem:$0x7FF] =	sst s2;
	s30 =	sshrl.u32 s1, $0x1;
	s6 =	sadd.s32 s6, s7  }
0xb: {  	_ =	strace $0x8000004A;
	s0 =	ssub.s32 s1, s30;
	s31 =	sadd.s32 $0x3100, s6  }
0xc: {  	s9 =	smax.u32 s0, $0x1;
	s8 =	sadd.s32 $0x6200, s6;
	[dreg:$0x3] =	wrdreg s31  }
.LBB2_1:
0xd: {  	[tilespmem:s2], [sflag:$0x5] =	stream.linear.gather [hbm4b:s6+s2], $0xC40, $0x38;
	[tilespmem:$0x104C0] =	vst v63  }
0xe: {  	s0 =	rddreg [dreg:$0x3];
	s1 =	simm.s32 $0xC40  }
0xf: {  	[tilespmem:s1], [sflag:$0x5] =	stream.linear.gather [hbm4b:s0+s2], $0xC40, $0x38;
	[tilespmem:$0x104C0] =	vst v63  }
0x10: {  	s29 =	simm.s32 $0x1880  }
0x11: {  	[tilespmem:s29], [sflag:$0x5] =	stream.linear.gather [hbm4b:s8+s2], $0xC40, $0x38;
	[tilespmem:$0x104C0] =	vst v63  }
0x12: {  	_ =	swait.ge [sflag:s12], $0xC40  }
0x13: {  	[sflag:s12] =	ssyncset.done $0x0  }
0x14: {  	[sflag:s12] =	ssyncadd.s32 $0xFFFFF3C0  }
0x15: {  	_ =	swait.ge [sflag:s12], $0xC40  }
0x16: {  	[sflag:s12] =	ssyncset.done $0x0  }
0x17: {  	[sflag:s12] =	ssyncadd.s32 $0xFFFFF3C0  }
0x18: {  	_ =	swait.ge [sflag:s12], $0xC40  }
0x19: {  	[sflag:s12] =	ssyncset.done $0x0  }
0x1a: {  	s7 =	simm.s32 $0x24C0;
	[sflag:s12] =	ssyncadd.s32 $0xFFFFF3C0  }
0x1b: {  	[tilespmem:s7], [sflag:$0x1] =	stream.indirect.gather [hbm4b:s4+s13], $0x80, s2, s13, $0xb8;
	[tilespmem:$0x104C0] =	vst v63  }
0x1c: {  	s30 =	simm.s32 $0x40C0  }
0x1d: {  	[tilespmem:s30], [sflag:$0x1] =	stream.indirect.gather [hbm4b:s4+s13], $0x80, s1, s13, $0xb8;
	[tilespmem:$0x104C0] =	vst v63  }
0x1e: {  	s31 =	simm.s32 $0x5CC0;
	s28 =	simm.s32 $0x0  }
0x1f: {  	[tilespmem:s31], [sflag:$0x1] =	stream.indirect.gather [hbm4b:s4+s13], $0x80, s29, s13, $0xb8;
	[tilespmem:$0x104C0] =	vst v63  }
.LBB2_2:
0x20: {  	s30 =	smul.u32 $0x70, s28;
	_ =	sdelay $0x1  }
0x21: {  	s29 =	sadd.s32 $0x38, s30  }
0x22: {  	[tilespmem:s17], [sflag:$0x2] =	stream.indirect.gather [hbm4b:s4+s13], $0x80, s29, s13, $0xb8;
	[tilespmem:$0x104C0] =	vst v63  }
0x23: {  	s0 =	sadd.s32 $0xC78, s30  }
0x24: {  	[tilespmem:s18], [sflag:$0x2] =	stream.indirect.gather [hbm4b:s4+s13], $0x80, s0, s13, $0xb8;
	[tilespmem:$0x104C0] =	vst v63  }
0x25: {  	s16 =	sadd.s32 $0x18B8, s30  }
0x26: {  	[tilespmem:s19], [sflag:$0x2] =	stream.indirect.gather [hbm4b:s4+s13], $0x80, s16, s13, $0xb8;
	[tilespmem:$0x104C0] =	vst v63  }
0x27: {  	_ =	swait.ge [sflag:s20], $0x1C00  }
0x28: {  	[sflag:s20] =	ssyncset.done $0x0  }
0x29: {  	[sflag:s20] =	ssyncadd.s32 $0xFFFFE400  }
0x2a: {  	_ =	swait.ge [sflag:s20], $0x1C00  }
0x2b: {  	[sflag:s20] =	ssyncset.done $0x0  }
0x2c: {  	[sflag:s20] =	ssyncadd.s32 $0xFFFFE400  }
0x2d: {  	_ =	swait.ge [sflag:s20], $0x1C00  }
0x2e: {  	p0 =	seq.s32 s28, $0x0;
	[sflag:s20] =	ssyncset.done $0x0  }
0x2f: {  	s0 =	simm.s32 @!p0 $0x3;
	[sflag:s20] =	ssyncadd.s32 $0xFFFFE400  }
0x30: {  	_ =	swait.ge @!p0 [sflag:s0], $0x1C00  }
0x31: {  	[sflag:s0] =	ssyncset.done @!p0 $0x0  }
0x32: {  	s11 =	simm.s32 $0x25C0;
	[sflag:s0] =	ssyncadd.s32 @!p0 $0xFFFFE400  }
0x33: {  	s10 =	simm.s32 $0x41C0;
	v0 =	vld [tilespmem:s11+$0x80]  }
0x34: {  	s16 =	simm.s32 $0x5DC0;
	v1 =	vld [tilespmem:s10+$0x80]  }
0x35: {  	v2 =	vld [tilespmem:s16+$0x80]  }
0x36: {  	v3 =	vld [tilespmem:s10+$0xFFFFFF00]  }
0x37: {  	v4 =	vld [tilespmem:s11+$0xFFFFFF80]  }
0x38: {  	v5 =	vld [tilespmem:s11+$0xFFFFFF00]  }
0x39: {  	v6 =	vld [tilespmem:s16+$0xFFFFFF00];
	v0 =	vadd.f32 v1, v0  }
0x3a: {  	v7 =	vld [tilespmem:s16+$0xFFFFFF80]  }
0x3b: {  	s0 =	simm.s32 $0x27C0;
	v8 =	vld [tilespmem:s10+$0x0];
	v0 =	vadd.f32 v2, v0  }
0x3c: {  	s31 =	simm.s32 $0xCDC0;
	s14 =	simm.s32 $0x43C0;
	v12 =	vld [tilespmem:s0+$0x80]  }
0x3d: {  	v13 =	vld [tilespmem:s14+$0x80];
	[tilespmem:s31+$0x80] =	vst v0  }
0x3e: {  	v0 =	vld [tilespmem:s11+$0x90]  }
0x3f: {  	v1 =	vld [tilespmem:s10+$0x90]  }
0x40: {  	v14 =	vld [tilespmem:s14+$0xFFFFFF00]  }
0x41: {  	s15 =	simm.s32 $0x5FC0;
	v2 =	vld [tilespmem:s16+$0x90]  }
0x42: {  	v15 =	vld [tilespmem:s15+$0x80]  }
0x43: {  	v16 =	vld [tilespmem:s0+$0xFFFFFF80]  }
0x44: {  	v17 =	vld [tilespmem:s14+$0xFFFFFF80];
	v0 =	vadd.f32 v1, v0  }
0x45: {  	v18 =	vld [tilespmem:s0+$0x0]  }
0x46: {  	v1 =	vld [tilespmem:s10+$0xFFFFFF80];
	v0 =	vadd.f32 v2, v0  }
0x47: {  	v22 =	vld [tilespmem:s14+$0x0]  }
0x48: {  	v19 =	vld [tilespmem:s0+$0xFFFFFF00];
	[tilespmem:s31+$0x90] =	vst v0  }
0x49: {  	v0 =	vadd.f32 v3, v5;
	v3 =	vld [tilespmem:s11+$0xA0]  }
0x4a: {  	v5 =	vld [tilespmem:s10+$0xA0]  }
0x4b: {  	v2 =	vld [tilespmem:s11+$0x0];
	v1 =	vadd.f32 v1, v4;
	v0 =	vadd.f32 v6, v0  }
0x4c: {  	v4 =	vld [tilespmem:s16+$0xA0]  }
0x4d: {  	v6 =	vld [tilespmem:s16+$0x0];
	v1 =	vadd.f32 v7, v1;
	[tilespmem:s31+$0xFFFFFF00] =	vst v0  }
0x4e: {  	v0 =	vld [tilespmem:s11+$0xFFFFFF10]  }
0x4f: {  	[tilespmem:s31+$0xFFFFFF80] =	vst v1;
	v1 =	vld [tilespmem:s10+$0xFFFFFF10];
	v3 =	vadd.f32 v5, v3  }
0x50: {  	v5 =	vld [tilespmem:s11+$0xFFFFFF90]  }
0x51: {  	v7 =	vld [tilespmem:s10+$0xFFFFFF90];
	v3 =	vadd.f32 v4, v3  }
0x52: {  	v2 =	vadd.f32 v8, v2;
	v8 =	vld [tilespmem:s16+$0xFFFFFF90]  }
0x53: {  	v4 =	vld [tilespmem:s16+$0xFFFFFF10];
	[tilespmem:s31+$0xA0] =	vst v3  }
0x54: {  	v3 =	vld [tilespmem:s11+$0xB0]  }
0x55: {  	v2 =	vadd.f32 v6, v2;
	v6 =	vld [tilespmem:s10+$0xB0]  }
0x56: {  	v23 =	vld [tilespmem:s15+$0xFFFFFF00];
	v0 =	vadd.f32 v1, v0  }
0x57: {  	[tilespmem:s31+$0x0] =	vst v2;
	v1 =	vld [tilespmem:s16+$0xB0]  }
0x58: {  	v2 =	vld [tilespmem:s11+$0x10];
	v5 =	vadd.f32 v7, v5;
	v0 =	vadd.f32 v4, v0  }
0x59: {  	v7 =	vld [tilespmem:s16+$0x10]  }
0x5a: {  	v4 =	vld [tilespmem:s10+$0x10];
	v5 =	vadd.f32 v8, v5;
	[tilespmem:s31+$0xFFFFFF10] =	vst v0;
	v0 =	vadd.f32 v6, v3  }
0x5b: {  	v3 =	vld [tilespmem:s11+$0xFFFFFF20]  }
0x5c: {  	[tilespmem:s31+$0xFFFFFF90] =	vst v5;
	v5 =	vld [tilespmem:s10+$0xFFFFFF20];
	v0 =	vadd.f32 v1, v0  }
0x5d: {  	v6 =	vld [tilespmem:s16+$0xFFFFFF20]  }
0x5e: {  	v8 =	vld [tilespmem:s10+$0xFFFFFFA0];
	[tilespmem:s31+$0xB0] =	vst v0  }
0x5f: {  	v0 =	vld [tilespmem:s11+$0xC0]  }
0x60: {  	v2 =	vadd.f32 v4, v2;
	v4 =	vld [tilespmem:s10+$0xC0]  }
0x61: {  	v1 =	vld [tilespmem:s11+$0xFFFFFFA0]  }
0x62: {  	v2 =	vadd.f32 v7, v2;
	v7 =	vld [tilespmem:s16+$0xC0]  }
0x63: {  	v24 =	vld [tilespmem:s15+$0x0];
	v3 =	vadd.f32 v5, v3  }
0x64: {  	[tilespmem:s31+$0x10] =	vst v2;
	v2 =	vld [tilespmem:s16+$0xFFFFFFA0]  }
0x65: {  	v5 =	vld [tilespmem:s11+$0x20];
	v3 =	vadd.f32 v6, v3;
	v0 =	vadd.f32 v4, v0  }
0x66: {  	v4 =	vld [tilespmem:s10+$0x20]  }
0x67: {  	v1 =	vadd.f32 v8, v1;
	v6 =	vld [tilespmem:s16+$0x20];
	[tilespmem:s31+$0xFFFFFF20] =	vst v3;
	v0 =	vadd.f32 v7, v0  }
0x68: {  	v3 =	vld [tilespmem:s11+$0xFFFFFF30]  }
0x69: {  	v1 =	vadd.f32 v2, v1;
	v2 =	vld [tilespmem:s10+$0xFFFFFF30];
	[tilespmem:s31+$0xC0] =	vst v0  }
0x6a: {  	v0 =	vld [tilespmem:s11+$0xD0]  }
0x6b: {  	[tilespmem:s31+$0xFFFFFFA0] =	vst v1;
	v4 =	vadd.f32 v4, v5;
	v1 =	vld [tilespmem:s10+$0xD0]  }
0x6c: {  	v7 =	vld [tilespmem:s10+$0xFFFFFFB0]  }
0x6d: {  	v4 =	vadd.f32 v6, v4;
	v6 =	vld [tilespmem:s16+$0xD0]  }
0x6e: {  	v12 =	vadd.f32 v13, v12;
	v5 =	vld [tilespmem:s11+$0xFFFFFFB0]  }
0x6f: {  	v2 =	vadd.f32 v2, v3;
	v3 =	vld [tilespmem:s16+$0xFFFFFFB0]  }
0x70: {  	v12 =	vadd.f32 v15, v12;
	[tilespmem:s31+$0x20] =	vst v4;
	v4 =	vld [tilespmem:s16+$0xFFFFFF30];
	v0 =	vadd.f32 v1, v0  }
0x71: {  	s1 =	simm.s32 $0xCFC0;
	v8 =	vld [tilespmem:s11+$0x30]  }
0x72: {  	[tilespmem:s1+$0x80] =	vst v12;
	v1 =	vld [tilespmem:s10+$0x30];
	v0 =	vadd.f32 v6, v0  }
0x73: {  	v12 =	vld [tilespmem:s0+$0x90]  }
0x74: {  	v6 =	vld [tilespmem:s16+$0x30];
	[tilespmem:s31+$0xD0] =	vst v0  }
0x75: {  	v2 =	vadd.f32 v4, v2;
	v0 =	vadd.f32 v7, v5;
	v4 =	vld [tilespmem:s11+$0xE0]  }
0x76: {  	v5 =	vld [tilespmem:s16+$0xE0]  }
0x77: {  	v1 =	vadd.f32 v1, v8;
	[tilespmem:s31+$0xFFFFFF30] =	vst v2;
	v2 =	vld [tilespmem:s10+$0xE0];
	v0 =	vadd.f32 v3, v0  }
0x78: {  	v3 =	vld [tilespmem:s11+$0xFFFFFF40]  }
0x79: {  	v1 =	vadd.f32 v6, v1;
	[tilespmem:s31+$0xFFFFFFB0] =	vst v0;
	v0 =	vld [tilespmem:s10+$0xFFFFFF40]  }
0x7a: {  	v6 =	vld [tilespmem:s11+$0xFFFFFFC0]  }
0x7b: {  	[tilespmem:s31+$0x30] =	vst v1;
	v1 =	vld [tilespmem:s10+$0xFFFFFFC0]  }
0x7c: {  	v2 =	vadd.f32 v2, v4;
	v4 =	vld [tilespmem:s16+$0xFFFFFF40]  }
0x7d: {  	v7 =	vld [tilespmem:s11+$0x40]  }
0x7e: {  	v8 =	vld [tilespmem:s10+$0x40];
	v2 =	vadd.f32 v5, v2  }
0x7f: {  	v5 =	vld [tilespmem:s16+$0xFFFFFFC0];
	v3 =	vadd.f32 v0, v3  }
0x80: {  	v9 =	vld [tilespmem:s16+$0x40];
	[tilespmem:s31+$0xE0] =	vst v2  }
0x81: {  	v0 =	vld [tilespmem:s11+$0xF0];
	v3 =	vadd.f32 v4, v3  }
0x82: {  	v6 =	vadd.f32 v1, v6;
	v2 =	vld [tilespmem:s10+$0xF0]  }
0x83: {  	v4 =	vadd.f32 v8, v7;
	v1 =	vld [tilespmem:s16+$0xF0];
	[tilespmem:s31+$0xFFFFFF40] =	vst v3  }
0x84: {  	v5 =	vadd.f32 v5, v6;
	v3 =	vld [tilespmem:s11+$0xFFFFFF50]  }
0x85: {  	v4 =	vadd.f32 v9, v4;
	v9 =	vld [tilespmem:s16+$0xFFFFFF50]  }
0x86: {  	[tilespmem:s31+$0xFFFFFFC0] =	vst v5;
	v5 =	vld [tilespmem:s10+$0xFFFFFF50]  }
0x87: {  	v6 =	vld [tilespmem:s11+$0xFFFFFFD0]  }
0x88: {  	[tilespmem:s31+$0x40] =	vst v4;
	v7 =	vld [tilespmem:s10+$0xFFFFFFD0]  }
0x89: {  	v4 =	vld [tilespmem:s11+$0x50]  }
0x8a: {  	v10 =	vld [tilespmem:s16+$0xFFFFFFD0]  }
0x8b: {  	v8 =	vld [tilespmem:s10+$0x50];
	v3 =	vadd.f32 v5, v3  }
0x8c: {  	v11 =	vld [tilespmem:s16+$0x50]  }
0x8d: {  	v5 =	vld [tilespmem:s15+$0xFFFFFF80];
	v6 =	vadd.f32 v7, v6;
	v3 =	vadd.f32 v9, v3  }
0x8e: {  	v7 =	vld [tilespmem:s14+$0x90]  }
0x8f: {  	v9 =	vadd.f32 v14, v19;
	v6 =	vadd.f32 v10, v6;
	[tilespmem:s31+$0xFFFFFF50] =	vst v3;
	v3 =	vld [tilespmem:s15+$0x90]  }
0x90: {  	v25 =	vld [tilespmem:s11+$0xFFFFFF60]  }
0x91: {  	v10 =	vadd.f32 v17, v16;
	v9 =	vadd.f32 v23, v9;
	[tilespmem:s31+$0xFFFFFFD0] =	vst v6;
	v6 =	vld [tilespmem:s10+$0xFFFFFF60]  }
0x92: {  	v42 =	vld [tilespmem:s16+$0xFFFFFF60]  }
0x93: {  	v5 =	vadd.f32 v5, v10;
	[tilespmem:s1+$0xFFFFFF00] =	vst v9;
	v9 =	vld [tilespmem:s11+$0xFFFFFFE0]  }
0x94: {  	v7 =	vadd.f32 v7, v12;
	v10 =	vld [tilespmem:s0+$0xFFFFFF10]  }
0x95: {  	[tilespmem:s1+$0xFFFFFF80] =	vst v5;
	v5 =	vld [tilespmem:s14+$0xFFFFFF10]  }
0x96: {  	v4 =	vadd.f32 v8, v4;
	v31 =	vld [tilespmem:s15+$0xFFFFFF10];
	v3 =	vadd.f32 v3, v7  }
0x97: {  	v27 =	vld [tilespmem:s14+$0xFFFFFF90]  }
0x98: {  	v26 =	vadd.f32 v22, v18;
	v4 =	vadd.f32 v11, v4;
	v11 =	vld [tilespmem:s15+$0xFFFFFF90];
	[tilespmem:s1+$0x90] =	vst v3  }
0x99: {  	v3 =	vld [tilespmem:s0+$0xA0]  }
0x9a: {  	v12 =	vadd.f32 v24, v26;
	v28 =	vld [tilespmem:s14+$0xA0]  }
0x9b: {  	v7 =	vld [tilespmem:s0+$0xFFFFFF90]  }
0x9c: {  	[tilespmem:s1+$0x0] =	vst v12;
	v30 =	vld [tilespmem:s15+$0xA0]  }
0x9d: {  	v29 =	vld [tilespmem:s0+$0x10];
	v6 =	vadd.f32 v6, v25  }
0x9e: {  	[tilespmem:s31+$0x50] =	vst v4;
	v8 =	vld [tilespmem:s14+$0x10];
	v4 =	vadd.f32 v5, v10  }
0x9f: {  	v32 =	vld [tilespmem:s15+$0x10];
	v6 =	vadd.f32 v42, v6;
	v3 =	vadd.f32 v28, v3  }
0xa0: {  	v5 =	vld [tilespmem:s10+$0xFFFFFFE0];
	v4 =	vadd.f32 v31, v4  }
0xa1: {  	v10 =	vld [tilespmem:s11+$0x60];
	v7 =	vadd.f32 v27, v7;
	[tilespmem:s31+$0xFFFFFF60] =	vst v6;
	v3 =	vadd.f32 v30, v3  }
0xa2: {  	v6 =	vld [tilespmem:s16+$0x60];
	[tilespmem:s1+$0xFFFFFF10] =	vst v4  }
0xa3: {  	v7 =	vadd.f32 v11, v7;
	v11 =	vld [tilespmem:s0+$0xFFFFFF20];
	[tilespmem:s1+$0xA0] =	vst v3  }
0xa4: {  	v33 =	vld [tilespmem:s0+$0xB0]  }
0xa5: {  	v4 =	vld [tilespmem:s14+$0xB0]  }
0xa6: {  	v8 =	vadd.f32 v8, v29;
	v38 =	vld [tilespmem:s15+$0xFFFFFF20]  }
0xa7: {  	v34 =	vld [tilespmem:s15+$0xB0]  }
0xa8: {  	v8 =	vadd.f32 v32, v8;
	[tilespmem:s1+$0xFFFFFF90] =	vst v7;
	v7 =	vld [tilespmem:s14+$0xFFFFFF20]  }
0xa9: {  	v35 =	vld [tilespmem:s0+$0xFFFFFFA0]  }
0xaa: {  	[tilespmem:s1+$0x10] =	vst v8;
	v8 =	vld [tilespmem:s14+$0xFFFFFFA0];
	v4 =	vadd.f32 v4, v33  }
0xab: {  	v36 =	vld [tilespmem:s0+$0x20]  }
0xac: {  	v37 =	vld [tilespmem:s14+$0x20];
	v4 =	vadd.f32 v34, v4  }
0xad: {  	v39 =	vld [tilespmem:s15+$0xFFFFFFA0]  }
0xae: {  	v40 =	vld [tilespmem:s15+$0x20];
	v7 =	vadd.f32 v7, v11;
	[tilespmem:s1+$0xB0] =	vst v4  }
0xaf: {  	v4 =	vld [tilespmem:s0+$0xC0]  }
0xb0: {  	v7 =	vadd.f32 v38, v7;
	v11 =	vld [tilespmem:s14+$0xC0]  }
0xb1: {  	v3 =	vld [tilespmem:s10+$0x60];
	v8 =	vadd.f32 v8, v35  }
0xb2: {  	[tilespmem:s1+$0xFFFFFF20] =	vst v7;
	v7 =	vld [tilespmem:s16+$0xFFFFFFE0]  }
0xb3: {  	v13 =	vadd.f32 v37, v36;
	v8 =	vadd.f32 v39, v8;
	v41 =	vld [tilespmem:s15+$0xC0]  }
0xb4: {  	v43 =	vld [tilespmem:s0+$0xFFFFFF30]  }
0xb5: {  	[tilespmem:s1+$0xFFFFFFA0] =	vst v8;
	v8 =	vld [tilespmem:s14+$0xFFFFFF30];
	v4 =	vadd.f32 v11, v4;
	v11 =	vadd.f32 v40, v13  }
0xb6: {  	v49 =	vld [tilespmem:s15+$0xFFFFFF30]  }
0xb7: {  	v44 =	vld [tilespmem:s0+$0xFFFFFFB0];
	[tilespmem:s1+$0x20] =	vst v11  }
0xb8: {  	v4 =	vadd.f32 v41, v4;
	v11 =	vld [tilespmem:s0+$0x30]  }
0xb9: {  	v47 =	vld [tilespmem:s14+$0x30]  }
0xba: {  	v50 =	vld [tilespmem:s15+$0x30];
	[tilespmem:s1+$0xC0] =	vst v4  }
0xbb: {  	v3 =	vadd.f32 v3, v10;
	v4 =	vld [tilespmem:s0+$0xD0]  }
0xbc: {  	v46 =	vld [tilespmem:s14+$0xD0]  }
0xbd: {  	v3 =	vadd.f32 v6, v3;
	v45 =	vld [tilespmem:s14+$0xFFFFFFB0]  }
0xbe: {  	v5 =	vadd.f32 v5, v9;
	v48 =	vld [tilespmem:s15+$0xD0]  }
0xbf: {  	v9 =	vld [tilespmem:s15+$0xFFFFFFB0];
	[tilespmem:s31+$0x60] =	vst v3;
	v11 =	vadd.f32 v47, v11  }
0xc0: {  	v3 =	vld [tilespmem:s11+$0x70];
	v5 =	vadd.f32 v7, v5;
	v7 =	vadd.f32 v8, v43  }
0xc1: {  	v8 =	vld [tilespmem:s11+$0xFFFFFF70];
	v4 =	vadd.f32 v46, v4;
	v11 =	vadd.f32 v50, v11  }
0xc2: {  	[tilespmem:s31+$0xFFFFFFE0] =	vst v5;
	v5 =	vld [tilespmem:s10+$0xFFFFFF70]  }
0xc3: {  	v51 =	vld [tilespmem:s11+$0xFFFFFFF0];
	v4 =	vadd.f32 v48, v4;
	[tilespmem:s1+$0x30] =	vst v11  }
0xc4: {  	v55 =	vld [tilespmem:s0+$0x40]  }
0xc5: {  	v7 =	vadd.f32 v49, v7;
	v56 =	vld [tilespmem:s14+$0x40];
	[tilespmem:s1+$0xD0] =	vst v4  }
0xc6: {  	v52 =	vld [tilespmem:s0+$0xE0]  }
0xc7: {  	[tilespmem:s1+$0xFFFFFF30] =	vst v7;
	v7 =	vld [tilespmem:s14+$0xE0]  }
0xc8: {  	v6 =	vld [tilespmem:s15+$0x40];
	v4 =	vadd.f32 v45, v44  }
0xc9: {  	v53 =	vld [tilespmem:s15+$0xE0]  }
0xca: {  	v57 =	vld [tilespmem:s15+$0xFFFFFF40];
	v4 =	vadd.f32 v9, v4  }
0xcb: {  	v9 =	vld [tilespmem:s0+$0xFFFFFF40];
	v12 =	vadd.f32 v56, v55  }
0xcc: {  	[tilespmem:s1+$0xFFFFFFB0] =	vst v4;
	v4 =	vld [tilespmem:s14+$0xFFFFFF40];
	v7 =	vadd.f32 v7, v52  }
0xcd: {  	v54 =	vld [tilespmem:s0+$0xFFFFFFC0];
	v6 =	vadd.f32 v6, v12  }
0xce: {  	v11 =	vld [tilespmem:s14+$0xFFFFFFC0];
	v7 =	vadd.f32 v53, v7  }
0xcf: {  	v59 =	vld [tilespmem:s10+$0xFFFFFFF0];
	[tilespmem:s1+$0x40] =	vst v6  }
0xd0: {  	[tilespmem:s1+$0xE0] =	vst v7;
	v7 =	vld [tilespmem:s15+$0xFFFFFFC0]  }
0xd1: {  	v4 =	vadd.f32 v4, v9;
	v6 =	vld [tilespmem:s0+$0x50]  }
0xd2: {  	v62 =	vld [tilespmem:s14+$0x50]  }
0xd3: {  	v11 =	vadd.f32 v11, v54;
	v10 =	vld [tilespmem:s0+$0xF0];
	v4 =	vadd.f32 v57, v4  }
0xd4: {  	v9 =	vld [tilespmem:s14+$0xF0]  }
0xd5: {  	v58 =	vld [tilespmem:s15+$0xF0];
	[tilespmem:s1+$0xFFFFFF40] =	vst v4;
	v7 =	vadd.f32 v7, v11  }
0xd6: {  	v4 =	vld [tilespmem:s0+$0xFFFFFF50]  }
0xd7: {  	v11 =	vld [tilespmem:s14+$0xFFFFFF50];
	[tilespmem:s1+$0xFFFFFFC0] =	vst v7  }
0xd8: {  	v60 =	vld [tilespmem:s0+$0xFFFFFFD0]  }
0xd9: {  	v61 =	vld [tilespmem:s14+$0xFFFFFFD0]  }
0xda: {  	v0 =	vadd.f32 v2, v0;
	v63 =	vld [tilespmem:s15+$0xFFFFFF50]  }
0xdb: {  	v2 =	vadd.f32 v9, v10;
	v9 =	vld [tilespmem:s15+$0xFFFFFFD0]  }
0xdc: {  	v1 =	vadd.f32 v1, v0;
	v7 =	vld [tilespmem:s15+$0x50]  }
0xdd: {  	v10 =	vadd.f32 v58, v2;
	v2 =	vld [tilespmem:s10+$0x70];
	v11 =	vadd.f32 v11, v4  }
0xde: {  	v0 =	vadd.f32 v5, v8;
	v4 =	vld [tilespmem:s16+$0xFFFFFF70];
	v12 =	vadd.f32 v61, v60  }
0xdf: {  	s7 =	simm.s32 $0x29C0;
	v5 =	vld [tilespmem:s16+$0xFFFFFFF0];
	v8 =	vadd.f32 v62, v6;
	[tilespmem:s1+$0xF0] =	vst v10;
	v10 =	vadd.f32 v63, v11  }
0xe0: {  	[tilespmem:s31+$0xF0] =	vst v1;
	s11 =	simm.s32 $0x4;
	v1 =	vadd.f32 v59, v51;
	v6 =	vld [tilespmem:s16+$0x70];
	s10 =	simm.s32 $0x43C0;
	s16 =	simm.s32 $0x5FC0;
	v9 =	vadd.f32 v9, v12  }
.LBB2_3:
0xe1: {  	v11 =	vld [tilespmem:s7+$0x80];
	[tilespmem:s1+$0xFFFFFF50] =	vst v10;
	v7 =	vadd.f32 v7, v8;
	s14 =	sadd.s32 $0x200, s14  }
0xe2: {  	v8 =	vld [tilespmem:s14+$0x80];
	[tilespmem:s1+$0xFFFFFFD0] =	vst v9;
	v2 =	vadd.f32 v2, v3  }
0xe3: {  	s15 =	sadd.s32 $0x200, s15;
	v3 =	vld [tilespmem:s14+$0xFFFFFF00];
	[tilespmem:s1+$0x50] =	vst v7;
	v0 =	vadd.f32 v4, v0  }
0xe4: {  	v4 =	vld [tilespmem:s15+$0x80];
	v1 =	vadd.f32 v5, v1  }
0xe5: {  	v5 =	vld [tilespmem:s7+$0xFFFFFF80];
	[tilespmem:s31+$0xFFFFFF70] =	vst v0;
	v0 =	vadd.f32 v6, v2  }
0xe6: {  	v2 =	vld [tilespmem:s14+$0xFFFFFF80];
	[tilespmem:s31+$0xFFFFFFF0] =	vst v1  }
0xe7: {  	v1 =	vld [tilespmem:s7+$0x0];
	v6 =	vadd.f32 v8, v11;
	[tilespmem:s31+$0x70] =	vst v0;
	s31 =	smov.u32 s1  }
0xe8: {  	v0 =	vld [tilespmem:s14+$0x0]  }
0xe9: {  	s11 =	sadd.s32 $0x4, s11;
	v7 =	vld [tilespmem:s7+$0xFFFFFF00];
	v4 =	vadd.f32 v4, v6  }
0xea: {  	p1 =	slt.u32 s11, $0x34;
	s1 =	sadd.s32 $0x200, s1;
	v6 =	vld [tilespmem:s15+$0xFFFFFF00]  }
0xeb: {  	v2 =	vadd.f32 v2, v5;
	v5 =	vld [tilespmem:s15+$0xFFFFFF80];
	[tilespmem:s1+$0x80] =	vst v4  }
0xec: {  	v4 =	vld [tilespmem:s7+$0x90]  }
0xed: {  	v0 =	vadd.f32 v0, v1;
	v1 =	vld [tilespmem:s14+$0x90]  }
0xee: {  	v3 =	vadd.f32 v3, v7;
	v7 =	vld [tilespmem:s15+$0x0]  }
0xef: {  	v8 =	vld [tilespmem:s15+$0x90]  }
0xf0: {  	v3 =	vadd.f32 v6, v3;
	v2 =	vadd.f32 v5, v2;
	v5 =	vld [tilespmem:s0+$0xFFFFFF60]  }
0xf1: {  	v6 =	vld [tilespmem:s10+$0xFFFFFF60]  }
0xf2: {  	[tilespmem:s1+$0xFFFFFF00] =	vst v3;
	v1 =	vadd.f32 v1, v4;
	v3 =	vld [tilespmem:s0+$0xFFFFFFE0]  }
0xf3: {  	v4 =	vld [tilespmem:s7+$0xFFFFFF10];
	[tilespmem:s1+$0xFFFFFF80] =	vst v2;
	v0 =	vadd.f32 v7, v0  }
0xf4: {  	v2 =	vld [tilespmem:s14+$0xFFFFFF10];
	v1 =	vadd.f32 v8, v1  }
0xf5: {  	v7 =	vld [tilespmem:s7+$0xFFFFFF90];
	[tilespmem:s1+$0x0] =	vst v0  }
0xf6: {  	v0 =	vld [tilespmem:s14+$0xFFFFFF90];
	[tilespmem:s1+$0x90] =	vst v1;
	v1 =	vadd.f32 v6, v5  }
0xf7: {  	v5 =	vld [tilespmem:s7+$0xA0]  }
0xf8: {  	v6 =	vld [tilespmem:s14+$0xA0]  }
0xf9: {  	v2 =	vadd.f32 v2, v4;
	v4 =	vld [tilespmem:s7+$0x10]  }
0xfa: {  	v8 =	vld [tilespmem:s15+$0xA0]  }
0xfb: {  	v0 =	vadd.f32 v0, v7;
	v7 =	vld [tilespmem:s14+$0x10]  }
0xfc: {  	v9 =	vld [tilespmem:s15+$0xFFFFFF10]  }
0xfd: {  	v10 =	vld [tilespmem:s15+$0xFFFFFF90];
	v5 =	vadd.f32 v6, v5  }
0xfe: {  	v6 =	vld [tilespmem:s15+$0x10]  }
0xff: {  	v5 =	vadd.f32 v8, v5;
	v8 =	vld [tilespmem:s10+$0xFFFFFFE0]  }
0x100: {  	v4 =	vadd.f32 v7, v4;
	v7 =	vld [tilespmem:s0+$0x60]  }
0x101: {  	v2 =	vadd.f32 v9, v2;
	[tilespmem:s1+$0xA0] =	vst v5;
	v5 =	vld [tilespmem:s10+$0x60]  }
0x102: {  	v0 =	vadd.f32 v10, v0;
	v9 =	vld [tilespmem:s7+$0xB0]  }
0x103: {  	[tilespmem:s1+$0xFFFFFF10] =	vst v2;
	v2 =	vadd.f32 v6, v4;
	v4 =	vld [tilespmem:s14+$0xB0]  }
0x104: {  	v6 =	vld [tilespmem:s7+$0xFFFFFF20];
	[tilespmem:s1+$0xFFFFFF90] =	vst v0;
	v0 =	vadd.f32 v8, v3  }
0x105: {  	[tilespmem:s1+$0x10] =	vst v2;
	v2 =	vld [tilespmem:s15+$0xB0]  }
0x106: {  	v3 =	vld [tilespmem:s14+$0xFFFFFF20];
	v5 =	vadd.f32 v5, v7  }
0x107: {  	v7 =	vld [tilespmem:s7+$0xFFFFFFA0]  }
0x108: {  	v8 =	vld [tilespmem:s14+$0xFFFFFFA0];
	v4 =	vadd.f32 v4, v9  }
0x109: {  	v9 =	vld [tilespmem:s7+$0x20]  }
0x10a: {  	v10 =	vld [tilespmem:s14+$0x20];
	v2 =	vadd.f32 v2, v4  }
0x10b: {  	v3 =	vadd.f32 v3, v6;
	v4 =	vld [tilespmem:s15+$0xFFFFFF20]  }
0x10c: {  	v6 =	vld [tilespmem:s15+$0xFFFFFFA0];
	[tilespmem:s1+$0xB0] =	vst v2  }
0x10d: {  	v2 =	vadd.f32 v8, v7;
	v7 =	vld [tilespmem:s7+$0xC0]  }
0x10e: {  	v8 =	vld [tilespmem:s14+$0xC0]  }
0x10f: {  	v9 =	vadd.f32 v10, v9;
	v10 =	vld [tilespmem:s15+$0x20]  }
0x110: {  	v3 =	vadd.f32 v4, v3;
	v4 =	vld [tilespmem:s15+$0xC0]  }
0x111: {  	v2 =	vadd.f32 v6, v2;
	v6 =	vld [tilespmem:s16+$0xFFFFFF60]  }
0x112: {  	[tilespmem:s1+$0xFFFFFF20] =	vst v3;
	v3 =	vld [tilespmem:s16+$0xFFFFFFE0]  }
0x113: {  	v11 =	vld [tilespmem:s7+$0xFFFFFF30];
	[tilespmem:s1+$0xFFFFFFA0] =	vst v2;
	v2 =	vadd.f32 v8, v7  }
0x114: {  	v7 =	vld [tilespmem:s14+$0xFFFFFF30];
	v8 =	vadd.f32 v10, v9  }
0x115: {  	v9 =	vld [tilespmem:s7+$0xFFFFFFB0];
	v2 =	vadd.f32 v4, v2  }
0x116: {  	v4 =	vld [tilespmem:s14+$0xFFFFFFB0];
	[tilespmem:s1+$0x20] =	vst v8;
	v1 =	vadd.f32 v6, v1  }
0x117: {  	v6 =	vld [tilespmem:s7+$0x30];
	[tilespmem:s1+$0xC0] =	vst v2;
	v0 =	vadd.f32 v3, v0  }
0x118: {  	v2 =	vld [tilespmem:s7+$0xD0];
	[tilespmem:s31+$0xFFFFFF60] =	vst v1  }
0x119: {  	v1 =	vadd.f32 v7, v11;
	v3 =	vld [tilespmem:s14+$0xD0];
	[tilespmem:s31+$0xFFFFFFE0] =	vst v0  }
0x11a: {  	v0 =	vld [tilespmem:s14+$0x30]  }
0x11b: {  	v4 =	vadd.f32 v4, v9;
	v7 =	vld [tilespmem:s15+$0xD0]  }
0x11c: {  	v8 =	vld [tilespmem:s15+$0xFFFFFF30]  }
0x11d: {  	v9 =	vld [tilespmem:s15+$0xFFFFFFB0]  }
0x11e: {  	v10 =	vld [tilespmem:s15+$0x30];
	v2 =	vadd.f32 v3, v2  }
0x11f: {  	v0 =	vadd.f32 v0, v6;
	v3 =	vld [tilespmem:s16+$0x60]  }
0x120: {  	v2 =	vadd.f32 v7, v2;
	v6 =	vld [tilespmem:s0+$0xFFFFFF70]  }
0x121: {  	v1 =	vadd.f32 v8, v1;
	v7 =	vld [tilespmem:s10+$0xFFFFFF70]  }
0x122: {  	v4 =	vadd.f32 v9, v4;
	[tilespmem:s1+$0xD0] =	vst v2;
	v2 =	vld [tilespmem:s0+$0xFFFFFFF0]  }
0x123: {  	[tilespmem:s1+$0xFFFFFF30] =	vst v1;
	v0 =	vadd.f32 v10, v0;
	v1 =	vld [tilespmem:s7+$0xE0]  }
0x124: {  	[tilespmem:s1+$0xFFFFFFB0] =	vst v4;
	v4 =	vld [tilespmem:s14+$0xE0];
	v3 =	vadd.f32 v3, v5  }
0x125: {  	v5 =	vld [tilespmem:s7+$0xFFFFFF40];
	[tilespmem:s1+$0x30] =	vst v0  }
0x126: {  	v8 =	vld [tilespmem:s15+$0xE0];
	v0 =	vadd.f32 v7, v6;
	[tilespmem:s31+$0x60] =	vst v3  }
0x127: {  	v3 =	vld [tilespmem:s14+$0xFFFFFF40]  }
0x128: {  	v6 =	vld [tilespmem:s7+$0xFFFFFFC0]  }
0x129: {  	v7 =	vld [tilespmem:s14+$0xFFFFFFC0];
	v1 =	vadd.f32 v4, v1  }
0x12a: {  	v4 =	vld [tilespmem:s7+$0x40]  }
0x12b: {  	v9 =	vld [tilespmem:s14+$0x40];
	v1 =	vadd.f32 v8, v1  }
0x12c: {  	v3 =	vadd.f32 v3, v5;
	v5 =	vld [tilespmem:s15+$0xFFFFFF40]  }
0x12d: {  	v8 =	vld [tilespmem:s15+$0xFFFFFFC0];
	[tilespmem:s1+$0xE0] =	vst v1  }
0x12e: {  	v1 =	vadd.f32 v7, v6;
	v6 =	vld [tilespmem:s7+$0xF0]  }
0x12f: {  	v7 =	vld [tilespmem:s14+$0xF0]  }
0x130: {  	v4 =	vadd.f32 v9, v4;
	v9 =	vld [tilespmem:s15+$0x40]  }
0x131: {  	v3 =	vadd.f32 v5, v3;
	v5 =	vld [tilespmem:s15+$0xF0]  }
0x132: {  	v1 =	vadd.f32 v8, v1;
	v8 =	vld [tilespmem:s10+$0xFFFFFFF0]  }
0x133: {  	[tilespmem:s1+$0xFFFFFF40] =	vst v3;
	v3 =	vld [tilespmem:s0+$0x70];
	s0 =	smov.u32 s7  }
0x134: {  	v10 =	vld [tilespmem:s7+$0xFFFFFF50];
	[tilespmem:s1+$0xFFFFFFC0] =	vst v1;
	v1 =	vadd.f32 v7, v6  }
0x135: {  	v6 =	vld [tilespmem:s14+$0xFFFFFF50];
	v4 =	vadd.f32 v9, v4  }
0x136: {  	v7 =	vld [tilespmem:s7+$0xFFFFFFD0];
	v5 =	vadd.f32 v5, v1  }
0x137: {  	v9 =	vld [tilespmem:s14+$0xFFFFFFD0];
	[tilespmem:s1+$0x40] =	vst v4;
	v1 =	vadd.f32 v8, v2  }
0x138: {  	v4 =	vld [tilespmem:s7+$0x50];
	[tilespmem:s1+$0xF0] =	vst v5  }
0x139: {  	v5 =	vld [tilespmem:s14+$0x50]  }
0x13a: {  	v6 =	vadd.f32 v6, v10;
	v10 =	vld [tilespmem:s15+$0xFFFFFF50]  }
0x13b: {  	v11 =	vld [tilespmem:s15+$0xFFFFFFD0]  }
.Ltmp0:
0x13c: {  	v9 =	vadd.f32 v9, v7;
	v7 =	vld [tilespmem:s15+$0x50];
	(pc) =	sbr.rel @p1 .LBB2_3-.Ltmp0, $4  }
0x13d: {  	v2 =	vld [tilespmem:s10+$0x70];
	s10 =	smov.u32 s14  }
0x13e: {  	v8 =	vadd.f32 v5, v4;
	v4 =	vld [tilespmem:s16+$0xFFFFFF70]  }
0x13f: {  	v10 =	vadd.f32 v10, v6;
	v5 =	vld [tilespmem:s16+$0xFFFFFFF0]  }
0x140: {  	s7 =	sadd.s32 $0x200, s7;
	v9 =	vadd.f32 v11, v9;
	v6 =	vld [tilespmem:s16+$0x70];
	s16 =	smov.u32 s15  }
0x141: {  	[tilespmem:s1+$0xFFFFFF50] =	vst v10  }
0x142: {  	v10 =	vld [tilespmem:s0+$0xFFFFFF60]  }
0x143: {  	v7 =	vadd.f32 v7, v8;
	v8 =	vld [tilespmem:s10+$0xFFFFFF60]  }
0x144: {  	[tilespmem:s1+$0xFFFFFFD0] =	vst v9;
	v12 =	vld [tilespmem:s16+$0xFFFFFF60]  }
0x145: {  	v9 =	vld [tilespmem:s0+$0xFFFFFFE0]  }
0x146: {  	[tilespmem:s1+$0x50] =	vst v7;
	v7 =	vld [tilespmem:s10+$0xFFFFFFE0]  }
0x147: {  	v14 =	vld [tilespmem:s16+$0xFFFFFFE0]  }
0x148: {  	v11 =	vld [tilespmem:s0+$0x60]  }
0x149: {  	v13 =	vld [tilespmem:s10+$0x60];
	v8 =	vadd.f32 v8, v10;
	_ =	sdelay $0x1  }
0x14a: {  	v10 =	vld [tilespmem:s16+$0x60];
	v7 =	vadd.f32 v7, v9;
	v8 =	vadd.f32 v12, v8;
	_ =	sdelay $0x1  }
0x14b: {  	v7 =	vadd.f32 v14, v7;
	[tilespmem:s1+$0xFFFFFF60] =	vst v8  }
0x14c: {  	v9 =	vadd.f32 v13, v11;
	v8 =	vld [tilespmem:s0+$0xFFFFFF70]  }
0x14d: {  	[tilespmem:s1+$0xFFFFFFE0] =	vst v7;
	v7 =	vld [tilespmem:s10+$0xFFFFFF70]  }
0x14e: {  	v9 =	vadd.f32 v10, v9;
	v60 =	vld [tilespmem:s16+$0xFFFFFF70]  }
0x14f: {  	v10 =	vld [tilespmem:s0+$0xFFFFFFF0]  }
0x150: {  	[tilespmem:s1+$0x60] =	vst v9;
	v9 =	vld [tilespmem:s10+$0xFFFFFFF0]  }
0x151: {  	v11 =	vld [tilespmem:s0+$0x70]  }
0x152: {  	v59 =	vld [tilespmem:s10+$0x70]  }
0x153: {  	v61 =	vld [tilespmem:s16+$0xFFFFFFF0]  }
0x154: {  	v2 =	vadd.f32 v2, v3;
	v0 =	vadd.f32 v4, v0;
	v3 =	vld [tilespmem:s16+$0x70]  }
0x155: {  	v1 =	vadd.f32 v5, v1;
	v4 =	vadd.f32 v7, v8  }
0x156: {  	[tilespmem:s31+$0xFFFFFF70] =	vst v0;
	v0 =	vadd.f32 v6, v2;
	v2 =	vadd.f32 v9, v10  }
0x157: {  	[tilespmem:s31+$0xFFFFFFF0] =	vst v1;
	v4 =	vadd.f32 v60, v4;
	v1 =	vadd.f32 v59, v11  }
0x158: {  	[tilespmem:s31+$0x70] =	vst v0;
	v0 =	vadd.f32 v61, v2  }
0x159: {  	s15 =	sadd.s32 s3, s30;
	[tilespmem:s1+$0xFFFFFF70] =	vst v4;
	v1 =	vadd.f32 v3, v1  }
0x15a: {  	s0 =	sshll.u32 s15, $0x4;
	[tilespmem:s1+$0xFFFFFFF0] =	vst v0  }
0x15b: {  	p1 =	seq.s32 s28, $0x1B;
	s0 =	sadd.s32 s5, s0;
	[tilespmem:s1+$0x70] =	vst v1  }
0x15c: {  	[hbm4b:s0+s2] =	stream.linear.scatter [tilespmem:s21], [sflag:$0x3], $0x1C00, $0x38;
	[tilespmem:$0x104C0] =	vst v63  }
0x15d: {  	s7 =	simm.s32 @!p1 $0x24C0;
	s1 =	simm.s32 @!p1 $0x38;
	s0 =	sadd.s32 @!p1 $0x70, s30  }
0x15e: {  	[tilespmem:s7], [sflag:$0x1] =	stream.indirect.gather @!p1 [hbm4b:s4+s1], $0x80, s0, s1, $0xb8;
	[tilespmem:$0x104C0] =	vst v63  }
0x15f: {  	s0 =	sadd.s32 @!p1 $0xCB0, s30;
	s7 =	simm.s32 @!p1 $0x40C0  }
0x160: {  	[tilespmem:s7], [sflag:$0x1] =	stream.indirect.gather @!p1 [hbm4b:s4+s1], $0x80, s0, s1, $0xb8;
	[tilespmem:$0x104C0] =	vst v63  }
0x161: {  	s0 =	sadd.s32 @!p1 $0x18F0, s30;
	s7 =	simm.s32 @!p1 $0x5CC0  }
0x162: {  	[tilespmem:s7], [sflag:$0x1] =	stream.indirect.gather @!p1 [hbm4b:s4+s1], $0x80, s0, s1, $0xb8;
	[tilespmem:$0x104C0] =	vst v63  }
0x163: {  	_ =	swait.ge [sflag:s22], $0x1C00  }
0x164: {  	[sflag:s22] =	ssyncset.done $0x0  }
0x165: {  	[sflag:s22] =	ssyncadd.s32 $0xFFFFE400  }
0x166: {  	_ =	swait.ge [sflag:s22], $0x1C00  }
0x167: {  	[sflag:s22] =	ssyncset.done $0x0  }
0x168: {  	[sflag:s22] =	ssyncadd.s32 $0xFFFFE400  }
0x169: {  	_ =	swait.ge [sflag:s22], $0x1C00  }
0x16a: {  	[sflag:s22] =	ssyncset.done $0x0  }
0x16b: {  	s0 =	simm.s32 @!p0 $0x4;
	[sflag:s22] =	ssyncadd.s32 $0xFFFFE400  }
0x16c: {  	_ =	swait.ge @!p0 [sflag:s0], $0x1C00  }
0x16d: {  	[sflag:s0] =	ssyncset.done @!p0 $0x0  }
0x16e: {  	s11 =	simm.s32 $0x79C0;
	[sflag:s0] =	ssyncadd.s32 @!p0 $0xFFFFE400  }
0x16f: {  	s16 =	simm.s32 $0x95C0;
	v0 =	vld [tilespmem:s11+$0x80]  }
0x170: {  	s15 =	simm.s32 $0xB1C0;
	v1 =	vld [tilespmem:s16+$0x80]  }
0x171: {  	v2 =	vld [tilespmem:s15+$0x80]  }
0x172: {  	v3 =	vld [tilespmem:s16+$0xFFFFFF00]  }
0x173: {  	v4 =	vld [tilespmem:s11+$0xFFFFFF80]  }
0x174: {  	v5 =	vld [tilespmem:s11+$0xFFFFFF00]  }
0x175: {  	v6 =	vld [tilespmem:s15+$0xFFFFFF00];
	v0 =	vadd.f32 v1, v0  }
0x176: {  	v7 =	vld [tilespmem:s15+$0xFFFFFF80]  }
0x177: {  	s0 =	simm.s32 $0x7BC0;
	v8 =	vld [tilespmem:s16+$0x0];
	v0 =	vadd.f32 v2, v0  }
0x178: {  	s30 =	simm.s32 $0xE9C0;
	s1 =	simm.s32 $0x97C0;
	v62 =	vld [tilespmem:s0+$0x80]  }
0x179: {  	v63 =	vld [tilespmem:s1+$0x80];
	[tilespmem:s30+$0x80] =	vst v0  }
0x17a: {  	v0 =	vld [tilespmem:s11+$0x90]  }
0x17b: {  	v1 =	vld [tilespmem:s16+$0x90]  }
0x17c: {  	v21 =	vld [tilespmem:s1+$0xFFFFFF00]  }
0x17d: {  	s14 =	simm.s32 $0xB3C0;
	v2 =	vld [tilespmem:s15+$0x90]  }
0x17e: {  	v15 =	vld [tilespmem:s14+$0x80]  }
0x17f: {  	v16 =	vld [tilespmem:s0+$0xFFFFFF80]  }
0x180: {  	v17 =	vld [tilespmem:s1+$0xFFFFFF80];
	v0 =	vadd.f32 v1, v0  }
0x181: {  	v18 =	vld [tilespmem:s0+$0x0]  }
0x182: {  	v1 =	vld [tilespmem:s16+$0xFFFFFF80];
	v0 =	vadd.f32 v2, v0  }
0x183: {  	v22 =	vld [tilespmem:s1+$0x0]  }
0x184: {  	v19 =	vld [tilespmem:s0+$0xFFFFFF00];
	[tilespmem:s30+$0x90] =	vst v0  }
0x185: {  	v0 =	vadd.f32 v3, v5;
	v3 =	vld [tilespmem:s11+$0xA0]  }
0x186: {  	v5 =	vld [tilespmem:s16+$0xA0]  }
0x187: {  	v2 =	vld [tilespmem:s11+$0x0];
	v1 =	vadd.f32 v1, v4;
	v0 =	vadd.f32 v6, v0  }
0x188: {  	v4 =	vld [tilespmem:s15+$0xA0]  }
0x189: {  	v6 =	vld [tilespmem:s15+$0x0];
	v1 =	vadd.f32 v7, v1;
	[tilespmem:s30+$0xFFFFFF00] =	vst v0  }
0x18a: {  	v0 =	vld [tilespmem:s11+$0xFFFFFF10]  }
0x18b: {  	[tilespmem:s30+$0xFFFFFF80] =	vst v1;
	v1 =	vld [tilespmem:s16+$0xFFFFFF10];
	v3 =	vadd.f32 v5, v3  }
0x18c: {  	v5 =	vld [tilespmem:s11+$0xFFFFFF90]  }
0x18d: {  	v7 =	vld [tilespmem:s16+$0xFFFFFF90];
	v3 =	vadd.f32 v4, v3  }
0x18e: {  	v2 =	vadd.f32 v8, v2;
	v8 =	vld [tilespmem:s15+$0xFFFFFF90]  }
0x18f: {  	v4 =	vld [tilespmem:s15+$0xFFFFFF10];
	[tilespmem:s30+$0xA0] =	vst v3  }
0x190: {  	v3 =	vld [tilespmem:s11+$0xB0]  }
0x191: {  	v2 =	vadd.f32 v6, v2;
	v6 =	vld [tilespmem:s16+$0xB0]  }
0x192: {  	v23 =	vld [tilespmem:s14+$0xFFFFFF00];
	v0 =	vadd.f32 v1, v0  }
0x193: {  	[tilespmem:s30+$0x0] =	vst v2;
	v1 =	vld [tilespmem:s15+$0xB0]  }
0x194: {  	v2 =	vld [tilespmem:s11+$0x10];
	v5 =	vadd.f32 v7, v5;
	v0 =	vadd.f32 v4, v0  }
0x195: {  	v7 =	vld [tilespmem:s15+$0x10]  }
0x196: {  	v4 =	vld [tilespmem:s16+$0x10];
	v5 =	vadd.f32 v8, v5;
	[tilespmem:s30+$0xFFFFFF10] =	vst v0;
	v0 =	vadd.f32 v6, v3  }
0x197: {  	v3 =	vld [tilespmem:s11+$0xFFFFFF20]  }
0x198: {  	[tilespmem:s30+$0xFFFFFF90] =	vst v5;
	v5 =	vld [tilespmem:s16+$0xFFFFFF20];
	v0 =	vadd.f32 v1, v0  }
0x199: {  	v6 =	vld [tilespmem:s15+$0xFFFFFF20]  }
0x19a: {  	v8 =	vld [tilespmem:s16+$0xFFFFFFA0];
	[tilespmem:s30+$0xB0] =	vst v0  }
0x19b: {  	v0 =	vld [tilespmem:s11+$0xC0]  }
0x19c: {  	v2 =	vadd.f32 v4, v2;
	v4 =	vld [tilespmem:s16+$0xC0]  }
0x19d: {  	v1 =	vld [tilespmem:s11+$0xFFFFFFA0]  }
0x19e: {  	v2 =	vadd.f32 v7, v2;
	v7 =	vld [tilespmem:s15+$0xC0]  }
0x19f: {  	v24 =	vld [tilespmem:s14+$0x0];
	v3 =	vadd.f32 v5, v3  }
0x1a0: {  	[tilespmem:s30+$0x10] =	vst v2;
	v2 =	vld [tilespmem:s15+$0xFFFFFFA0]  }
0x1a1: {  	v5 =	vld [tilespmem:s11+$0x20];
	v3 =	vadd.f32 v6, v3;
	v0 =	vadd.f32 v4, v0  }
0x1a2: {  	v4 =	vld [tilespmem:s16+$0x20]  }
0x1a3: {  	v1 =	vadd.f32 v8, v1;
	v6 =	vld [tilespmem:s15+$0x20];
	[tilespmem:s30+$0xFFFFFF20] =	vst v3;
	v0 =	vadd.f32 v7, v0  }
0x1a4: {  	v3 =	vld [tilespmem:s11+$0xFFFFFF30]  }
0x1a5: {  	v1 =	vadd.f32 v2, v1;
	v2 =	vld [tilespmem:s16+$0xFFFFFF30];
	[tilespmem:s30+$0xC0] =	vst v0  }
0x1a6: {  	v0 =	vld [tilespmem:s11+$0xD0]  }
0x1a7: {  	[tilespmem:s30+$0xFFFFFFA0] =	vst v1;
	v4 =	vadd.f32 v4, v5;
	v1 =	vld [tilespmem:s16+$0xD0]  }
0x1a8: {  	v7 =	vld [tilespmem:s16+$0xFFFFFFB0]  }
0x1a9: {  	v4 =	vadd.f32 v6, v4;
	v6 =	vld [tilespmem:s15+$0xD0]  }
0x1aa: {  	v12 =	vadd.f32 v63, v62;
	v5 =	vld [tilespmem:s11+$0xFFFFFFB0]  }
0x1ab: {  	v2 =	vadd.f32 v2, v3;
	v3 =	vld [tilespmem:s15+$0xFFFFFFB0]  }
0x1ac: {  	v12 =	vadd.f32 v15, v12;
	[tilespmem:s30+$0x20] =	vst v4;
	v4 =	vld [tilespmem:s15+$0xFFFFFF30];
	v0 =	vadd.f32 v1, v0  }
0x1ad: {  	s31 =	simm.s32 $0xEBC0;
	v8 =	vld [tilespmem:s11+$0x30]  }
0x1ae: {  	[tilespmem:s31+$0x80] =	vst v12;
	v1 =	vld [tilespmem:s16+$0x30];
	v0 =	vadd.f32 v6, v0  }
0x1af: {  	v12 =	vld [tilespmem:s0+$0x90]  }
0x1b0: {  	v6 =	vld [tilespmem:s15+$0x30];
	[tilespmem:s30+$0xD0] =	vst v0  }
0x1b1: {  	v2 =	vadd.f32 v4, v2;
	v0 =	vadd.f32 v7, v5;
	v4 =	vld [tilespmem:s11+$0xE0]  }
0x1b2: {  	v5 =	vld [tilespmem:s15+$0xE0]  }
0x1b3: {  	v1 =	vadd.f32 v1, v8;
	[tilespmem:s30+$0xFFFFFF30] =	vst v2;
	v2 =	vld [tilespmem:s16+$0xE0];
	v0 =	vadd.f32 v3, v0  }
0x1b4: {  	v3 =	vld [tilespmem:s11+$0xFFFFFF40]  }
0x1b5: {  	v1 =	vadd.f32 v6, v1;
	[tilespmem:s30+$0xFFFFFFB0] =	vst v0;
	v0 =	vld [tilespmem:s16+$0xFFFFFF40]  }
0x1b6: {  	v6 =	vld [tilespmem:s11+$0xFFFFFFC0]  }
0x1b7: {  	[tilespmem:s30+$0x30] =	vst v1;
	v1 =	vld [tilespmem:s16+$0xFFFFFFC0]  }
0x1b8: {  	v2 =	vadd.f32 v2, v4;
	v4 =	vld [tilespmem:s15+$0xFFFFFF40]  }
0x1b9: {  	v7 =	vld [tilespmem:s11+$0x40]  }
0x1ba: {  	v8 =	vld [tilespmem:s16+$0x40];
	v2 =	vadd.f32 v5, v2  }
0x1bb: {  	v5 =	vld [tilespmem:s15+$0xFFFFFFC0];
	v3 =	vadd.f32 v0, v3  }
0x1bc: {  	v9 =	vld [tilespmem:s15+$0x40];
	[tilespmem:s30+$0xE0] =	vst v2  }
0x1bd: {  	v0 =	vld [tilespmem:s11+$0xF0];
	v3 =	vadd.f32 v4, v3  }
0x1be: {  	v6 =	vadd.f32 v1, v6;
	v2 =	vld [tilespmem:s16+$0xF0]  }
0x1bf: {  	v4 =	vadd.f32 v8, v7;
	v1 =	vld [tilespmem:s15+$0xF0];
	[tilespmem:s30+$0xFFFFFF40] =	vst v3  }
0x1c0: {  	v5 =	vadd.f32 v5, v6;
	v3 =	vld [tilespmem:s11+$0xFFFFFF50]  }
0x1c1: {  	v4 =	vadd.f32 v9, v4;
	v9 =	vld [tilespmem:s15+$0xFFFFFF50]  }
0x1c2: {  	[tilespmem:s30+$0xFFFFFFC0] =	vst v5;
	v5 =	vld [tilespmem:s16+$0xFFFFFF50]  }
0x1c3: {  	v6 =	vld [tilespmem:s11+$0xFFFFFFD0]  }
0x1c4: {  	[tilespmem:s30+$0x40] =	vst v4;
	v7 =	vld [tilespmem:s16+$0xFFFFFFD0]  }
0x1c5: {  	v4 =	vld [tilespmem:s11+$0x50]  }
0x1c6: {  	v10 =	vld [tilespmem:s15+$0xFFFFFFD0]  }
0x1c7: {  	v8 =	vld [tilespmem:s16+$0x50];
	v3 =	vadd.f32 v5, v3  }
0x1c8: {  	v11 =	vld [tilespmem:s15+$0x50]  }
0x1c9: {  	v5 =	vld [tilespmem:s14+$0xFFFFFF80];
	v6 =	vadd.f32 v7, v6;
	v3 =	vadd.f32 v9, v3  }
0x1ca: {  	v7 =	vld [tilespmem:s1+$0x90]  }
0x1cb: {  	v9 =	vadd.f32 v21, v19;
	v6 =	vadd.f32 v10, v6;
	[tilespmem:s30+$0xFFFFFF50] =	vst v3;
	v3 =	vld [tilespmem:s14+$0x90]  }
0x1cc: {  	v25 =	vld [tilespmem:s11+$0xFFFFFF60]  }
0x1cd: {  	v10 =	vadd.f32 v17, v16;
	v9 =	vadd.f32 v23, v9;
	[tilespmem:s30+$0xFFFFFFD0] =	vst v6;
	v6 =	vld [tilespmem:s16+$0xFFFFFF60]  }
0x1ce: {  	v42 =	vld [tilespmem:s15+$0xFFFFFF60]  }
0x1cf: {  	v5 =	vadd.f32 v5, v10;
	[tilespmem:s31+$0xFFFFFF00] =	vst v9;
	v9 =	vld [tilespmem:s11+$0xFFFFFFE0]  }
0x1d0: {  	v7 =	vadd.f32 v7, v12;
	v10 =	vld [tilespmem:s0+$0xFFFFFF10]  }
0x1d1: {  	[tilespmem:s31+$0xFFFFFF80] =	vst v5;
	v5 =	vld [tilespmem:s1+$0xFFFFFF10]  }
0x1d2: {  	v4 =	vadd.f32 v8, v4;
	v31 =	vld [tilespmem:s14+$0xFFFFFF10];
	v3 =	vadd.f32 v3, v7  }
0x1d3: {  	v27 =	vld [tilespmem:s1+$0xFFFFFF90]  }
0x1d4: {  	v26 =	vadd.f32 v22, v18;
	v4 =	vadd.f32 v11, v4;
	v11 =	vld [tilespmem:s14+$0xFFFFFF90];
	[tilespmem:s31+$0x90] =	vst v3  }
0x1d5: {  	v3 =	vld [tilespmem:s0+$0xA0]  }
0x1d6: {  	v12 =	vadd.f32 v24, v26;
	v28 =	vld [tilespmem:s1+$0xA0]  }
0x1d7: {  	v7 =	vld [tilespmem:s0+$0xFFFFFF90]  }
0x1d8: {  	[tilespmem:s31+$0x0] =	vst v12;
	v30 =	vld [tilespmem:s14+$0xA0]  }
0x1d9: {  	v29 =	vld [tilespmem:s0+$0x10];
	v6 =	vadd.f32 v6, v25  }
0x1da: {  	[tilespmem:s30+$0x50] =	vst v4;
	v8 =	vld [tilespmem:s1+$0x10];
	v4 =	vadd.f32 v5, v10  }
0x1db: {  	v32 =	vld [tilespmem:s14+$0x10];
	v6 =	vadd.f32 v42, v6;
	v3 =	vadd.f32 v28, v3  }
0x1dc: {  	v5 =	vld [tilespmem:s16+$0xFFFFFFE0];
	v4 =	vadd.f32 v31, v4  }
0x1dd: {  	v10 =	vld [tilespmem:s11+$0x60];
	v7 =	vadd.f32 v27, v7;
	[tilespmem:s30+$0xFFFFFF60] =	vst v6;
	v3 =	vadd.f32 v30, v3  }
0x1de: {  	v6 =	vld [tilespmem:s15+$0x60];
	[tilespmem:s31+$0xFFFFFF10] =	vst v4  }
0x1df: {  	v7 =	vadd.f32 v11, v7;
	v11 =	vld [tilespmem:s0+$0xFFFFFF20];
	[tilespmem:s31+$0xA0] =	vst v3  }
0x1e0: {  	v33 =	vld [tilespmem:s0+$0xB0]  }
0x1e1: {  	v4 =	vld [tilespmem:s1+$0xB0]  }
0x1e2: {  	v8 =	vadd.f32 v8, v29;
	v38 =	vld [tilespmem:s14+$0xFFFFFF20]  }
0x1e3: {  	v34 =	vld [tilespmem:s14+$0xB0]  }
0x1e4: {  	v8 =	vadd.f32 v32, v8;
	[tilespmem:s31+$0xFFFFFF90] =	vst v7;
	v7 =	vld [tilespmem:s1+$0xFFFFFF20]  }
0x1e5: {  	v35 =	vld [tilespmem:s0+$0xFFFFFFA0]  }
0x1e6: {  	[tilespmem:s31+$0x10] =	vst v8;
	v8 =	vld [tilespmem:s1+$0xFFFFFFA0];
	v4 =	vadd.f32 v4, v33  }
0x1e7: {  	v36 =	vld [tilespmem:s0+$0x20]  }
0x1e8: {  	v37 =	vld [tilespmem:s1+$0x20];
	v4 =	vadd.f32 v34, v4  }
0x1e9: {  	v39 =	vld [tilespmem:s14+$0xFFFFFFA0]  }
0x1ea: {  	v40 =	vld [tilespmem:s14+$0x20];
	v7 =	vadd.f32 v7, v11;
	[tilespmem:s31+$0xB0] =	vst v4  }
0x1eb: {  	v4 =	vld [tilespmem:s0+$0xC0]  }
0x1ec: {  	v7 =	vadd.f32 v38, v7;
	v11 =	vld [tilespmem:s1+$0xC0]  }
0x1ed: {  	v3 =	vld [tilespmem:s16+$0x60];
	v8 =	vadd.f32 v8, v35  }
0x1ee: {  	[tilespmem:s31+$0xFFFFFF20] =	vst v7;
	v7 =	vld [tilespmem:s15+$0xFFFFFFE0]  }
0x1ef: {  	v13 =	vadd.f32 v37, v36;
	v8 =	vadd.f32 v39, v8;
	v41 =	vld [tilespmem:s14+$0xC0]  }
0x1f0: {  	v43 =	vld [tilespmem:s0+$0xFFFFFF30]  }
0x1f1: {  	[tilespmem:s31+$0xFFFFFFA0] =	vst v8;
	v8 =	vld [tilespmem:s1+$0xFFFFFF30];
	v4 =	vadd.f32 v11, v4;
	v11 =	vadd.f32 v40, v13  }
0x1f2: {  	v49 =	vld [tilespmem:s14+$0xFFFFFF30]  }
0x1f3: {  	v44 =	vld [tilespmem:s0+$0xFFFFFFB0];
	[tilespmem:s31+$0x20] =	vst v11  }
0x1f4: {  	v4 =	vadd.f32 v41, v4;
	v11 =	vld [tilespmem:s0+$0x30]  }
0x1f5: {  	v47 =	vld [tilespmem:s1+$0x30]  }
0x1f6: {  	v50 =	vld [tilespmem:s14+$0x30];
	[tilespmem:s31+$0xC0] =	vst v4  }
0x1f7: {  	v3 =	vadd.f32 v3, v10;
	v4 =	vld [tilespmem:s0+$0xD0]  }
0x1f8: {  	v46 =	vld [tilespmem:s1+$0xD0]  }
0x1f9: {  	v3 =	vadd.f32 v6, v3;
	v45 =	vld [tilespmem:s1+$0xFFFFFFB0]  }
0x1fa: {  	v5 =	vadd.f32 v5, v9;
	v48 =	vld [tilespmem:s14+$0xD0]  }
0x1fb: {  	v9 =	vld [tilespmem:s14+$0xFFFFFFB0];
	[tilespmem:s30+$0x60] =	vst v3;
	v11 =	vadd.f32 v47, v11  }
0x1fc: {  	v3 =	vld [tilespmem:s11+$0x70];
	v5 =	vadd.f32 v7, v5;
	v7 =	vadd.f32 v8, v43  }
0x1fd: {  	v8 =	vld [tilespmem:s11+$0xFFFFFF70];
	v4 =	vadd.f32 v46, v4;
	v11 =	vadd.f32 v50, v11  }
0x1fe: {  	[tilespmem:s30+$0xFFFFFFE0] =	vst v5;
	v5 =	vld [tilespmem:s16+$0xFFFFFF70]  }
0x1ff: {  	v51 =	vld [tilespmem:s11+$0xFFFFFFF0];
	v4 =	vadd.f32 v48, v4;
	[tilespmem:s31+$0x30] =	vst v11  }
0x200: {  	v55 =	vld [tilespmem:s0+$0x40]  }
0x201: {  	v7 =	vadd.f32 v49, v7;
	v56 =	vld [tilespmem:s1+$0x40];
	[tilespmem:s31+$0xD0] =	vst v4  }
0x202: {  	v52 =	vld [tilespmem:s0+$0xE0]  }
0x203: {  	[tilespmem:s31+$0xFFFFFF30] =	vst v7;
	v7 =	vld [tilespmem:s1+$0xE0]  }
0x204: {  	v6 =	vld [tilespmem:s14+$0x40];
	v4 =	vadd.f32 v45, v44  }
0x205: {  	v53 =	vld [tilespmem:s14+$0xE0]  }
0x206: {  	v57 =	vld [tilespmem:s14+$0xFFFFFF40];
	v4 =	vadd.f32 v9, v4  }
0x207: {  	v9 =	vld [tilespmem:s0+$0xFFFFFF40];
	v12 =	vadd.f32 v56, v55  }
0x208: {  	[tilespmem:s31+$0xFFFFFFB0] =	vst v4;
	v4 =	vld [tilespmem:s1+$0xFFFFFF40];
	v7 =	vadd.f32 v7, v52  }
0x209: {  	v54 =	vld [tilespmem:s0+$0xFFFFFFC0];
	v6 =	vadd.f32 v6, v12  }
0x20a: {  	v11 =	vld [tilespmem:s1+$0xFFFFFFC0];
	v7 =	vadd.f32 v53, v7  }
0x20b: {  	v59 =	vld [tilespmem:s16+$0xFFFFFFF0];
	[tilespmem:s31+$0x40] =	vst v6  }
0x20c: {  	[tilespmem:s31+$0xE0] =	vst v7;
	v7 =	vld [tilespmem:s14+$0xFFFFFFC0]  }
0x20d: {  	v4 =	vadd.f32 v4, v9;
	v6 =	vld [tilespmem:s0+$0x50]  }
0x20e: {  	v62 =	vld [tilespmem:s1+$0x50]  }
0x20f: {  	v11 =	vadd.f32 v11, v54;
	v10 =	vld [tilespmem:s0+$0xF0];
	v4 =	vadd.f32 v57, v4  }
0x210: {  	v9 =	vld [tilespmem:s1+$0xF0]  }
0x211: {  	v58 =	vld [tilespmem:s14+$0xF0];
	[tilespmem:s31+$0xFFFFFF40] =	vst v4;
	v7 =	vadd.f32 v7, v11  }
0x212: {  	v4 =	vld [tilespmem:s0+$0xFFFFFF50]  }
0x213: {  	v11 =	vld [tilespmem:s1+$0xFFFFFF50];
	[tilespmem:s31+$0xFFFFFFC0] =	vst v7  }
0x214: {  	v60 =	vld [tilespmem:s0+$0xFFFFFFD0]  }
0x215: {  	v61 =	vld [tilespmem:s1+$0xFFFFFFD0]  }
0x216: {  	v0 =	vadd.f32 v2, v0;
	v63 =	vld [tilespmem:s14+$0xFFFFFF50]  }
0x217: {  	v2 =	vadd.f32 v9, v10;
	v9 =	vld [tilespmem:s14+$0xFFFFFFD0]  }
0x218: {  	v1 =	vadd.f32 v1, v0;
	v7 =	vld [tilespmem:s14+$0x50]  }
0x219: {  	v10 =	vadd.f32 v58, v2;
	v2 =	vld [tilespmem:s16+$0x70];
	v11 =	vadd.f32 v11, v4  }
0x21a: {  	v0 =	vadd.f32 v5, v8;
	v4 =	vld [tilespmem:s15+$0xFFFFFF70];
	v12 =	vadd.f32 v61, v60  }
0x21b: {  	s10 =	simm.s32 $0x97C0;
	v5 =	vld [tilespmem:s15+$0xFFFFFFF0];
	v8 =	vadd.f32 v62, v6;
	[tilespmem:s31+$0xF0] =	vst v10;
	v10 =	vadd.f32 v63, v11  }
0x21c: {  	s7 =	simm.s32 $0x7DC0;
	[tilespmem:s30+$0xF0] =	vst v1;
	s11 =	simm.s32 $0x4;
	v1 =	vadd.f32 v59, v51;
	v6 =	vld [tilespmem:s15+$0x70];
	s15 =	simm.s32 $0xB3C0;
	v9 =	vadd.f32 v9, v12  }
.LBB2_5:
0x21d: {  	v11 =	vld [tilespmem:s7+$0x80];
	[tilespmem:s31+$0xFFFFFF50] =	vst v10;
	v7 =	vadd.f32 v7, v8;
	s1 =	sadd.s32 $0x200, s1  }
0x21e: {  	v8 =	vld [tilespmem:s1+$0x80];
	[tilespmem:s31+$0xFFFFFFD0] =	vst v9;
	v2 =	vadd.f32 v2, v3  }
0x21f: {  	s14 =	sadd.s32 $0x200, s14;
	v3 =	vld [tilespmem:s1+$0xFFFFFF00];
	[tilespmem:s31+$0x50] =	vst v7;
	v0 =	vadd.f32 v4, v0  }
0x220: {  	v4 =	vld [tilespmem:s14+$0x80];
	v1 =	vadd.f32 v5, v1  }
0x221: {  	v5 =	vld [tilespmem:s7+$0xFFFFFF80];
	[tilespmem:s30+$0xFFFFFF70] =	vst v0;
	v0 =	vadd.f32 v6, v2  }
0x222: {  	v2 =	vld [tilespmem:s1+$0xFFFFFF80];
	[tilespmem:s30+$0xFFFFFFF0] =	vst v1  }
0x223: {  	v1 =	vld [tilespmem:s7+$0x0];
	v6 =	vadd.f32 v8, v11;
	[tilespmem:s30+$0x70] =	vst v0;
	s30 =	smov.u32 s31  }
0x224: {  	v0 =	vld [tilespmem:s1+$0x0]  }
0x225: {  	s11 =	sadd.s32 $0x4, s11;
	v7 =	vld [tilespmem:s7+$0xFFFFFF00];
	v4 =	vadd.f32 v4, v6  }
0x226: {  	p0 =	slt.u32 s11, $0x34;
	s31 =	sadd.s32 $0x200, s31;
	v6 =	vld [tilespmem:s14+$0xFFFFFF00]  }
0x227: {  	v2 =	vadd.f32 v2, v5;
	v5 =	vld [tilespmem:s14+$0xFFFFFF80];
	[tilespmem:s31+$0x80] =	vst v4  }
0x228: {  	v4 =	vld [tilespmem:s7+$0x90]  }
0x229: {  	v0 =	vadd.f32 v0, v1;
	v1 =	vld [tilespmem:s1+$0x90]  }
0x22a: {  	v3 =	vadd.f32 v3, v7;
	v7 =	vld [tilespmem:s14+$0x0]  }
0x22b: {  	v8 =	vld [tilespmem:s14+$0x90]  }
0x22c: {  	v3 =	vadd.f32 v6, v3;
	v2 =	vadd.f32 v5, v2;
	v5 =	vld [tilespmem:s0+$0xFFFFFF60]  }
0x22d: {  	v6 =	vld [tilespmem:s10+$0xFFFFFF60]  }
0x22e: {  	[tilespmem:s31+$0xFFFFFF00] =	vst v3;
	v1 =	vadd.f32 v1, v4;
	v3 =	vld [tilespmem:s0+$0xFFFFFFE0]  }
0x22f: {  	v4 =	vld [tilespmem:s7+$0xFFFFFF10];
	[tilespmem:s31+$0xFFFFFF80] =	vst v2;
	v0 =	vadd.f32 v7, v0  }
0x230: {  	v2 =	vld [tilespmem:s1+$0xFFFFFF10];
	v1 =	vadd.f32 v8, v1  }
0x231: {  	v7 =	vld [tilespmem:s7+$0xFFFFFF90];
	[tilespmem:s31+$0x0] =	vst v0  }
0x232: {  	v0 =	vld [tilespmem:s1+$0xFFFFFF90];
	[tilespmem:s31+$0x90] =	vst v1;
	v1 =	vadd.f32 v6, v5  }
0x233: {  	v5 =	vld [tilespmem:s7+$0xA0]  }
0x234: {  	v6 =	vld [tilespmem:s1+$0xA0]  }
0x235: {  	v2 =	vadd.f32 v2, v4;
	v4 =	vld [tilespmem:s7+$0x10]  }
0x236: {  	v8 =	vld [tilespmem:s14+$0xA0]  }
0x237: {  	v0 =	vadd.f32 v0, v7;
	v7 =	vld [tilespmem:s1+$0x10]  }
0x238: {  	v9 =	vld [tilespmem:s14+$0xFFFFFF10]  }
0x239: {  	v10 =	vld [tilespmem:s14+$0xFFFFFF90];
	v5 =	vadd.f32 v6, v5  }
0x23a: {  	v6 =	vld [tilespmem:s14+$0x10]  }
0x23b: {  	v5 =	vadd.f32 v8, v5;
	v8 =	vld [tilespmem:s10+$0xFFFFFFE0]  }
0x23c: {  	v4 =	vadd.f32 v7, v4;
	v7 =	vld [tilespmem:s0+$0x60]  }
0x23d: {  	v2 =	vadd.f32 v9, v2;
	[tilespmem:s31+$0xA0] =	vst v5;
	v5 =	vld [tilespmem:s10+$0x60]  }
0x23e: {  	v0 =	vadd.f32 v10, v0;
	v9 =	vld [tilespmem:s7+$0xB0]  }
0x23f: {  	[tilespmem:s31+$0xFFFFFF10] =	vst v2;
	v2 =	vadd.f32 v6, v4;
	v4 =	vld [tilespmem:s1+$0xB0]  }
0x240: {  	v6 =	vld [tilespmem:s7+$0xFFFFFF20];
	[tilespmem:s31+$0xFFFFFF90] =	vst v0;
	v0 =	vadd.f32 v8, v3  }
0x241: {  	[tilespmem:s31+$0x10] =	vst v2;
	v2 =	vld [tilespmem:s14+$0xB0]  }
0x242: {  	v3 =	vld [tilespmem:s1+$0xFFFFFF20];
	v5 =	vadd.f32 v5, v7  }
0x243: {  	v7 =	vld [tilespmem:s7+$0xFFFFFFA0]  }
0x244: {  	v8 =	vld [tilespmem:s1+$0xFFFFFFA0];
	v4 =	vadd.f32 v4, v9  }
0x245: {  	v9 =	vld [tilespmem:s7+$0x20]  }
0x246: {  	v10 =	vld [tilespmem:s1+$0x20];
	v2 =	vadd.f32 v2, v4  }
0x247: {  	v3 =	vadd.f32 v3, v6;
	v4 =	vld [tilespmem:s14+$0xFFFFFF20]  }
0x248: {  	v6 =	vld [tilespmem:s14+$0xFFFFFFA0];
	[tilespmem:s31+$0xB0] =	vst v2  }
0x249: {  	v2 =	vadd.f32 v8, v7;
	v7 =	vld [tilespmem:s7+$0xC0]  }
0x24a: {  	v8 =	vld [tilespmem:s1+$0xC0]  }
0x24b: {  	v9 =	vadd.f32 v10, v9;
	v10 =	vld [tilespmem:s14+$0x20]  }
0x24c: {  	v3 =	vadd.f32 v4, v3;
	v4 =	vld [tilespmem:s14+$0xC0]  }
0x24d: {  	v2 =	vadd.f32 v6, v2;
	v6 =	vld [tilespmem:s15+$0xFFFFFF60]  }
0x24e: {  	[tilespmem:s31+$0xFFFFFF20] =	vst v3;
	v3 =	vld [tilespmem:s15+$0xFFFFFFE0]  }
0x24f: {  	v11 =	vld [tilespmem:s7+$0xFFFFFF30];
	[tilespmem:s31+$0xFFFFFFA0] =	vst v2;
	v2 =	vadd.f32 v8, v7  }
0x250: {  	v7 =	vld [tilespmem:s1+$0xFFFFFF30];
	v8 =	vadd.f32 v10, v9  }
0x251: {  	v9 =	vld [tilespmem:s7+$0xFFFFFFB0];
	v2 =	vadd.f32 v4, v2  }
0x252: {  	v4 =	vld [tilespmem:s1+$0xFFFFFFB0];
	[tilespmem:s31+$0x20] =	vst v8;
	v1 =	vadd.f32 v6, v1  }
0x253: {  	v6 =	vld [tilespmem:s7+$0x30];
	[tilespmem:s31+$0xC0] =	vst v2;
	v0 =	vadd.f32 v3, v0  }
0x254: {  	v2 =	vld [tilespmem:s7+$0xD0];
	[tilespmem:s30+$0xFFFFFF60] =	vst v1  }
0x255: {  	v1 =	vadd.f32 v7, v11;
	v3 =	vld [tilespmem:s1+$0xD0];
	[tilespmem:s30+$0xFFFFFFE0] =	vst v0  }
0x256: {  	v0 =	vld [tilespmem:s1+$0x30]  }
0x257: {  	v4 =	vadd.f32 v4, v9;
	v7 =	vld [tilespmem:s14+$0xD0]  }
0x258: {  	v8 =	vld [tilespmem:s14+$0xFFFFFF30]  }
0x259: {  	v9 =	vld [tilespmem:s14+$0xFFFFFFB0]  }
0x25a: {  	v10 =	vld [tilespmem:s14+$0x30];
	v2 =	vadd.f32 v3, v2  }
0x25b: {  	v0 =	vadd.f32 v0, v6;
	v3 =	vld [tilespmem:s15+$0x60]  }
0x25c: {  	v2 =	vadd.f32 v7, v2;
	v6 =	vld [tilespmem:s0+$0xFFFFFF70]  }
0x25d: {  	v1 =	vadd.f32 v8, v1;
	v7 =	vld [tilespmem:s10+$0xFFFFFF70]  }
0x25e: {  	v4 =	vadd.f32 v9, v4;
	[tilespmem:s31+$0xD0] =	vst v2;
	v2 =	vld [tilespmem:s0+$0xFFFFFFF0]  }
0x25f: {  	[tilespmem:s31+$0xFFFFFF30] =	vst v1;
	v0 =	vadd.f32 v10, v0;
	v1 =	vld [tilespmem:s7+$0xE0]  }
0x260: {  	[tilespmem:s31+$0xFFFFFFB0] =	vst v4;
	v4 =	vld [tilespmem:s1+$0xE0];
	v3 =	vadd.f32 v3, v5  }
0x261: {  	v5 =	vld [tilespmem:s7+$0xFFFFFF40];
	[tilespmem:s31+$0x30] =	vst v0  }
0x262: {  	v8 =	vld [tilespmem:s14+$0xE0];
	v0 =	vadd.f32 v7, v6;
	[tilespmem:s30+$0x60] =	vst v3  }
0x263: {  	v3 =	vld [tilespmem:s1+$0xFFFFFF40]  }
0x264: {  	v6 =	vld [tilespmem:s7+$0xFFFFFFC0]  }
0x265: {  	v7 =	vld [tilespmem:s1+$0xFFFFFFC0];
	v1 =	vadd.f32 v4, v1  }
0x266: {  	v4 =	vld [tilespmem:s7+$0x40]  }
0x267: {  	v9 =	vld [tilespmem:s1+$0x40];
	v1 =	vadd.f32 v8, v1  }
0x268: {  	v3 =	vadd.f32 v3, v5;
	v5 =	vld [tilespmem:s14+$0xFFFFFF40]  }
0x269: {  	v8 =	vld [tilespmem:s14+$0xFFFFFFC0];
	[tilespmem:s31+$0xE0] =	vst v1  }
0x26a: {  	v1 =	vadd.f32 v7, v6;
	v6 =	vld [tilespmem:s7+$0xF0]  }
0x26b: {  	v7 =	vld [tilespmem:s1+$0xF0]  }
0x26c: {  	v4 =	vadd.f32 v9, v4;
	v9 =	vld [tilespmem:s14+$0x40]  }
0x26d: {  	v3 =	vadd.f32 v5, v3;
	v5 =	vld [tilespmem:s14+$0xF0]  }
0x26e: {  	v1 =	vadd.f32 v8, v1;
	v8 =	vld [tilespmem:s10+$0xFFFFFFF0]  }
0x26f: {  	[tilespmem:s31+$0xFFFFFF40] =	vst v3;
	v3 =	vld [tilespmem:s0+$0x70];
	s0 =	smov.u32 s7  }
0x270: {  	v10 =	vld [tilespmem:s7+$0xFFFFFF50];
	[tilespmem:s31+$0xFFFFFFC0] =	vst v1;
	v1 =	vadd.f32 v7, v6  }
0x271: {  	v6 =	vld [tilespmem:s1+$0xFFFFFF50];
	v4 =	vadd.f32 v9, v4  }
0x272: {  	v7 =	vld [tilespmem:s7+$0xFFFFFFD0];
	v5 =	vadd.f32 v5, v1  }
0x273: {  	v9 =	vld [tilespmem:s1+$0xFFFFFFD0];
	[tilespmem:s31+$0x40] =	vst v4;
	v1 =	vadd.f32 v8, v2  }
0x274: {  	v4 =	vld [tilespmem:s7+$0x50];
	[tilespmem:s31+$0xF0] =	vst v5  }
0x275: {  	v5 =	vld [tilespmem:s1+$0x50]  }
0x276: {  	v6 =	vadd.f32 v6, v10;
	v10 =	vld [tilespmem:s14+$0xFFFFFF50]  }
0x277: {  	v11 =	vld [tilespmem:s14+$0xFFFFFFD0]  }
.Ltmp1:
0x278: {  	v9 =	vadd.f32 v9, v7;
	v7 =	vld [tilespmem:s14+$0x50];
	(pc) =	sbr.rel @p0 .LBB2_5-.Ltmp1, $4  }
0x279: {  	v2 =	vld [tilespmem:s10+$0x70];
	s10 =	smov.u32 s1  }
0x27a: {  	v8 =	vadd.f32 v5, v4;
	v4 =	vld [tilespmem:s15+$0xFFFFFF70]  }
0x27b: {  	v10 =	vadd.f32 v10, v6;
	v5 =	vld [tilespmem:s15+$0xFFFFFFF0]  }
0x27c: {  	s7 =	sadd.s32 $0x200, s7;
	v9 =	vadd.f32 v11, v9;
	v6 =	vld [tilespmem:s15+$0x70];
	s15 =	smov.u32 s14  }
0x27d: {  	[tilespmem:s31+$0xFFFFFF50] =	vst v10  }
0x27e: {  	v10 =	vld [tilespmem:s0+$0xFFFFFF60]  }
0x27f: {  	v47 =	vld [tilespmem:s10+$0xFFFFFF60]  }
0x280: {  	[tilespmem:s31+$0xFFFFFFD0] =	vst v9;
	v12 =	vld [tilespmem:s15+$0xFFFFFF60]  }
0x281: {  	v7 =	vadd.f32 v7, v8;
	v9 =	vld [tilespmem:s0+$0xFFFFFFE0]  }
0x282: {  	v48 =	vld [tilespmem:s10+$0xFFFFFFE0]  }
0x283: {  	[tilespmem:s31+$0x50] =	vst v7;
	v14 =	vld [tilespmem:s15+$0xFFFFFFE0]  }
0x284: {  	v11 =	vld [tilespmem:s0+$0x60]  }
0x285: {  	v13 =	vld [tilespmem:s10+$0x60];
	v8 =	vadd.f32 v47, v10;
	_ =	sdelay $0x1  }
0x286: {  	v49 =	vld [tilespmem:s15+$0x60];
	v8 =	vadd.f32 v12, v8  }
0x287: {  	v7 =	vadd.f32 v48, v9  }
0x288: {  	[tilespmem:s31+$0xFFFFFF60] =	vst v8  }
0x289: {  	v50 =	vadd.f32 v13, v11;
	v7 =	vadd.f32 v14, v7;
	v8 =	vld [tilespmem:s0+$0xFFFFFF70]  }
0x28a: {  	v51 =	vld [tilespmem:s10+$0xFFFFFF70]  }
0x28b: {  	v9 =	vadd.f32 v49, v50;
	[tilespmem:s31+$0xFFFFFFE0] =	vst v7;
	v56 =	vld [tilespmem:s15+$0xFFFFFF70]  }
0x28c: {  	v52 =	vld [tilespmem:s0+$0xFFFFFFF0]  }
0x28d: {  	[tilespmem:s31+$0x60] =	vst v9;
	v53 =	vld [tilespmem:s10+$0xFFFFFFF0]  }
0x28e: {  	v54 =	vld [tilespmem:s0+$0x70]  }
0x28f: {  	v55 =	vld [tilespmem:s10+$0x70]  }
0x290: {  	v57 =	vld [tilespmem:s15+$0xFFFFFFF0]  }
0x291: {  	v2 =	vadd.f32 v2, v3;
	v0 =	vadd.f32 v4, v0;
	v58 =	vld [tilespmem:s15+$0x70]  }
0x292: {  	v1 =	vadd.f32 v5, v1;
	v59 =	vadd.f32 v51, v8  }
0x293: {  	s28 =	sadd.s32 $0x1, s28;
	[tilespmem:s30+$0xFFFFFF70] =	vst v0;
	v60 =	vadd.f32 v6, v2;
	v61 =	vadd.f32 v53, v52  }
0x294: {  	p0 =	sne.s32 s28, $0x1C;
	[tilespmem:s30+$0xFFFFFFF0] =	vst v1;
	v62 =	vadd.f32 v55, v54;
	v4 =	vadd.f32 v56, v59  }
.Ltmp2:
0x295: {  	[tilespmem:s30+$0x70] =	vst v60;
	s30 =	sadd.s32 s3, s29;
	v63 =	vadd.f32 v57, v61;
	(pc) =	sbr.rel @p0 .LBB2_2-.Ltmp2, $4  }
0x296: {  	s0 =	sshll.u32 s30, $0x4;
	[tilespmem:s31+$0xFFFFFF70] =	vst v4;
	v1 =	vadd.f32 v58, v62  }
0x297: {  	s0 =	sand.u32 $0x1FFFFF80, s0;
	[tilespmem:s31+$0xFFFFFFF0] =	vst v63  }
0x298: {  	s0 =	sadd.s32 s5, s0;
	[tilespmem:s31+$0x70] =	vst v1  }
0x299: {  	[hbm4b:s0+s2] =	stream.linear.scatter [tilespmem:s23], [sflag:$0x4], $0x1C00, $0x38;
	[tilespmem:$0x104C0] =	vst v63  }
0x29a: {  	s26 =	sadd.s32 $0x1, s26  }
0x29b: {  	_ =	swait.ge [sflag:s24], $0x1C00;
	p0 =	sne.s32 s26, s9  }
.Ltmp3:
0x29c: {  	[sflag:s24] =	ssyncset.done $0x0;
	(pc) =	sbr.rel @p0 .LBB2_1-.Ltmp3, $4  }
0x29d: {  	[sflag:s24] =	ssyncadd.s32 $0xFFFFE400  }
0x29e: {  	_ =	swait.ge [sflag:s25], $0x1C00  }
0x29f: {  	[sflag:s25] =	ssyncset.done $0x0  }
0x2a0: {  	[sflag:s25] =	ssyncadd.s32 $0xFFFFE400  }
0x2a1: {  	_ =	sfence.sel $0x180000  }
0x2a2: {  	[bflag:$0x0] =	sbarrier.arrive $0xFFFF  }
0x2a3: {  	_ =	strace $0x9000004A  }
0x2a4: {  	s0 =	stileid.u32;
	[bflag:$0x2] =	sbarrier.arrive $0xFFFF  }
0x2a5: {  	p0 =	sne.s32 s0, $0x0;
	s0 =	rddreg [dreg:$0x2]  }
0x2a6: {  	s0 =	sadd.s32 @!p0 $0x100000, s0  }
0x2a7: {  	[sflag:s0] =	ssyncadd.tile.s32 @!p0 $0x1;
	_ =	shalt  }
.Lfunc_end2:
_tile_overlayer_lowered:
.L_overlay_start_2:
0x2a8: {  	(tag) =	ssettag $0x2  }
0x2a9: {  	s0 =	rddreg [dreg:$0x0];
	s2 =	stileid.u32  }
0x2aa: {  	s1 =	rddreg [dreg:$0x1];
	p0 =	sne.s32 s2, $0x0  }
0x2ab: {  	s3 =	rddreg [dreg:$0x2];
	[bflag:$0x3] =	sbarrier.arrive $0xFFFF;
	s2 =	simm.s32 @!p0 $0x1C06  }
0x2ac: {  	[timem:s3], [sflag:s2] =	dma.local @!p0 [hbm:s0], s1  }
0x2ad: {  	s0 =	simm.s32 @!p0 $0x6  }
0x2ae: {  	_ =	swait.ge @!p0 [sflag:s0], s1  }
0x2af: {  	s1 =	ssub.s32 @!p0 $0x0, s1;
	[sflag:s0] =	ssyncset.done @!p0 $0x0  }
0x2b0: {  	[sflag:s0] =	ssyncadd.s32 @!p0 s1  }
0x2b1: {  	[bflag:$0x3] =	sbarrier.arrive $0xFFFF  }
0x2b2: {  	_ =	shalt  }

// kernel: kernel.16.cloned.1.call-start
scs
__scs_entry_jumppad:
0x0: {  	(pc) =	sbr.rel $0x88, $3  }
0x1: {  	(tag) =	ssettag $0x0;
	lr =	simm.s32 $0x1  }
0x2: {  	[smem:$0x3F91] =	sst lr;
	_ =	strace $0xD0000000  }
0x3: {  	_ = 	snop  }
0x4: {  	_ = 	snop  }
0x5: {  	_ = 	snop  }
0x6: {  	_ = 	snop  }
0x7: {  	_ = 	snop  }
__scs_overlays_trampoline_lowered:
0x8: {  	[smem:$0x3FA0] =	sst s0  }
0x9: {  	[smem:$0x3FA1] =	sst s1  }
0xa: {  	[smem:$0x3FA2] =	sst s2  }
0xb: {  	[smem:$0x3FA3] =	sst s3  }
0xc: {  	[smem:$0x3FA4] =	sst s4  }
0xd: {  	[smem:$0x3FA5] =	sst s5  }
0xe: {  	[smem:$0x3FA6] =	sst s6  }
0xf: {  	[smem:$0x3FA7] =	sst s7  }
0x10: {  	[smem:$0x3FA8] =	sst s8  }
0x11: {  	[smem:$0x3FA9] =	sst s9;
	s0 =	simm.s32 @!p0 $0x0  }
0x12: {  	s1 =	sld [smem:$0x3F8F];
	s0 =	simm.s32 @p0 $0x1  }
0x13: {  	[smem:$0x3FAA] =	sst s0;
	s0 =	simm.s32 @!p1 $0x0  }
0x14: {  	s2 =	sld [smem:$0x3F8E];
	s0 =	simm.s32 @p1 $0x1  }
0x15: {  	[smem:$0x3FAB] =	sst s0;
	s0 =	simm.s32 @!p2 $0x0  }
0x16: {  	s3 =	sld [smem:$0x3FDB];
	s0 =	simm.s32 @p2 $0x1  }
0x17: {  	s4 =	simm.s32 $0x1BF5;
	[smem:$0x3FAD] =	sst s0  }
0x18: {  	s0 =	sld [smem:$0x3F90];
	_ =	swait.ge [sflag:s4], $0x0  }
0x19: {  	s7 =	sld [smem:$0x3F91]  }
0x1a: {  	s8 =	sadd.s32 $0xFFFFE003, lr  }
0x1b: {  	s9 =	sadd.s32 $0xFFFFFEF7, lr;
	s5 =	simm.s32 $0xFFFFFFFF;
	p2 =	slt.u32 s8, $0xFFFFF086  }
0x1c: {  	p1 =	slt.u32 s9, $0xF7A;
	s5 =	simm.s32 @!p2 $0x0  }
0x1d: {  	s5 =	simm.s32 @p1 $0x1;
	p0 =	seq.s32 s7, s2  }
0x1e: {  	s7 =	smul.u32 @!p0 $0xF7A, s2;
	p2 =	seq.s32 @!p0 s5, $0x0  }
0x1f: {  	s9 =	smul.u32 $0xF7A, s1;
	s8 =	simm.s32 @!p0 $0x1BF5;
	p2 =	por !p2, p0  }
0x20: {  	[sflag:s8] =	ssyncset.s32 @!p0 $0xFFFFF086;
	s6 =	sadd.s32 @!p0 s3, s7;
	s7 =	simm.s32 @!p0 $0x108  }
0x21: {  	s3 =	sadd.s32 s3, s9;
	s6 =	sadd.s32 @!p0 $0x88, s6;
	s7 =	simm.s32 @p2 $0x1082  }
0x22: {  	[simem:s7], [sflag:s8] =	dma.local @!p0 [hbm:s6], $0xF7A  }
0x23: {  	s9 =	sor.u32 $0xD0000000, s2;
	s6 =	simm.s32 $0x108;
	_ =	swait.ge @!p0 [sflag:s8], $0x0  }
0x24: {  	s3 =	sadd.s32 $0x88, s3;
	s6 =	simm.s32 @!p1 $0x1082;
	[sflag:s4] =	ssyncset.s32 $0xFFFFF086  }
0x25: {  	[simem:s6], [sflag:s4] =	dma.local [hbm:s3], $0xF7A  }
0x26: {  	[smem:$0x3F91] =	sst s1;
	(tag) =	ssettag s2;
	_ =	strace s9  }
0x27: {  	s1 =	sld [smem:$0x3FA1]  }
0x28: {  	s2 =	sld [smem:$0x3FA2]  }
0x29: {  	s4 =	sld [smem:$0x3FA4]  }
0x2a: {  	p0 =	seq.s32 s5, $0x0;
	s5 =	sld [smem:$0x3FA5]  }
0x2b: {  	s6 =	sld [smem:$0x3FA6]  }
0x2c: {  	s7 =	sld [smem:$0x3FA7]  }
0x2d: {  	s3 =	simm.s32 $0x108;
	s8 =	sld [smem:$0x3FA8]  }
0x2e: {  	s3 =	simm.s32 @!p0 $0x1082;
	s9 =	sld [smem:$0x3FA9]  }
0x2f: {  	lr =	sadd.s32 s0, s3;
	s0 =	sld [smem:$0x3FA0]  }
0x30: {  	s3 =	sld [smem:$0x3FA3]  }
0x31: {  	[smem:$0x3FAC] =	sst s10  }
0x32: {  	s10 =	sld [smem:$0x3FAA];
	_ =	sdelay $0x3  }
0x33: {  	p0 =	seq.s32 s10, $0x1;
	s10 =	sld [smem:$0x3FAC];
	_ =	sdelay $0x3  }
0x34: {  	[smem:$0x3FAC] =	sst s10  }
0x35: {  	s10 =	sld [smem:$0x3FAB];
	_ =	sdelay $0x3  }
0x36: {  	p1 =	seq.s32 s10, $0x1;
	s10 =	sld [smem:$0x3FAC];
	_ =	sdelay $0x3  }
0x37: {  	[smem:$0x3FAC] =	sst s10  }
0x38: {  	s10 =	sld [smem:$0x3FAD]  }
0x39: {  	_ = 	snop;
	(pc) =	sbr.ind lr, $3  }
0x3a: {  	_ = 	snop  }
0x3b: {  	_ = 	snop  }
0x3c: {  	p2 =	seq.s32 s10, $0x1;
	s10 =	sld [smem:$0x3FAC]  }
0x3d: {  	_ =	shalt  }
0x3e: {  	_ =	shalt  }
0x3f: {  	_ =	shalt  }
0x40: {  	_ =	shalt  }
0x41: {  	_ =	shalt  }
0x42: {  	_ =	shalt  }
0x43: {  	_ =	shalt  }
0x44: {  	_ =	shalt  }
0x45: {  	_ =	shalt  }
0x46: {  	_ =	shalt  }
0x47: {  	_ =	shalt  }
0x48: {  	_ =	shalt  }
0x49: {  	_ =	shalt  }
0x4a: {  	_ =	shalt  }
0x4b: {  	_ =	shalt  }
0x4c: {  	_ =	shalt  }
0x4d: {  	_ =	shalt  }
0x4e: {  	_ =	shalt  }
0x4f: {  	_ =	shalt  }
0x50: {  	_ =	shalt  }
0x51: {  	_ =	shalt  }
0x52: {  	_ =	shalt  }
0x53: {  	_ =	shalt  }
0x54: {  	_ =	shalt  }
0x55: {  	_ =	shalt  }
0x56: {  	_ =	shalt  }
0x57: {  	_ =	shalt  }
0x58: {  	_ =	shalt  }
0x59: {  	_ =	shalt  }
0x5a: {  	_ =	shalt  }
0x5b: {  	_ =	shalt  }
0x5c: {  	_ =	shalt  }
0x5d: {  	_ =	shalt  }
0x5e: {  	_ =	shalt  }
0x5f: {  	_ =	shalt  }
0x60: {  	_ =	shalt  }
0x61: {  	_ =	shalt  }
0x62: {  	_ =	shalt  }
0x63: {  	_ =	shalt  }
0x64: {  	_ =	shalt  }
0x65: {  	_ =	shalt  }
0x66: {  	_ =	shalt  }
0x67: {  	_ =	shalt  }
0x68: {  	_ =	shalt  }
0x69: {  	_ =	shalt  }
0x6a: {  	_ =	shalt  }
0x6b: {  	_ =	shalt  }
0x6c: {  	_ =	shalt  }
0x6d: {  	_ =	shalt  }
0x6e: {  	_ =	shalt  }
0x6f: {  	_ =	shalt  }
0x70: {  	_ =	shalt  }
0x71: {  	_ =	shalt  }
0x72: {  	_ =	shalt  }
0x73: {  	_ =	shalt  }
0x74: {  	_ =	shalt  }
0x75: {  	_ =	shalt  }
0x76: {  	_ =	shalt  }
0x77: {  	_ =	shalt  }
0x78: {  	_ =	shalt  }
0x79: {  	_ =	shalt  }
0x7a: {  	_ =	shalt  }
0x7b: {  	_ =	shalt  }
0x7c: {  	_ =	shalt  }
0x7d: {  	_ =	shalt  }
0x7e: {  	_ =	shalt  }
0x7f: {  	_ =	shalt  }
0x80: {  	_ =	shalt  }
0x81: {  	_ =	shalt  }
0x82: {  	_ =	shalt  }
0x83: {  	_ =	shalt  }
0x84: {  	_ =	shalt  }
0x85: {  	_ =	shalt  }
0x86: {  	_ =	shalt  }
0x87: {  	_ =	shalt  }
.Lfunc_end0:
.L_simem_size_0:
called_computation.2_lowered:
.L_overlay_start_0:
0x88: {  	s2 =	sld [smem:$0x3FD9]  }
0x89: {  	s3 =	sld [smem:$0x3FFE];
	_ =	sdelay $0x1  }
0x8a: {  	s1 =	srdreg.scid  }
0x8b: {  	s0 =	sand.u32 $0x1, s1  }
0x8c: {  	s14 =	sshll.u32 s0, $0xA;
	s2 =	sadd.s32 s3, s2  }
0x8d: {  	s2 =	sadd.s32 s2, s14  }
0x8e: {  	[smem:$0x3FB8] =	sst s2  }
0x8f: {  	_ = 	snop  }
0x90: {  	s2 =	sld [smem:$0x3FD0];
	_ =	sdelay $0x2  }
0x91: {  	s15 =	simm.s32 $0xA;
	s4 =	simm.s32 $0x10  }
0x92: {  	[smem:s4], [sflag:s15] =	dma.local [hbm:s2], $0x1  }
0x93: {  	_ =	swait.eq [sflag:s15], $0x1  }
0x94: {  	[sflag:s15] =	ssyncset.done $0x0  }
0x95: {  	s16 =	sld [smem:$0x11];
	[sflag:s15] =	ssyncadd.s32 $0xFFFFFFFF  }
0x96: {  	s17 =	sld [smem:$0x12];
	(tm) =	ssettm $0x1  }
0x97: {  	s18 =	sld [smem:$0x3FFB];
	_ =	sdelay $0x3  }
0x98: {  	_ =	strace s18  }
0x99: {  	s4 =	sld [smem:$0x3FFC];
	_ =	sdelay $0x3  }
0x9a: {  	_ =	strace s4  }
0x9b: {  	s4 =	sld [smem:$0x3FFD];
	_ =	sdelay $0x3  }
0x9c: {  	_ =	strace s4  }
0x9d: {  	_ =	strace $0x8FFFFFFF  }
0x9e: {  	s19 =	sld [smem:$0x3FDB];
	_ =	sdelay $0x1  }
0x9f: {  	s5 =	simm.s32 $_scs_section_size  }
0xa0: {  	s6 =	simm.s32 $_size__tile_overlayer_lowered;
	s7 =	simm.s32 $_tile_overlayer_lowered  }
0xa1: {  	s22 =	simm.s32 $0x1BFF;
	s21 =	sshll.u32 s7, $0x1;
	s4 =	sadd.s32 s5, s19  }
0xa2: {  	s8 =	simm.s32 $0x0;
	s20 =	sshll.u32 s6, $0x1;
	s6 =	sadd.s32 s21, s4  }
0xa3: {  	[timem:s8], [sflag:s22] =	dma.local [hbm:s6], s20  }
0xa4: {  	_ =	swait.ge [sflag:s22], s20  }
0xa5: {  	s5 =	ssub.s32 $0x0, s20;
	[sflag:s22] =	ssyncset.done $0x0  }
0xa6: {  	[sflag:s22] =	ssyncadd.s32 s5;
	_ =	sdelay $0x1  }
0xa7: {  	s23 =	simm.s32 $0x1B8B  }
0xa8: {  	_ =	swait.ge [sflag:s23], $0x1  }
0xa9: {  	[sflag:s23] =	ssyncset.done $0x0  }
0xaa: {  	s25 =	simm.s32 $0x1B8E;
	s24 =	sld [smem:$0x3FFE];
	[sflag:s23] =	ssyncadd.s32 $0xFFFFFFFF  }
0xab: {  	s26 =	simm.s32 $execute0_lowered;
	[smem:$0x3FD2] =	sst s25  }
0xac: {  	s6 =	sshll.u32 s26, $0x1;
	_ =	strace $0x8000004C;
	[dreg:$0x1] =	wrdreg $0xFFFFFFFF  }
0xad: {  	s28 =	simm.s32 $_size_execute0_lowered;
	s4 =	sadd.s32 s4, s6;
	[dreg:$0x0] =	wrdreg $0x0  }
0xae: {  	s6 =	sshll.u32 s28, $0x1;
	[dreg:$0x2] =	wrdreg s4  }
0xaf: {  	[dreg:$0x3] =	wrdreg s6  }
0xb0: {  	[dreg:$0x4] =	wrdreg $0xC0  }
0xb1: {  	_ =	task [dreg:s8], $0x5FFFF  }
0xb2: {  	[dreg:$0x1] =	wrdreg $0xFFFFFFFF  }
0xb3: {  	[dreg:$0x0] =	wrdreg $0x60  }
0xb4: {  	[dreg:$0x2] =	wrdreg s17  }
0xb5: {  	[dreg:$0x3] =	wrdreg s16  }
0xb6: {  	[dreg:$0x4] =	wrdreg s24  }
0xb7: {  	[dreg:$0x5] =	wrdreg $0x9  }
0xb8: {  	_ =	task.clear_ibuf [dreg:s8], $0x6FFFF;
	_ =	strace $0x9000004C  }
0xb9: {  	s29 =	simm.s32 $0x9;
	_ =	strace $0x8000004E  }
0xba: {  	_ =	swait.ge [sflag:s29], $0x1  }
0xbb: {  	[sflag:s29] =	ssyncadd.s32 $0xFFFFFFFF  }
0xbc: {  	_ =	strace $0x9000004E  }
0xbd: {  	_ =	sfence  }
0xbe: {  	s30 =	sld [smem:$0x0];
	_ =	sdelay $0x2  }
0xbf: {  	s31 =	sshll.u32 s1, $0xD;
	s1 =	sshrl.u32 s1, $0x2  }
0xc0: {  	s3 =	sand.u32 $0x4000, s31;
	s1 =	sadd.s32 s1, s30  }
0xc1: {  	s0 =	sor.u32 s3, s0;
	s1 =	sshll.u32 s1, $0x11  }
0xc2: {  	s0 =	sor.u32 s1, s0  }
0xc3: {  	s0 =	sadd.s32 $0x8F2B, s0  }
0xc4: {  	[sflag:s0] =	ssyncadd.remote.s32 $0x1  }
0xc5: {  	_ =	sfence.sel $0xFFFF  }
0xc6: {  	[dreg:$0x0] =	wrdreg $0xFFFFFFFF;
	(pc) =	sbr.abs _section_cstart, $3  }
0xc7: {  	[dreg:$0x1] =	wrdreg $0xFFFFFFFF  }
0xc8: {  	_ =	task.clear_ibuf [dreg:s8], $0x2FFFF;
	_ =	strace $0x9FFFFFFF  }
0xc9: {  	(tm) =	ssettm $0x7FFFFFFF  }
tec
execute0_lowered:
.L_overlay_start_1:
0x0: {  	(tag) =	ssettag $0x1  }
0x1: {  	s2 =	rddreg [dreg:$0x0]  }
0x2: {  	s6 =	rddreg [dreg:$0x1]  }
0x3: {  	s4 =	rddreg [dreg:$0x2]  }
0x4: {  	s0 =	rddreg [dreg:$0x3];
	s1 =	stileid.u32  }
0x5: {  	s7 =	srdreg.scid;
	s5 =	smul.u32 $0x18800, s1  }
0x6: {  	s3 =	simm.s32 $0x0;
	s7 =	sand.u32 $0x1, s7;
	s8 =	smul.u32 $0x1880, s1  }
0x7: {  	[smem:$0x7FF] =	sst s3;
	s9 =	ssub.s32 $0x2, s7;
	s10 =	smul.u32 $0xC40, s7  }
0x8: {  	s7 =	smul.u32 $0xC400, s7;
	_ =	strace $0x8000004D;
	s30 =	sshrl.u32 s9, $0x1  }
0x9: {  	s5 =	sadd.s32 s5, s4;
	s4 =	ssub.s32 s9, s30;
	s8 =	sadd.s32 s10, s8  }
0xa: {  	s5 =	sadd.s32 s7, s5;
	s7 =	simm.s32 $0x2;
	s9 =	simm.s32 $0x1  }
0xb: {  	s10 =	simm.s32 $0x0;
	s4 =	smax.u32 s4, $0x1;
	s31 =	sshrl.u32 s8, $0x3  }
0xc: {  	s5 =	sadd.s32 $0x1E00, s5;
	s8 =	simm.s32 $0x38;
	s6 =	sadd.s32 s31, s6  }
.LBB2_1:
0xd: {  	s11 =	sadd.s32 $0x0, s6  }
0xe: {  	[tilespmem:s3], [sflag:$0x2] =	stream.linear.gather [hbm4b:s11+s3], $0x38, $0x38;
	[tilespmem:$0x1C38] =	vst v63  }
0xf: {  	_ =	swait.ge [sflag:s7], $0x38  }
0x10: {  	[sflag:s7] =	ssyncset.done $0x0  }
0x11: {  	[sflag:s7] =	ssyncadd.s32 $0xFFFFFFC8  }
0x12: {  	[tilespmem:s8], [sflag:$0x1] =	stream.indirect.gather [hbm4b:s2+s8], $0x80, s3, s8, $0xb8;
	[tilespmem:$0x1C38] =	vst v63  }
0x13: {  	_ =	swait.ge [sflag:s9], $0x1C00  }
0x14: {  	[sflag:s9] =	ssyncset.done $0x0  }
0x15: {  	[sflag:s9] =	ssyncadd.s32 $0xFFFFE400  }
0x16: {  	[hbm4b:s5+s3] =	stream.linear.scatter [tilespmem:s8], [sflag:$0x2], $0x1C00, $0x38;
	[tilespmem:$0x1C38] =	vst v63  }
0x17: {  	s12 =	simm.s32 $0x7;
	_ =	swait.ge [sflag:s7], $0x1C00  }
0x18: {  	s13 =	simm.s32 $0xE;
	s11 =	sadd.s32 $0x380, s5;
	[sflag:s7] =	ssyncset.done $0x0  }
.LBB2_2:
0x19: {  	s14 =	sadd.s32 s12, s6  }
0x1a: {  	[sflag:s7] =	ssyncadd.s32 $0xFFFFE400;
	s12 =	smov.u32 s13;
	s15 =	sadd.s32 $0x7, s13  }
0x1b: {  	[tilespmem:s3], [sflag:$0x2] =	stream.linear.gather [hbm4b:s14+s3], $0x38, $0x38;
	[tilespmem:$0x1C38] =	vst v63  }
0x1c: {  	p0 =	sne.s32 s13, $0x181;
	_ =	swait.ge [sflag:s7], $0x38  }
0x1d: {  	[sflag:s7] =	ssyncset.done $0x0  }
0x1e: {  	[sflag:s7] =	ssyncadd.s32 $0xFFFFFFC8  }
0x1f: {  	[tilespmem:s8], [sflag:$0x1] =	stream.indirect.gather [hbm4b:s2+s8], $0x80, s3, s8, $0xb8;
	[tilespmem:$0x1C38] =	vst v63  }
0x20: {  	_ =	swait.ge [sflag:s9], $0x1C00  }
.Ltmp0:
0x21: {  	[sflag:s9] =	ssyncset.done $0x0;
	(pc) =	sbr.rel @p0 .LBB2_2-.Ltmp0, $4  }
0x22: {  	[sflag:s9] =	ssyncadd.s32 $0xFFFFE400  }
0x23: {  	[hbm4b:s11+s3] =	stream.linear.scatter [tilespmem:s8], [sflag:$0x2], $0x1C00, $0x38;
	[tilespmem:$0x1C38] =	vst v63  }
0x24: {  	_ =	swait.ge [sflag:s7], $0x1C00  }
0x25: {  	s13 =	smov.u32 s15;
	s11 =	sadd.s32 $0x380, s11;
	[sflag:s7] =	ssyncset.done $0x0  }
0x26: {  	s12 =	sadd.s32 s12, s6;
	[sflag:s7] =	ssyncadd.s32 $0xFFFFE400  }
0x27: {  	[tilespmem:s3], [sflag:$0x2] =	stream.linear.gather [hbm4b:s12+s3], $0x38, $0x38;
	[tilespmem:$0x1C38] =	vst v63  }
0x28: {  	_ =	swait.ge [sflag:s7], $0x38  }
0x29: {  	[sflag:s7] =	ssyncset.done $0x0  }
0x2a: {  	[sflag:s7] =	ssyncadd.s32 $0xFFFFFFC8  }
0x2b: {  	[tilespmem:s8], [sflag:$0x1] =	stream.indirect.gather [hbm4b:s2+s8], $0x80, s3, s8, $0xb8;
	[tilespmem:$0x1C38] =	vst v63  }
0x2c: {  	s10 =	sadd.s32 $0x1, s10;
	_ =	swait.ge [sflag:s9], $0x1C00  }
0x2d: {  	p0 =	sne.s32 s10, s4;
	[sflag:s9] =	ssyncset.done $0x0  }
.Ltmp1:
0x2e: {  	[sflag:s9] =	ssyncadd.s32 $0xFFFFE400;
	(pc) =	sbr.rel @p0 .LBB2_1-.Ltmp1, $4  }
0x2f: {  	[hbm4b:s11+s3] =	stream.linear.scatter [tilespmem:s8], [sflag:$0x2], $0x1C00, $0x38;
	[tilespmem:$0x1C38] =	vst v63  }
0x30: {  	_ =	swait.ge [sflag:s7], $0x1C00  }
0x31: {  	[sflag:s7] =	ssyncset.done $0x0  }
0x32: {  	[sflag:s7] =	ssyncadd.s32 $0xFFFFE400  }
0x33: {  	_ =	sfence.sel $0x180000  }
0x34: {  	[bflag:$0x0] =	sbarrier.arrive $0xFFFF  }
0x35: {  	p0 =	sne.s32 s1, $0x0;
	_ =	strace $0x9000004D  }
0x36: {  	s0 =	sadd.s32 @!p0 $0x100000, s0;
	[bflag:$0x2] =	sbarrier.arrive $0xFFFF  }
0x37: {  	[sflag:s0] =	ssyncadd.tile.s32 @!p0 $0x1;
	_ =	shalt  }
.Lfunc_end2:
_tile_overlayer_lowered:
.L_overlay_start_2:
0x38: {  	(tag) =	ssettag $0x2  }
0x39: {  	s0 =	rddreg [dreg:$0x0];
	s2 =	stileid.u32  }
0x3a: {  	s1 =	rddreg [dreg:$0x1];
	p0 =	sne.s32 s2, $0x0  }
0x3b: {  	s3 =	rddreg [dreg:$0x2];
	[bflag:$0x3] =	sbarrier.arrive $0xFFFF;
	s2 =	simm.s32 @!p0 $0x1C02  }
0x3c: {  	[timem:s3], [sflag:s2] =	dma.local @!p0 [hbm:s0], s1  }
0x3d: {  	s0 =	simm.s32 @!p0 $0x2  }
0x3e: {  	_ =	swait.ge @!p0 [sflag:s0], s1  }
0x3f: {  	s1 =	ssub.s32 @!p0 $0x0, s1;
	[sflag:s0] =	ssyncset.done @!p0 $0x0  }
0x40: {  	[sflag:s0] =	ssyncadd.s32 @!p0 s1  }
0x41: {  	[bflag:$0x3] =	sbarrier.arrive $0xFFFF  }
0x42: {  	_ =	shalt  }

</sc_bundles>
